<compile_context>
chip_gen: v7x
topology: tpu7x:2x2x1
jax: 0.10.2.dev20260603
libtpu: 0.0.44.dev20260713+nightly
codegen_flags: <defaults>
</compile_context>

<pallas_src>
import functools

import jax
import jax.numpy as jnp
from jax import lax
from jax.experimental import pallas as pl
from jax.experimental.pallas import tpu as pltpu
from jax.experimental.pallas import tpu_sc as plsc

N_NODES = 16
BATCH = 8192
DIM = 512
NC, NS, L = 2, 16, 16
NW = NC * NS
ROWS_W = BATCH // NW
R = 2
N_CHUNKS = ROWS_W // R
N_PAIRS = N_CHUNKS // 2

_SPACINGS = (2, 3, 5)


def _neighbors(j):
    result = []
    for s_idx, sp in enumerate(_SPACINGS):
        for i in (j - sp, j + sp):
            if 0 <= i < N_NODES:
                result.append((i, s_idx))
    return result


def _sc_body(*refs):
    xs_hbm = refs[0:N_NODES]
    w_hbm = refs[N_NODES]
    out_hbm = refs[N_NODES + 1]
    in_a = refs[N_NODES + 2:N_NODES + 18]
    in_b = refs[N_NODES + 18:N_NODES + 34]
    out_a = refs[N_NODES + 34:N_NODES + 50]
    out_b = refs[N_NODES + 50:N_NODES + 66]
    w_v = refs[-5]
    sem_la, sem_lb, sem_sa, sem_sb = refs[-4], refs[-3], refs[-2], refs[-1]

    wid = lax.axis_index("s") * NC + lax.axis_index("c")
    base = wid * ROWS_W

    pltpu.sync_copy(w_hbm, w_v)
    w = [w_v[pl.ds(16 * k, 16)] for k in range(3)]

    def issue_loads(t, bufs, sem):
        r0 = base + t * R
        for i in range(N_NODES):
            pltpu.async_copy(xs_hbm[i].at[pl.ds(r0, R), :], bufs[i], sem)

    def wait_loads(bufs, sem):
        for i in range(N_NODES):
            pltpu.make_async_copy(xs_hbm[i].at[pl.ds(0, R), :], bufs[i], sem).wait()

    def issue_stores(t, bufs, sem):
        r0 = base + t * R
        for j in range(N_NODES):
            pltpu.async_copy(bufs[j], out_hbm.at[j, pl.ds(r0, R), :], sem)

    def wait_stores(bufs, sem):
        for j in range(N_NODES):
            pltpu.make_async_copy(bufs[j], out_hbm.at[j, pl.ds(0, R), :], sem).wait()

    def compute(ins, outs):
        for r in range(R):
            @plsc.parallel_loop(0, DIM, step=2 * L, unroll=1)
            def col(o):
                wb = [plsc.pack(w[k], w[k], format=plsc.PackFormat.INTERLEAVED)
                      for k in range(3)]
                xs = []
                for i in range(N_NODES):
                    a = ins[i][r, pl.ds(o, L)]
                    b = ins[i][r, pl.ds(o + L, L)]
                    xs.append(plsc.pack(a, b, format=plsc.PackFormat.INTERLEAVED))
                for j in range(N_NODES):
                    acc = None
                    for s_idx in range(3):
                        terms = [xs[i] for (i, si) in _neighbors(j) if si == s_idx]
                        if not terms:
                            continue
                        tt = terms[0]
                        for extra in terms[1:]:
                            tt = tt + extra
                        acc = tt * wb[s_idx] if acc is None else acc + tt * wb[s_idx]
                    u0, u1 = plsc.unpack(acc, format=plsc.PackFormat.INTERLEAVED)
                    outs[j][r, pl.ds(o, L)] = u0
                    outs[j][r, pl.ds(o + L, L)] = u1

    issue_loads(0, in_a, sem_la)

    def pair(tp, carry):
        t0 = 2 * tp
        issue_loads(t0 + 1, in_b, sem_lb)
        wait_loads(in_a, sem_la)

        @pl.when(tp > 0)
        def _():
            wait_stores(out_a, sem_sa)

        compute(in_a, out_a)
        issue_stores(t0, out_a, sem_sa)

        @pl.when(tp < N_PAIRS - 1)
        def _():
            issue_loads(t0 + 2, in_a, sem_la)

        wait_loads(in_b, sem_lb)

        @pl.when(tp > 0)
        def _():
            wait_stores(out_b, sem_sb)

        compute(in_b, out_b)
        issue_stores(t0 + 1, out_b, sem_sb)
        return carry

    lax.fori_loop(0, N_PAIRS, pair, 0, unroll=False)
    wait_stores(out_a, sem_sa)
    wait_stores(out_b, sem_sb)


@functools.partial(
    pl.kernel,
    out_type=jax.ShapeDtypeStruct((N_NODES, BATCH, DIM), jnp.float32),
    mesh=plsc.VectorSubcoreMesh(core_axis_name="c", subcore_axis_name="s"),
    compiler_params=pltpu.CompilerParams(needs_layout_passes=False),
    scratch_types=(
        [pltpu.VMEM((R, DIM), jnp.float32) for _ in range(4 * N_NODES)]
        + [
            pltpu.VMEM((48,), jnp.float32),
            pltpu.SemaphoreType.DMA,
            pltpu.SemaphoreType.DMA,
            pltpu.SemaphoreType.DMA,
            pltpu.SemaphoreType.DMA,
        ]
    ),
)
def _sc_grid(*refs):
    _sc_body(*refs)


def kernel(n0, n1, n2, n3, n4, n5, n6, n7, n8, n9, n10, n11, n12, n13, n14,
           n15, w_fine, w_medium, w_coarse):
    nodes = [n0, n1, n2, n3, n4, n5, n6, n7, n8, n9, n10, n11, n12, n13, n14, n15]
    wvec = jnp.concatenate([
        jnp.full((16,), w_fine, jnp.float32),
        jnp.full((16,), w_medium, jnp.float32),
        jnp.full((16,), w_coarse, jnp.float32),
    ])
    return _sc_grid(*nodes, wvec)

# --- scband reference (transcript-rebuilt; emitter-appended) ---
"""Pipeline reference for scband-multi-scale-grid-58798102282430 (READ-ONLY COPY).

The authoritative reference and input builder live on the scoring server;
editing this copy changes nothing except your own understanding.
"""

import jax, jax.numpy as jnp
import numpy as np

N_NODES = 16
BATCH = 8192
DIM = 512
SCALES = [("fine", 2), ("medium", 3), ("coarse", 5)]


def setup_inputs(seed: int = 0) -> dict:
    key = jax.random.key(seed)
    inp = {}
    for i in range(N_NODES):
        key, k = jax.random.split(key)
        # spike-like activity: sparse 0/1 tensor
        inp[f"n{i}"] = (jax.random.uniform(k, (BATCH, DIM)) < 0.2).astype(jnp.float32)
    inp["w_fine"] = jnp.float32(0.5)
    inp["w_medium"] = jnp.float32(0.3)
    inp["w_coarse"] = jnp.float32(0.2)
    return inp


def reference(n0, n1, n2, n3, n4, n5, n6, n7, n8, n9, n10, n11, n12, n13, n14,
              n15, w_fine, w_medium, w_coarse):
    # Faithful translation of MultiScaleGrid.forward.
    # node_spikes dict -> stacked array X[node_idx, batch, dim];
    # grid_inputs dict -> out[node_idx, batch, dim] initialized to zeros.
    nodes = [n0, n1, n2, n3, n4, n5, n6, n7, n8, n9, n10, n11, n12, n13, n14, n15]
    kw = {f"n{i}": nodes[i] for i in range(N_NODES)}
    kw["w_fine"] = w_fine
    kw["w_medium"] = w_medium
    kw["w_coarse"] = w_coarse
    X = jnp.stack([kw[f"n{i}"] for i in range(N_NODES)], axis=0)
    weights = {"fine": kw["w_fine"], "medium": kw["w_medium"], "coarse": kw["w_coarse"]}
    out = jnp.zeros_like(X)
    for scale_name, spacing in SCALES:
        w = weights[scale_name]
        for i in range(N_NODES):
            for j in range(N_NODES):
                if abs(i - j) != spacing:
                    continue
                # grid_inputs[dst] += node_spikes[src] * weight
                out = out.at[j].add(X[i] * w)
    return out

if __name__ == "__main__":
    import jax
    _d = setup_inputs()
    print(jax.jit(kernel)(*tuple(_d.values())))

</pallas_src>

<mosaic_0001>
#map = affine_map<(d0, d1) -> (0, 0)>
#map1 = affine_map<(d0, d1) -> (0)>
#map2 = affine_map<(d0, d1) -> (0, 0, 0)>
module attributes {stable_mosaic.version = 14 : i64} {
  func.func @_sc_grid(%arg0: i32, %arg1: i32, %arg2: memref<8192x512xf32, #tpu.memory_space<hbm>>, %arg3: memref<8192x512xf32, #tpu.memory_space<hbm>>, %arg4: memref<8192x512xf32, #tpu.memory_space<hbm>>, %arg5: memref<8192x512xf32, #tpu.memory_space<hbm>>, %arg6: memref<8192x512xf32, #tpu.memory_space<hbm>>, %arg7: memref<8192x512xf32, #tpu.memory_space<hbm>>, %arg8: memref<8192x512xf32, #tpu.memory_space<hbm>>, %arg9: memref<8192x512xf32, #tpu.memory_space<hbm>>, %arg10: memref<8192x512xf32, #tpu.memory_space<hbm>>, %arg11: memref<8192x512xf32, #tpu.memory_space<hbm>>, %arg12: memref<8192x512xf32, #tpu.memory_space<hbm>>, %arg13: memref<8192x512xf32, #tpu.memory_space<hbm>>, %arg14: memref<8192x512xf32, #tpu.memory_space<hbm>>, %arg15: memref<8192x512xf32, #tpu.memory_space<hbm>>, %arg16: memref<8192x512xf32, #tpu.memory_space<hbm>>, %arg17: memref<8192x512xf32, #tpu.memory_space<hbm>>, %arg18: memref<48xf32, #tpu.memory_space<hbm>>, %arg19: memref<16x8192x512xf32, #tpu.memory_space<hbm>>, %arg20: memref<2x512xf32, #tpu.memory_space<vmem>>, %arg21: memref<2x512xf32, #tpu.memory_space<vmem>>, %arg22: memref<2x512xf32, #tpu.memory_space<vmem>>, %arg23: memref<2x512xf32, #tpu.memory_space<vmem>>, %arg24: memref<2x512xf32, #tpu.memory_space<vmem>>, %arg25: memref<2x512xf32, #tpu.memory_space<vmem>>, %arg26: memref<2x512xf32, #tpu.memory_space<vmem>>, %arg27: memref<2x512xf32, #tpu.memory_space<vmem>>, %arg28: memref<2x512xf32, #tpu.memory_space<vmem>>, %arg29: memref<2x512xf32, #tpu.memory_space<vmem>>, %arg30: memref<2x512xf32, #tpu.memory_space<vmem>>, %arg31: memref<2x512xf32, #tpu.memory_space<vmem>>, %arg32: memref<2x512xf32, #tpu.memory_space<vmem>>, %arg33: memref<2x512xf32, #tpu.memory_space<vmem>>, %arg34: memref<2x512xf32, #tpu.memory_space<vmem>>, %arg35: memref<2x512xf32, #tpu.memory_space<vmem>>, %arg36: memref<2x512xf32, #tpu.memory_space<vmem>>, %arg37: memref<2x512xf32, #tpu.memory_space<vmem>>, %arg38: memref<2x512xf32, #tpu.memory_space<vmem>>, %arg39: memref<2x512xf32, #tpu.memory_space<vmem>>, %arg40: memref<2x512xf32, #tpu.memory_space<vmem>>, %arg41: memref<2x512xf32, #tpu.memory_space<vmem>>, %arg42: memref<2x512xf32, #tpu.memory_space<vmem>>, %arg43: memref<2x512xf32, #tpu.memory_space<vmem>>, %arg44: memref<2x512xf32, #tpu.memory_space<vmem>>, %arg45: memref<2x512xf32, #tpu.memory_space<vmem>>, %arg46: memref<2x512xf32, #tpu.memory_space<vmem>>, %arg47: memref<2x512xf32, #tpu.memory_space<vmem>>, %arg48: memref<2x512xf32, #tpu.memory_space<vmem>>, %arg49: memref<2x512xf32, #tpu.memory_space<vmem>>, %arg50: memref<2x512xf32, #tpu.memory_space<vmem>>, %arg51: memref<2x512xf32, #tpu.memory_space<vmem>>, %arg52: memref<2x512xf32, #tpu.memory_space<vmem>>, %arg53: memref<2x512xf32, #tpu.memory_space<vmem>>, %arg54: memref<2x512xf32, #tpu.memory_space<vmem>>, %arg55: memref<2x512xf32, #tpu.memory_space<vmem>>, %arg56: memref<2x512xf32, #tpu.memory_space<vmem>>, %arg57: memref<2x512xf32, #tpu.memory_space<vmem>>, %arg58: memref<2x512xf32, #tpu.memory_space<vmem>>, %arg59: memref<2x512xf32, #tpu.memory_space<vmem>>, %arg60: memref<2x512xf32, #tpu.memory_space<vmem>>, %arg61: memref<2x512xf32, #tpu.memory_space<vmem>>, %arg62: memref<2x512xf32, #tpu.memory_space<vmem>>, %arg63: memref<2x512xf32, #tpu.memory_space<vmem>>, %arg64: memref<2x512xf32, #tpu.memory_space<vmem>>, %arg65: memref<2x512xf32, #tpu.memory_space<vmem>>, %arg66: memref<2x512xf32, #tpu.memory_space<vmem>>, %arg67: memref<2x512xf32, #tpu.memory_space<vmem>>, %arg68: memref<2x512xf32, #tpu.memory_space<vmem>>, %arg69: memref<2x512xf32, #tpu.memory_space<vmem>>, %arg70: memref<2x512xf32, #tpu.memory_space<vmem>>, %arg71: memref<2x512xf32, #tpu.memory_space<vmem>>, %arg72: memref<2x512xf32, #tpu.memory_space<vmem>>, %arg73: memref<2x512xf32, #tpu.memory_space<vmem>>, %arg74: memref<2x512xf32, #tpu.memory_space<vmem>>, %arg75: memref<2x512xf32, #tpu.memory_space<vmem>>, %arg76: memref<2x512xf32, #tpu.memory_space<vmem>>, %arg77: memref<2x512xf32, #tpu.memory_space<vmem>>, %arg78: memref<2x512xf32, #tpu.memory_space<vmem>>, %arg79: memref<2x512xf32, #tpu.memory_space<vmem>>, %arg80: memref<2x512xf32, #tpu.memory_space<vmem>>, %arg81: memref<2x512xf32, #tpu.memory_space<vmem>>, %arg82: memref<2x512xf32, #tpu.memory_space<vmem>>, %arg83: memref<2x512xf32, #tpu.memory_space<vmem>>, %arg84: memref<48xf32, #tpu.memory_space<vmem>>, %arg85: memref<!tpu.dma_semaphore, #tpu.memory_space<semaphore_mem>>, %arg86: memref<!tpu.dma_semaphore, #tpu.memory_space<semaphore_mem>>, %arg87: memref<!tpu.dma_semaphore, #tpu.memory_space<semaphore_mem>>, %arg88: memref<!tpu.dma_semaphore, #tpu.memory_space<semaphore_mem>>) attributes {dimension_semantics = [#tpu.dimension_semantics<core_parallel>, #tpu.dimension_semantics<subcore_parallel>], iteration_bounds = array<i64: 2, 16>, scalar_prefetch = 0 : i64, scratch_operands = 69 : i64, tpu.core_type = #tpu.core_type<sc_vector_subcore>, window_params = [{transform_indices = #map}, {transform_indices = #map}, {transform_indices = #map}, {transform_indices = #map}, {transform_indices = #map}, {transform_indices = #map}, {transform_indices = #map}, {transform_indices = #map}, {transform_indices = #map}, {transform_indices = #map}, {transform_indices = #map}, {transform_indices = #map}, {transform_indices = #map}, {transform_indices = #map}, {transform_indices = #map}, {transform_indices = #map}, {transform_indices = #map1}, {transform_indices = #map2}]} {
    %mul3A = arith.constant 2 : i32
    %mul3A_0 = arith.muli %arg1, %mul3A : i32
    %add3A = arith.addi %mul3A_0, %arg0 : i32
    %mul3A_1 = arith.constant 256 : i32
    %mul3A_2 = arith.muli %add3A, %mul3A_1 : i32
    "tpu.region"() ({
      %run_scoped3A = tpu.sem_alloc : memref<!tpu.dma_semaphore, #tpu.memory_space<semaphore_mem>>
      tpu.enqueue_dma source(%arg18 : memref<48xf32, #tpu.memory_space<hbm>>) target(%arg84 : memref<48xf32, #tpu.memory_space<vmem>>) target_semaphore(%run_scoped3A : memref<!tpu.dma_semaphore, #tpu.memory_space<semaphore_mem>>)
      tpu.wait_dma2 semaphore(%run_scoped3A : memref<!tpu.dma_semaphore, #tpu.memory_space<semaphore_mem>>) src(%arg18 : memref<48xf32, #tpu.memory_space<hbm>>) dst(%arg84 : memref<48xf32, #tpu.memory_space<vmem>>)
      tpu.yield
    }) : () -> ()
    %get3A = arith.constant 0 : index
    %get3A_3 = tpu.vector_load %arg84[%get3A] {strides = array<i32>} : memref<48xf32, #tpu.memory_space<vmem>>, vector<16xf32>,
    %get3A_4 = arith.constant 16 : index
    %get3A_5 = tpu.vector_load %arg84[%get3A_4] {strides = array<i32>} : memref<48xf32, #tpu.memory_space<vmem>>, vector<16xf32>,
    %get3A_6 = arith.constant 32 : index
    %get3A_7 = tpu.vector_load %arg84[%get3A_6] {strides = array<i32>} : memref<48xf32, #tpu.memory_space<vmem>>, vector<16xf32>,
    %add3A_8 = arith.constant 0 : i32
    %add3A_9 = arith.addi %mul3A_2, %add3A_8 : i32
    %dma_start3A = arith.constant 0 : i32
    %dma_start3A_10 = tpu.memref_slice %arg2[%add3A_9, %dma_start3A] : memref<8192x512xf32, #tpu.memory_space<hbm>> -> memref<2x512xf32, #tpu.memory_space<hbm>>
    %dma_start3A_11 = arith.constant 0 : i32
    %dma_start3A_12 = tpu.memref_slice %arg2[%add3A_9, %dma_start3A_11] : memref<8192x512xf32, #tpu.memory_space<hbm>> -> memref<2x512xf32, #tpu.memory_space<hbm>>
    tpu.enqueue_dma source(%dma_start3A_12 : memref<2x512xf32, #tpu.memory_space<hbm>>) target(%arg20 : memref<2x512xf32, #tpu.memory_space<vmem>>) target_semaphore(%arg85 : memref<!tpu.dma_semaphore, #tpu.memory_space<semaphore_mem>>)
    %dma_start3A_13 = arith.constant 0 : i32
    %dma_start3A_14 = tpu.memref_slice %arg3[%add3A_9, %dma_start3A_13] : memref<8192x512xf32, #tpu.memory_space<hbm>> -> memref<2x512xf32, #tpu.memory_space<hbm>>
    %dma_start3A_15 = arith.constant 0 : i32
    %dma_start3A_16 = tpu.memref_slice %arg3[%add3A_9, %dma_start3A_15] : memref<8192x512xf32, #tpu.memory_space<hbm>> -> memref<2x512xf32, #tpu.memory_space<hbm>>
    tpu.enqueue_dma source(%dma_start3A_16 : memref<2x512xf32, #tpu.memory_space<hbm>>) target(%arg21 : memref<2x512xf32, #tpu.memory_space<vmem>>) target_semaphore(%arg85 : memref<!tpu.dma_semaphore, #tpu.memory_space<semaphore_mem>>)
    %dma_start3A_17 = arith.constant 0 : i32
    %dma_start3A_18 = tpu.memref_slice %arg4[%add3A_9, %dma_start3A_17] : memref<8192x512xf32, #tpu.memory_space<hbm>> -> memref<2x512xf32, #tpu.memory_space<hbm>>
    %dma_start3A_19 = arith.constant 0 : i32
    %dma_start3A_20 = tpu.memref_slice %arg4[%add3A_9, %dma_start3A_19] : memref<8192x512xf32, #tpu.memory_space<hbm>> -> memref<2x512xf32, #tpu.memory_space<hbm>>
    tpu.enqueue_dma source(%dma_start3A_20 : memref<2x512xf32, #tpu.memory_space<hbm>>) target(%arg22 : memref<2x512xf32, #tpu.memory_space<vmem>>) target_semaphore(%arg85 : memref<!tpu.dma_semaphore, #tpu.memory_space<semaphore_mem>>)
    %dma_start3A_21 = arith.constant 0 : i32
    %dma_start3A_22 = tpu.memref_slice %arg5[%add3A_9, %dma_start3A_21] : memref<8192x512xf32, #tpu.memory_space<hbm>> -> memref<2x512xf32, #tpu.memory_space<hbm>>
    %dma_start3A_23 = arith.constant 0 : i32
    %dma_start3A_24 = tpu.memref_slice %arg5[%add3A_9, %dma_start3A_23] : memref<8192x512xf32, #tpu.memory_space<hbm>> -> memref<2x512xf32, #tpu.memory_space<hbm>>
    tpu.enqueue_dma source(%dma_start3A_24 : memref<2x512xf32, #tpu.memory_space<hbm>>) target(%arg23 : memref<2x512xf32, #tpu.memory_space<vmem>>) target_semaphore(%arg85 : memref<!tpu.dma_semaphore, #tpu.memory_space<semaphore_mem>>)
    %dma_start3A_25 = arith.constant 0 : i32
    %dma_start3A_26 = tpu.memref_slice %arg6[%add3A_9, %dma_start3A_25] : memref<8192x512xf32, #tpu.memory_space<hbm>> -> memref<2x512xf32, #tpu.memory_space<hbm>>
    %dma_start3A_27 = arith.constant 0 : i32
    %dma_start3A_28 = tpu.memref_slice %arg6[%add3A_9, %dma_start3A_27] : memref<8192x512xf32, #tpu.memory_space<hbm>> -> memref<2x512xf32, #tpu.memory_space<hbm>>
    tpu.enqueue_dma source(%dma_start3A_28 : memref<2x512xf32, #tpu.memory_space<hbm>>) target(%arg24 : memref<2x512xf32, #tpu.memory_space<vmem>>) target_semaphore(%arg85 : memref<!tpu.dma_semaphore, #tpu.memory_space<semaphore_mem>>)
    %dma_start3A_29 = arith.constant 0 : i32
    %dma_start3A_30 = tpu.memref_slice %arg7[%add3A_9, %dma_start3A_29] : memref<8192x512xf32, #tpu.memory_space<hbm>> -> memref<2x512xf32, #tpu.memory_space<hbm>>
    %dma_start3A_31 = arith.constant 0 : i32
    %dma_start3A_32 = tpu.memref_slice %arg7[%add3A_9, %dma_start3A_31] : memref<8192x512xf32, #tpu.memory_space<hbm>> -> memref<2x512xf32, #tpu.memory_space<hbm>>
    tpu.enqueue_dma source(%dma_start3A_32 : memref<2x512xf32, #tpu.memory_space<hbm>>) target(%arg25 : memref<2x512xf32, #tpu.memory_space<vmem>>) target_semaphore(%arg85 : memref<!tpu.dma_semaphore, #tpu.memory_space<semaphore_mem>>)
    %dma_start3A_33 = arith.constant 0 : i32
    %dma_start3A_34 = tpu.memref_slice %arg8[%add3A_9, %dma_start3A_33] : memref<8192x512xf32, #tpu.memory_space<hbm>> -> memref<2x512xf32, #tpu.memory_space<hbm>>
    %dma_start3A_35 = arith.constant 0 : i32
    %dma_start3A_36 = tpu.memref_slice %arg8[%add3A_9, %dma_start3A_35] : memref<8192x512xf32, #tpu.memory_space<hbm>> -> memref<2x512xf32, #tpu.memory_space<hbm>>
    tpu.enqueue_dma source(%dma_start3A_36 : memref<2x512xf32, #tpu.memory_space<hbm>>) target(%arg26 : memref<2x512xf32, #tpu.memory_space<vmem>>) target_semaphore(%arg85 : memref<!tpu.dma_semaphore, #tpu.memory_space<semaphore_mem>>)
    %dma_start3A_37 = arith.constant 0 : i32
    %dma_start3A_38 = tpu.memref_slice %arg9[%add3A_9, %dma_start3A_37] : memref<8192x512xf32, #tpu.memory_space<hbm>> -> memref<2x512xf32, #tpu.memory_space<hbm>>
    %dma_start3A_39 = arith.constant 0 : i32
    %dma_start3A_40 = tpu.memref_slice %arg9[%add3A_9, %dma_start3A_39] : memref<8192x512xf32, #tpu.memory_space<hbm>> -> memref<2x512xf32, #tpu.memory_space<hbm>>
    tpu.enqueue_dma source(%dma_start3A_40 : memref<2x512xf32, #tpu.memory_space<hbm>>) target(%arg27 : memref<2x512xf32, #tpu.memory_space<vmem>>) target_semaphore(%arg85 : memref<!tpu.dma_semaphore, #tpu.memory_space<semaphore_mem>>)
    %dma_start3A_41 = arith.constant 0 : i32
    %dma_start3A_42 = tpu.memref_slice %arg10[%add3A_9, %dma_start3A_41] : memref<8192x512xf32, #tpu.memory_space<hbm>> -> memref<2x512xf32, #tpu.memory_space<hbm>>
    %dma_start3A_43 = arith.constant 0 : i32
    %dma_start3A_44 = tpu.memref_slice %arg10[%add3A_9, %dma_start3A_43] : memref<8192x512xf32, #tpu.memory_space<hbm>> -> memref<2x512xf32, #tpu.memory_space<hbm>>
    tpu.enqueue_dma source(%dma_start3A_44 : memref<2x512xf32, #tpu.memory_space<hbm>>) target(%arg28 : memref<2x512xf32, #tpu.memory_space<vmem>>) target_semaphore(%arg85 : memref<!tpu.dma_semaphore, #tpu.memory_space<semaphore_mem>>)
    %dma_start3A_45 = arith.constant 0 : i32
    %dma_start3A_46 = tpu.memref_slice %arg11[%add3A_9, %dma_start3A_45] : memref<8192x512xf32, #tpu.memory_space<hbm>> -> memref<2x512xf32, #tpu.memory_space<hbm>>
    %dma_start3A_47 = arith.constant 0 : i32
    %dma_start3A_48 = tpu.memref_slice %arg11[%add3A_9, %dma_start3A_47] : memref<8192x512xf32, #tpu.memory_space<hbm>> -> memref<2x512xf32, #tpu.memory_space<hbm>>
    tpu.enqueue_dma source(%dma_start3A_48 : memref<2x512xf32, #tpu.memory_space<hbm>>) target(%arg29 : memref<2x512xf32, #tpu.memory_space<vmem>>) target_semaphore(%arg85 : memref<!tpu.dma_semaphore, #tpu.memory_space<semaphore_mem>>)
    %dma_start3A_49 = arith.constant 0 : i32
    %dma_start3A_50 = tpu.memref_slice %arg12[%add3A_9, %dma_start3A_49] : memref<8192x512xf32, #tpu.memory_space<hbm>> -> memref<2x512xf32, #tpu.memory_space<hbm>>
    %dma_start3A_51 = arith.constant 0 : i32
    %dma_start3A_52 = tpu.memref_slice %arg12[%add3A_9, %dma_start3A_51] : memref<8192x512xf32, #tpu.memory_space<hbm>> -> memref<2x512xf32, #tpu.memory_space<hbm>>
    tpu.enqueue_dma source(%dma_start3A_52 : memref<2x512xf32, #tpu.memory_space<hbm>>) target(%arg30 : memref<2x512xf32, #tpu.memory_space<vmem>>) target_semaphore(%arg85 : memref<!tpu.dma_semaphore, #tpu.memory_space<semaphore_mem>>)
    %dma_start3A_53 = arith.constant 0 : i32
    %dma_start3A_54 = tpu.memref_slice %arg13[%add3A_9, %dma_start3A_53] : memref<8192x512xf32, #tpu.memory_space<hbm>> -> memref<2x512xf32, #tpu.memory_space<hbm>>
    %dma_start3A_55 = arith.constant 0 : i32
    %dma_start3A_56 = tpu.memref_slice %arg13[%add3A_9, %dma_start3A_55] : memref<8192x512xf32, #tpu.memory_space<hbm>> -> memref<2x512xf32, #tpu.memory_space<hbm>>
    tpu.enqueue_dma source(%dma_start3A_56 : memref<2x512xf32, #tpu.memory_space<hbm>>) target(%arg31 : memref<2x512xf32, #tpu.memory_space<vmem>>) target_semaphore(%arg85 : memref<!tpu.dma_semaphore, #tpu.memory_space<semaphore_mem>>)
    %dma_start3A_57 = arith.constant 0 : i32
    %dma_start3A_58 = tpu.memref_slice %arg14[%add3A_9, %dma_start3A_57] : memref<8192x512xf32, #tpu.memory_space<hbm>> -> memref<2x512xf32, #tpu.memory_space<hbm>>
    %dma_start3A_59 = arith.constant 0 : i32
    %dma_start3A_60 = tpu.memref_slice %arg14[%add3A_9, %dma_start3A_59] : memref<8192x512xf32, #tpu.memory_space<hbm>> -> memref<2x512xf32, #tpu.memory_space<hbm>>
    tpu.enqueue_dma source(%dma_start3A_60 : memref<2x512xf32, #tpu.memory_space<hbm>>) target(%arg32 : memref<2x512xf32, #tpu.memory_space<vmem>>) target_semaphore(%arg85 : memref<!tpu.dma_semaphore, #tpu.memory_space<semaphore_mem>>)
    %dma_start3A_61 = arith.constant 0 : i32
    %dma_start3A_62 = tpu.memref_slice %arg15[%add3A_9, %dma_start3A_61] : memref<8192x512xf32, #tpu.memory_space<hbm>> -> memref<2x512xf32, #tpu.memory_space<hbm>>
    %dma_start3A_63 = arith.constant 0 : i32
    %dma_start3A_64 = tpu.memref_slice %arg15[%add3A_9, %dma_start3A_63] : memref<8192x512xf32, #tpu.memory_space<hbm>> -> memref<2x512xf32, #tpu.memory_space<hbm>>
    tpu.enqueue_dma source(%dma_start3A_64 : memref<2x512xf32, #tpu.memory_space<hbm>>) target(%arg33 : memref<2x512xf32, #tpu.memory_space<vmem>>) target_semaphore(%arg85 : memref<!tpu.dma_semaphore, #tpu.memory_space<semaphore_mem>>)
    %dma_start3A_65 = arith.constant 0 : i32
    %dma_start3A_66 = tpu.memref_slice %arg16[%add3A_9, %dma_start3A_65] : memref<8192x512xf32, #tpu.memory_space<hbm>> -> memref<2x512xf32, #tpu.memory_space<hbm>>
    %dma_start3A_67 = arith.constant 0 : i32
    %dma_start3A_68 = tpu.memref_slice %arg16[%add3A_9, %dma_start3A_67] : memref<8192x512xf32, #tpu.memory_space<hbm>> -> memref<2x512xf32, #tpu.memory_space<hbm>>
    tpu.enqueue_dma source(%dma_start3A_68 : memref<2x512xf32, #tpu.memory_space<hbm>>) target(%arg34 : memref<2x512xf32, #tpu.memory_space<vmem>>) target_semaphore(%arg85 : memref<!tpu.dma_semaphore, #tpu.memory_space<semaphore_mem>>)
    %dma_start3A_69 = arith.constant 0 : i32
    %dma_start3A_70 = tpu.memref_slice %arg17[%add3A_9, %dma_start3A_69] : memref<8192x512xf32, #tpu.memory_space<hbm>> -> memref<2x512xf32, #tpu.memory_space<hbm>>
    %dma_start3A_71 = arith.constant 0 : i32
    %dma_start3A_72 = tpu.memref_slice %arg17[%add3A_9, %dma_start3A_71] : memref<8192x512xf32, #tpu.memory_space<hbm>> -> memref<2x512xf32, #tpu.memory_space<hbm>>
    tpu.enqueue_dma source(%dma_start3A_72 : memref<2x512xf32, #tpu.memory_space<hbm>>) target(%arg35 : memref<2x512xf32, #tpu.memory_space<vmem>>) target_semaphore(%arg85 : memref<!tpu.dma_semaphore, #tpu.memory_space<semaphore_mem>>)
    %scan3A = arith.constant 0 : i32
    %scan3A_73 = arith.constant 0 : i32
    %scan3A_74 = arith.constant 64 : i32
    %scan3A_75 = arith.addi %scan3A_73, %scan3A_74 : i32
    %scan3A_76 = arith.constant 1 : i32
    scf.for %scan3A_365 = %scan3A_73 to %scan3A_75 step %scan3A_76  : i32 {
      %mul3A_366 = arith.constant 2 : i32
      %mul3A_367 = arith.muli %mul3A_366, %scan3A_365 : i32
      %add3A_368 = arith.constant 1 : i32
      %add3A_369 = arith.addi %mul3A_367, %add3A_368 : i32
      %mul3A_370 = arith.constant 2 : i32
      %mul3A_371 = arith.muli %add3A_369, %mul3A_370 : i32
      %add3A_372 = arith.addi %mul3A_2, %mul3A_371 : i32
      %dma_start3A_373 = arith.constant 0 : i32
      %dma_start3A_374 = tpu.memref_slice %arg2[%add3A_372, %dma_start3A_373] : memref<8192x512xf32, #tpu.memory_space<hbm>> -> memref<2x512xf32, #tpu.memory_space<hbm>>
      %dma_start3A_375 = arith.constant 0 : i32
      %dma_start3A_376 = tpu.memref_slice %arg2[%add3A_372, %dma_start3A_375] : memref<8192x512xf32, #tpu.memory_space<hbm>> -> memref<2x512xf32, #tpu.memory_space<hbm>>
      tpu.enqueue_dma source(%dma_start3A_376 : memref<2x512xf32, #tpu.memory_space<hbm>>) target(%arg36 : memref<2x512xf32, #tpu.memory_space<vmem>>) target_semaphore(%arg86 : memref<!tpu.dma_semaphore, #tpu.memory_space<semaphore_mem>>)
      %dma_start3A_377 = arith.constant 0 : i32
      %dma_start3A_378 = tpu.memref_slice %arg3[%add3A_372, %dma_start3A_377] : memref<8192x512xf32, #tpu.memory_space<hbm>> -> memref<2x512xf32, #tpu.memory_space<hbm>>
      %dma_start3A_379 = arith.constant 0 : i32
      %dma_start3A_380 = tpu.memref_slice %arg3[%add3A_372, %dma_start3A_379] : memref<8192x512xf32, #tpu.memory_space<hbm>> -> memref<2x512xf32, #tpu.memory_space<hbm>>
      tpu.enqueue_dma source(%dma_start3A_380 : memref<2x512xf32, #tpu.memory_space<hbm>>) target(%arg37 : memref<2x512xf32, #tpu.memory_space<vmem>>) target_semaphore(%arg86 : memref<!tpu.dma_semaphore, #tpu.memory_space<semaphore_mem>>)
      %dma_start3A_381 = arith.constant 0 : i32
      %dma_start3A_382 = tpu.memref_slice %arg4[%add3A_372, %dma_start3A_381] : memref<8192x512xf32, #tpu.memory_space<hbm>> -> memref<2x512xf32, #tpu.memory_space<hbm>>
      %dma_start3A_383 = arith.constant 0 : i32
      %dma_start3A_384 = tpu.memref_slice %arg4[%add3A_372, %dma_start3A_383] : memref<8192x512xf32, #tpu.memory_space<hbm>> -> memref<2x512xf32, #tpu.memory_space<hbm>>
      tpu.enqueue_dma source(%dma_start3A_384 : memref<2x512xf32, #tpu.memory_space<hbm>>) target(%arg38 : memref<2x512xf32, #tpu.memory_space<vmem>>) target_semaphore(%arg86 : memref<!tpu.dma_semaphore, #tpu.memory_space<semaphore_mem>>)
      %dma_start3A_385 = arith.constant 0 : i32
      %dma_start3A_386 = tpu.memref_slice %arg5[%add3A_372, %dma_start3A_385] : memref<8192x512xf32, #tpu.memory_space<hbm>> -> memref<2x512xf32, #tpu.memory_space<hbm>>
      %dma_start3A_387 = arith.constant 0 : i32
      %dma_start3A_388 = tpu.memref_slice %arg5[%add3A_372, %dma_start3A_387] : memref<8192x512xf32, #tpu.memory_space<hbm>> -> memref<2x512xf32, #tpu.memory_space<hbm>>
      tpu.enqueue_dma source(%dma_start3A_388 : memref<2x512xf32, #tpu.memory_space<hbm>>) target(%arg39 : memref<2x512xf32, #tpu.memory_space<vmem>>) target_semaphore(%arg86 : memref<!tpu.dma_semaphore, #tpu.memory_space<semaphore_mem>>)
      %dma_start3A_389 = arith.constant 0 : i32
      %dma_start3A_390 = tpu.memref_slice %arg6[%add3A_372, %dma_start3A_389] : memref<8192x512xf32, #tpu.memory_space<hbm>> -> memref<2x512xf32, #tpu.memory_space<hbm>>
      %dma_start3A_391 = arith.constant 0 : i32
      %dma_start3A_392 = tpu.memref_slice %arg6[%add3A_372, %dma_start3A_391] : memref<8192x512xf32, #tpu.memory_space<hbm>> -> memref<2x512xf32, #tpu.memory_space<hbm>>
      tpu.enqueue_dma source(%dma_start3A_392 : memref<2x512xf32, #tpu.memory_space<hbm>>) target(%arg40 : memref<2x512xf32, #tpu.memory_space<vmem>>) target_semaphore(%arg86 : memref<!tpu.dma_semaphore, #tpu.memory_space<semaphore_mem>>)
      %dma_start3A_393 = arith.constant 0 : i32
      %dma_start3A_394 = tpu.memref_slice %arg7[%add3A_372, %dma_start3A_393] : memref<8192x512xf32, #tpu.memory_space<hbm>> -> memref<2x512xf32, #tpu.memory_space<hbm>>
      %dma_start3A_395 = arith.constant 0 : i32
      %dma_start3A_396 = tpu.memref_slice %arg7[%add3A_372, %dma_start3A_395] : memref<8192x512xf32, #tpu.memory_space<hbm>> -> memref<2x512xf32, #tpu.memory_space<hbm>>
      tpu.enqueue_dma source(%dma_start3A_396 : memref<2x512xf32, #tpu.memory_space<hbm>>) target(%arg41 : memref<2x512xf32, #tpu.memory_space<vmem>>) target_semaphore(%arg86 : memref<!tpu.dma_semaphore, #tpu.memory_space<semaphore_mem>>)
      %dma_start3A_397 = arith.constant 0 : i32
      %dma_start3A_398 = tpu.memref_slice %arg8[%add3A_372, %dma_start3A_397] : memref<8192x512xf32, #tpu.memory_space<hbm>> -> memref<2x512xf32, #tpu.memory_space<hbm>>
      %dma_start3A_399 = arith.constant 0 : i32
      %dma_start3A_400 = tpu.memref_slice %arg8[%add3A_372, %dma_start3A_399] : memref<8192x512xf32, #tpu.memory_space<hbm>> -> memref<2x512xf32, #tpu.memory_space<hbm>>
      tpu.enqueue_dma source(%dma_start3A_400 : memref<2x512xf32, #tpu.memory_space<hbm>>) target(%arg42 : memref<2x512xf32, #tpu.memory_space<vmem>>) target_semaphore(%arg86 : memref<!tpu.dma_semaphore, #tpu.memory_space<semaphore_mem>>)
      %dma_start3A_401 = arith.constant 0 : i32
      %dma_start3A_402 = tpu.memref_slice %arg9[%add3A_372, %dma_start3A_401] : memref<8192x512xf32, #tpu.memory_space<hbm>> -> memref<2x512xf32, #tpu.memory_space<hbm>>
      %dma_start3A_403 = arith.constant 0 : i32
      %dma_start3A_404 = tpu.memref_slice %arg9[%add3A_372, %dma_start3A_403] : memref<8192x512xf32, #tpu.memory_space<hbm>> -> memref<2x512xf32, #tpu.memory_space<hbm>>
      tpu.enqueue_dma source(%dma_start3A_404 : memref<2x512xf32, #tpu.memory_space<hbm>>) target(%arg43 : memref<2x512xf32, #tpu.memory_space<vmem>>) target_semaphore(%arg86 : memref<!tpu.dma_semaphore, #tpu.memory_space<semaphore_mem>>)
      %dma_start3A_405 = arith.constant 0 : i32
      %dma_start3A_406 = tpu.memref_slice %arg10[%add3A_372, %dma_start3A_405] : memref<8192x512xf32, #tpu.memory_space<hbm>> -> memref<2x512xf32, #tpu.memory_space<hbm>>
      %dma_start3A_407 = arith.constant 0 : i32
      %dma_start3A_408 = tpu.memref_slice %arg10[%add3A_372, %dma_start3A_407] : memref<8192x512xf32, #tpu.memory_space<hbm>> -> memref<2x512xf32, #tpu.memory_space<hbm>>
      tpu.enqueue_dma source(%dma_start3A_408 : memref<2x512xf32, #tpu.memory_space<hbm>>) target(%arg44 : memref<2x512xf32, #tpu.memory_space<vmem>>) target_semaphore(%arg86 : memref<!tpu.dma_semaphore, #tpu.memory_space<semaphore_mem>>)
      %dma_start3A_409 = arith.constant 0 : i32
      %dma_start3A_410 = tpu.memref_slice %arg11[%add3A_372, %dma_start3A_409] : memref<8192x512xf32, #tpu.memory_space<hbm>> -> memref<2x512xf32, #tpu.memory_space<hbm>>
      %dma_start3A_411 = arith.constant 0 : i32
      %dma_start3A_412 = tpu.memref_slice %arg11[%add3A_372, %dma_start3A_411] : memref<8192x512xf32, #tpu.memory_space<hbm>> -> memref<2x512xf32, #tpu.memory_space<hbm>>
      tpu.enqueue_dma source(%dma_start3A_412 : memref<2x512xf32, #tpu.memory_space<hbm>>) target(%arg45 : memref<2x512xf32, #tpu.memory_space<vmem>>) target_semaphore(%arg86 : memref<!tpu.dma_semaphore, #tpu.memory_space<semaphore_mem>>)
      %dma_start3A_413 = arith.constant 0 : i32
      %dma_start3A_414 = tpu.memref_slice %arg12[%add3A_372, %dma_start3A_413] : memref<8192x512xf32, #tpu.memory_space<hbm>> -> memref<2x512xf32, #tpu.memory_space<hbm>>
      %dma_start3A_415 = arith.constant 0 : i32
      %dma_start3A_416 = tpu.memref_slice %arg12[%add3A_372, %dma_start3A_415] : memref<8192x512xf32, #tpu.memory_space<hbm>> -> memref<2x512xf32, #tpu.memory_space<hbm>>
      tpu.enqueue_dma source(%dma_start3A_416 : memref<2x512xf32, #tpu.memory_space<hbm>>) target(%arg46 : memref<2x512xf32, #tpu.memory_space<vmem>>) target_semaphore(%arg86 : memref<!tpu.dma_semaphore, #tpu.memory_space<semaphore_mem>>)
      %dma_start3A_417 = arith.constant 0 : i32
      %dma_start3A_418 = tpu.memref_slice %arg13[%add3A_372, %dma_start3A_417] : memref<8192x512xf32, #tpu.memory_space<hbm>> -> memref<2x512xf32, #tpu.memory_space<hbm>>
      %dma_start3A_419 = arith.constant 0 : i32
      %dma_start3A_420 = tpu.memref_slice %arg13[%add3A_372, %dma_start3A_419] : memref<8192x512xf32, #tpu.memory_space<hbm>> -> memref<2x512xf32, #tpu.memory_space<hbm>>
      tpu.enqueue_dma source(%dma_start3A_420 : memref<2x512xf32, #tpu.memory_space<hbm>>) target(%arg47 : memref<2x512xf32, #tpu.memory_space<vmem>>) target_semaphore(%arg86 : memref<!tpu.dma_semaphore, #tpu.memory_space<semaphore_mem>>)
      %dma_start3A_421 = arith.constant 0 : i32
      %dma_start3A_422 = tpu.memref_slice %arg14[%add3A_372, %dma_start3A_421] : memref<8192x512xf32, #tpu.memory_space<hbm>> -> memref<2x512xf32, #tpu.memory_space<hbm>>
      %dma_start3A_423 = arith.constant 0 : i32
      %dma_start3A_424 = tpu.memref_slice %arg14[%add3A_372, %dma_start3A_423] : memref<8192x512xf32, #tpu.memory_space<hbm>> -> memref<2x512xf32, #tpu.memory_space<hbm>>
      tpu.enqueue_dma source(%dma_start3A_424 : memref<2x512xf32, #tpu.memory_space<hbm>>) target(%arg48 : memref<2x512xf32, #tpu.memory_space<vmem>>) target_semaphore(%arg86 : memref<!tpu.dma_semaphore, #tpu.memory_space<semaphore_mem>>)
      %dma_start3A_425 = arith.constant 0 : i32
      %dma_start3A_426 = tpu.memref_slice %arg15[%add3A_372, %dma_start3A_425] : memref<8192x512xf32, #tpu.memory_space<hbm>> -> memref<2x512xf32, #tpu.memory_space<hbm>>
      %dma_start3A_427 = arith.constant 0 : i32
      %dma_start3A_428 = tpu.memref_slice %arg15[%add3A_372, %dma_start3A_427] : memref<8192x512xf32, #tpu.memory_space<hbm>> -> memref<2x512xf32, #tpu.memory_space<hbm>>
      tpu.enqueue_dma source(%dma_start3A_428 : memref<2x512xf32, #tpu.memory_space<hbm>>) target(%arg49 : memref<2x512xf32, #tpu.memory_space<vmem>>) target_semaphore(%arg86 : memref<!tpu.dma_semaphore, #tpu.memory_space<semaphore_mem>>)
      %dma_start3A_429 = arith.constant 0 : i32
      %dma_start3A_430 = tpu.memref_slice %arg16[%add3A_372, %dma_start3A_429] : memref<8192x512xf32, #tpu.memory_space<hbm>> -> memref<2x512xf32, #tpu.memory_space<hbm>>
      %dma_start3A_431 = arith.constant 0 : i32
      %dma_start3A_432 = tpu.memref_slice %arg16[%add3A_372, %dma_start3A_431] : memref<8192x512xf32, #tpu.memory_space<hbm>> -> memref<2x512xf32, #tpu.memory_space<hbm>>
      tpu.enqueue_dma source(%dma_start3A_432 : memref<2x512xf32, #tpu.memory_space<hbm>>) target(%arg50 : memref<2x512xf32, #tpu.memory_space<vmem>>) target_semaphore(%arg86 : memref<!tpu.dma_semaphore, #tpu.memory_space<semaphore_mem>>)
      %dma_start3A_433 = arith.constant 0 : i32
      %dma_start3A_434 = tpu.memref_slice %arg17[%add3A_372, %dma_start3A_433] : memref<8192x512xf32, #tpu.memory_space<hbm>> -> memref<2x512xf32, #tpu.memory_space<hbm>>
      %dma_start3A_435 = arith.constant 0 : i32
      %dma_start3A_436 = tpu.memref_slice %arg17[%add3A_372, %dma_start3A_435] : memref<8192x512xf32, #tpu.memory_space<hbm>> -> memref<2x512xf32, #tpu.memory_space<hbm>>
      tpu.enqueue_dma source(%dma_start3A_436 : memref<2x512xf32, #tpu.memory_space<hbm>>) target(%arg51 : memref<2x512xf32, #tpu.memory_space<vmem>>) target_semaphore(%arg86 : memref<!tpu.dma_semaphore, #tpu.memory_space<semaphore_mem>>)
      %dma_wait3A_437 = arith.constant 0 : i32
      %dma_wait3A_438 = arith.constant 0 : i32
      %dma_wait3A_439 = tpu.memref_slice %arg2[%dma_wait3A_437, %dma_wait3A_438] : memref<8192x512xf32, #tpu.memory_space<hbm>> -> memref<2x512xf32, #tpu.memory_space<hbm>>
      %dma_wait3A_440 = arith.constant 0 : i32
      %dma_wait3A_441 = arith.constant 0 : i32
      %dma_wait3A_442 = tpu.memref_slice %arg2[%dma_wait3A_440, %dma_wait3A_441] : memref<8192x512xf32, #tpu.memory_space<hbm>> -> memref<2x512xf32, #tpu.memory_space<hbm>>
      tpu.wait_dma2 semaphore(%arg85 : memref<!tpu.dma_semaphore, #tpu.memory_space<semaphore_mem>>) src(%dma_wait3A_442 : memref<2x512xf32, #tpu.memory_space<hbm>>) dst(%arg20 : memref<2x512xf32, #tpu.memory_space<vmem>>)
      %dma_wait3A_443 = arith.constant 0 : i32
      %dma_wait3A_444 = arith.constant 0 : i32
      %dma_wait3A_445 = tpu.memref_slice %arg3[%dma_wait3A_443, %dma_wait3A_444] : memref<8192x512xf32, #tpu.memory_space<hbm>> -> memref<2x512xf32, #tpu.memory_space<hbm>>
      %dma_wait3A_446 = arith.constant 0 : i32
      %dma_wait3A_447 = arith.constant 0 : i32
      %dma_wait3A_448 = tpu.memref_slice %arg3[%dma_wait3A_446, %dma_wait3A_447] : memref<8192x512xf32, #tpu.memory_space<hbm>> -> memref<2x512xf32, #tpu.memory_space<hbm>>
      tpu.wait_dma2 semaphore(%arg85 : memref<!tpu.dma_semaphore, #tpu.memory_space<semaphore_mem>>) src(%dma_wait3A_448 : memref<2x512xf32, #tpu.memory_space<hbm>>) dst(%arg21 : memref<2x512xf32, #tpu.memory_space<vmem>>)
      %dma_wait3A_449 = arith.constant 0 : i32
      %dma_wait3A_450 = arith.constant 0 : i32
      %dma_wait3A_451 = tpu.memref_slice %arg4[%dma_wait3A_449, %dma_wait3A_450] : memref<8192x512xf32, #tpu.memory_space<hbm>> -> memref<2x512xf32, #tpu.memory_space<hbm>>
      %dma_wait3A_452 = arith.constant 0 : i32
      %dma_wait3A_453 = arith.constant 0 : i32
      %dma_wait3A_454 = tpu.memref_slice %arg4[%dma_wait3A_452, %dma_wait3A_453] : memref<8192x512xf32, #tpu.memory_space<hbm>> -> memref<2x512xf32, #tpu.memory_space<hbm>>
      tpu.wait_dma2 semaphore(%arg85 : memref<!tpu.dma_semaphore, #tpu.memory_space<semaphore_mem>>) src(%dma_wait3A_454 : memref<2x512xf32, #tpu.memory_space<hbm>>) dst(%arg22 : memref<2x512xf32, #tpu.memory_space<vmem>>)
      %dma_wait3A_455 = arith.constant 0 : i32
      %dma_wait3A_456 = arith.constant 0 : i32
      %dma_wait3A_457 = tpu.memref_slice %arg5[%dma_wait3A_455, %dma_wait3A_456] : memref<8192x512xf32, #tpu.memory_space<hbm>> -> memref<2x512xf32, #tpu.memory_space<hbm>>
      %dma_wait3A_458 = arith.constant 0 : i32
      %dma_wait3A_459 = arith.constant 0 : i32
      %dma_wait3A_460 = tpu.memref_slice %arg5[%dma_wait3A_458, %dma_wait3A_459] : memref<8192x512xf32, #tpu.memory_space<hbm>> -> memref<2x512xf32, #tpu.memory_space<hbm>>
      tpu.wait_dma2 semaphore(%arg85 : memref<!tpu.dma_semaphore, #tpu.memory_space<semaphore_mem>>) src(%dma_wait3A_460 : memref<2x512xf32, #tpu.memory_space<hbm>>) dst(%arg23 : memref<2x512xf32, #tpu.memory_space<vmem>>)
      %dma_wait3A_461 = arith.constant 0 : i32
      %dma_wait3A_462 = arith.constant 0 : i32
      %dma_wait3A_463 = tpu.memref_slice %arg6[%dma_wait3A_461, %dma_wait3A_462] : memref<8192x512xf32, #tpu.memory_space<hbm>> -> memref<2x512xf32, #tpu.memory_space<hbm>>
      %dma_wait3A_464 = arith.constant 0 : i32
      %dma_wait3A_465 = arith.constant 0 : i32
      %dma_wait3A_466 = tpu.memref_slice %arg6[%dma_wait3A_464, %dma_wait3A_465] : memref<8192x512xf32, #tpu.memory_space<hbm>> -> memref<2x512xf32, #tpu.memory_space<hbm>>
      tpu.wait_dma2 semaphore(%arg85 : memref<!tpu.dma_semaphore, #tpu.memory_space<semaphore_mem>>) src(%dma_wait3A_466 : memref<2x512xf32, #tpu.memory_space<hbm>>) dst(%arg24 : memref<2x512xf32, #tpu.memory_space<vmem>>)
      %dma_wait3A_467 = arith.constant 0 : i32
      %dma_wait3A_468 = arith.constant 0 : i32
      %dma_wait3A_469 = tpu.memref_slice %arg7[%dma_wait3A_467, %dma_wait3A_468] : memref<8192x512xf32, #tpu.memory_space<hbm>> -> memref<2x512xf32, #tpu.memory_space<hbm>>
      %dma_wait3A_470 = arith.constant 0 : i32
      %dma_wait3A_471 = arith.constant 0 : i32
      %dma_wait3A_472 = tpu.memref_slice %arg7[%dma_wait3A_470, %dma_wait3A_471] : memref<8192x512xf32, #tpu.memory_space<hbm>> -> memref<2x512xf32, #tpu.memory_space<hbm>>
      tpu.wait_dma2 semaphore(%arg85 : memref<!tpu.dma_semaphore, #tpu.memory_space<semaphore_mem>>) src(%dma_wait3A_472 : memref<2x512xf32, #tpu.memory_space<hbm>>) dst(%arg25 : memref<2x512xf32, #tpu.memory_space<vmem>>)
      %dma_wait3A_473 = arith.constant 0 : i32
      %dma_wait3A_474 = arith.constant 0 : i32
      %dma_wait3A_475 = tpu.memref_slice %arg8[%dma_wait3A_473, %dma_wait3A_474] : memref<8192x512xf32, #tpu.memory_space<hbm>> -> memref<2x512xf32, #tpu.memory_space<hbm>>
      %dma_wait3A_476 = arith.constant 0 : i32
      %dma_wait3A_477 = arith.constant 0 : i32
      %dma_wait3A_478 = tpu.memref_slice %arg8[%dma_wait3A_476, %dma_wait3A_477] : memref<8192x512xf32, #tpu.memory_space<hbm>> -> memref<2x512xf32, #tpu.memory_space<hbm>>
      tpu.wait_dma2 semaphore(%arg85 : memref<!tpu.dma_semaphore, #tpu.memory_space<semaphore_mem>>) src(%dma_wait3A_478 : memref<2x512xf32, #tpu.memory_space<hbm>>) dst(%arg26 : memref<2x512xf32, #tpu.memory_space<vmem>>)
      %dma_wait3A_479 = arith.constant 0 : i32
      %dma_wait3A_480 = arith.constant 0 : i32
      %dma_wait3A_481 = tpu.memref_slice %arg9[%dma_wait3A_479, %dma_wait3A_480] : memref<8192x512xf32, #tpu.memory_space<hbm>> -> memref<2x512xf32, #tpu.memory_space<hbm>>
      %dma_wait3A_482 = arith.constant 0 : i32
      %dma_wait3A_483 = arith.constant 0 : i32
      %dma_wait3A_484 = tpu.memref_slice %arg9[%dma_wait3A_482, %dma_wait3A_483] : memref<8192x512xf32, #tpu.memory_space<hbm>> -> memref<2x512xf32, #tpu.memory_space<hbm>>
      tpu.wait_dma2 semaphore(%arg85 : memref<!tpu.dma_semaphore, #tpu.memory_space<semaphore_mem>>) src(%dma_wait3A_484 : memref<2x512xf32, #tpu.memory_space<hbm>>) dst(%arg27 : memref<2x512xf32, #tpu.memory_space<vmem>>)
      %dma_wait3A_485 = arith.constant 0 : i32
      %dma_wait3A_486 = arith.constant 0 : i32
      %dma_wait3A_487 = tpu.memref_slice %arg10[%dma_wait3A_485, %dma_wait3A_486] : memref<8192x512xf32, #tpu.memory_space<hbm>> -> memref<2x512xf32, #tpu.memory_space<hbm>>
      %dma_wait3A_488 = arith.constant 0 : i32
      %dma_wait3A_489 = arith.constant 0 : i32
      %dma_wait3A_490 = tpu.memref_slice %arg10[%dma_wait3A_488, %dma_wait3A_489] : memref<8192x512xf32, #tpu.memory_space<hbm>> -> memref<2x512xf32, #tpu.memory_space<hbm>>
      tpu.wait_dma2 semaphore(%arg85 : memref<!tpu.dma_semaphore, #tpu.memory_space<semaphore_mem>>) src(%dma_wait3A_490 : memref<2x512xf32, #tpu.memory_space<hbm>>) dst(%arg28 : memref<2x512xf32, #tpu.memory_space<vmem>>)
      %dma_wait3A_491 = arith.constant 0 : i32
      %dma_wait3A_492 = arith.constant 0 : i32
      %dma_wait3A_493 = tpu.memref_slice %arg11[%dma_wait3A_491, %dma_wait3A_492] : memref<8192x512xf32, #tpu.memory_space<hbm>> -> memref<2x512xf32, #tpu.memory_space<hbm>>
      %dma_wait3A_494 = arith.constant 0 : i32
      %dma_wait3A_495 = arith.constant 0 : i32
      %dma_wait3A_496 = tpu.memref_slice %arg11[%dma_wait3A_494, %dma_wait3A_495] : memref<8192x512xf32, #tpu.memory_space<hbm>> -> memref<2x512xf32, #tpu.memory_space<hbm>>
      tpu.wait_dma2 semaphore(%arg85 : memref<!tpu.dma_semaphore, #tpu.memory_space<semaphore_mem>>) src(%dma_wait3A_496 : memref<2x512xf32, #tpu.memory_space<hbm>>) dst(%arg29 : memref<2x512xf32, #tpu.memory_space<vmem>>)
      %dma_wait3A_497 = arith.constant 0 : i32
      %dma_wait3A_498 = arith.constant 0 : i32
      %dma_wait3A_499 = tpu.memref_slice %arg12[%dma_wait3A_497, %dma_wait3A_498] : memref<8192x512xf32, #tpu.memory_space<hbm>> -> memref<2x512xf32, #tpu.memory_space<hbm>>
      %dma_wait3A_500 = arith.constant 0 : i32
      %dma_wait3A_501 = arith.constant 0 : i32
      %dma_wait3A_502 = tpu.memref_slice %arg12[%dma_wait3A_500, %dma_wait3A_501] : memref<8192x512xf32, #tpu.memory_space<hbm>> -> memref<2x512xf32, #tpu.memory_space<hbm>>
      tpu.wait_dma2 semaphore(%arg85 : memref<!tpu.dma_semaphore, #tpu.memory_space<semaphore_mem>>) src(%dma_wait3A_502 : memref<2x512xf32, #tpu.memory_space<hbm>>) dst(%arg30 : memref<2x512xf32, #tpu.memory_space<vmem>>)
      %dma_wait3A_503 = arith.constant 0 : i32
      %dma_wait3A_504 = arith.constant 0 : i32
      %dma_wait3A_505 = tpu.memref_slice %arg13[%dma_wait3A_503, %dma_wait3A_504] : memref<8192x512xf32, #tpu.memory_space<hbm>> -> memref<2x512xf32, #tpu.memory_space<hbm>>
      %dma_wait3A_506 = arith.constant 0 : i32
      %dma_wait3A_507 = arith.constant 0 : i32
      %dma_wait3A_508 = tpu.memref_slice %arg13[%dma_wait3A_506, %dma_wait3A_507] : memref<8192x512xf32, #tpu.memory_space<hbm>> -> memref<2x512xf32, #tpu.memory_space<hbm>>
      tpu.wait_dma2 semaphore(%arg85 : memref<!tpu.dma_semaphore, #tpu.memory_space<semaphore_mem>>) src(%dma_wait3A_508 : memref<2x512xf32, #tpu.memory_space<hbm>>) dst(%arg31 : memref<2x512xf32, #tpu.memory_space<vmem>>)
      %dma_wait3A_509 = arith.constant 0 : i32
      %dma_wait3A_510 = arith.constant 0 : i32
      %dma_wait3A_511 = tpu.memref_slice %arg14[%dma_wait3A_509, %dma_wait3A_510] : memref<8192x512xf32, #tpu.memory_space<hbm>> -> memref<2x512xf32, #tpu.memory_space<hbm>>
      %dma_wait3A_512 = arith.constant 0 : i32
      %dma_wait3A_513 = arith.constant 0 : i32
      %dma_wait3A_514 = tpu.memref_slice %arg14[%dma_wait3A_512, %dma_wait3A_513] : memref<8192x512xf32, #tpu.memory_space<hbm>> -> memref<2x512xf32, #tpu.memory_space<hbm>>
      tpu.wait_dma2 semaphore(%arg85 : memref<!tpu.dma_semaphore, #tpu.memory_space<semaphore_mem>>) src(%dma_wait3A_514 : memref<2x512xf32, #tpu.memory_space<hbm>>) dst(%arg32 : memref<2x512xf32, #tpu.memory_space<vmem>>)
      %dma_wait3A_515 = arith.constant 0 : i32
      %dma_wait3A_516 = arith.constant 0 : i32
      %dma_wait3A_517 = tpu.memref_slice %arg15[%dma_wait3A_515, %dma_wait3A_516] : memref<8192x512xf32, #tpu.memory_space<hbm>> -> memref<2x512xf32, #tpu.memory_space<hbm>>
      %dma_wait3A_518 = arith.constant 0 : i32
      %dma_wait3A_519 = arith.constant 0 : i32
      %dma_wait3A_520 = tpu.memref_slice %arg15[%dma_wait3A_518, %dma_wait3A_519] : memref<8192x512xf32, #tpu.memory_space<hbm>> -> memref<2x512xf32, #tpu.memory_space<hbm>>
      tpu.wait_dma2 semaphore(%arg85 : memref<!tpu.dma_semaphore, #tpu.memory_space<semaphore_mem>>) src(%dma_wait3A_520 : memref<2x512xf32, #tpu.memory_space<hbm>>) dst(%arg33 : memref<2x512xf32, #tpu.memory_space<vmem>>)
      %dma_wait3A_521 = arith.constant 0 : i32
      %dma_wait3A_522 = arith.constant 0 : i32
      %dma_wait3A_523 = tpu.memref_slice %arg16[%dma_wait3A_521, %dma_wait3A_522] : memref<8192x512xf32, #tpu.memory_space<hbm>> -> memref<2x512xf32, #tpu.memory_space<hbm>>
      %dma_wait3A_524 = arith.constant 0 : i32
      %dma_wait3A_525 = arith.constant 0 : i32
      %dma_wait3A_526 = tpu.memref_slice %arg16[%dma_wait3A_524, %dma_wait3A_525] : memref<8192x512xf32, #tpu.memory_space<hbm>> -> memref<2x512xf32, #tpu.memory_space<hbm>>
      tpu.wait_dma2 semaphore(%arg85 : memref<!tpu.dma_semaphore, #tpu.memory_space<semaphore_mem>>) src(%dma_wait3A_526 : memref<2x512xf32, #tpu.memory_space<hbm>>) dst(%arg34 : memref<2x512xf32, #tpu.memory_space<vmem>>)
      %dma_wait3A_527 = arith.constant 0 : i32
      %dma_wait3A_528 = arith.constant 0 : i32
      %dma_wait3A_529 = tpu.memref_slice %arg17[%dma_wait3A_527, %dma_wait3A_528] : memref<8192x512xf32, #tpu.memory_space<hbm>> -> memref<2x512xf32, #tpu.memory_space<hbm>>
      %dma_wait3A_530 = arith.constant 0 : i32
      %dma_wait3A_531 = arith.constant 0 : i32
      %dma_wait3A_532 = tpu.memref_slice %arg17[%dma_wait3A_530, %dma_wait3A_531] : memref<8192x512xf32, #tpu.memory_space<hbm>> -> memref<2x512xf32, #tpu.memory_space<hbm>>
      tpu.wait_dma2 semaphore(%arg85 : memref<!tpu.dma_semaphore, #tpu.memory_space<semaphore_mem>>) src(%dma_wait3A_532 : memref<2x512xf32, #tpu.memory_space<hbm>>) dst(%arg35 : memref<2x512xf32, #tpu.memory_space<vmem>>)
      %gt3A = arith.constant 0 : i32
      %gt3A_533 = arith.cmpi sgt, %scan3A_365, %gt3A : i32
      %convert_element_type3A = arith.extui %gt3A_533 : i1 to i32
      %cond3A = arith.constant 0 : i32
      %cond3A_534 = arith.cmpi ne, %convert_element_type3A, %cond3A : i32
      scf.if %cond3A_534 {
        %dma_wait3A_883 = arith.constant 0 : i32
        %dma_wait3A_884 = arith.constant 0 : i32
        %dma_wait3A_885 = arith.constant 0 : i32
        %dma_wait3A_886 = tpu.memref_slice %arg19[%dma_wait3A_883, %dma_wait3A_884, %dma_wait3A_885] : memref<16x8192x512xf32, #tpu.memory_space<hbm>> -> memref<1x2x512xf32, #tpu.memory_space<hbm>>
        %dma_wait3A_887 = tpu.memref_squeeze %dma_wait3A_886 : memref<1x2x512xf32, #tpu.memory_space<hbm>> -> memref<2x512xf32, #tpu.memory_space<hbm>>
        %dma_wait3A_888 = arith.constant 0 : i32
        %dma_wait3A_889 = arith.constant 0 : i32
        %dma_wait3A_890 = tpu.memref_slice %arg19[%dma_wait3A_883, %dma_wait3A_888, %dma_wait3A_889] : memref<16x8192x512xf32, #tpu.memory_space<hbm>> -> memref<1x2x512xf32, #tpu.memory_space<hbm>>
        %dma_wait3A_891 = tpu.memref_squeeze %dma_wait3A_890 : memref<1x2x512xf32, #tpu.memory_space<hbm>> -> memref<2x512xf32, #tpu.memory_space<hbm>>
        tpu.wait_dma2 semaphore(%arg87 : memref<!tpu.dma_semaphore, #tpu.memory_space<semaphore_mem>>) src(%arg52 : memref<2x512xf32, #tpu.memory_space<vmem>>) dst(%dma_wait3A_891 : memref<2x512xf32, #tpu.memory_space<hbm>>)
        %dma_wait3A_892 = arith.constant 1 : i32
        %dma_wait3A_893 = arith.constant 0 : i32
        %dma_wait3A_894 = arith.constant 0 : i32
        %dma_wait3A_895 = tpu.memref_slice %arg19[%dma_wait3A_892, %dma_wait3A_893, %dma_wait3A_894] : memref<16x8192x512xf32, #tpu.memory_space<hbm>> -> memref<1x2x512xf32, #tpu.memory_space<hbm>>
        %dma_wait3A_896 = tpu.memref_squeeze %dma_wait3A_895 : memref<1x2x512xf32, #tpu.memory_space<hbm>> -> memref<2x512xf32, #tpu.memory_space<hbm>>
        %dma_wait3A_897 = arith.constant 0 : i32
        %dma_wait3A_898 = arith.constant 0 : i32
        %dma_wait3A_899 = tpu.memref_slice %arg19[%dma_wait3A_892, %dma_wait3A_897, %dma_wait3A_898] : memref<16x8192x512xf32, #tpu.memory_space<hbm>> -> memref<1x2x512xf32, #tpu.memory_space<hbm>>
        %dma_wait3A_900 = tpu.memref_squeeze %dma_wait3A_899 : memref<1x2x512xf32, #tpu.memory_space<hbm>> -> memref<2x512xf32, #tpu.memory_space<hbm>>
        tpu.wait_dma2 semaphore(%arg87 : memref<!tpu.dma_semaphore, #tpu.memory_space<semaphore_mem>>) src(%arg53 : memref<2x512xf32, #tpu.memory_space<vmem>>) dst(%dma_wait3A_900 : memref<2x512xf32, #tpu.memory_space<hbm>>)
        %dma_wait3A_901 = arith.constant 2 : i32
        %dma_wait3A_902 = arith.constant 0 : i32
        %dma_wait3A_903 = arith.constant 0 : i32
        %dma_wait3A_904 = tpu.memref_slice %arg19[%dma_wait3A_901, %dma_wait3A_902, %dma_wait3A_903] : memref<16x8192x512xf32, #tpu.memory_space<hbm>> -> memref<1x2x512xf32, #tpu.memory_space<hbm>>
        %dma_wait3A_905 = tpu.memref_squeeze %dma_wait3A_904 : memref<1x2x512xf32, #tpu.memory_space<hbm>> -> memref<2x512xf32, #tpu.memory_space<hbm>>
        %dma_wait3A_906 = arith.constant 0 : i32
        %dma_wait3A_907 = arith.constant 0 : i32
        %dma_wait3A_908 = tpu.memref_slice %arg19[%dma_wait3A_901, %dma_wait3A_906, %dma_wait3A_907] : memref<16x8192x512xf32, #tpu.memory_space<hbm>> -> memref<1x2x512xf32, #tpu.memory_space<hbm>>
        %dma_wait3A_909 = tpu.memref_squeeze %dma_wait3A_908 : memref<1x2x512xf32, #tpu.memory_space<hbm>> -> memref<2x512xf32, #tpu.memory_space<hbm>>
        tpu.wait_dma2 semaphore(%arg87 : memref<!tpu.dma_semaphore, #tpu.memory_space<semaphore_mem>>) src(%arg54 : memref<2x512xf32, #tpu.memory_space<vmem>>) dst(%dma_wait3A_909 : memref<2x512xf32, #tpu.memory_space<hbm>>)
        %dma_wait3A_910 = arith.constant 3 : i32
        %dma_wait3A_911 = arith.constant 0 : i32
        %dma_wait3A_912 = arith.constant 0 : i32
        %dma_wait3A_913 = tpu.memref_slice %arg19[%dma_wait3A_910, %dma_wait3A_911, %dma_wait3A_912] : memref<16x8192x512xf32, #tpu.memory_space<hbm>> -> memref<1x2x512xf32, #tpu.memory_space<hbm>>
        %dma_wait3A_914 = tpu.memref_squeeze %dma_wait3A_913 : memref<1x2x512xf32, #tpu.memory_space<hbm>> -> memref<2x512xf32, #tpu.memory_space<hbm>>
        %dma_wait3A_915 = arith.constant 0 : i32
        %dma_wait3A_916 = arith.constant 0 : i32
        %dma_wait3A_917 = tpu.memref_slice %arg19[%dma_wait3A_910, %dma_wait3A_915, %dma_wait3A_916] : memref<16x8192x512xf32, #tpu.memory_space<hbm>> -> memref<1x2x512xf32, #tpu.memory_space<hbm>>
        %dma_wait3A_918 = tpu.memref_squeeze %dma_wait3A_917 : memref<1x2x512xf32, #tpu.memory_space<hbm>> -> memref<2x512xf32, #tpu.memory_space<hbm>>
        tpu.wait_dma2 semaphore(%arg87 : memref<!tpu.dma_semaphore, #tpu.memory_space<semaphore_mem>>) src(%arg55 : memref<2x512xf32, #tpu.memory_space<vmem>>) dst(%dma_wait3A_918 : memref<2x512xf32, #tpu.memory_space<hbm>>)
        %dma_wait3A_919 = arith.constant 4 : i32
        %dma_wait3A_920 = arith.constant 0 : i32
        %dma_wait3A_921 = arith.constant 0 : i32
        %dma_wait3A_922 = tpu.memref_slice %arg19[%dma_wait3A_919, %dma_wait3A_920, %dma_wait3A_921] : memref<16x8192x512xf32, #tpu.memory_space<hbm>> -> memref<1x2x512xf32, #tpu.memory_space<hbm>>
        %dma_wait3A_923 = tpu.memref_squeeze %dma_wait3A_922 : memref<1x2x512xf32, #tpu.memory_space<hbm>> -> memref<2x512xf32, #tpu.memory_space<hbm>>
        %dma_wait3A_924 = arith.constant 0 : i32
        %dma_wait3A_925 = arith.constant 0 : i32
        %dma_wait3A_926 = tpu.memref_slice %arg19[%dma_wait3A_919, %dma_wait3A_924, %dma_wait3A_925] : memref<16x8192x512xf32, #tpu.memory_space<hbm>> -> memref<1x2x512xf32, #tpu.memory_space<hbm>>
        %dma_wait3A_927 = tpu.memref_squeeze %dma_wait3A_926 : memref<1x2x512xf32, #tpu.memory_space<hbm>> -> memref<2x512xf32, #tpu.memory_space<hbm>>
        tpu.wait_dma2 semaphore(%arg87 : memref<!tpu.dma_semaphore, #tpu.memory_space<semaphore_mem>>) src(%arg56 : memref<2x512xf32, #tpu.memory_space<vmem>>) dst(%dma_wait3A_927 : memref<2x512xf32, #tpu.memory_space<hbm>>)
        %dma_wait3A_928 = arith.constant 5 : i32
        %dma_wait3A_929 = arith.constant 0 : i32
        %dma_wait3A_930 = arith.constant 0 : i32
        %dma_wait3A_931 = tpu.memref_slice %arg19[%dma_wait3A_928, %dma_wait3A_929, %dma_wait3A_930] : memref<16x8192x512xf32, #tpu.memory_space<hbm>> -> memref<1x2x512xf32, #tpu.memory_space<hbm>>
        %dma_wait3A_932 = tpu.memref_squeeze %dma_wait3A_931 : memref<1x2x512xf32, #tpu.memory_space<hbm>> -> memref<2x512xf32, #tpu.memory_space<hbm>>
        %dma_wait3A_933 = arith.constant 0 : i32
        %dma_wait3A_934 = arith.constant 0 : i32
        %dma_wait3A_935 = tpu.memref_slice %arg19[%dma_wait3A_928, %dma_wait3A_933, %dma_wait3A_934] : memref<16x8192x512xf32, #tpu.memory_space<hbm>> -> memref<1x2x512xf32, #tpu.memory_space<hbm>>
        %dma_wait3A_936 = tpu.memref_squeeze %dma_wait3A_935 : memref<1x2x512xf32, #tpu.memory_space<hbm>> -> memref<2x512xf32, #tpu.memory_space<hbm>>
        tpu.wait_dma2 semaphore(%arg87 : memref<!tpu.dma_semaphore, #tpu.memory_space<semaphore_mem>>) src(%arg57 : memref<2x512xf32, #tpu.memory_space<vmem>>) dst(%dma_wait3A_936 : memref<2x512xf32, #tpu.memory_space<hbm>>)
        %dma_wait3A_937 = arith.constant 6 : i32
        %dma_wait3A_938 = arith.constant 0 : i32
        %dma_wait3A_939 = arith.constant 0 : i32
        %dma_wait3A_940 = tpu.memref_slice %arg19[%dma_wait3A_937, %dma_wait3A_938, %dma_wait3A_939] : memref<16x8192x512xf32, #tpu.memory_space<hbm>> -> memref<1x2x512xf32, #tpu.memory_space<hbm>>
        %dma_wait3A_941 = tpu.memref_squeeze %dma_wait3A_940 : memref<1x2x512xf32, #tpu.memory_space<hbm>> -> memref<2x512xf32, #tpu.memory_space<hbm>>
        %dma_wait3A_942 = arith.constant 0 : i32
        %dma_wait3A_943 = arith.constant 0 : i32
        %dma_wait3A_944 = tpu.memref_slice %arg19[%dma_wait3A_937, %dma_wait3A_942, %dma_wait3A_943] : memref<16x8192x512xf32, #tpu.memory_space<hbm>> -> memref<1x2x512xf32, #tpu.memory_space<hbm>>
        %dma_wait3A_945 = tpu.memref_squeeze %dma_wait3A_944 : memref<1x2x512xf32, #tpu.memory_space<hbm>> -> memref<2x512xf32, #tpu.memory_space<hbm>>
        tpu.wait_dma2 semaphore(%arg87 : memref<!tpu.dma_semaphore, #tpu.memory_space<semaphore_mem>>) src(%arg58 : memref<2x512xf32, #tpu.memory_space<vmem>>) dst(%dma_wait3A_945 : memref<2x512xf32, #tpu.memory_space<hbm>>)
        %dma_wait3A_946 = arith.constant 7 : i32
        %dma_wait3A_947 = arith.constant 0 : i32
        %dma_wait3A_948 = arith.constant 0 : i32
        %dma_wait3A_949 = tpu.memref_slice %arg19[%dma_wait3A_946, %dma_wait3A_947, %dma_wait3A_948] : memref<16x8192x512xf32, #tpu.memory_space<hbm>> -> memref<1x2x512xf32, #tpu.memory_space<hbm>>
        %dma_wait3A_950 = tpu.memref_squeeze %dma_wait3A_949 : memref<1x2x512xf32, #tpu.memory_space<hbm>> -> memref<2x512xf32, #tpu.memory_space<hbm>>
        %dma_wait3A_951 = arith.constant 0 : i32
        %dma_wait3A_952 = arith.constant 0 : i32
        %dma_wait3A_953 = tpu.memref_slice %arg19[%dma_wait3A_946, %dma_wait3A_951, %dma_wait3A_952] : memref<16x8192x512xf32, #tpu.memory_space<hbm>> -> memref<1x2x512xf32, #tpu.memory_space<hbm>>
        %dma_wait3A_954 = tpu.memref_squeeze %dma_wait3A_953 : memref<1x2x512xf32, #tpu.memory_space<hbm>> -> memref<2x512xf32, #tpu.memory_space<hbm>>
        tpu.wait_dma2 semaphore(%arg87 : memref<!tpu.dma_semaphore, #tpu.memory_space<semaphore_mem>>) src(%arg59 : memref<2x512xf32, #tpu.memory_space<vmem>>) dst(%dma_wait3A_954 : memref<2x512xf32, #tpu.memory_space<hbm>>)
        %dma_wait3A_955 = arith.constant 8 : i32
        %dma_wait3A_956 = arith.constant 0 : i32
        %dma_wait3A_957 = arith.constant 0 : i32
        %dma_wait3A_958 = tpu.memref_slice %arg19[%dma_wait3A_955, %dma_wait3A_956, %dma_wait3A_957] : memref<16x8192x512xf32, #tpu.memory_space<hbm>> -> memref<1x2x512xf32, #tpu.memory_space<hbm>>
        %dma_wait3A_959 = tpu.memref_squeeze %dma_wait3A_958 : memref<1x2x512xf32, #tpu.memory_space<hbm>> -> memref<2x512xf32, #tpu.memory_space<hbm>>
        %dma_wait3A_960 = arith.constant 0 : i32
        %dma_wait3A_961 = arith.constant 0 : i32
        %dma_wait3A_962 = tpu.memref_slice %arg19[%dma_wait3A_955, %dma_wait3A_960, %dma_wait3A_961] : memref<16x8192x512xf32, #tpu.memory_space<hbm>> -> memref<1x2x512xf32, #tpu.memory_space<hbm>>
        %dma_wait3A_963 = tpu.memref_squeeze %dma_wait3A_962 : memref<1x2x512xf32, #tpu.memory_space<hbm>> -> memref<2x512xf32, #tpu.memory_space<hbm>>
        tpu.wait_dma2 semaphore(%arg87 : memref<!tpu.dma_semaphore, #tpu.memory_space<semaphore_mem>>) src(%arg60 : memref<2x512xf32, #tpu.memory_space<vmem>>) dst(%dma_wait3A_963 : memref<2x512xf32, #tpu.memory_space<hbm>>)
        %dma_wait3A_964 = arith.constant 9 : i32
        %dma_wait3A_965 = arith.constant 0 : i32
        %dma_wait3A_966 = arith.constant 0 : i32
        %dma_wait3A_967 = tpu.memref_slice %arg19[%dma_wait3A_964, %dma_wait3A_965, %dma_wait3A_966] : memref<16x8192x512xf32, #tpu.memory_space<hbm>> -> memref<1x2x512xf32, #tpu.memory_space<hbm>>
        %dma_wait3A_968 = tpu.memref_squeeze %dma_wait3A_967 : memref<1x2x512xf32, #tpu.memory_space<hbm>> -> memref<2x512xf32, #tpu.memory_space<hbm>>
        %dma_wait3A_969 = arith.constant 0 : i32
        %dma_wait3A_970 = arith.constant 0 : i32
        %dma_wait3A_971 = tpu.memref_slice %arg19[%dma_wait3A_964, %dma_wait3A_969, %dma_wait3A_970] : memref<16x8192x512xf32, #tpu.memory_space<hbm>> -> memref<1x2x512xf32, #tpu.memory_space<hbm>>
        %dma_wait3A_972 = tpu.memref_squeeze %dma_wait3A_971 : memref<1x2x512xf32, #tpu.memory_space<hbm>> -> memref<2x512xf32, #tpu.memory_space<hbm>>
        tpu.wait_dma2 semaphore(%arg87 : memref<!tpu.dma_semaphore, #tpu.memory_space<semaphore_mem>>) src(%arg61 : memref<2x512xf32, #tpu.memory_space<vmem>>) dst(%dma_wait3A_972 : memref<2x512xf32, #tpu.memory_space<hbm>>)
        %dma_wait3A_973 = arith.constant 10 : i32
        %dma_wait3A_974 = arith.constant 0 : i32
        %dma_wait3A_975 = arith.constant 0 : i32
        %dma_wait3A_976 = tpu.memref_slice %arg19[%dma_wait3A_973, %dma_wait3A_974, %dma_wait3A_975] : memref<16x8192x512xf32, #tpu.memory_space<hbm>> -> memref<1x2x512xf32, #tpu.memory_space<hbm>>
        %dma_wait3A_977 = tpu.memref_squeeze %dma_wait3A_976 : memref<1x2x512xf32, #tpu.memory_space<hbm>> -> memref<2x512xf32, #tpu.memory_space<hbm>>
        %dma_wait3A_978 = arith.constant 0 : i32
        %dma_wait3A_979 = arith.constant 0 : i32
        %dma_wait3A_980 = tpu.memref_slice %arg19[%dma_wait3A_973, %dma_wait3A_978, %dma_wait3A_979] : memref<16x8192x512xf32, #tpu.memory_space<hbm>> -> memref<1x2x512xf32, #tpu.memory_space<hbm>>
        %dma_wait3A_981 = tpu.memref_squeeze %dma_wait3A_980 : memref<1x2x512xf32, #tpu.memory_space<hbm>> -> memref<2x512xf32, #tpu.memory_space<hbm>>
        tpu.wait_dma2 semaphore(%arg87 : memref<!tpu.dma_semaphore, #tpu.memory_space<semaphore_mem>>) src(%arg62 : memref<2x512xf32, #tpu.memory_space<vmem>>) dst(%dma_wait3A_981 : memref<2x512xf32, #tpu.memory_space<hbm>>)
        %dma_wait3A_982 = arith.constant 11 : i32
        %dma_wait3A_983 = arith.constant 0 : i32
        %dma_wait3A_984 = arith.constant 0 : i32
        %dma_wait3A_985 = tpu.memref_slice %arg19[%dma_wait3A_982, %dma_wait3A_983, %dma_wait3A_984] : memref<16x8192x512xf32, #tpu.memory_space<hbm>> -> memref<1x2x512xf32, #tpu.memory_space<hbm>>
        %dma_wait3A_986 = tpu.memref_squeeze %dma_wait3A_985 : memref<1x2x512xf32, #tpu.memory_space<hbm>> -> memref<2x512xf32, #tpu.memory_space<hbm>>
        %dma_wait3A_987 = arith.constant 0 : i32
        %dma_wait3A_988 = arith.constant 0 : i32
        %dma_wait3A_989 = tpu.memref_slice %arg19[%dma_wait3A_982, %dma_wait3A_987, %dma_wait3A_988] : memref<16x8192x512xf32, #tpu.memory_space<hbm>> -> memref<1x2x512xf32, #tpu.memory_space<hbm>>
        %dma_wait3A_990 = tpu.memref_squeeze %dma_wait3A_989 : memref<1x2x512xf32, #tpu.memory_space<hbm>> -> memref<2x512xf32, #tpu.memory_space<hbm>>
        tpu.wait_dma2 semaphore(%arg87 : memref<!tpu.dma_semaphore, #tpu.memory_space<semaphore_mem>>) src(%arg63 : memref<2x512xf32, #tpu.memory_space<vmem>>) dst(%dma_wait3A_990 : memref<2x512xf32, #tpu.memory_space<hbm>>)
        %dma_wait3A_991 = arith.constant 12 : i32
        %dma_wait3A_992 = arith.constant 0 : i32
        %dma_wait3A_993 = arith.constant 0 : i32
        %dma_wait3A_994 = tpu.memref_slice %arg19[%dma_wait3A_991, %dma_wait3A_992, %dma_wait3A_993] : memref<16x8192x512xf32, #tpu.memory_space<hbm>> -> memref<1x2x512xf32, #tpu.memory_space<hbm>>
        %dma_wait3A_995 = tpu.memref_squeeze %dma_wait3A_994 : memref<1x2x512xf32, #tpu.memory_space<hbm>> -> memref<2x512xf32, #tpu.memory_space<hbm>>
        %dma_wait3A_996 = arith.constant 0 : i32
        %dma_wait3A_997 = arith.constant 0 : i32
        %dma_wait3A_998 = tpu.memref_slice %arg19[%dma_wait3A_991, %dma_wait3A_996, %dma_wait3A_997] : memref<16x8192x512xf32, #tpu.memory_space<hbm>> -> memref<1x2x512xf32, #tpu.memory_space<hbm>>
        %dma_wait3A_999 = tpu.memref_squeeze %dma_wait3A_998 : memref<1x2x512xf32, #tpu.memory_space<hbm>> -> memref<2x512xf32, #tpu.memory_space<hbm>>
        tpu.wait_dma2 semaphore(%arg87 : memref<!tpu.dma_semaphore, #tpu.memory_space<semaphore_mem>>) src(%arg64 : memref<2x512xf32, #tpu.memory_space<vmem>>) dst(%dma_wait3A_999 : memref<2x512xf32, #tpu.memory_space<hbm>>)
        %dma_wait3A_1000 = arith.constant 13 : i32
        %dma_wait3A_1001 = arith.constant 0 : i32
        %dma_wait3A_1002 = arith.constant 0 : i32
        %dma_wait3A_1003 = tpu.memref_slice %arg19[%dma_wait3A_1000, %dma_wait3A_1001, %dma_wait3A_1002] : memref<16x8192x512xf32, #tpu.memory_space<hbm>> -> memref<1x2x512xf32, #tpu.memory_space<hbm>>
        %dma_wait3A_1004 = tpu.memref_squeeze %dma_wait3A_1003 : memref<1x2x512xf32, #tpu.memory_space<hbm>> -> memref<2x512xf32, #tpu.memory_space<hbm>>
        %dma_wait3A_1005 = arith.constant 0 : i32
        %dma_wait3A_1006 = arith.constant 0 : i32
        %dma_wait3A_1007 = tpu.memref_slice %arg19[%dma_wait3A_1000, %dma_wait3A_1005, %dma_wait3A_1006] : memref<16x8192x512xf32, #tpu.memory_space<hbm>> -> memref<1x2x512xf32, #tpu.memory_space<hbm>>
        %dma_wait3A_1008 = tpu.memref_squeeze %dma_wait3A_1007 : memref<1x2x512xf32, #tpu.memory_space<hbm>> -> memref<2x512xf32, #tpu.memory_space<hbm>>
        tpu.wait_dma2 semaphore(%arg87 : memref<!tpu.dma_semaphore, #tpu.memory_space<semaphore_mem>>) src(%arg65 : memref<2x512xf32, #tpu.memory_space<vmem>>) dst(%dma_wait3A_1008 : memref<2x512xf32, #tpu.memory_space<hbm>>)
        %dma_wait3A_1009 = arith.constant 14 : i32
        %dma_wait3A_1010 = arith.constant 0 : i32
        %dma_wait3A_1011 = arith.constant 0 : i32
        %dma_wait3A_1012 = tpu.memref_slice %arg19[%dma_wait3A_1009, %dma_wait3A_1010, %dma_wait3A_1011] : memref<16x8192x512xf32, #tpu.memory_space<hbm>> -> memref<1x2x512xf32, #tpu.memory_space<hbm>>
        %dma_wait3A_1013 = tpu.memref_squeeze %dma_wait3A_1012 : memref<1x2x512xf32, #tpu.memory_space<hbm>> -> memref<2x512xf32, #tpu.memory_space<hbm>>
        %dma_wait3A_1014 = arith.constant 0 : i32
        %dma_wait3A_1015 = arith.constant 0 : i32
        %dma_wait3A_1016 = tpu.memref_slice %arg19[%dma_wait3A_1009, %dma_wait3A_1014, %dma_wait3A_1015] : memref<16x8192x512xf32, #tpu.memory_space<hbm>> -> memref<1x2x512xf32, #tpu.memory_space<hbm>>
        %dma_wait3A_1017 = tpu.memref_squeeze %dma_wait3A_1016 : memref<1x2x512xf32, #tpu.memory_space<hbm>> -> memref<2x512xf32, #tpu.memory_space<hbm>>
        tpu.wait_dma2 semaphore(%arg87 : memref<!tpu.dma_semaphore, #tpu.memory_space<semaphore_mem>>) src(%arg66 : memref<2x512xf32, #tpu.memory_space<vmem>>) dst(%dma_wait3A_1017 : memref<2x512xf32, #tpu.memory_space<hbm>>)
        %dma_wait3A_1018 = arith.constant 15 : i32
        %dma_wait3A_1019 = arith.constant 0 : i32
        %dma_wait3A_1020 = arith.constant 0 : i32
        %dma_wait3A_1021 = tpu.memref_slice %arg19[%dma_wait3A_1018, %dma_wait3A_1019, %dma_wait3A_1020] : memref<16x8192x512xf32, #tpu.memory_space<hbm>> -> memref<1x2x512xf32, #tpu.memory_space<hbm>>
        %dma_wait3A_1022 = tpu.memref_squeeze %dma_wait3A_1021 : memref<1x2x512xf32, #tpu.memory_space<hbm>> -> memref<2x512xf32, #tpu.memory_space<hbm>>
        %dma_wait3A_1023 = arith.constant 0 : i32
        %dma_wait3A_1024 = arith.constant 0 : i32
        %dma_wait3A_1025 = tpu.memref_slice %arg19[%dma_wait3A_1018, %dma_wait3A_1023, %dma_wait3A_1024] : memref<16x8192x512xf32, #tpu.memory_space<hbm>> -> memref<1x2x512xf32, #tpu.memory_space<hbm>>
        %dma_wait3A_1026 = tpu.memref_squeeze %dma_wait3A_1025 : memref<1x2x512xf32, #tpu.memory_space<hbm>> -> memref<2x512xf32, #tpu.memory_space<hbm>>
        tpu.wait_dma2 semaphore(%arg87 : memref<!tpu.dma_semaphore, #tpu.memory_space<semaphore_mem>>) src(%arg67 : memref<2x512xf32, #tpu.memory_space<vmem>>) dst(%dma_wait3A_1026 : memref<2x512xf32, #tpu.memory_space<hbm>>)
      } else {
      }
      %parallel_loop3A = arith.constant 0 : i32
      %parallel_loop3A_535 = arith.constant 512 : i32
      %parallel_loop3A_536 = arith.constant 32 : i32
      scf.for %parallel_loop3A_883 = %parallel_loop3A to %parallel_loop3A_535 step %parallel_loop3A_536  : i32 {
        %parallel_loop3A_884 = tpu.pack_subelements %get3A_3, %get3A_3 {pack_format = #tpu.pack_format<interleaved>, positions = array<i32: 0, 1>} : vector<16xf32>, vector<16xf32> -> vector<32xbf16>
        %parallel_loop3A_885 = tpu.pack_subelements %get3A_5, %get3A_5 {pack_format = #tpu.pack_format<interleaved>, positions = array<i32: 0, 1>} : vector<16xf32>, vector<16xf32> -> vector<32xbf16>
        %parallel_loop3A_886 = tpu.pack_subelements %get3A_7, %get3A_7 {pack_format = #tpu.pack_format<interleaved>, positions = array<i32: 0, 1>} : vector<16xf32>, vector<16xf32> -> vector<32xbf16>
        %parallel_loop3A_887 = arith.constant 0 : i32
        %parallel_loop3A_888 = arith.index_cast %parallel_loop3A_887 : i32 to index
        %parallel_loop3A_889 = arith.index_cast %parallel_loop3A_883 : i32 to index
        %parallel_loop3A_890 = tpu.vector_load %arg20[%parallel_loop3A_888, %parallel_loop3A_889] {strides = array<i32>} : memref<2x512xf32, #tpu.memory_space<vmem>>, vector<16xf32>,
        %parallel_loop3A_891 = arith.constant 16 : i32
        %parallel_loop3A_892 = arith.addi %parallel_loop3A_883, %parallel_loop3A_891 : i32
        %parallel_loop3A_893 = arith.constant 0 : i32
        %parallel_loop3A_894 = arith.index_cast %parallel_loop3A_893 : i32 to index
        %parallel_loop3A_895 = arith.index_cast %parallel_loop3A_892 : i32 to index
        %parallel_loop3A_896 = tpu.vector_load %arg20[%parallel_loop3A_894, %parallel_loop3A_895] {strides = array<i32>} : memref<2x512xf32, #tpu.memory_space<vmem>>, vector<16xf32>,
        %parallel_loop3A_897 = tpu.pack_subelements %parallel_loop3A_890, %parallel_loop3A_896 {pack_format = #tpu.pack_format<interleaved>, positions = array<i32: 0, 1>} : vector<16xf32>, vector<16xf32> -> vector<32xbf16>
        %parallel_loop3A_898 = arith.constant 0 : i32
        %parallel_loop3A_899 = arith.index_cast %parallel_loop3A_898 : i32 to index
        %parallel_loop3A_900 = arith.index_cast %parallel_loop3A_883 : i32 to index
        %parallel_loop3A_901 = tpu.vector_load %arg21[%parallel_loop3A_899, %parallel_loop3A_900] {strides = array<i32>} : memref<2x512xf32, #tpu.memory_space<vmem>>, vector<16xf32>,
        %parallel_loop3A_902 = arith.constant 16 : i32
        %parallel_loop3A_903 = arith.addi %parallel_loop3A_883, %parallel_loop3A_902 : i32
        %parallel_loop3A_904 = arith.constant 0 : i32
        %parallel_loop3A_905 = arith.index_cast %parallel_loop3A_904 : i32 to index
        %parallel_loop3A_906 = arith.index_cast %parallel_loop3A_903 : i32 to index
        %parallel_loop3A_907 = tpu.vector_load %arg21[%parallel_loop3A_905, %parallel_loop3A_906] {strides = array<i32>} : memref<2x512xf32, #tpu.memory_space<vmem>>, vector<16xf32>,
        %parallel_loop3A_908 = tpu.pack_subelements %parallel_loop3A_901, %parallel_loop3A_907 {pack_format = #tpu.pack_format<interleaved>, positions = array<i32: 0, 1>} : vector<16xf32>, vector<16xf32> -> vector<32xbf16>
        %parallel_loop3A_909 = arith.constant 0 : i32
        %parallel_loop3A_910 = arith.index_cast %parallel_loop3A_909 : i32 to index
        %parallel_loop3A_911 = arith.index_cast %parallel_loop3A_883 : i32 to index
        %parallel_loop3A_912 = tpu.vector_load %arg22[%parallel_loop3A_910, %parallel_loop3A_911] {strides = array<i32>} : memref<2x512xf32, #tpu.memory_space<vmem>>, vector<16xf32>,
        %parallel_loop3A_913 = arith.constant 16 : i32
        %parallel_loop3A_914 = arith.addi %parallel_loop3A_883, %parallel_loop3A_913 : i32
        %parallel_loop3A_915 = arith.constant 0 : i32
        %parallel_loop3A_916 = arith.index_cast %parallel_loop3A_915 : i32 to index
        %parallel_loop3A_917 = arith.index_cast %parallel_loop3A_914 : i32 to index
        %parallel_loop3A_918 = tpu.vector_load %arg22[%parallel_loop3A_916, %parallel_loop3A_917] {strides = array<i32>} : memref<2x512xf32, #tpu.memory_space<vmem>>, vector<16xf32>,
        %parallel_loop3A_919 = tpu.pack_subelements %parallel_loop3A_912, %parallel_loop3A_918 {pack_format = #tpu.pack_format<interleaved>, positions = array<i32: 0, 1>} : vector<16xf32>, vector<16xf32> -> vector<32xbf16>
        %parallel_loop3A_920 = arith.constant 0 : i32
        %parallel_loop3A_921 = arith.index_cast %parallel_loop3A_920 : i32 to index
        %parallel_loop3A_922 = arith.index_cast %parallel_loop3A_883 : i32 to index
        %parallel_loop3A_923 = tpu.vector_load %arg23[%parallel_loop3A_921, %parallel_loop3A_922] {strides = array<i32>} : memref<2x512xf32, #tpu.memory_space<vmem>>, vector<16xf32>,
        %parallel_loop3A_924 = arith.constant 16 : i32
        %parallel_loop3A_925 = arith.addi %parallel_loop3A_883, %parallel_loop3A_924 : i32
        %parallel_loop3A_926 = arith.constant 0 : i32
        %parallel_loop3A_927 = arith.index_cast %parallel_loop3A_926 : i32 to index
        %parallel_loop3A_928 = arith.index_cast %parallel_loop3A_925 : i32 to index
        %parallel_loop3A_929 = tpu.vector_load %arg23[%parallel_loop3A_927, %parallel_loop3A_928] {strides = array<i32>} : memref<2x512xf32, #tpu.memory_space<vmem>>, vector<16xf32>,
        %parallel_loop3A_930 = tpu.pack_subelements %parallel_loop3A_923, %parallel_loop3A_929 {pack_format = #tpu.pack_format<interleaved>, positions = array<i32: 0, 1>} : vector<16xf32>, vector<16xf32> -> vector<32xbf16>
        %parallel_loop3A_931 = arith.constant 0 : i32
        %parallel_loop3A_932 = arith.index_cast %parallel_loop3A_931 : i32 to index
        %parallel_loop3A_933 = arith.index_cast %parallel_loop3A_883 : i32 to index
        %parallel_loop3A_934 = tpu.vector_load %arg24[%parallel_loop3A_932, %parallel_loop3A_933] {strides = array<i32>} : memref<2x512xf32, #tpu.memory_space<vmem>>, vector<16xf32>,
        %parallel_loop3A_935 = arith.constant 16 : i32
        %parallel_loop3A_936 = arith.addi %parallel_loop3A_883, %parallel_loop3A_935 : i32
        %parallel_loop3A_937 = arith.constant 0 : i32
        %parallel_loop3A_938 = arith.index_cast %parallel_loop3A_937 : i32 to index
        %parallel_loop3A_939 = arith.index_cast %parallel_loop3A_936 : i32 to index
        %parallel_loop3A_940 = tpu.vector_load %arg24[%parallel_loop3A_938, %parallel_loop3A_939] {strides = array<i32>} : memref<2x512xf32, #tpu.memory_space<vmem>>, vector<16xf32>,
        %parallel_loop3A_941 = tpu.pack_subelements %parallel_loop3A_934, %parallel_loop3A_940 {pack_format = #tpu.pack_format<interleaved>, positions = array<i32: 0, 1>} : vector<16xf32>, vector<16xf32> -> vector<32xbf16>
        %parallel_loop3A_942 = arith.constant 0 : i32
        %parallel_loop3A_943 = arith.index_cast %parallel_loop3A_942 : i32 to index
        %parallel_loop3A_944 = arith.index_cast %parallel_loop3A_883 : i32 to index
        %parallel_loop3A_945 = tpu.vector_load %arg25[%parallel_loop3A_943, %parallel_loop3A_944] {strides = array<i32>} : memref<2x512xf32, #tpu.memory_space<vmem>>, vector<16xf32>,
        %parallel_loop3A_946 = arith.constant 16 : i32
        %parallel_loop3A_947 = arith.addi %parallel_loop3A_883, %parallel_loop3A_946 : i32
        %parallel_loop3A_948 = arith.constant 0 : i32
        %parallel_loop3A_949 = arith.index_cast %parallel_loop3A_948 : i32 to index
        %parallel_loop3A_950 = arith.index_cast %parallel_loop3A_947 : i32 to index
        %parallel_loop3A_951 = tpu.vector_load %arg25[%parallel_loop3A_949, %parallel_loop3A_950] {strides = array<i32>} : memref<2x512xf32, #tpu.memory_space<vmem>>, vector<16xf32>,
        %parallel_loop3A_952 = tpu.pack_subelements %parallel_loop3A_945, %parallel_loop3A_951 {pack_format = #tpu.pack_format<interleaved>, positions = array<i32: 0, 1>} : vector<16xf32>, vector<16xf32> -> vector<32xbf16>
        %parallel_loop3A_953 = arith.constant 0 : i32
        %parallel_loop3A_954 = arith.index_cast %parallel_loop3A_953 : i32 to index
        %parallel_loop3A_955 = arith.index_cast %parallel_loop3A_883 : i32 to index
        %parallel_loop3A_956 = tpu.vector_load %arg26[%parallel_loop3A_954, %parallel_loop3A_955] {strides = array<i32>} : memref<2x512xf32, #tpu.memory_space<vmem>>, vector<16xf32>,
        %parallel_loop3A_957 = arith.constant 16 : i32
        %parallel_loop3A_958 = arith.addi %parallel_loop3A_883, %parallel_loop3A_957 : i32
        %parallel_loop3A_959 = arith.constant 0 : i32
        %parallel_loop3A_960 = arith.index_cast %parallel_loop3A_959 : i32 to index
        %parallel_loop3A_961 = arith.index_cast %parallel_loop3A_958 : i32 to index
        %parallel_loop3A_962 = tpu.vector_load %arg26[%parallel_loop3A_960, %parallel_loop3A_961] {strides = array<i32>} : memref<2x512xf32, #tpu.memory_space<vmem>>, vector<16xf32>,
        %parallel_loop3A_963 = tpu.pack_subelements %parallel_loop3A_956, %parallel_loop3A_962 {pack_format = #tpu.pack_format<interleaved>, positions = array<i32: 0, 1>} : vector<16xf32>, vector<16xf32> -> vector<32xbf16>
        %parallel_loop3A_964 = arith.constant 0 : i32
        %parallel_loop3A_965 = arith.index_cast %parallel_loop3A_964 : i32 to index
        %parallel_loop3A_966 = arith.index_cast %parallel_loop3A_883 : i32 to index
        %parallel_loop3A_967 = tpu.vector_load %arg27[%parallel_loop3A_965, %parallel_loop3A_966] {strides = array<i32>} : memref<2x512xf32, #tpu.memory_space<vmem>>, vector<16xf32>,
        %parallel_loop3A_968 = arith.constant 16 : i32
        %parallel_loop3A_969 = arith.addi %parallel_loop3A_883, %parallel_loop3A_968 : i32
        %parallel_loop3A_970 = arith.constant 0 : i32
        %parallel_loop3A_971 = arith.index_cast %parallel_loop3A_970 : i32 to index
        %parallel_loop3A_972 = arith.index_cast %parallel_loop3A_969 : i32 to index
        %parallel_loop3A_973 = tpu.vector_load %arg27[%parallel_loop3A_971, %parallel_loop3A_972] {strides = array<i32>} : memref<2x512xf32, #tpu.memory_space<vmem>>, vector<16xf32>,
        %parallel_loop3A_974 = tpu.pack_subelements %parallel_loop3A_967, %parallel_loop3A_973 {pack_format = #tpu.pack_format<interleaved>, positions = array<i32: 0, 1>} : vector<16xf32>, vector<16xf32> -> vector<32xbf16>
        %parallel_loop3A_975 = arith.constant 0 : i32
        %parallel_loop3A_976 = arith.index_cast %parallel_loop3A_975 : i32 to index
        %parallel_loop3A_977 = arith.index_cast %parallel_loop3A_883 : i32 to index
        %parallel_loop3A_978 = tpu.vector_load %arg28[%parallel_loop3A_976, %parallel_loop3A_977] {strides = array<i32>} : memref<2x512xf32, #tpu.memory_space<vmem>>, vector<16xf32>,
        %parallel_loop3A_979 = arith.constant 16 : i32
        %parallel_loop3A_980 = arith.addi %parallel_loop3A_883, %parallel_loop3A_979 : i32
        %parallel_loop3A_981 = arith.constant 0 : i32
        %parallel_loop3A_982 = arith.index_cast %parallel_loop3A_981 : i32 to index
        %parallel_loop3A_983 = arith.index_cast %parallel_loop3A_980 : i32 to index
        %parallel_loop3A_984 = tpu.vector_load %arg28[%parallel_loop3A_982, %parallel_loop3A_983] {strides = array<i32>} : memref<2x512xf32, #tpu.memory_space<vmem>>, vector<16xf32>,
        %parallel_loop3A_985 = tpu.pack_subelements %parallel_loop3A_978, %parallel_loop3A_984 {pack_format = #tpu.pack_format<interleaved>, positions = array<i32: 0, 1>} : vector<16xf32>, vector<16xf32> -> vector<32xbf16>
        %parallel_loop3A_986 = arith.constant 0 : i32
        %parallel_loop3A_987 = arith.index_cast %parallel_loop3A_986 : i32 to index
        %parallel_loop3A_988 = arith.index_cast %parallel_loop3A_883 : i32 to index
        %parallel_loop3A_989 = tpu.vector_load %arg29[%parallel_loop3A_987, %parallel_loop3A_988] {strides = array<i32>} : memref<2x512xf32, #tpu.memory_space<vmem>>, vector<16xf32>,
        %parallel_loop3A_990 = arith.constant 16 : i32
        %parallel_loop3A_991 = arith.addi %parallel_loop3A_883, %parallel_loop3A_990 : i32
        %parallel_loop3A_992 = arith.constant 0 : i32
        %parallel_loop3A_993 = arith.index_cast %parallel_loop3A_992 : i32 to index
        %parallel_loop3A_994 = arith.index_cast %parallel_loop3A_991 : i32 to index
        %parallel_loop3A_995 = tpu.vector_load %arg29[%parallel_loop3A_993, %parallel_loop3A_994] {strides = array<i32>} : memref<2x512xf32, #tpu.memory_space<vmem>>, vector<16xf32>,
        %parallel_loop3A_996 = tpu.pack_subelements %parallel_loop3A_989, %parallel_loop3A_995 {pack_format = #tpu.pack_format<interleaved>, positions = array<i32: 0, 1>} : vector<16xf32>, vector<16xf32> -> vector<32xbf16>
        %parallel_loop3A_997 = arith.constant 0 : i32
        %parallel_loop3A_998 = arith.index_cast %parallel_loop3A_997 : i32 to index
        %parallel_loop3A_999 = arith.index_cast %parallel_loop3A_883 : i32 to index
        %parallel_loop3A_1000 = tpu.vector_load %arg30[%parallel_loop3A_998, %parallel_loop3A_999] {strides = array<i32>} : memref<2x512xf32, #tpu.memory_space<vmem>>, vector<16xf32>,
        %parallel_loop3A_1001 = arith.constant 16 : i32
        %parallel_loop3A_1002 = arith.addi %parallel_loop3A_883, %parallel_loop3A_1001 : i32
        %parallel_loop3A_1003 = arith.constant 0 : i32
        %parallel_loop3A_1004 = arith.index_cast %parallel_loop3A_1003 : i32 to index
        %parallel_loop3A_1005 = arith.index_cast %parallel_loop3A_1002 : i32 to index
        %parallel_loop3A_1006 = tpu.vector_load %arg30[%parallel_loop3A_1004, %parallel_loop3A_1005] {strides = array<i32>} : memref<2x512xf32, #tpu.memory_space<vmem>>, vector<16xf32>,
        %parallel_loop3A_1007 = tpu.pack_subelements %parallel_loop3A_1000, %parallel_loop3A_1006 {pack_format = #tpu.pack_format<interleaved>, positions = array<i32: 0, 1>} : vector<16xf32>, vector<16xf32> -> vector<32xbf16>
        %parallel_loop3A_1008 = arith.constant 0 : i32
        %parallel_loop3A_1009 = arith.index_cast %parallel_loop3A_1008 : i32 to index
        %parallel_loop3A_1010 = arith.index_cast %parallel_loop3A_883 : i32 to index
        %parallel_loop3A_1011 = tpu.vector_load %arg31[%parallel_loop3A_1009, %parallel_loop3A_1010] {strides = array<i32>} : memref<2x512xf32, #tpu.memory_space<vmem>>, vector<16xf32>,
        %parallel_loop3A_1012 = arith.constant 16 : i32
        %parallel_loop3A_1013 = arith.addi %parallel_loop3A_883, %parallel_loop3A_1012 : i32
        %parallel_loop3A_1014 = arith.constant 0 : i32
        %parallel_loop3A_1015 = arith.index_cast %parallel_loop3A_1014 : i32 to index
        %parallel_loop3A_1016 = arith.index_cast %parallel_loop3A_1013 : i32 to index
        %parallel_loop3A_1017 = tpu.vector_load %arg31[%parallel_loop3A_1015, %parallel_loop3A_1016] {strides = array<i32>} : memref<2x512xf32, #tpu.memory_space<vmem>>, vector<16xf32>,
        %parallel_loop3A_1018 = tpu.pack_subelements %parallel_loop3A_1011, %parallel_loop3A_1017 {pack_format = #tpu.pack_format<interleaved>, positions = array<i32: 0, 1>} : vector<16xf32>, vector<16xf32> -> vector<32xbf16>
        %parallel_loop3A_1019 = arith.constant 0 : i32
        %parallel_loop3A_1020 = arith.index_cast %parallel_loop3A_1019 : i32 to index
        %parallel_loop3A_1021 = arith.index_cast %parallel_loop3A_883 : i32 to index
        %parallel_loop3A_1022 = tpu.vector_load %arg32[%parallel_loop3A_1020, %parallel_loop3A_1021] {strides = array<i32>} : memref<2x512xf32, #tpu.memory_space<vmem>>, vector<16xf32>,
        %parallel_loop3A_1023 = arith.constant 16 : i32
        %parallel_loop3A_1024 = arith.addi %parallel_loop3A_883, %parallel_loop3A_1023 : i32
        %parallel_loop3A_1025 = arith.constant 0 : i32
        %parallel_loop3A_1026 = arith.index_cast %parallel_loop3A_1025 : i32 to index
        %parallel_loop3A_1027 = arith.index_cast %parallel_loop3A_1024 : i32 to index
        %parallel_loop3A_1028 = tpu.vector_load %arg32[%parallel_loop3A_1026, %parallel_loop3A_1027] {strides = array<i32>} : memref<2x512xf32, #tpu.memory_space<vmem>>, vector<16xf32>,
        %parallel_loop3A_1029 = tpu.pack_subelements %parallel_loop3A_1022, %parallel_loop3A_1028 {pack_format = #tpu.pack_format<interleaved>, positions = array<i32: 0, 1>} : vector<16xf32>, vector<16xf32> -> vector<32xbf16>
        %parallel_loop3A_1030 = arith.constant 0 : i32
        %parallel_loop3A_1031 = arith.index_cast %parallel_loop3A_1030 : i32 to index
        %parallel_loop3A_1032 = arith.index_cast %parallel_loop3A_883 : i32 to index
        %parallel_loop3A_1033 = tpu.vector_load %arg33[%parallel_loop3A_1031, %parallel_loop3A_1032] {strides = array<i32>} : memref<2x512xf32, #tpu.memory_space<vmem>>, vector<16xf32>,
        %parallel_loop3A_1034 = arith.constant 16 : i32
        %parallel_loop3A_1035 = arith.addi %parallel_loop3A_883, %parallel_loop3A_1034 : i32
        %parallel_loop3A_1036 = arith.constant 0 : i32
        %parallel_loop3A_1037 = arith.index_cast %parallel_loop3A_1036 : i32 to index
        %parallel_loop3A_1038 = arith.index_cast %parallel_loop3A_1035 : i32 to index
        %parallel_loop3A_1039 = tpu.vector_load %arg33[%parallel_loop3A_1037, %parallel_loop3A_1038] {strides = array<i32>} : memref<2x512xf32, #tpu.memory_space<vmem>>, vector<16xf32>,
        %parallel_loop3A_1040 = tpu.pack_subelements %parallel_loop3A_1033, %parallel_loop3A_1039 {pack_format = #tpu.pack_format<interleaved>, positions = array<i32: 0, 1>} : vector<16xf32>, vector<16xf32> -> vector<32xbf16>
        %parallel_loop3A_1041 = arith.constant 0 : i32
        %parallel_loop3A_1042 = arith.index_cast %parallel_loop3A_1041 : i32 to index
        %parallel_loop3A_1043 = arith.index_cast %parallel_loop3A_883 : i32 to index
        %parallel_loop3A_1044 = tpu.vector_load %arg34[%parallel_loop3A_1042, %parallel_loop3A_1043] {strides = array<i32>} : memref<2x512xf32, #tpu.memory_space<vmem>>, vector<16xf32>,
        %parallel_loop3A_1045 = arith.constant 16 : i32
        %parallel_loop3A_1046 = arith.addi %parallel_loop3A_883, %parallel_loop3A_1045 : i32
        %parallel_loop3A_1047 = arith.constant 0 : i32
        %parallel_loop3A_1048 = arith.index_cast %parallel_loop3A_1047 : i32 to index
        %parallel_loop3A_1049 = arith.index_cast %parallel_loop3A_1046 : i32 to index
        %parallel_loop3A_1050 = tpu.vector_load %arg34[%parallel_loop3A_1048, %parallel_loop3A_1049] {strides = array<i32>} : memref<2x512xf32, #tpu.memory_space<vmem>>, vector<16xf32>,
        %parallel_loop3A_1051 = tpu.pack_subelements %parallel_loop3A_1044, %parallel_loop3A_1050 {pack_format = #tpu.pack_format<interleaved>, positions = array<i32: 0, 1>} : vector<16xf32>, vector<16xf32> -> vector<32xbf16>
        %parallel_loop3A_1052 = arith.constant 0 : i32
        %parallel_loop3A_1053 = arith.index_cast %parallel_loop3A_1052 : i32 to index
        %parallel_loop3A_1054 = arith.index_cast %parallel_loop3A_883 : i32 to index
        %parallel_loop3A_1055 = tpu.vector_load %arg35[%parallel_loop3A_1053, %parallel_loop3A_1054] {strides = array<i32>} : memref<2x512xf32, #tpu.memory_space<vmem>>, vector<16xf32>,
        %parallel_loop3A_1056 = arith.constant 16 : i32
        %parallel_loop3A_1057 = arith.addi %parallel_loop3A_883, %parallel_loop3A_1056 : i32
        %parallel_loop3A_1058 = arith.constant 0 : i32
        %parallel_loop3A_1059 = arith.index_cast %parallel_loop3A_1058 : i32 to index
        %parallel_loop3A_1060 = arith.index_cast %parallel_loop3A_1057 : i32 to index
        %parallel_loop3A_1061 = tpu.vector_load %arg35[%parallel_loop3A_1059, %parallel_loop3A_1060] {strides = array<i32>} : memref<2x512xf32, #tpu.memory_space<vmem>>, vector<16xf32>,
        %parallel_loop3A_1062 = tpu.pack_subelements %parallel_loop3A_1055, %parallel_loop3A_1061 {pack_format = #tpu.pack_format<interleaved>, positions = array<i32: 0, 1>} : vector<16xf32>, vector<16xf32> -> vector<32xbf16>
        %parallel_loop3A_1063 = arith.mulf %parallel_loop3A_919, %parallel_loop3A_884 : vector<32xbf16>
        %parallel_loop3A_1064 = arith.mulf %parallel_loop3A_930, %parallel_loop3A_885 : vector<32xbf16>
        %parallel_loop3A_1065 = arith.addf %parallel_loop3A_1063, %parallel_loop3A_1064 : vector<32xbf16>
        %parallel_loop3A_1066 = arith.mulf %parallel_loop3A_952, %parallel_loop3A_886 : vector<32xbf16>
        %parallel_loop3A_1067 = arith.addf %parallel_loop3A_1065, %parallel_loop3A_1066 : vector<32xbf16>
        %parallel_loop3A_1068 = tpu.unpack_subelements %parallel_loop3A_1067, 0 {pack_format = #tpu.pack_format<interleaved>} : vector<32xbf16> -> vector<16xf32>
        %parallel_loop3A_1069 = tpu.unpack_subelements %parallel_loop3A_1067, 1 {pack_format = #tpu.pack_format<interleaved>} : vector<32xbf16> -> vector<16xf32>
        %parallel_loop3A_1070 = arith.constant 0 : i32
        %parallel_loop3A_1071 = arith.index_cast %parallel_loop3A_1070 : i32 to index
        %parallel_loop3A_1072 = arith.index_cast %parallel_loop3A_883 : i32 to index
        %parallel_loop3A_1073 = tpu.vector_load %arg52[%parallel_loop3A_1071, %parallel_loop3A_1072] {strides = array<i32>} : memref<2x512xf32, #tpu.memory_space<vmem>>, vector<16xf32>,
        tpu.vector_store %arg52[%parallel_loop3A_1071, %parallel_loop3A_1072], %parallel_loop3A_1068 {strides = array<i32>} : memref<2x512xf32, #tpu.memory_space<vmem>>, vector<16xf32>,
        %parallel_loop3A_1074 = arith.constant 16 : i32
        %parallel_loop3A_1075 = arith.addi %parallel_loop3A_883, %parallel_loop3A_1074 : i32
        %parallel_loop3A_1076 = arith.constant 0 : i32
        %parallel_loop3A_1077 = arith.index_cast %parallel_loop3A_1076 : i32 to index
        %parallel_loop3A_1078 = arith.index_cast %parallel_loop3A_1075 : i32 to index
        %parallel_loop3A_1079 = tpu.vector_load %arg52[%parallel_loop3A_1077, %parallel_loop3A_1078] {strides = array<i32>} : memref<2x512xf32, #tpu.memory_space<vmem>>, vector<16xf32>,
        tpu.vector_store %arg52[%parallel_loop3A_1077, %parallel_loop3A_1078], %parallel_loop3A_1069 {strides = array<i32>} : memref<2x512xf32, #tpu.memory_space<vmem>>, vector<16xf32>,
        %parallel_loop3A_1080 = arith.mulf %parallel_loop3A_930, %parallel_loop3A_884 : vector<32xbf16>
        %parallel_loop3A_1081 = arith.mulf %parallel_loop3A_941, %parallel_loop3A_885 : vector<32xbf16>
        %parallel_loop3A_1082 = arith.addf %parallel_loop3A_1080, %parallel_loop3A_1081 : vector<32xbf16>
        %parallel_loop3A_1083 = arith.mulf %parallel_loop3A_963, %parallel_loop3A_886 : vector<32xbf16>
        %parallel_loop3A_1084 = arith.addf %parallel_loop3A_1082, %parallel_loop3A_1083 : vector<32xbf16>
        %parallel_loop3A_1085 = tpu.unpack_subelements %parallel_loop3A_1084, 0 {pack_format = #tpu.pack_format<interleaved>} : vector<32xbf16> -> vector<16xf32>
        %parallel_loop3A_1086 = tpu.unpack_subelements %parallel_loop3A_1084, 1 {pack_format = #tpu.pack_format<interleaved>} : vector<32xbf16> -> vector<16xf32>
        %parallel_loop3A_1087 = arith.constant 0 : i32
        %parallel_loop3A_1088 = arith.index_cast %parallel_loop3A_1087 : i32 to index
        %parallel_loop3A_1089 = arith.index_cast %parallel_loop3A_883 : i32 to index
        %parallel_loop3A_1090 = tpu.vector_load %arg53[%parallel_loop3A_1088, %parallel_loop3A_1089] {strides = array<i32>} : memref<2x512xf32, #tpu.memory_space<vmem>>, vector<16xf32>,
        tpu.vector_store %arg53[%parallel_loop3A_1088, %parallel_loop3A_1089], %parallel_loop3A_1085 {strides = array<i32>} : memref<2x512xf32, #tpu.memory_space<vmem>>, vector<16xf32>,
        %parallel_loop3A_1091 = arith.constant 16 : i32
        %parallel_loop3A_1092 = arith.addi %parallel_loop3A_883, %parallel_loop3A_1091 : i32
        %parallel_loop3A_1093 = arith.constant 0 : i32
        %parallel_loop3A_1094 = arith.index_cast %parallel_loop3A_1093 : i32 to index
        %parallel_loop3A_1095 = arith.index_cast %parallel_loop3A_1092 : i32 to index
        %parallel_loop3A_1096 = tpu.vector_load %arg53[%parallel_loop3A_1094, %parallel_loop3A_1095] {strides = array<i32>} : memref<2x512xf32, #tpu.memory_space<vmem>>, vector<16xf32>,
        tpu.vector_store %arg53[%parallel_loop3A_1094, %parallel_loop3A_1095], %parallel_loop3A_1086 {strides = array<i32>} : memref<2x512xf32, #tpu.memory_space<vmem>>, vector<16xf32>,
        %parallel_loop3A_1097 = arith.addf %parallel_loop3A_897, %parallel_loop3A_941 : vector<32xbf16>
        %parallel_loop3A_1098 = arith.mulf %parallel_loop3A_1097, %parallel_loop3A_884 : vector<32xbf16>
        %parallel_loop3A_1099 = arith.mulf %parallel_loop3A_952, %parallel_loop3A_885 : vector<32xbf16>
        %parallel_loop3A_1100 = arith.addf %parallel_loop3A_1098, %parallel_loop3A_1099 : vector<32xbf16>
        %parallel_loop3A_1101 = arith.mulf %parallel_loop3A_974, %parallel_loop3A_886 : vector<32xbf16>
        %parallel_loop3A_1102 = arith.addf %parallel_loop3A_1100, %parallel_loop3A_1101 : vector<32xbf16>
        %parallel_loop3A_1103 = tpu.unpack_subelements %parallel_loop3A_1102, 0 {pack_format = #tpu.pack_format<interleaved>} : vector<32xbf16> -> vector<16xf32>
        %parallel_loop3A_1104 = tpu.unpack_subelements %parallel_loop3A_1102, 1 {pack_format = #tpu.pack_format<interleaved>} : vector<32xbf16> -> vector<16xf32>
        %parallel_loop3A_1105 = arith.constant 0 : i32
        %parallel_loop3A_1106 = arith.index_cast %parallel_loop3A_1105 : i32 to index
        %parallel_loop3A_1107 = arith.index_cast %parallel_loop3A_883 : i32 to index
        %parallel_loop3A_1108 = tpu.vector_load %arg54[%parallel_loop3A_1106, %parallel_loop3A_1107] {strides = array<i32>} : memref<2x512xf32, #tpu.memory_space<vmem>>, vector<16xf32>,
        tpu.vector_store %arg54[%parallel_loop3A_1106, %parallel_loop3A_1107], %parallel_loop3A_1103 {strides = array<i32>} : memref<2x512xf32, #tpu.memory_space<vmem>>, vector<16xf32>,
        %parallel_loop3A_1109 = arith.constant 16 : i32
        %parallel_loop3A_1110 = arith.addi %parallel_loop3A_883, %parallel_loop3A_1109 : i32
        %parallel_loop3A_1111 = arith.constant 0 : i32
        %parallel_loop3A_1112 = arith.index_cast %parallel_loop3A_1111 : i32 to index
        %parallel_loop3A_1113 = arith.index_cast %parallel_loop3A_1110 : i32 to index
        %parallel_loop3A_1114 = tpu.vector_load %arg54[%parallel_loop3A_1112, %parallel_loop3A_1113] {strides = array<i32>} : memref<2x512xf32, #tpu.memory_space<vmem>>, vector<16xf32>,
        tpu.vector_store %arg54[%parallel_loop3A_1112, %parallel_loop3A_1113], %parallel_loop3A_1104 {strides = array<i32>} : memref<2x512xf32, #tpu.memory_space<vmem>>, vector<16xf32>,
        %parallel_loop3A_1115 = arith.addf %parallel_loop3A_908, %parallel_loop3A_952 : vector<32xbf16>
        %parallel_loop3A_1116 = arith.mulf %parallel_loop3A_1115, %parallel_loop3A_884 : vector<32xbf16>
        %parallel_loop3A_1117 = arith.addf %parallel_loop3A_897, %parallel_loop3A_963 : vector<32xbf16>
        %parallel_loop3A_1118 = arith.mulf %parallel_loop3A_1117, %parallel_loop3A_885 : vector<32xbf16>
        %parallel_loop3A_1119 = arith.addf %parallel_loop3A_1116, %parallel_loop3A_1118 : vector<32xbf16>
        %parallel_loop3A_1120 = arith.mulf %parallel_loop3A_985, %parallel_loop3A_886 : vector<32xbf16>
        %parallel_loop3A_1121 = arith.addf %parallel_loop3A_1119, %parallel_loop3A_1120 : vector<32xbf16>
        %parallel_loop3A_1122 = tpu.unpack_subelements %parallel_loop3A_1121, 0 {pack_format = #tpu.pack_format<interleaved>} : vector<32xbf16> -> vector<16xf32>
        %parallel_loop3A_1123 = tpu.unpack_subelements %parallel_loop3A_1121, 1 {pack_format = #tpu.pack_format<interleaved>} : vector<32xbf16> -> vector<16xf32>
        %parallel_loop3A_1124 = arith.constant 0 : i32
        %parallel_loop3A_1125 = arith.index_cast %parallel_loop3A_1124 : i32 to index
        %parallel_loop3A_1126 = arith.index_cast %parallel_loop3A_883 : i32 to index
        %parallel_loop3A_1127 = tpu.vector_load %arg55[%parallel_loop3A_1125, %parallel_loop3A_1126] {strides = array<i32>} : memref<2x512xf32, #tpu.memory_space<vmem>>, vector<16xf32>,
        tpu.vector_store %arg55[%parallel_loop3A_1125, %parallel_loop3A_1126], %parallel_loop3A_1122 {strides = array<i32>} : memref<2x512xf32, #tpu.memory_space<vmem>>, vector<16xf32>,
        %parallel_loop3A_1128 = arith.constant 16 : i32
        %parallel_loop3A_1129 = arith.addi %parallel_loop3A_883, %parallel_loop3A_1128 : i32
        %parallel_loop3A_1130 = arith.constant 0 : i32
        %parallel_loop3A_1131 = arith.index_cast %parallel_loop3A_1130 : i32 to index
        %parallel_loop3A_1132 = arith.index_cast %parallel_loop3A_1129 : i32 to index
        %parallel_loop3A_1133 = tpu.vector_load %arg55[%parallel_loop3A_1131, %parallel_loop3A_1132] {strides = array<i32>} : memref<2x512xf32, #tpu.memory_space<vmem>>, vector<16xf32>,
        tpu.vector_store %arg55[%parallel_loop3A_1131, %parallel_loop3A_1132], %parallel_loop3A_1123 {strides = array<i32>} : memref<2x512xf32, #tpu.memory_space<vmem>>, vector<16xf32>,
        %parallel_loop3A_1134 = arith.addf %parallel_loop3A_919, %parallel_loop3A_963 : vector<32xbf16>
        %parallel_loop3A_1135 = arith.mulf %parallel_loop3A_1134, %parallel_loop3A_884 : vector<32xbf16>
        %parallel_loop3A_1136 = arith.addf %parallel_loop3A_908, %parallel_loop3A_974 : vector<32xbf16>
        %parallel_loop3A_1137 = arith.mulf %parallel_loop3A_1136, %parallel_loop3A_885 : vector<32xbf16>
        %parallel_loop3A_1138 = arith.addf %parallel_loop3A_1135, %parallel_loop3A_1137 : vector<32xbf16>
        %parallel_loop3A_1139 = arith.mulf %parallel_loop3A_996, %parallel_loop3A_886 : vector<32xbf16>
        %parallel_loop3A_1140 = arith.addf %parallel_loop3A_1138, %parallel_loop3A_1139 : vector<32xbf16>
        %parallel_loop3A_1141 = tpu.unpack_subelements %parallel_loop3A_1140, 0 {pack_format = #tpu.pack_format<interleaved>} : vector<32xbf16> -> vector<16xf32>
        %parallel_loop3A_1142 = tpu.unpack_subelements %parallel_loop3A_1140, 1 {pack_format = #tpu.pack_format<interleaved>} : vector<32xbf16> -> vector<16xf32>
        %parallel_loop3A_1143 = arith.constant 0 : i32
        %parallel_loop3A_1144 = arith.index_cast %parallel_loop3A_1143 : i32 to index
        %parallel_loop3A_1145 = arith.index_cast %parallel_loop3A_883 : i32 to index
        %parallel_loop3A_1146 = tpu.vector_load %arg56[%parallel_loop3A_1144, %parallel_loop3A_1145] {strides = array<i32>} : memref<2x512xf32, #tpu.memory_space<vmem>>, vector<16xf32>,
        tpu.vector_store %arg56[%parallel_loop3A_1144, %parallel_loop3A_1145], %parallel_loop3A_1141 {strides = array<i32>} : memref<2x512xf32, #tpu.memory_space<vmem>>, vector<16xf32>,
        %parallel_loop3A_1147 = arith.constant 16 : i32
        %parallel_loop3A_1148 = arith.addi %parallel_loop3A_883, %parallel_loop3A_1147 : i32
        %parallel_loop3A_1149 = arith.constant 0 : i32
        %parallel_loop3A_1150 = arith.index_cast %parallel_loop3A_1149 : i32 to index
        %parallel_loop3A_1151 = arith.index_cast %parallel_loop3A_1148 : i32 to index
        %parallel_loop3A_1152 = tpu.vector_load %arg56[%parallel_loop3A_1150, %parallel_loop3A_1151] {strides = array<i32>} : memref<2x512xf32, #tpu.memory_space<vmem>>, vector<16xf32>,
        tpu.vector_store %arg56[%parallel_loop3A_1150, %parallel_loop3A_1151], %parallel_loop3A_1142 {strides = array<i32>} : memref<2x512xf32, #tpu.memory_space<vmem>>, vector<16xf32>,
        %parallel_loop3A_1153 = arith.addf %parallel_loop3A_930, %parallel_loop3A_974 : vector<32xbf16>
        %parallel_loop3A_1154 = arith.mulf %parallel_loop3A_1153, %parallel_loop3A_884 : vector<32xbf16>
        %parallel_loop3A_1155 = arith.addf %parallel_loop3A_919, %parallel_loop3A_985 : vector<32xbf16>
        %parallel_loop3A_1156 = arith.mulf %parallel_loop3A_1155, %parallel_loop3A_885 : vector<32xbf16>
        %parallel_loop3A_1157 = arith.addf %parallel_loop3A_1154, %parallel_loop3A_1156 : vector<32xbf16>
        %parallel_loop3A_1158 = arith.addf %parallel_loop3A_897, %parallel_loop3A_1007 : vector<32xbf16>
        %parallel_loop3A_1159 = arith.mulf %parallel_loop3A_1158, %parallel_loop3A_886 : vector<32xbf16>
        %parallel_loop3A_1160 = arith.addf %parallel_loop3A_1157, %parallel_loop3A_1159 : vector<32xbf16>
        %parallel_loop3A_1161 = tpu.unpack_subelements %parallel_loop3A_1160, 0 {pack_format = #tpu.pack_format<interleaved>} : vector<32xbf16> -> vector<16xf32>
        %parallel_loop3A_1162 = tpu.unpack_subelements %parallel_loop3A_1160, 1 {pack_format = #tpu.pack_format<interleaved>} : vector<32xbf16> -> vector<16xf32>
        %parallel_loop3A_1163 = arith.constant 0 : i32
        %parallel_loop3A_1164 = arith.index_cast %parallel_loop3A_1163 : i32 to index
        %parallel_loop3A_1165 = arith.index_cast %parallel_loop3A_883 : i32 to index
        %parallel_loop3A_1166 = tpu.vector_load %arg57[%parallel_loop3A_1164, %parallel_loop3A_1165] {strides = array<i32>} : memref<2x512xf32, #tpu.memory_space<vmem>>, vector<16xf32>,
        tpu.vector_store %arg57[%parallel_loop3A_1164, %parallel_loop3A_1165], %parallel_loop3A_1161 {strides = array<i32>} : memref<2x512xf32, #tpu.memory_space<vmem>>, vector<16xf32>,
        %parallel_loop3A_1167 = arith.constant 16 : i32
        %parallel_loop3A_1168 = arith.addi %parallel_loop3A_883, %parallel_loop3A_1167 : i32
        %parallel_loop3A_1169 = arith.constant 0 : i32
        %parallel_loop3A_1170 = arith.index_cast %parallel_loop3A_1169 : i32 to index
        %parallel_loop3A_1171 = arith.index_cast %parallel_loop3A_1168 : i32 to index
        %parallel_loop3A_1172 = tpu.vector_load %arg57[%parallel_loop3A_1170, %parallel_loop3A_1171] {strides = array<i32>} : memref<2x512xf32, #tpu.memory_space<vmem>>, vector<16xf32>,
        tpu.vector_store %arg57[%parallel_loop3A_1170, %parallel_loop3A_1171], %parallel_loop3A_1162 {strides = array<i32>} : memref<2x512xf32, #tpu.memory_space<vmem>>, vector<16xf32>,
        %parallel_loop3A_1173 = arith.addf %parallel_loop3A_941, %parallel_loop3A_985 : vector<32xbf16>
        %parallel_loop3A_1174 = arith.mulf %parallel_loop3A_1173, %parallel_loop3A_884 : vector<32xbf16>
        %parallel_loop3A_1175 = arith.addf %parallel_loop3A_930, %parallel_loop3A_996 : vector<32xbf16>
        %parallel_loop3A_1176 = arith.mulf %parallel_loop3A_1175, %parallel_loop3A_885 : vector<32xbf16>
        %parallel_loop3A_1177 = arith.addf %parallel_loop3A_1174, %parallel_loop3A_1176 : vector<32xbf16>
        %parallel_loop3A_1178 = arith.addf %parallel_loop3A_908, %parallel_loop3A_1018 : vector<32xbf16>
        %parallel_loop3A_1179 = arith.mulf %parallel_loop3A_1178, %parallel_loop3A_886 : vector<32xbf16>
        %parallel_loop3A_1180 = arith.addf %parallel_loop3A_1177, %parallel_loop3A_1179 : vector<32xbf16>
        %parallel_loop3A_1181 = tpu.unpack_subelements %parallel_loop3A_1180, 0 {pack_format = #tpu.pack_format<interleaved>} : vector<32xbf16> -> vector<16xf32>
        %parallel_loop3A_1182 = tpu.unpack_subelements %parallel_loop3A_1180, 1 {pack_format = #tpu.pack_format<interleaved>} : vector<32xbf16> -> vector<16xf32>
        %parallel_loop3A_1183 = arith.constant 0 : i32
        %parallel_loop3A_1184 = arith.index_cast %parallel_loop3A_1183 : i32 to index
        %parallel_loop3A_1185 = arith.index_cast %parallel_loop3A_883 : i32 to index
        %parallel_loop3A_1186 = tpu.vector_load %arg58[%parallel_loop3A_1184, %parallel_loop3A_1185] {strides = array<i32>} : memref<2x512xf32, #tpu.memory_space<vmem>>, vector<16xf32>,
        tpu.vector_store %arg58[%parallel_loop3A_1184, %parallel_loop3A_1185], %parallel_loop3A_1181 {strides = array<i32>} : memref<2x512xf32, #tpu.memory_space<vmem>>, vector<16xf32>,
        %parallel_loop3A_1187 = arith.constant 16 : i32
        %parallel_loop3A_1188 = arith.addi %parallel_loop3A_883, %parallel_loop3A_1187 : i32
        %parallel_loop3A_1189 = arith.constant 0 : i32
        %parallel_loop3A_1190 = arith.index_cast %parallel_loop3A_1189 : i32 to index
        %parallel_loop3A_1191 = arith.index_cast %parallel_loop3A_1188 : i32 to index
        %parallel_loop3A_1192 = tpu.vector_load %arg58[%parallel_loop3A_1190, %parallel_loop3A_1191] {strides = array<i32>} : memref<2x512xf32, #tpu.memory_space<vmem>>, vector<16xf32>,
        tpu.vector_store %arg58[%parallel_loop3A_1190, %parallel_loop3A_1191], %parallel_loop3A_1182 {strides = array<i32>} : memref<2x512xf32, #tpu.memory_space<vmem>>, vector<16xf32>,
        %parallel_loop3A_1193 = arith.addf %parallel_loop3A_952, %parallel_loop3A_996 : vector<32xbf16>
        %parallel_loop3A_1194 = arith.mulf %parallel_loop3A_1193, %parallel_loop3A_884 : vector<32xbf16>
        %parallel_loop3A_1195 = arith.addf %parallel_loop3A_941, %parallel_loop3A_1007 : vector<32xbf16>
        %parallel_loop3A_1196 = arith.mulf %parallel_loop3A_1195, %parallel_loop3A_885 : vector<32xbf16>
        %parallel_loop3A_1197 = arith.addf %parallel_loop3A_1194, %parallel_loop3A_1196 : vector<32xbf16>
        %parallel_loop3A_1198 = arith.addf %parallel_loop3A_919, %parallel_loop3A_1029 : vector<32xbf16>
        %parallel_loop3A_1199 = arith.mulf %parallel_loop3A_1198, %parallel_loop3A_886 : vector<32xbf16>
        %parallel_loop3A_1200 = arith.addf %parallel_loop3A_1197, %parallel_loop3A_1199 : vector<32xbf16>
        %parallel_loop3A_1201 = tpu.unpack_subelements %parallel_loop3A_1200, 0 {pack_format = #tpu.pack_format<interleaved>} : vector<32xbf16> -> vector<16xf32>
        %parallel_loop3A_1202 = tpu.unpack_subelements %parallel_loop3A_1200, 1 {pack_format = #tpu.pack_format<interleaved>} : vector<32xbf16> -> vector<16xf32>
        %parallel_loop3A_1203 = arith.constant 0 : i32
        %parallel_loop3A_1204 = arith.index_cast %parallel_loop3A_1203 : i32 to index
        %parallel_loop3A_1205 = arith.index_cast %parallel_loop3A_883 : i32 to index
        %parallel_loop3A_1206 = tpu.vector_load %arg59[%parallel_loop3A_1204, %parallel_loop3A_1205] {strides = array<i32>} : memref<2x512xf32, #tpu.memory_space<vmem>>, vector<16xf32>,
        tpu.vector_store %arg59[%parallel_loop3A_1204, %parallel_loop3A_1205], %parallel_loop3A_1201 {strides = array<i32>} : memref<2x512xf32, #tpu.memory_space<vmem>>, vector<16xf32>,
        %parallel_loop3A_1207 = arith.constant 16 : i32
        %parallel_loop3A_1208 = arith.addi %parallel_loop3A_883, %parallel_loop3A_1207 : i32
        %parallel_loop3A_1209 = arith.constant 0 : i32
        %parallel_loop3A_1210 = arith.index_cast %parallel_loop3A_1209 : i32 to index
        %parallel_loop3A_1211 = arith.index_cast %parallel_loop3A_1208 : i32 to index
        %parallel_loop3A_1212 = tpu.vector_load %arg59[%parallel_loop3A_1210, %parallel_loop3A_1211] {strides = array<i32>} : memref<2x512xf32, #tpu.memory_space<vmem>>, vector<16xf32>,
        tpu.vector_store %arg59[%parallel_loop3A_1210, %parallel_loop3A_1211], %parallel_loop3A_1202 {strides = array<i32>} : memref<2x512xf32, #tpu.memory_space<vmem>>, vector<16xf32>,
        %parallel_loop3A_1213 = arith.addf %parallel_loop3A_963, %parallel_loop3A_1007 : vector<32xbf16>
        %parallel_loop3A_1214 = arith.mulf %parallel_loop3A_1213, %parallel_loop3A_884 : vector<32xbf16>
        %parallel_loop3A_1215 = arith.addf %parallel_loop3A_952, %parallel_loop3A_1018 : vector<32xbf16>
        %parallel_loop3A_1216 = arith.mulf %parallel_loop3A_1215, %parallel_loop3A_885 : vector<32xbf16>
        %parallel_loop3A_1217 = arith.addf %parallel_loop3A_1214, %parallel_loop3A_1216 : vector<32xbf16>
        %parallel_loop3A_1218 = arith.addf %parallel_loop3A_930, %parallel_loop3A_1040 : vector<32xbf16>
        %parallel_loop3A_1219 = arith.mulf %parallel_loop3A_1218, %parallel_loop3A_886 : vector<32xbf16>
        %parallel_loop3A_1220 = arith.addf %parallel_loop3A_1217, %parallel_loop3A_1219 : vector<32xbf16>
        %parallel_loop3A_1221 = tpu.unpack_subelements %parallel_loop3A_1220, 0 {pack_format = #tpu.pack_format<interleaved>} : vector<32xbf16> -> vector<16xf32>
        %parallel_loop3A_1222 = tpu.unpack_subelements %parallel_loop3A_1220, 1 {pack_format = #tpu.pack_format<interleaved>} : vector<32xbf16> -> vector<16xf32>
        %parallel_loop3A_1223 = arith.constant 0 : i32
        %parallel_loop3A_1224 = arith.index_cast %parallel_loop3A_1223 : i32 to index
        %parallel_loop3A_1225 = arith.index_cast %parallel_loop3A_883 : i32 to index
        %parallel_loop3A_1226 = tpu.vector_load %arg60[%parallel_loop3A_1224, %parallel_loop3A_1225] {strides = array<i32>} : memref<2x512xf32, #tpu.memory_space<vmem>>, vector<16xf32>,
        tpu.vector_store %arg60[%parallel_loop3A_1224, %parallel_loop3A_1225], %parallel_loop3A_1221 {strides = array<i32>} : memref<2x512xf32, #tpu.memory_space<vmem>>, vector<16xf32>,
        %parallel_loop3A_1227 = arith.constant 16 : i32
        %parallel_loop3A_1228 = arith.addi %parallel_loop3A_883, %parallel_loop3A_1227 : i32
        %parallel_loop3A_1229 = arith.constant 0 : i32
        %parallel_loop3A_1230 = arith.index_cast %parallel_loop3A_1229 : i32 to index
        %parallel_loop3A_1231 = arith.index_cast %parallel_loop3A_1228 : i32 to index
        %parallel_loop3A_1232 = tpu.vector_load %arg60[%parallel_loop3A_1230, %parallel_loop3A_1231] {strides = array<i32>} : memref<2x512xf32, #tpu.memory_space<vmem>>, vector<16xf32>,
        tpu.vector_store %arg60[%parallel_loop3A_1230, %parallel_loop3A_1231], %parallel_loop3A_1222 {strides = array<i32>} : memref<2x512xf32, #tpu.memory_space<vmem>>, vector<16xf32>,
        %parallel_loop3A_1233 = arith.addf %parallel_loop3A_974, %parallel_loop3A_1018 : vector<32xbf16>
        %parallel_loop3A_1234 = arith.mulf %parallel_loop3A_1233, %parallel_loop3A_884 : vector<32xbf16>
        %parallel_loop3A_1235 = arith.addf %parallel_loop3A_963, %parallel_loop3A_1029 : vector<32xbf16>
        %parallel_loop3A_1236 = arith.mulf %parallel_loop3A_1235, %parallel_loop3A_885 : vector<32xbf16>
        %parallel_loop3A_1237 = arith.addf %parallel_loop3A_1234, %parallel_loop3A_1236 : vector<32xbf16>
        %parallel_loop3A_1238 = arith.addf %parallel_loop3A_941, %parallel_loop3A_1051 : vector<32xbf16>
        %parallel_loop3A_1239 = arith.mulf %parallel_loop3A_1238, %parallel_loop3A_886 : vector<32xbf16>
        %parallel_loop3A_1240 = arith.addf %parallel_loop3A_1237, %parallel_loop3A_1239 : vector<32xbf16>
        %parallel_loop3A_1241 = tpu.unpack_subelements %parallel_loop3A_1240, 0 {pack_format = #tpu.pack_format<interleaved>} : vector<32xbf16> -> vector<16xf32>
        %parallel_loop3A_1242 = tpu.unpack_subelements %parallel_loop3A_1240, 1 {pack_format = #tpu.pack_format<interleaved>} : vector<32xbf16> -> vector<16xf32>
        %parallel_loop3A_1243 = arith.constant 0 : i32
        %parallel_loop3A_1244 = arith.index_cast %parallel_loop3A_1243 : i32 to index
        %parallel_loop3A_1245 = arith.index_cast %parallel_loop3A_883 : i32 to index
        %parallel_loop3A_1246 = tpu.vector_load %arg61[%parallel_loop3A_1244, %parallel_loop3A_1245] {strides = array<i32>} : memref<2x512xf32, #tpu.memory_space<vmem>>, vector<16xf32>,
        tpu.vector_store %arg61[%parallel_loop3A_1244, %parallel_loop3A_1245], %parallel_loop3A_1241 {strides = array<i32>} : memref<2x512xf32, #tpu.memory_space<vmem>>, vector<16xf32>,
        %parallel_loop3A_1247 = arith.constant 16 : i32
        %parallel_loop3A_1248 = arith.addi %parallel_loop3A_883, %parallel_loop3A_1247 : i32
        %parallel_loop3A_1249 = arith.constant 0 : i32
        %parallel_loop3A_1250 = arith.index_cast %parallel_loop3A_1249 : i32 to index
        %parallel_loop3A_1251 = arith.index_cast %parallel_loop3A_1248 : i32 to index
        %parallel_loop3A_1252 = tpu.vector_load %arg61[%parallel_loop3A_1250, %parallel_loop3A_1251] {strides = array<i32>} : memref<2x512xf32, #tpu.memory_space<vmem>>, vector<16xf32>,
        tpu.vector_store %arg61[%parallel_loop3A_1250, %parallel_loop3A_1251], %parallel_loop3A_1242 {strides = array<i32>} : memref<2x512xf32, #tpu.memory_space<vmem>>, vector<16xf32>,
        %parallel_loop3A_1253 = arith.addf %parallel_loop3A_985, %parallel_loop3A_1029 : vector<32xbf16>
        %parallel_loop3A_1254 = arith.mulf %parallel_loop3A_1253, %parallel_loop3A_884 : vector<32xbf16>
        %parallel_loop3A_1255 = arith.addf %parallel_loop3A_974, %parallel_loop3A_1040 : vector<32xbf16>
        %parallel_loop3A_1256 = arith.mulf %parallel_loop3A_1255, %parallel_loop3A_885 : vector<32xbf16>
        %parallel_loop3A_1257 = arith.addf %parallel_loop3A_1254, %parallel_loop3A_1256 : vector<32xbf16>
        %parallel_loop3A_1258 = arith.addf %parallel_loop3A_952, %parallel_loop3A_1062 : vector<32xbf16>
        %parallel_loop3A_1259 = arith.mulf %parallel_loop3A_1258, %parallel_loop3A_886 : vector<32xbf16>
        %parallel_loop3A_1260 = arith.addf %parallel_loop3A_1257, %parallel_loop3A_1259 : vector<32xbf16>
        %parallel_loop3A_1261 = tpu.unpack_subelements %parallel_loop3A_1260, 0 {pack_format = #tpu.pack_format<interleaved>} : vector<32xbf16> -> vector<16xf32>
        %parallel_loop3A_1262 = tpu.unpack_subelements %parallel_loop3A_1260, 1 {pack_format = #tpu.pack_format<interleaved>} : vector<32xbf16> -> vector<16xf32>
        %parallel_loop3A_1263 = arith.constant 0 : i32
        %parallel_loop3A_1264 = arith.index_cast %parallel_loop3A_1263 : i32 to index
        %parallel_loop3A_1265 = arith.index_cast %parallel_loop3A_883 : i32 to index
        %parallel_loop3A_1266 = tpu.vector_load %arg62[%parallel_loop3A_1264, %parallel_loop3A_1265] {strides = array<i32>} : memref<2x512xf32, #tpu.memory_space<vmem>>, vector<16xf32>,
        tpu.vector_store %arg62[%parallel_loop3A_1264, %parallel_loop3A_1265], %parallel_loop3A_1261 {strides = array<i32>} : memref<2x512xf32, #tpu.memory_space<vmem>>, vector<16xf32>,
        %parallel_loop3A_1267 = arith.constant 16 : i32
        %parallel_loop3A_1268 = arith.addi %parallel_loop3A_883, %parallel_loop3A_1267 : i32
        %parallel_loop3A_1269 = arith.constant 0 : i32
        %parallel_loop3A_1270 = arith.index_cast %parallel_loop3A_1269 : i32 to index
        %parallel_loop3A_1271 = arith.index_cast %parallel_loop3A_1268 : i32 to index
        %parallel_loop3A_1272 = tpu.vector_load %arg62[%parallel_loop3A_1270, %parallel_loop3A_1271] {strides = array<i32>} : memref<2x512xf32, #tpu.memory_space<vmem>>, vector<16xf32>,
        tpu.vector_store %arg62[%parallel_loop3A_1270, %parallel_loop3A_1271], %parallel_loop3A_1262 {strides = array<i32>} : memref<2x512xf32, #tpu.memory_space<vmem>>, vector<16xf32>,
        %parallel_loop3A_1273 = arith.addf %parallel_loop3A_996, %parallel_loop3A_1040 : vector<32xbf16>
        %parallel_loop3A_1274 = arith.mulf %parallel_loop3A_1273, %parallel_loop3A_884 : vector<32xbf16>
        %parallel_loop3A_1275 = arith.addf %parallel_loop3A_985, %parallel_loop3A_1051 : vector<32xbf16>
        %parallel_loop3A_1276 = arith.mulf %parallel_loop3A_1275, %parallel_loop3A_885 : vector<32xbf16>
        %parallel_loop3A_1277 = arith.addf %parallel_loop3A_1274, %parallel_loop3A_1276 : vector<32xbf16>
        %parallel_loop3A_1278 = arith.mulf %parallel_loop3A_963, %parallel_loop3A_886 : vector<32xbf16>
        %parallel_loop3A_1279 = arith.addf %parallel_loop3A_1277, %parallel_loop3A_1278 : vector<32xbf16>
        %parallel_loop3A_1280 = tpu.unpack_subelements %parallel_loop3A_1279, 0 {pack_format = #tpu.pack_format<interleaved>} : vector<32xbf16> -> vector<16xf32>
        %parallel_loop3A_1281 = tpu.unpack_subelements %parallel_loop3A_1279, 1 {pack_format = #tpu.pack_format<interleaved>} : vector<32xbf16> -> vector<16xf32>
        %parallel_loop3A_1282 = arith.constant 0 : i32
        %parallel_loop3A_1283 = arith.index_cast %parallel_loop3A_1282 : i32 to index
        %parallel_loop3A_1284 = arith.index_cast %parallel_loop3A_883 : i32 to index
        %parallel_loop3A_1285 = tpu.vector_load %arg63[%parallel_loop3A_1283, %parallel_loop3A_1284] {strides = array<i32>} : memref<2x512xf32, #tpu.memory_space<vmem>>, vector<16xf32>,
        tpu.vector_store %arg63[%parallel_loop3A_1283, %parallel_loop3A_1284], %parallel_loop3A_1280 {strides = array<i32>} : memref<2x512xf32, #tpu.memory_space<vmem>>, vector<16xf32>,
        %parallel_loop3A_1286 = arith.constant 16 : i32
        %parallel_loop3A_1287 = arith.addi %parallel_loop3A_883, %parallel_loop3A_1286 : i32
        %parallel_loop3A_1288 = arith.constant 0 : i32
        %parallel_loop3A_1289 = arith.index_cast %parallel_loop3A_1288 : i32 to index
        %parallel_loop3A_1290 = arith.index_cast %parallel_loop3A_1287 : i32 to index
        %parallel_loop3A_1291 = tpu.vector_load %arg63[%parallel_loop3A_1289, %parallel_loop3A_1290] {strides = array<i32>} : memref<2x512xf32, #tpu.memory_space<vmem>>, vector<16xf32>,
        tpu.vector_store %arg63[%parallel_loop3A_1289, %parallel_loop3A_1290], %parallel_loop3A_1281 {strides = array<i32>} : memref<2x512xf32, #tpu.memory_space<vmem>>, vector<16xf32>,
        %parallel_loop3A_1292 = arith.addf %parallel_loop3A_1007, %parallel_loop3A_1051 : vector<32xbf16>
        %parallel_loop3A_1293 = arith.mulf %parallel_loop3A_1292, %parallel_loop3A_884 : vector<32xbf16>
        %parallel_loop3A_1294 = arith.addf %parallel_loop3A_996, %parallel_loop3A_1062 : vector<32xbf16>
        %parallel_loop3A_1295 = arith.mulf %parallel_loop3A_1294, %parallel_loop3A_885 : vector<32xbf16>
        %parallel_loop3A_1296 = arith.addf %parallel_loop3A_1293, %parallel_loop3A_1295 : vector<32xbf16>
        %parallel_loop3A_1297 = arith.mulf %parallel_loop3A_974, %parallel_loop3A_886 : vector<32xbf16>
        %parallel_loop3A_1298 = arith.addf %parallel_loop3A_1296, %parallel_loop3A_1297 : vector<32xbf16>
        %parallel_loop3A_1299 = tpu.unpack_subelements %parallel_loop3A_1298, 0 {pack_format = #tpu.pack_format<interleaved>} : vector<32xbf16> -> vector<16xf32>
        %parallel_loop3A_1300 = tpu.unpack_subelements %parallel_loop3A_1298, 1 {pack_format = #tpu.pack_format<interleaved>} : vector<32xbf16> -> vector<16xf32>
        %parallel_loop3A_1301 = arith.constant 0 : i32
        %parallel_loop3A_1302 = arith.index_cast %parallel_loop3A_1301 : i32 to index
        %parallel_loop3A_1303 = arith.index_cast %parallel_loop3A_883 : i32 to index
        %parallel_loop3A_1304 = tpu.vector_load %arg64[%parallel_loop3A_1302, %parallel_loop3A_1303] {strides = array<i32>} : memref<2x512xf32, #tpu.memory_space<vmem>>, vector<16xf32>,
        tpu.vector_store %arg64[%parallel_loop3A_1302, %parallel_loop3A_1303], %parallel_loop3A_1299 {strides = array<i32>} : memref<2x512xf32, #tpu.memory_space<vmem>>, vector<16xf32>,
        %parallel_loop3A_1305 = arith.constant 16 : i32
        %parallel_loop3A_1306 = arith.addi %parallel_loop3A_883, %parallel_loop3A_1305 : i32
        %parallel_loop3A_1307 = arith.constant 0 : i32
        %parallel_loop3A_1308 = arith.index_cast %parallel_loop3A_1307 : i32 to index
        %parallel_loop3A_1309 = arith.index_cast %parallel_loop3A_1306 : i32 to index
        %parallel_loop3A_1310 = tpu.vector_load %arg64[%parallel_loop3A_1308, %parallel_loop3A_1309] {strides = array<i32>} : memref<2x512xf32, #tpu.memory_space<vmem>>, vector<16xf32>,
        tpu.vector_store %arg64[%parallel_loop3A_1308, %parallel_loop3A_1309], %parallel_loop3A_1300 {strides = array<i32>} : memref<2x512xf32, #tpu.memory_space<vmem>>, vector<16xf32>,
        %parallel_loop3A_1311 = arith.addf %parallel_loop3A_1018, %parallel_loop3A_1062 : vector<32xbf16>
        %parallel_loop3A_1312 = arith.mulf %parallel_loop3A_1311, %parallel_loop3A_884 : vector<32xbf16>
        %parallel_loop3A_1313 = arith.mulf %parallel_loop3A_1007, %parallel_loop3A_885 : vector<32xbf16>
        %parallel_loop3A_1314 = arith.addf %parallel_loop3A_1312, %parallel_loop3A_1313 : vector<32xbf16>
        %parallel_loop3A_1315 = arith.mulf %parallel_loop3A_985, %parallel_loop3A_886 : vector<32xbf16>
        %parallel_loop3A_1316 = arith.addf %parallel_loop3A_1314, %parallel_loop3A_1315 : vector<32xbf16>
        %parallel_loop3A_1317 = tpu.unpack_subelements %parallel_loop3A_1316, 0 {pack_format = #tpu.pack_format<interleaved>} : vector<32xbf16> -> vector<16xf32>
        %parallel_loop3A_1318 = tpu.unpack_subelements %parallel_loop3A_1316, 1 {pack_format = #tpu.pack_format<interleaved>} : vector<32xbf16> -> vector<16xf32>
        %parallel_loop3A_1319 = arith.constant 0 : i32
        %parallel_loop3A_1320 = arith.index_cast %parallel_loop3A_1319 : i32 to index
        %parallel_loop3A_1321 = arith.index_cast %parallel_loop3A_883 : i32 to index
        %parallel_loop3A_1322 = tpu.vector_load %arg65[%parallel_loop3A_1320, %parallel_loop3A_1321] {strides = array<i32>} : memref<2x512xf32, #tpu.memory_space<vmem>>, vector<16xf32>,
        tpu.vector_store %arg65[%parallel_loop3A_1320, %parallel_loop3A_1321], %parallel_loop3A_1317 {strides = array<i32>} : memref<2x512xf32, #tpu.memory_space<vmem>>, vector<16xf32>,
        %parallel_loop3A_1323 = arith.constant 16 : i32
        %parallel_loop3A_1324 = arith.addi %parallel_loop3A_883, %parallel_loop3A_1323 : i32
        %parallel_loop3A_1325 = arith.constant 0 : i32
        %parallel_loop3A_1326 = arith.index_cast %parallel_loop3A_1325 : i32 to index
        %parallel_loop3A_1327 = arith.index_cast %parallel_loop3A_1324 : i32 to index
        %parallel_loop3A_1328 = tpu.vector_load %arg65[%parallel_loop3A_1326, %parallel_loop3A_1327] {strides = array<i32>} : memref<2x512xf32, #tpu.memory_space<vmem>>, vector<16xf32>,
        tpu.vector_store %arg65[%parallel_loop3A_1326, %parallel_loop3A_1327], %parallel_loop3A_1318 {strides = array<i32>} : memref<2x512xf32, #tpu.memory_space<vmem>>, vector<16xf32>,
        %parallel_loop3A_1329 = arith.mulf %parallel_loop3A_1029, %parallel_loop3A_884 : vector<32xbf16>
        %parallel_loop3A_1330 = arith.mulf %parallel_loop3A_1018, %parallel_loop3A_885 : vector<32xbf16>
        %parallel_loop3A_1331 = arith.addf %parallel_loop3A_1329, %parallel_loop3A_1330 : vector<32xbf16>
        %parallel_loop3A_1332 = arith.mulf %parallel_loop3A_996, %parallel_loop3A_886 : vector<32xbf16>
        %parallel_loop3A_1333 = arith.addf %parallel_loop3A_1331, %parallel_loop3A_1332 : vector<32xbf16>
        %parallel_loop3A_1334 = tpu.unpack_subelements %parallel_loop3A_1333, 0 {pack_format = #tpu.pack_format<interleaved>} : vector<32xbf16> -> vector<16xf32>
        %parallel_loop3A_1335 = tpu.unpack_subelements %parallel_loop3A_1333, 1 {pack_format = #tpu.pack_format<interleaved>} : vector<32xbf16> -> vector<16xf32>
        %parallel_loop3A_1336 = arith.constant 0 : i32
        %parallel_loop3A_1337 = arith.index_cast %parallel_loop3A_1336 : i32 to index
        %parallel_loop3A_1338 = arith.index_cast %parallel_loop3A_883 : i32 to index
        %parallel_loop3A_1339 = tpu.vector_load %arg66[%parallel_loop3A_1337, %parallel_loop3A_1338] {strides = array<i32>} : memref<2x512xf32, #tpu.memory_space<vmem>>, vector<16xf32>,
        tpu.vector_store %arg66[%parallel_loop3A_1337, %parallel_loop3A_1338], %parallel_loop3A_1334 {strides = array<i32>} : memref<2x512xf32, #tpu.memory_space<vmem>>, vector<16xf32>,
        %parallel_loop3A_1340 = arith.constant 16 : i32
        %parallel_loop3A_1341 = arith.addi %parallel_loop3A_883, %parallel_loop3A_1340 : i32
        %parallel_loop3A_1342 = arith.constant 0 : i32
        %parallel_loop3A_1343 = arith.index_cast %parallel_loop3A_1342 : i32 to index
        %parallel_loop3A_1344 = arith.index_cast %parallel_loop3A_1341 : i32 to index
        %parallel_loop3A_1345 = tpu.vector_load %arg66[%parallel_loop3A_1343, %parallel_loop3A_1344] {strides = array<i32>} : memref<2x512xf32, #tpu.memory_space<vmem>>, vector<16xf32>,
        tpu.vector_store %arg66[%parallel_loop3A_1343, %parallel_loop3A_1344], %parallel_loop3A_1335 {strides = array<i32>} : memref<2x512xf32, #tpu.memory_space<vmem>>, vector<16xf32>,
        %parallel_loop3A_1346 = arith.mulf %parallel_loop3A_1040, %parallel_loop3A_884 : vector<32xbf16>
        %parallel_loop3A_1347 = arith.mulf %parallel_loop3A_1029, %parallel_loop3A_885 : vector<32xbf16>
        %parallel_loop3A_1348 = arith.addf %parallel_loop3A_1346, %parallel_loop3A_1347 : vector<32xbf16>
        %parallel_loop3A_1349 = arith.mulf %parallel_loop3A_1007, %parallel_loop3A_886 : vector<32xbf16>
        %parallel_loop3A_1350 = arith.addf %parallel_loop3A_1348, %parallel_loop3A_1349 : vector<32xbf16>
        %parallel_loop3A_1351 = tpu.unpack_subelements %parallel_loop3A_1350, 0 {pack_format = #tpu.pack_format<interleaved>} : vector<32xbf16> -> vector<16xf32>
        %parallel_loop3A_1352 = tpu.unpack_subelements %parallel_loop3A_1350, 1 {pack_format = #tpu.pack_format<interleaved>} : vector<32xbf16> -> vector<16xf32>
        %parallel_loop3A_1353 = arith.constant 0 : i32
        %parallel_loop3A_1354 = arith.index_cast %parallel_loop3A_1353 : i32 to index
        %parallel_loop3A_1355 = arith.index_cast %parallel_loop3A_883 : i32 to index
        %parallel_loop3A_1356 = tpu.vector_load %arg67[%parallel_loop3A_1354, %parallel_loop3A_1355] {strides = array<i32>} : memref<2x512xf32, #tpu.memory_space<vmem>>, vector<16xf32>,
        tpu.vector_store %arg67[%parallel_loop3A_1354, %parallel_loop3A_1355], %parallel_loop3A_1351 {strides = array<i32>} : memref<2x512xf32, #tpu.memory_space<vmem>>, vector<16xf32>,
        %parallel_loop3A_1357 = arith.constant 16 : i32
        %parallel_loop3A_1358 = arith.addi %parallel_loop3A_883, %parallel_loop3A_1357 : i32
        %parallel_loop3A_1359 = arith.constant 0 : i32
        %parallel_loop3A_1360 = arith.index_cast %parallel_loop3A_1359 : i32 to index
        %parallel_loop3A_1361 = arith.index_cast %parallel_loop3A_1358 : i32 to index
        %parallel_loop3A_1362 = tpu.vector_load %arg67[%parallel_loop3A_1360, %parallel_loop3A_1361] {strides = array<i32>} : memref<2x512xf32, #tpu.memory_space<vmem>>, vector<16xf32>,
        tpu.vector_store %arg67[%parallel_loop3A_1360, %parallel_loop3A_1361], %parallel_loop3A_1352 {strides = array<i32>} : memref<2x512xf32, #tpu.memory_space<vmem>>, vector<16xf32>,
      } {sc.loop_unroll_factor = 1 : i64, sc.parallel_access}
      %parallel_loop3A_537 = arith.constant 0 : i32
      %parallel_loop3A_538 = arith.constant 512 : i32
      %parallel_loop3A_539 = arith.constant 32 : i32
      scf.for %parallel_loop3A_883 = %parallel_loop3A_537 to %parallel_loop3A_538 step %parallel_loop3A_539  : i32 {
        %parallel_loop3A_884 = tpu.pack_subelements %get3A_3, %get3A_3 {pack_format = #tpu.pack_format<interleaved>, positions = array<i32: 0, 1>} : vector<16xf32>, vector<16xf32> -> vector<32xbf16>
        %parallel_loop3A_885 = tpu.pack_subelements %get3A_5, %get3A_5 {pack_format = #tpu.pack_format<interleaved>, positions = array<i32: 0, 1>} : vector<16xf32>, vector<16xf32> -> vector<32xbf16>
        %parallel_loop3A_886 = tpu.pack_subelements %get3A_7, %get3A_7 {pack_format = #tpu.pack_format<interleaved>, positions = array<i32: 0, 1>} : vector<16xf32>, vector<16xf32> -> vector<32xbf16>
        %parallel_loop3A_887 = arith.constant 1 : i32
        %parallel_loop3A_888 = arith.index_cast %parallel_loop3A_887 : i32 to index
        %parallel_loop3A_889 = arith.index_cast %parallel_loop3A_883 : i32 to index
        %parallel_loop3A_890 = tpu.vector_load %arg20[%parallel_loop3A_888, %parallel_loop3A_889] {strides = array<i32>} : memref<2x512xf32, #tpu.memory_space<vmem>>, vector<16xf32>,
        %parallel_loop3A_891 = arith.constant 16 : i32
        %parallel_loop3A_892 = arith.addi %parallel_loop3A_883, %parallel_loop3A_891 : i32
        %parallel_loop3A_893 = arith.constant 1 : i32
        %parallel_loop3A_894 = arith.index_cast %parallel_loop3A_893 : i32 to index
        %parallel_loop3A_895 = arith.index_cast %parallel_loop3A_892 : i32 to index
        %parallel_loop3A_896 = tpu.vector_load %arg20[%parallel_loop3A_894, %parallel_loop3A_895] {strides = array<i32>} : memref<2x512xf32, #tpu.memory_space<vmem>>, vector<16xf32>,
        %parallel_loop3A_897 = tpu.pack_subelements %parallel_loop3A_890, %parallel_loop3A_896 {pack_format = #tpu.pack_format<interleaved>, positions = array<i32: 0, 1>} : vector<16xf32>, vector<16xf32> -> vector<32xbf16>
        %parallel_loop3A_898 = arith.constant 1 : i32
        %parallel_loop3A_899 = arith.index_cast %parallel_loop3A_898 : i32 to index
        %parallel_loop3A_900 = arith.index_cast %parallel_loop3A_883 : i32 to index
        %parallel_loop3A_901 = tpu.vector_load %arg21[%parallel_loop3A_899, %parallel_loop3A_900] {strides = array<i32>} : memref<2x512xf32, #tpu.memory_space<vmem>>, vector<16xf32>,
        %parallel_loop3A_902 = arith.constant 16 : i32
        %parallel_loop3A_903 = arith.addi %parallel_loop3A_883, %parallel_loop3A_902 : i32
        %parallel_loop3A_904 = arith.constant 1 : i32
        %parallel_loop3A_905 = arith.index_cast %parallel_loop3A_904 : i32 to index
        %parallel_loop3A_906 = arith.index_cast %parallel_loop3A_903 : i32 to index
        %parallel_loop3A_907 = tpu.vector_load %arg21[%parallel_loop3A_905, %parallel_loop3A_906] {strides = array<i32>} : memref<2x512xf32, #tpu.memory_space<vmem>>, vector<16xf32>,
        %parallel_loop3A_908 = tpu.pack_subelements %parallel_loop3A_901, %parallel_loop3A_907 {pack_format = #tpu.pack_format<interleaved>, positions = array<i32: 0, 1>} : vector<16xf32>, vector<16xf32> -> vector<32xbf16>
        %parallel_loop3A_909 = arith.constant 1 : i32
        %parallel_loop3A_910 = arith.index_cast %parallel_loop3A_909 : i32 to index
        %parallel_loop3A_911 = arith.index_cast %parallel_loop3A_883 : i32 to index
        %parallel_loop3A_912 = tpu.vector_load %arg22[%parallel_loop3A_910, %parallel_loop3A_911] {strides = array<i32>} : memref<2x512xf32, #tpu.memory_space<vmem>>, vector<16xf32>,
        %parallel_loop3A_913 = arith.constant 16 : i32
        %parallel_loop3A_914 = arith.addi %parallel_loop3A_883, %parallel_loop3A_913 : i32
        %parallel_loop3A_915 = arith.constant 1 : i32
        %parallel_loop3A_916 = arith.index_cast %parallel_loop3A_915 : i32 to index
        %parallel_loop3A_917 = arith.index_cast %parallel_loop3A_914 : i32 to index
        %parallel_loop3A_918 = tpu.vector_load %arg22[%parallel_loop3A_916, %parallel_loop3A_917] {strides = array<i32>} : memref<2x512xf32, #tpu.memory_space<vmem>>, vector<16xf32>,
        %parallel_loop3A_919 = tpu.pack_subelements %parallel_loop3A_912, %parallel_loop3A_918 {pack_format = #tpu.pack_format<interleaved>, positions = array<i32: 0, 1>} : vector<16xf32>, vector<16xf32> -> vector<32xbf16>
        %parallel_loop3A_920 = arith.constant 1 : i32
        %parallel_loop3A_921 = arith.index_cast %parallel_loop3A_920 : i32 to index
        %parallel_loop3A_922 = arith.index_cast %parallel_loop3A_883 : i32 to index
        %parallel_loop3A_923 = tpu.vector_load %arg23[%parallel_loop3A_921, %parallel_loop3A_922] {strides = array<i32>} : memref<2x512xf32, #tpu.memory_space<vmem>>, vector<16xf32>,
        %parallel_loop3A_924 = arith.constant 16 : i32
        %parallel_loop3A_925 = arith.addi %parallel_loop3A_883, %parallel_loop3A_924 : i32
        %parallel_loop3A_926 = arith.constant 1 : i32
        %parallel_loop3A_927 = arith.index_cast %parallel_loop3A_926 : i32 to index
        %parallel_loop3A_928 = arith.index_cast %parallel_loop3A_925 : i32 to index
        %parallel_loop3A_929 = tpu.vector_load %arg23[%parallel_loop3A_927, %parallel_loop3A_928] {strides = array<i32>} : memref<2x512xf32, #tpu.memory_space<vmem>>, vector<16xf32>,
        %parallel_loop3A_930 = tpu.pack_subelements %parallel_loop3A_923, %parallel_loop3A_929 {pack_format = #tpu.pack_format<interleaved>, positions = array<i32: 0, 1>} : vector<16xf32>, vector<16xf32> -> vector<32xbf16>
        %parallel_loop3A_931 = arith.constant 1 : i32
        %parallel_loop3A_932 = arith.index_cast %parallel_loop3A_931 : i32 to index
        %parallel_loop3A_933 = arith.index_cast %parallel_loop3A_883 : i32 to index
        %parallel_loop3A_934 = tpu.vector_load %arg24[%parallel_loop3A_932, %parallel_loop3A_933] {strides = array<i32>} : memref<2x512xf32, #tpu.memory_space<vmem>>, vector<16xf32>,
        %parallel_loop3A_935 = arith.constant 16 : i32
        %parallel_loop3A_936 = arith.addi %parallel_loop3A_883, %parallel_loop3A_935 : i32
        %parallel_loop3A_937 = arith.constant 1 : i32
        %parallel_loop3A_938 = arith.index_cast %parallel_loop3A_937 : i32 to index
        %parallel_loop3A_939 = arith.index_cast %parallel_loop3A_936 : i32 to index
        %parallel_loop3A_940 = tpu.vector_load %arg24[%parallel_loop3A_938, %parallel_loop3A_939] {strides = array<i32>} : memref<2x512xf32, #tpu.memory_space<vmem>>, vector<16xf32>,
        %parallel_loop3A_941 = tpu.pack_subelements %parallel_loop3A_934, %parallel_loop3A_940 {pack_format = #tpu.pack_format<interleaved>, positions = array<i32: 0, 1>} : vector<16xf32>, vector<16xf32> -> vector<32xbf16>
        %parallel_loop3A_942 = arith.constant 1 : i32
        %parallel_loop3A_943 = arith.index_cast %parallel_loop3A_942 : i32 to index
        %parallel_loop3A_944 = arith.index_cast %parallel_loop3A_883 : i32 to index
        %parallel_loop3A_945 = tpu.vector_load %arg25[%parallel_loop3A_943, %parallel_loop3A_944] {strides = array<i32>} : memref<2x512xf32, #tpu.memory_space<vmem>>, vector<16xf32>,
        %parallel_loop3A_946 = arith.constant 16 : i32
        %parallel_loop3A_947 = arith.addi %parallel_loop3A_883, %parallel_loop3A_946 : i32
        %parallel_loop3A_948 = arith.constant 1 : i32
        %parallel_loop3A_949 = arith.index_cast %parallel_loop3A_948 : i32 to index
        %parallel_loop3A_950 = arith.index_cast %parallel_loop3A_947 : i32 to index
        %parallel_loop3A_951 = tpu.vector_load %arg25[%parallel_loop3A_949, %parallel_loop3A_950] {strides = array<i32>} : memref<2x512xf32, #tpu.memory_space<vmem>>, vector<16xf32>,
        %parallel_loop3A_952 = tpu.pack_subelements %parallel_loop3A_945, %parallel_loop3A_951 {pack_format = #tpu.pack_format<interleaved>, positions = array<i32: 0, 1>} : vector<16xf32>, vector<16xf32> -> vector<32xbf16>
        %parallel_loop3A_953 = arith.constant 1 : i32
        %parallel_loop3A_954 = arith.index_cast %parallel_loop3A_953 : i32 to index
        %parallel_loop3A_955 = arith.index_cast %parallel_loop3A_883 : i32 to index
        %parallel_loop3A_956 = tpu.vector_load %arg26[%parallel_loop3A_954, %parallel_loop3A_955] {strides = array<i32>} : memref<2x512xf32, #tpu.memory_space<vmem>>, vector<16xf32>,
        %parallel_loop3A_957 = arith.constant 16 : i32
        %parallel_loop3A_958 = arith.addi %parallel_loop3A_883, %parallel_loop3A_957 : i32
        %parallel_loop3A_959 = arith.constant 1 : i32
        %parallel_loop3A_960 = arith.index_cast %parallel_loop3A_959 : i32 to index
        %parallel_loop3A_961 = arith.index_cast %parallel_loop3A_958 : i32 to index
        %parallel_loop3A_962 = tpu.vector_load %arg26[%parallel_loop3A_960, %parallel_loop3A_961] {strides = array<i32>} : memref<2x512xf32, #tpu.memory_space<vmem>>, vector<16xf32>,
        %parallel_loop3A_963 = tpu.pack_subelements %parallel_loop3A_956, %parallel_loop3A_962 {pack_format = #tpu.pack_format<interleaved>, positions = array<i32: 0, 1>} : vector<16xf32>, vector<16xf32> -> vector<32xbf16>
        %parallel_loop3A_964 = arith.constant 1 : i32
        %parallel_loop3A_965 = arith.index_cast %parallel_loop3A_964 : i32 to index
        %parallel_loop3A_966 = arith.index_cast %parallel_loop3A_883 : i32 to index
        %parallel_loop3A_967 = tpu.vector_load %arg27[%parallel_loop3A_965, %parallel_loop3A_966] {strides = array<i32>} : memref<2x512xf32, #tpu.memory_space<vmem>>, vector<16xf32>,
        %parallel_loop3A_968 = arith.constant 16 : i32
        %parallel_loop3A_969 = arith.addi %parallel_loop3A_883, %parallel_loop3A_968 : i32
        %parallel_loop3A_970 = arith.constant 1 : i32
        %parallel_loop3A_971 = arith.index_cast %parallel_loop3A_970 : i32 to index
        %parallel_loop3A_972 = arith.index_cast %parallel_loop3A_969 : i32 to index
        %parallel_loop3A_973 = tpu.vector_load %arg27[%parallel_loop3A_971, %parallel_loop3A_972] {strides = array<i32>} : memref<2x512xf32, #tpu.memory_space<vmem>>, vector<16xf32>,
        %parallel_loop3A_974 = tpu.pack_subelements %parallel_loop3A_967, %parallel_loop3A_973 {pack_format = #tpu.pack_format<interleaved>, positions = array<i32: 0, 1>} : vector<16xf32>, vector<16xf32> -> vector<32xbf16>
        %parallel_loop3A_975 = arith.constant 1 : i32
        %parallel_loop3A_976 = arith.index_cast %parallel_loop3A_975 : i32 to index
        %parallel_loop3A_977 = arith.index_cast %parallel_loop3A_883 : i32 to index
        %parallel_loop3A_978 = tpu.vector_load %arg28[%parallel_loop3A_976, %parallel_loop3A_977] {strides = array<i32>} : memref<2x512xf32, #tpu.memory_space<vmem>>, vector<16xf32>,
        %parallel_loop3A_979 = arith.constant 16 : i32
        %parallel_loop3A_980 = arith.addi %parallel_loop3A_883, %parallel_loop3A_979 : i32
        %parallel_loop3A_981 = arith.constant 1 : i32
        %parallel_loop3A_982 = arith.index_cast %parallel_loop3A_981 : i32 to index
        %parallel_loop3A_983 = arith.index_cast %parallel_loop3A_980 : i32 to index
        %parallel_loop3A_984 = tpu.vector_load %arg28[%parallel_loop3A_982, %parallel_loop3A_983] {strides = array<i32>} : memref<2x512xf32, #tpu.memory_space<vmem>>, vector<16xf32>,
        %parallel_loop3A_985 = tpu.pack_subelements %parallel_loop3A_978, %parallel_loop3A_984 {pack_format = #tpu.pack_format<interleaved>, positions = array<i32: 0, 1>} : vector<16xf32>, vector<16xf32> -> vector<32xbf16>
        %parallel_loop3A_986 = arith.constant 1 : i32
        %parallel_loop3A_987 = arith.index_cast %parallel_loop3A_986 : i32 to index
        %parallel_loop3A_988 = arith.index_cast %parallel_loop3A_883 : i32 to index
        %parallel_loop3A_989 = tpu.vector_load %arg29[%parallel_loop3A_987, %parallel_loop3A_988] {strides = array<i32>} : memref<2x512xf32, #tpu.memory_space<vmem>>, vector<16xf32>,
        %parallel_loop3A_990 = arith.constant 16 : i32
        %parallel_loop3A_991 = arith.addi %parallel_loop3A_883, %parallel_loop3A_990 : i32
        %parallel_loop3A_992 = arith.constant 1 : i32
        %parallel_loop3A_993 = arith.index_cast %parallel_loop3A_992 : i32 to index
        %parallel_loop3A_994 = arith.index_cast %parallel_loop3A_991 : i32 to index
        %parallel_loop3A_995 = tpu.vector_load %arg29[%parallel_loop3A_993, %parallel_loop3A_994] {strides = array<i32>} : memref<2x512xf32, #tpu.memory_space<vmem>>, vector<16xf32>,
        %parallel_loop3A_996 = tpu.pack_subelements %parallel_loop3A_989, %parallel_loop3A_995 {pack_format = #tpu.pack_format<interleaved>, positions = array<i32: 0, 1>} : vector<16xf32>, vector<16xf32> -> vector<32xbf16>
        %parallel_loop3A_997 = arith.constant 1 : i32
        %parallel_loop3A_998 = arith.index_cast %parallel_loop3A_997 : i32 to index
        %parallel_loop3A_999 = arith.index_cast %parallel_loop3A_883 : i32 to index
        %parallel_loop3A_1000 = tpu.vector_load %arg30[%parallel_loop3A_998, %parallel_loop3A_999] {strides = array<i32>} : memref<2x512xf32, #tpu.memory_space<vmem>>, vector<16xf32>,
        %parallel_loop3A_1001 = arith.constant 16 : i32
        %parallel_loop3A_1002 = arith.addi %parallel_loop3A_883, %parallel_loop3A_1001 : i32
        %parallel_loop3A_1003 = arith.constant 1 : i32
        %parallel_loop3A_1004 = arith.index_cast %parallel_loop3A_1003 : i32 to index
        %parallel_loop3A_1005 = arith.index_cast %parallel_loop3A_1002 : i32 to index
        %parallel_loop3A_1006 = tpu.vector_load %arg30[%parallel_loop3A_1004, %parallel_loop3A_1005] {strides = array<i32>} : memref<2x512xf32, #tpu.memory_space<vmem>>, vector<16xf32>,
        %parallel_loop3A_1007 = tpu.pack_subelements %parallel_loop3A_1000, %parallel_loop3A_1006 {pack_format = #tpu.pack_format<interleaved>, positions = array<i32: 0, 1>} : vector<16xf32>, vector<16xf32> -> vector<32xbf16>
        %parallel_loop3A_1008 = arith.constant 1 : i32
        %parallel_loop3A_1009 = arith.index_cast %parallel_loop3A_1008 : i32 to index
        %parallel_loop3A_1010 = arith.index_cast %parallel_loop3A_883 : i32 to index
        %parallel_loop3A_1011 = tpu.vector_load %arg31[%parallel_loop3A_1009, %parallel_loop3A_1010] {strides = array<i32>} : memref<2x512xf32, #tpu.memory_space<vmem>>, vector<16xf32>,
        %parallel_loop3A_1012 = arith.constant 16 : i32
        %parallel_loop3A_1013 = arith.addi %parallel_loop3A_883, %parallel_loop3A_1012 : i32
        %parallel_loop3A_1014 = arith.constant 1 : i32
        %parallel_loop3A_1015 = arith.index_cast %parallel_loop3A_1014 : i32 to index
        %parallel_loop3A_1016 = arith.index_cast %parallel_loop3A_1013 : i32 to index
        %parallel_loop3A_1017 = tpu.vector_load %arg31[%parallel_loop3A_1015, %parallel_loop3A_1016] {strides = array<i32>} : memref<2x512xf32, #tpu.memory_space<vmem>>, vector<16xf32>,
        %parallel_loop3A_1018 = tpu.pack_subelements %parallel_loop3A_1011, %parallel_loop3A_1017 {pack_format = #tpu.pack_format<interleaved>, positions = array<i32: 0, 1>} : vector<16xf32>, vector<16xf32> -> vector<32xbf16>
        %parallel_loop3A_1019 = arith.constant 1 : i32
        %parallel_loop3A_1020 = arith.index_cast %parallel_loop3A_1019 : i32 to index
        %parallel_loop3A_1021 = arith.index_cast %parallel_loop3A_883 : i32 to index
        %parallel_loop3A_1022 = tpu.vector_load %arg32[%parallel_loop3A_1020, %parallel_loop3A_1021] {strides = array<i32>} : memref<2x512xf32, #tpu.memory_space<vmem>>, vector<16xf32>,
        %parallel_loop3A_1023 = arith.constant 16 : i32
        %parallel_loop3A_1024 = arith.addi %parallel_loop3A_883, %parallel_loop3A_1023 : i32
        %parallel_loop3A_1025 = arith.constant 1 : i32
        %parallel_loop3A_1026 = arith.index_cast %parallel_loop3A_1025 : i32 to index
        %parallel_loop3A_1027 = arith.index_cast %parallel_loop3A_1024 : i32 to index
        %parallel_loop3A_1028 = tpu.vector_load %arg32[%parallel_loop3A_1026, %parallel_loop3A_1027] {strides = array<i32>} : memref<2x512xf32, #tpu.memory_space<vmem>>, vector<16xf32>,
        %parallel_loop3A_1029 = tpu.pack_subelements %parallel_loop3A_1022, %parallel_loop3A_1028 {pack_format = #tpu.pack_format<interleaved>, positions = array<i32: 0, 1>} : vector<16xf32>, vector<16xf32> -> vector<32xbf16>
        %parallel_loop3A_1030 = arith.constant 1 : i32
        %parallel_loop3A_1031 = arith.index_cast %parallel_loop3A_1030 : i32 to index
        %parallel_loop3A_1032 = arith.index_cast %parallel_loop3A_883 : i32 to index
        %parallel_loop3A_1033 = tpu.vector_load %arg33[%parallel_loop3A_1031, %parallel_loop3A_1032] {strides = array<i32>} : memref<2x512xf32, #tpu.memory_space<vmem>>, vector<16xf32>,
        %parallel_loop3A_1034 = arith.constant 16 : i32
        %parallel_loop3A_1035 = arith.addi %parallel_loop3A_883, %parallel_loop3A_1034 : i32
        %parallel_loop3A_1036 = arith.constant 1 : i32
        %parallel_loop3A_1037 = arith.index_cast %parallel_loop3A_1036 : i32 to index
        %parallel_loop3A_1038 = arith.index_cast %parallel_loop3A_1035 : i32 to index
        %parallel_loop3A_1039 = tpu.vector_load %arg33[%parallel_loop3A_1037, %parallel_loop3A_1038] {strides = array<i32>} : memref<2x512xf32, #tpu.memory_space<vmem>>, vector<16xf32>,
        %parallel_loop3A_1040 = tpu.pack_subelements %parallel_loop3A_1033, %parallel_loop3A_1039 {pack_format = #tpu.pack_format<interleaved>, positions = array<i32: 0, 1>} : vector<16xf32>, vector<16xf32> -> vector<32xbf16>
        %parallel_loop3A_1041 = arith.constant 1 : i32
        %parallel_loop3A_1042 = arith.index_cast %parallel_loop3A_1041 : i32 to index
        %parallel_loop3A_1043 = arith.index_cast %parallel_loop3A_883 : i32 to index
        %parallel_loop3A_1044 = tpu.vector_load %arg34[%parallel_loop3A_1042, %parallel_loop3A_1043] {strides = array<i32>} : memref<2x512xf32, #tpu.memory_space<vmem>>, vector<16xf32>,
        %parallel_loop3A_1045 = arith.constant 16 : i32
        %parallel_loop3A_1046 = arith.addi %parallel_loop3A_883, %parallel_loop3A_1045 : i32
        %parallel_loop3A_1047 = arith.constant 1 : i32
        %parallel_loop3A_1048 = arith.index_cast %parallel_loop3A_1047 : i32 to index
        %parallel_loop3A_1049 = arith.index_cast %parallel_loop3A_1046 : i32 to index
        %parallel_loop3A_1050 = tpu.vector_load %arg34[%parallel_loop3A_1048, %parallel_loop3A_1049] {strides = array<i32>} : memref<2x512xf32, #tpu.memory_space<vmem>>, vector<16xf32>,
        %parallel_loop3A_1051 = tpu.pack_subelements %parallel_loop3A_1044, %parallel_loop3A_1050 {pack_format = #tpu.pack_format<interleaved>, positions = array<i32: 0, 1>} : vector<16xf32>, vector<16xf32> -> vector<32xbf16>
        %parallel_loop3A_1052 = arith.constant 1 : i32
        %parallel_loop3A_1053 = arith.index_cast %parallel_loop3A_1052 : i32 to index
        %parallel_loop3A_1054 = arith.index_cast %parallel_loop3A_883 : i32 to index
        %parallel_loop3A_1055 = tpu.vector_load %arg35[%parallel_loop3A_1053, %parallel_loop3A_1054] {strides = array<i32>} : memref<2x512xf32, #tpu.memory_space<vmem>>, vector<16xf32>,
        %parallel_loop3A_1056 = arith.constant 16 : i32
        %parallel_loop3A_1057 = arith.addi %parallel_loop3A_883, %parallel_loop3A_1056 : i32
        %parallel_loop3A_1058 = arith.constant 1 : i32
        %parallel_loop3A_1059 = arith.index_cast %parallel_loop3A_1058 : i32 to index
        %parallel_loop3A_1060 = arith.index_cast %parallel_loop3A_1057 : i32 to index
        %parallel_loop3A_1061 = tpu.vector_load %arg35[%parallel_loop3A_1059, %parallel_loop3A_1060] {strides = array<i32>} : memref<2x512xf32, #tpu.memory_space<vmem>>, vector<16xf32>,
        %parallel_loop3A_1062 = tpu.pack_subelements %parallel_loop3A_1055, %parallel_loop3A_1061 {pack_format = #tpu.pack_format<interleaved>, positions = array<i32: 0, 1>} : vector<16xf32>, vector<16xf32> -> vector<32xbf16>
        %parallel_loop3A_1063 = arith.mulf %parallel_loop3A_919, %parallel_loop3A_884 : vector<32xbf16>
        %parallel_loop3A_1064 = arith.mulf %parallel_loop3A_930, %parallel_loop3A_885 : vector<32xbf16>
        %parallel_loop3A_1065 = arith.addf %parallel_loop3A_1063, %parallel_loop3A_1064 : vector<32xbf16>
        %parallel_loop3A_1066 = arith.mulf %parallel_loop3A_952, %parallel_loop3A_886 : vector<32xbf16>
        %parallel_loop3A_1067 = arith.addf %parallel_loop3A_1065, %parallel_loop3A_1066 : vector<32xbf16>
        %parallel_loop3A_1068 = tpu.unpack_subelements %parallel_loop3A_1067, 0 {pack_format = #tpu.pack_format<interleaved>} : vector<32xbf16> -> vector<16xf32>
        %parallel_loop3A_1069 = tpu.unpack_subelements %parallel_loop3A_1067, 1 {pack_format = #tpu.pack_format<interleaved>} : vector<32xbf16> -> vector<16xf32>
        %parallel_loop3A_1070 = arith.constant 1 : i32
        %parallel_loop3A_1071 = arith.index_cast %parallel_loop3A_1070 : i32 to index
        %parallel_loop3A_1072 = arith.index_cast %parallel_loop3A_883 : i32 to index
        %parallel_loop3A_1073 = tpu.vector_load %arg52[%parallel_loop3A_1071, %parallel_loop3A_1072] {strides = array<i32>} : memref<2x512xf32, #tpu.memory_space<vmem>>, vector<16xf32>,
        tpu.vector_store %arg52[%parallel_loop3A_1071, %parallel_loop3A_1072], %parallel_loop3A_1068 {strides = array<i32>} : memref<2x512xf32, #tpu.memory_space<vmem>>, vector<16xf32>,
        %parallel_loop3A_1074 = arith.constant 16 : i32
        %parallel_loop3A_1075 = arith.addi %parallel_loop3A_883, %parallel_loop3A_1074 : i32
        %parallel_loop3A_1076 = arith.constant 1 : i32
        %parallel_loop3A_1077 = arith.index_cast %parallel_loop3A_1076 : i32 to index
        %parallel_loop3A_1078 = arith.index_cast %parallel_loop3A_1075 : i32 to index
        %parallel_loop3A_1079 = tpu.vector_load %arg52[%parallel_loop3A_1077, %parallel_loop3A_1078] {strides = array<i32>} : memref<2x512xf32, #tpu.memory_space<vmem>>, vector<16xf32>,
        tpu.vector_store %arg52[%parallel_loop3A_1077, %parallel_loop3A_1078], %parallel_loop3A_1069 {strides = array<i32>} : memref<2x512xf32, #tpu.memory_space<vmem>>, vector<16xf32>,
        %parallel_loop3A_1080 = arith.mulf %parallel_loop3A_930, %parallel_loop3A_884 : vector<32xbf16>
        %parallel_loop3A_1081 = arith.mulf %parallel_loop3A_941, %parallel_loop3A_885 : vector<32xbf16>
        %parallel_loop3A_1082 = arith.addf %parallel_loop3A_1080, %parallel_loop3A_1081 : vector<32xbf16>
        %parallel_loop3A_1083 = arith.mulf %parallel_loop3A_963, %parallel_loop3A_886 : vector<32xbf16>
        %parallel_loop3A_1084 = arith.addf %parallel_loop3A_1082, %parallel_loop3A_1083 : vector<32xbf16>
        %parallel_loop3A_1085 = tpu.unpack_subelements %parallel_loop3A_1084, 0 {pack_format = #tpu.pack_format<interleaved>} : vector<32xbf16> -> vector<16xf32>
        %parallel_loop3A_1086 = tpu.unpack_subelements %parallel_loop3A_1084, 1 {pack_format = #tpu.pack_format<interleaved>} : vector<32xbf16> -> vector<16xf32>
        %parallel_loop3A_1087 = arith.constant 1 : i32
        %parallel_loop3A_1088 = arith.index_cast %parallel_loop3A_1087 : i32 to index
        %parallel_loop3A_1089 = arith.index_cast %parallel_loop3A_883 : i32 to index
        %parallel_loop3A_1090 = tpu.vector_load %arg53[%parallel_loop3A_1088, %parallel_loop3A_1089] {strides = array<i32>} : memref<2x512xf32, #tpu.memory_space<vmem>>, vector<16xf32>,
        tpu.vector_store %arg53[%parallel_loop3A_1088, %parallel_loop3A_1089], %parallel_loop3A_1085 {strides = array<i32>} : memref<2x512xf32, #tpu.memory_space<vmem>>, vector<16xf32>,
        %parallel_loop3A_1091 = arith.constant 16 : i32
        %parallel_loop3A_1092 = arith.addi %parallel_loop3A_883, %parallel_loop3A_1091 : i32
        %parallel_loop3A_1093 = arith.constant 1 : i32
        %parallel_loop3A_1094 = arith.index_cast %parallel_loop3A_1093 : i32 to index
        %parallel_loop3A_1095 = arith.index_cast %parallel_loop3A_1092 : i32 to index
        %parallel_loop3A_1096 = tpu.vector_load %arg53[%parallel_loop3A_1094, %parallel_loop3A_1095] {strides = array<i32>} : memref<2x512xf32, #tpu.memory_space<vmem>>, vector<16xf32>,
        tpu.vector_store %arg53[%parallel_loop3A_1094, %parallel_loop3A_1095], %parallel_loop3A_1086 {strides = array<i32>} : memref<2x512xf32, #tpu.memory_space<vmem>>, vector<16xf32>,
        %parallel_loop3A_1097 = arith.addf %parallel_loop3A_897, %parallel_loop3A_941 : vector<32xbf16>
        %parallel_loop3A_1098 = arith.mulf %parallel_loop3A_1097, %parallel_loop3A_884 : vector<32xbf16>
        %parallel_loop3A_1099 = arith.mulf %parallel_loop3A_952, %parallel_loop3A_885 : vector<32xbf16>
        %parallel_loop3A_1100 = arith.addf %parallel_loop3A_1098, %parallel_loop3A_1099 : vector<32xbf16>
        %parallel_loop3A_1101 = arith.mulf %parallel_loop3A_974, %parallel_loop3A_886 : vector<32xbf16>
        %parallel_loop3A_1102 = arith.addf %parallel_loop3A_1100, %parallel_loop3A_1101 : vector<32xbf16>
        %parallel_loop3A_1103 = tpu.unpack_subelements %parallel_loop3A_1102, 0 {pack_format = #tpu.pack_format<interleaved>} : vector<32xbf16> -> vector<16xf32>
        %parallel_loop3A_1104 = tpu.unpack_subelements %parallel_loop3A_1102, 1 {pack_format = #tpu.pack_format<interleaved>} : vector<32xbf16> -> vector<16xf32>
        %parallel_loop3A_1105 = arith.constant 1 : i32
        %parallel_loop3A_1106 = arith.index_cast %parallel_loop3A_1105 : i32 to index
        %parallel_loop3A_1107 = arith.index_cast %parallel_loop3A_883 : i32 to index
        %parallel_loop3A_1108 = tpu.vector_load %arg54[%parallel_loop3A_1106, %parallel_loop3A_1107] {strides = array<i32>} : memref<2x512xf32, #tpu.memory_space<vmem>>, vector<16xf32>,
        tpu.vector_store %arg54[%parallel_loop3A_1106, %parallel_loop3A_1107], %parallel_loop3A_1103 {strides = array<i32>} : memref<2x512xf32, #tpu.memory_space<vmem>>, vector<16xf32>,
        %parallel_loop3A_1109 = arith.constant 16 : i32
        %parallel_loop3A_1110 = arith.addi %parallel_loop3A_883, %parallel_loop3A_1109 : i32
        %parallel_loop3A_1111 = arith.constant 1 : i32
        %parallel_loop3A_1112 = arith.index_cast %parallel_loop3A_1111 : i32 to index
        %parallel_loop3A_1113 = arith.index_cast %parallel_loop3A_1110 : i32 to index
        %parallel_loop3A_1114 = tpu.vector_load %arg54[%parallel_loop3A_1112, %parallel_loop3A_1113] {strides = array<i32>} : memref<2x512xf32, #tpu.memory_space<vmem>>, vector<16xf32>,
        tpu.vector_store %arg54[%parallel_loop3A_1112, %parallel_loop3A_1113], %parallel_loop3A_1104 {strides = array<i32>} : memref<2x512xf32, #tpu.memory_space<vmem>>, vector<16xf32>,
        %parallel_loop3A_1115 = arith.addf %parallel_loop3A_908, %parallel_loop3A_952 : vector<32xbf16>
        %parallel_loop3A_1116 = arith.mulf %parallel_loop3A_1115, %parallel_loop3A_884 : vector<32xbf16>
        %parallel_loop3A_1117 = arith.addf %parallel_loop3A_897, %parallel_loop3A_963 : vector<32xbf16>
        %parallel_loop3A_1118 = arith.mulf %parallel_loop3A_1117, %parallel_loop3A_885 : vector<32xbf16>
        %parallel_loop3A_1119 = arith.addf %parallel_loop3A_1116, %parallel_loop3A_1118 : vector<32xbf16>
        %parallel_loop3A_1120 = arith.mulf %parallel_loop3A_985, %parallel_loop3A_886 : vector<32xbf16>
        %parallel_loop3A_1121 = arith.addf %parallel_loop3A_1119, %parallel_loop3A_1120 : vector<32xbf16>
        %parallel_loop3A_1122 = tpu.unpack_subelements %parallel_loop3A_1121, 0 {pack_format = #tpu.pack_format<interleaved>} : vector<32xbf16> -> vector<16xf32>
        %parallel_loop3A_1123 = tpu.unpack_subelements %parallel_loop3A_1121, 1 {pack_format = #tpu.pack_format<interleaved>} : vector<32xbf16> -> vector<16xf32>
        %parallel_loop3A_1124 = arith.constant 1 : i32
        %parallel_loop3A_1125 = arith.index_cast %parallel_loop3A_1124 : i32 to index
        %parallel_loop3A_1126 = arith.index_cast %parallel_loop3A_883 : i32 to index
        %parallel_loop3A_1127 = tpu.vector_load %arg55[%parallel_loop3A_1125, %parallel_loop3A_1126] {strides = array<i32>} : memref<2x512xf32, #tpu.memory_space<vmem>>, vector<16xf32>,
        tpu.vector_store %arg55[%parallel_loop3A_1125, %parallel_loop3A_1126], %parallel_loop3A_1122 {strides = array<i32>} : memref<2x512xf32, #tpu.memory_space<vmem>>, vector<16xf32>,
        %parallel_loop3A_1128 = arith.constant 16 : i32
        %parallel_loop3A_1129 = arith.addi %parallel_loop3A_883, %parallel_loop3A_1128 : i32
        %parallel_loop3A_1130 = arith.constant 1 : i32
        %parallel_loop3A_1131 = arith.index_cast %parallel_loop3A_1130 : i32 to index
        %parallel_loop3A_1132 = arith.index_cast %parallel_loop3A_1129 : i32 to index
        %parallel_loop3A_1133 = tpu.vector_load %arg55[%parallel_loop3A_1131, %parallel_loop3A_1132] {strides = array<i32>} : memref<2x512xf32, #tpu.memory_space<vmem>>, vector<16xf32>,
        tpu.vector_store %arg55[%parallel_loop3A_1131, %parallel_loop3A_1132], %parallel_loop3A_1123 {strides = array<i32>} : memref<2x512xf32, #tpu.memory_space<vmem>>, vector<16xf32>,
        %parallel_loop3A_1134 = arith.addf %parallel_loop3A_919, %parallel_loop3A_963 : vector<32xbf16>
        %parallel_loop3A_1135 = arith.mulf %parallel_loop3A_1134, %parallel_loop3A_884 : vector<32xbf16>
        %parallel_loop3A_1136 = arith.addf %parallel_loop3A_908, %parallel_loop3A_974 : vector<32xbf16>
        %parallel_loop3A_1137 = arith.mulf %parallel_loop3A_1136, %parallel_loop3A_885 : vector<32xbf16>
        %parallel_loop3A_1138 = arith.addf %parallel_loop3A_1135, %parallel_loop3A_1137 : vector<32xbf16>
        %parallel_loop3A_1139 = arith.mulf %parallel_loop3A_996, %parallel_loop3A_886 : vector<32xbf16>
        %parallel_loop3A_1140 = arith.addf %parallel_loop3A_1138, %parallel_loop3A_1139 : vector<32xbf16>
        %parallel_loop3A_1141 = tpu.unpack_subelements %parallel_loop3A_1140, 0 {pack_format = #tpu.pack_format<interleaved>} : vector<32xbf16> -> vector<16xf32>
        %parallel_loop3A_1142 = tpu.unpack_subelements %parallel_loop3A_1140, 1 {pack_format = #tpu.pack_format<interleaved>} : vector<32xbf16> -> vector<16xf32>
        %parallel_loop3A_1143 = arith.constant 1 : i32
        %parallel_loop3A_1144 = arith.index_cast %parallel_loop3A_1143 : i32 to index
        %parallel_loop3A_1145 = arith.index_cast %parallel_loop3A_883 : i32 to index
        %parallel_loop3A_1146 = tpu.vector_load %arg56[%parallel_loop3A_1144, %parallel_loop3A_1145] {strides = array<i32>} : memref<2x512xf32, #tpu.memory_space<vmem>>, vector<16xf32>,
        tpu.vector_store %arg56[%parallel_loop3A_1144, %parallel_loop3A_1145], %parallel_loop3A_1141 {strides = array<i32>} : memref<2x512xf32, #tpu.memory_space<vmem>>, vector<16xf32>,
        %parallel_loop3A_1147 = arith.constant 16 : i32
        %parallel_loop3A_1148 = arith.addi %parallel_loop3A_883, %parallel_loop3A_1147 : i32
        %parallel_loop3A_1149 = arith.constant 1 : i32
        %parallel_loop3A_1150 = arith.index_cast %parallel_loop3A_1149 : i32 to index
        %parallel_loop3A_1151 = arith.index_cast %parallel_loop3A_1148 : i32 to index
        %parallel_loop3A_1152 = tpu.vector_load %arg56[%parallel_loop3A_1150, %parallel_loop3A_1151] {strides = array<i32>} : memref<2x512xf32, #tpu.memory_space<vmem>>, vector<16xf32>,
        tpu.vector_store %arg56[%parallel_loop3A_1150, %parallel_loop3A_1151], %parallel_loop3A_1142 {strides = array<i32>} : memref<2x512xf32, #tpu.memory_space<vmem>>, vector<16xf32>,
        %parallel_loop3A_1153 = arith.addf %parallel_loop3A_930, %parallel_loop3A_974 : vector<32xbf16>
        %parallel_loop3A_1154 = arith.mulf %parallel_loop3A_1153, %parallel_loop3A_884 : vector<32xbf16>
        %parallel_loop3A_1155 = arith.addf %parallel_loop3A_919, %parallel_loop3A_985 : vector<32xbf16>
        %parallel_loop3A_1156 = arith.mulf %parallel_loop3A_1155, %parallel_loop3A_885 : vector<32xbf16>
        %parallel_loop3A_1157 = arith.addf %parallel_loop3A_1154, %parallel_loop3A_1156 : vector<32xbf16>
        %parallel_loop3A_1158 = arith.addf %parallel_loop3A_897, %parallel_loop3A_1007 : vector<32xbf16>
        %parallel_loop3A_1159 = arith.mulf %parallel_loop3A_1158, %parallel_loop3A_886 : vector<32xbf16>
        %parallel_loop3A_1160 = arith.addf %parallel_loop3A_1157, %parallel_loop3A_1159 : vector<32xbf16>
        %parallel_loop3A_1161 = tpu.unpack_subelements %parallel_loop3A_1160, 0 {pack_format = #tpu.pack_format<interleaved>} : vector<32xbf16> -> vector<16xf32>
        %parallel_loop3A_1162 = tpu.unpack_subelements %parallel_loop3A_1160, 1 {pack_format = #tpu.pack_format<interleaved>} : vector<32xbf16> -> vector<16xf32>
        %parallel_loop3A_1163 = arith.constant 1 : i32
        %parallel_loop3A_1164 = arith.index_cast %parallel_loop3A_1163 : i32 to index
        %parallel_loop3A_1165 = arith.index_cast %parallel_loop3A_883 : i32 to index
        %parallel_loop3A_1166 = tpu.vector_load %arg57[%parallel_loop3A_1164, %parallel_loop3A_1165] {strides = array<i32>} : memref<2x512xf32, #tpu.memory_space<vmem>>, vector<16xf32>,
        tpu.vector_store %arg57[%parallel_loop3A_1164, %parallel_loop3A_1165], %parallel_loop3A_1161 {strides = array<i32>} : memref<2x512xf32, #tpu.memory_space<vmem>>, vector<16xf32>,
        %parallel_loop3A_1167 = arith.constant 16 : i32
        %parallel_loop3A_1168 = arith.addi %parallel_loop3A_883, %parallel_loop3A_1167 : i32
        %parallel_loop3A_1169 = arith.constant 1 : i32
        %parallel_loop3A_1170 = arith.index_cast %parallel_loop3A_1169 : i32 to index
        %parallel_loop3A_1171 = arith.index_cast %parallel_loop3A_1168 : i32 to index
        %parallel_loop3A_1172 = tpu.vector_load %arg57[%parallel_loop3A_1170, %parallel_loop3A_1171] {strides = array<i32>} : memref<2x512xf32, #tpu.memory_space<vmem>>, vector<16xf32>,
        tpu.vector_store %arg57[%parallel_loop3A_1170, %parallel_loop3A_1171], %parallel_loop3A_1162 {strides = array<i32>} : memref<2x512xf32, #tpu.memory_space<vmem>>, vector<16xf32>,
        %parallel_loop3A_1173 = arith.addf %parallel_loop3A_941, %parallel_loop3A_985 : vector<32xbf16>
        %parallel_loop3A_1174 = arith.mulf %parallel_loop3A_1173, %parallel_loop3A_884 : vector<32xbf16>
        %parallel_loop3A_1175 = arith.addf %parallel_loop3A_930, %parallel_loop3A_996 : vector<32xbf16>
        %parallel_loop3A_1176 = arith.mulf %parallel_loop3A_1175, %parallel_loop3A_885 : vector<32xbf16>
        %parallel_loop3A_1177 = arith.addf %parallel_loop3A_1174, %parallel_loop3A_1176 : vector<32xbf16>
        %parallel_loop3A_1178 = arith.addf %parallel_loop3A_908, %parallel_loop3A_1018 : vector<32xbf16>
        %parallel_loop3A_1179 = arith.mulf %parallel_loop3A_1178, %parallel_loop3A_886 : vector<32xbf16>
        %parallel_loop3A_1180 = arith.addf %parallel_loop3A_1177, %parallel_loop3A_1179 : vector<32xbf16>
        %parallel_loop3A_1181 = tpu.unpack_subelements %parallel_loop3A_1180, 0 {pack_format = #tpu.pack_format<interleaved>} : vector<32xbf16> -> vector<16xf32>
        %parallel_loop3A_1182 = tpu.unpack_subelements %parallel_loop3A_1180, 1 {pack_format = #tpu.pack_format<interleaved>} : vector<32xbf16> -> vector<16xf32>
        %parallel_loop3A_1183 = arith.constant 1 : i32
        %parallel_loop3A_1184 = arith.index_cast %parallel_loop3A_1183 : i32 to index
        %parallel_loop3A_1185 = arith.index_cast %parallel_loop3A_883 : i32 to index
        %parallel_loop3A_1186 = tpu.vector_load %arg58[%parallel_loop3A_1184, %parallel_loop3A_1185] {strides = array<i32>} : memref<2x512xf32, #tpu.memory_space<vmem>>, vector<16xf32>,
        tpu.vector_store %arg58[%parallel_loop3A_1184, %parallel_loop3A_1185], %parallel_loop3A_1181 {strides = array<i32>} : memref<2x512xf32, #tpu.memory_space<vmem>>, vector<16xf32>,
        %parallel_loop3A_1187 = arith.constant 16 : i32
        %parallel_loop3A_1188 = arith.addi %parallel_loop3A_883, %parallel_loop3A_1187 : i32
        %parallel_loop3A_1189 = arith.constant 1 : i32
        %parallel_loop3A_1190 = arith.index_cast %parallel_loop3A_1189 : i32 to index
        %parallel_loop3A_1191 = arith.index_cast %parallel_loop3A_1188 : i32 to index
        %parallel_loop3A_1192 = tpu.vector_load %arg58[%parallel_loop3A_1190, %parallel_loop3A_1191] {strides = array<i32>} : memref<2x512xf32, #tpu.memory_space<vmem>>, vector<16xf32>,
        tpu.vector_store %arg58[%parallel_loop3A_1190, %parallel_loop3A_1191], %parallel_loop3A_1182 {strides = array<i32>} : memref<2x512xf32, #tpu.memory_space<vmem>>, vector<16xf32>,
        %parallel_loop3A_1193 = arith.addf %parallel_loop3A_952, %parallel_loop3A_996 : vector<32xbf16>
        %parallel_loop3A_1194 = arith.mulf %parallel_loop3A_1193, %parallel_loop3A_884 : vector<32xbf16>
        %parallel_loop3A_1195 = arith.addf %parallel_loop3A_941, %parallel_loop3A_1007 : vector<32xbf16>
        %parallel_loop3A_1196 = arith.mulf %parallel_loop3A_1195, %parallel_loop3A_885 : vector<32xbf16>
        %parallel_loop3A_1197 = arith.addf %parallel_loop3A_1194, %parallel_loop3A_1196 : vector<32xbf16>
        %parallel_loop3A_1198 = arith.addf %parallel_loop3A_919, %parallel_loop3A_1029 : vector<32xbf16>
        %parallel_loop3A_1199 = arith.mulf %parallel_loop3A_1198, %parallel_loop3A_886 : vector<32xbf16>
        %parallel_loop3A_1200 = arith.addf %parallel_loop3A_1197, %parallel_loop3A_1199 : vector<32xbf16>
        %parallel_loop3A_1201 = tpu.unpack_subelements %parallel_loop3A_1200, 0 {pack_format = #tpu.pack_format<interleaved>} : vector<32xbf16> -> vector<16xf32>
        %parallel_loop3A_1202 = tpu.unpack_subelements %parallel_loop3A_1200, 1 {pack_format = #tpu.pack_format<interleaved>} : vector<32xbf16> -> vector<16xf32>
        %parallel_loop3A_1203 = arith.constant 1 : i32
        %parallel_loop3A_1204 = arith.index_cast %parallel_loop3A_1203 : i32 to index
        %parallel_loop3A_1205 = arith.index_cast %parallel_loop3A_883 : i32 to index
        %parallel_loop3A_1206 = tpu.vector_load %arg59[%parallel_loop3A_1204, %parallel_loop3A_1205] {strides = array<i32>} : memref<2x512xf32, #tpu.memory_space<vmem>>, vector<16xf32>,
        tpu.vector_store %arg59[%parallel_loop3A_1204, %parallel_loop3A_1205], %parallel_loop3A_1201 {strides = array<i32>} : memref<2x512xf32, #tpu.memory_space<vmem>>, vector<16xf32>,
        %parallel_loop3A_1207 = arith.constant 16 : i32
        %parallel_loop3A_1208 = arith.addi %parallel_loop3A_883, %parallel_loop3A_1207 : i32
        %parallel_loop3A_1209 = arith.constant 1 : i32
        %parallel_loop3A_1210 = arith.index_cast %parallel_loop3A_1209 : i32 to index
        %parallel_loop3A_1211 = arith.index_cast %parallel_loop3A_1208 : i32 to index
        %parallel_loop3A_1212 = tpu.vector_load %arg59[%parallel_loop3A_1210, %parallel_loop3A_1211] {strides = array<i32>} : memref<2x512xf32, #tpu.memory_space<vmem>>, vector<16xf32>,
        tpu.vector_store %arg59[%parallel_loop3A_1210, %parallel_loop3A_1211], %parallel_loop3A_1202 {strides = array<i32>} : memref<2x512xf32, #tpu.memory_space<vmem>>, vector<16xf32>,
        %parallel_loop3A_1213 = arith.addf %parallel_loop3A_963, %parallel_loop3A_1007 : vector<32xbf16>
        %parallel_loop3A_1214 = arith.mulf %parallel_loop3A_1213, %parallel_loop3A_884 : vector<32xbf16>
        %parallel_loop3A_1215 = arith.addf %parallel_loop3A_952, %parallel_loop3A_1018 : vector<32xbf16>
        %parallel_loop3A_1216 = arith.mulf %parallel_loop3A_1215, %parallel_loop3A_885 : vector<32xbf16>
        %parallel_loop3A_1217 = arith.addf %parallel_loop3A_1214, %parallel_loop3A_1216 : vector<32xbf16>
        %parallel_loop3A_1218 = arith.addf %parallel_loop3A_930, %parallel_loop3A_1040 : vector<32xbf16>
        %parallel_loop3A_1219 = arith.mulf %parallel_loop3A_1218, %parallel_loop3A_886 : vector<32xbf16>
        %parallel_loop3A_1220 = arith.addf %parallel_loop3A_1217, %parallel_loop3A_1219 : vector<32xbf16>
        %parallel_loop3A_1221 = tpu.unpack_subelements %parallel_loop3A_1220, 0 {pack_format = #tpu.pack_format<interleaved>} : vector<32xbf16> -> vector<16xf32>
        %parallel_loop3A_1222 = tpu.unpack_subelements %parallel_loop3A_1220, 1 {pack_format = #tpu.pack_format<interleaved>} : vector<32xbf16> -> vector<16xf32>
        %parallel_loop3A_1223 = arith.constant 1 : i32
        %parallel_loop3A_1224 = arith.index_cast %parallel_loop3A_1223 : i32 to index
        %parallel_loop3A_1225 = arith.index_cast %parallel_loop3A_883 : i32 to index
        %parallel_loop3A_1226 = tpu.vector_load %arg60[%parallel_loop3A_1224, %parallel_loop3A_1225] {strides = array<i32>} : memref<2x512xf32, #tpu.memory_space<vmem>>, vector<16xf32>,
        tpu.vector_store %arg60[%parallel_loop3A_1224, %parallel_loop3A_1225], %parallel_loop3A_1221 {strides = array<i32>} : memref<2x512xf32, #tpu.memory_space<vmem>>, vector<16xf32>,
        %parallel_loop3A_1227 = arith.constant 16 : i32
        %parallel_loop3A_1228 = arith.addi %parallel_loop3A_883, %parallel_loop3A_1227 : i32
        %parallel_loop3A_1229 = arith.constant 1 : i32
        %parallel_loop3A_1230 = arith.index_cast %parallel_loop3A_1229 : i32 to index
        %parallel_loop3A_1231 = arith.index_cast %parallel_loop3A_1228 : i32 to index
        %parallel_loop3A_1232 = tpu.vector_load %arg60[%parallel_loop3A_1230, %parallel_loop3A_1231] {strides = array<i32>} : memref<2x512xf32, #tpu.memory_space<vmem>>, vector<16xf32>,
        tpu.vector_store %arg60[%parallel_loop3A_1230, %parallel_loop3A_1231], %parallel_loop3A_1222 {strides = array<i32>} : memref<2x512xf32, #tpu.memory_space<vmem>>, vector<16xf32>,
        %parallel_loop3A_1233 = arith.addf %parallel_loop3A_974, %parallel_loop3A_1018 : vector<32xbf16>
        %parallel_loop3A_1234 = arith.mulf %parallel_loop3A_1233, %parallel_loop3A_884 : vector<32xbf16>
        %parallel_loop3A_1235 = arith.addf %parallel_loop3A_963, %parallel_loop3A_1029 : vector<32xbf16>
        %parallel_loop3A_1236 = arith.mulf %parallel_loop3A_1235, %parallel_loop3A_885 : vector<32xbf16>
        %parallel_loop3A_1237 = arith.addf %parallel_loop3A_1234, %parallel_loop3A_1236 : vector<32xbf16>
        %parallel_loop3A_1238 = arith.addf %parallel_loop3A_941, %parallel_loop3A_1051 : vector<32xbf16>
        %parallel_loop3A_1239 = arith.mulf %parallel_loop3A_1238, %parallel_loop3A_886 : vector<32xbf16>
        %parallel_loop3A_1240 = arith.addf %parallel_loop3A_1237, %parallel_loop3A_1239 : vector<32xbf16>
        %parallel_loop3A_1241 = tpu.unpack_subelements %parallel_loop3A_1240, 0 {pack_format = #tpu.pack_format<interleaved>} : vector<32xbf16> -> vector<16xf32>
        %parallel_loop3A_1242 = tpu.unpack_subelements %parallel_loop3A_1240, 1 {pack_format = #tpu.pack_format<interleaved>} : vector<32xbf16> -> vector<16xf32>
        %parallel_loop3A_1243 = arith.constant 1 : i32
        %parallel_loop3A_1244 = arith.index_cast %parallel_loop3A_1243 : i32 to index
        %parallel_loop3A_1245 = arith.index_cast %parallel_loop3A_883 : i32 to index
        %parallel_loop3A_1246 = tpu.vector_load %arg61[%parallel_loop3A_1244, %parallel_loop3A_1245] {strides = array<i32>} : memref<2x512xf32, #tpu.memory_space<vmem>>, vector<16xf32>,
        tpu.vector_store %arg61[%parallel_loop3A_1244, %parallel_loop3A_1245], %parallel_loop3A_1241 {strides = array<i32>} : memref<2x512xf32, #tpu.memory_space<vmem>>, vector<16xf32>,
        %parallel_loop3A_1247 = arith.constant 16 : i32
        %parallel_loop3A_1248 = arith.addi %parallel_loop3A_883, %parallel_loop3A_1247 : i32
        %parallel_loop3A_1249 = arith.constant 1 : i32
        %parallel_loop3A_1250 = arith.index_cast %parallel_loop3A_1249 : i32 to index
        %parallel_loop3A_1251 = arith.index_cast %parallel_loop3A_1248 : i32 to index
        %parallel_loop3A_1252 = tpu.vector_load %arg61[%parallel_loop3A_1250, %parallel_loop3A_1251] {strides = array<i32>} : memref<2x512xf32, #tpu.memory_space<vmem>>, vector<16xf32>,
        tpu.vector_store %arg61[%parallel_loop3A_1250, %parallel_loop3A_1251], %parallel_loop3A_1242 {strides = array<i32>} : memref<2x512xf32, #tpu.memory_space<vmem>>, vector<16xf32>,
        %parallel_loop3A_1253 = arith.addf %parallel_loop3A_985, %parallel_loop3A_1029 : vector<32xbf16>
        %parallel_loop3A_1254 = arith.mulf %parallel_loop3A_1253, %parallel_loop3A_884 : vector<32xbf16>
        %parallel_loop3A_1255 = arith.addf %parallel_loop3A_974, %parallel_loop3A_1040 : vector<32xbf16>
        %parallel_loop3A_1256 = arith.mulf %parallel_loop3A_1255, %parallel_loop3A_885 : vector<32xbf16>
        %parallel_loop3A_1257 = arith.addf %parallel_loop3A_1254, %parallel_loop3A_1256 : vector<32xbf16>
        %parallel_loop3A_1258 = arith.addf %parallel_loop3A_952, %parallel_loop3A_1062 : vector<32xbf16>
        %parallel_loop3A_1259 = arith.mulf %parallel_loop3A_1258, %parallel_loop3A_886 : vector<32xbf16>
        %parallel_loop3A_1260 = arith.addf %parallel_loop3A_1257, %parallel_loop3A_1259 : vector<32xbf16>
        %parallel_loop3A_1261 = tpu.unpack_subelements %parallel_loop3A_1260, 0 {pack_format = #tpu.pack_format<interleaved>} : vector<32xbf16> -> vector<16xf32>
        %parallel_loop3A_1262 = tpu.unpack_subelements %parallel_loop3A_1260, 1 {pack_format = #tpu.pack_format<interleaved>} : vector<32xbf16> -> vector<16xf32>
        %parallel_loop3A_1263 = arith.constant 1 : i32
        %parallel_loop3A_1264 = arith.index_cast %parallel_loop3A_1263 : i32 to index
        %parallel_loop3A_1265 = arith.index_cast %parallel_loop3A_883 : i32 to index
        %parallel_loop3A_1266 = tpu.vector_load %arg62[%parallel_loop3A_1264, %parallel_loop3A_1265] {strides = array<i32>} : memref<2x512xf32, #tpu.memory_space<vmem>>, vector<16xf32>,
        tpu.vector_store %arg62[%parallel_loop3A_1264, %parallel_loop3A_1265], %parallel_loop3A_1261 {strides = array<i32>} : memref<2x512xf32, #tpu.memory_space<vmem>>, vector<16xf32>,
        %parallel_loop3A_1267 = arith.constant 16 : i32
        %parallel_loop3A_1268 = arith.addi %parallel_loop3A_883, %parallel_loop3A_1267 : i32
        %parallel_loop3A_1269 = arith.constant 1 : i32
        %parallel_loop3A_1270 = arith.index_cast %parallel_loop3A_1269 : i32 to index
        %parallel_loop3A_1271 = arith.index_cast %parallel_loop3A_1268 : i32 to index
        %parallel_loop3A_1272 = tpu.vector_load %arg62[%parallel_loop3A_1270, %parallel_loop3A_1271] {strides = array<i32>} : memref<2x512xf32, #tpu.memory_space<vmem>>, vector<16xf32>,
        tpu.vector_store %arg62[%parallel_loop3A_1270, %parallel_loop3A_1271], %parallel_loop3A_1262 {strides = array<i32>} : memref<2x512xf32, #tpu.memory_space<vmem>>, vector<16xf32>,
        %parallel_loop3A_1273 = arith.addf %parallel_loop3A_996, %parallel_loop3A_1040 : vector<32xbf16>
        %parallel_loop3A_1274 = arith.mulf %parallel_loop3A_1273, %parallel_loop3A_884 : vector<32xbf16>
        %parallel_loop3A_1275 = arith.addf %parallel_loop3A_985, %parallel_loop3A_1051 : vector<32xbf16>
        %parallel_loop3A_1276 = arith.mulf %parallel_loop3A_1275, %parallel_loop3A_885 : vector<32xbf16>
        %parallel_loop3A_1277 = arith.addf %parallel_loop3A_1274, %parallel_loop3A_1276 : vector<32xbf16>
        %parallel_loop3A_1278 = arith.mulf %parallel_loop3A_963, %parallel_loop3A_886 : vector<32xbf16>
        %parallel_loop3A_1279 = arith.addf %parallel_loop3A_1277, %parallel_loop3A_1278 : vector<32xbf16>
        %parallel_loop3A_1280 = tpu.unpack_subelements %parallel_loop3A_1279, 0 {pack_format = #tpu.pack_format<interleaved>} : vector<32xbf16> -> vector<16xf32>
        %parallel_loop3A_1281 = tpu.unpack_subelements %parallel_loop3A_1279, 1 {pack_format = #tpu.pack_format<interleaved>} : vector<32xbf16> -> vector<16xf32>
        %parallel_loop3A_1282 = arith.constant 1 : i32
        %parallel_loop3A_1283 = arith.index_cast %parallel_loop3A_1282 : i32 to index
        %parallel_loop3A_1284 = arith.index_cast %parallel_loop3A_883 : i32 to index
        %parallel_loop3A_1285 = tpu.vector_load %arg63[%parallel_loop3A_1283, %parallel_loop3A_1284] {strides = array<i32>} : memref<2x512xf32, #tpu.memory_space<vmem>>, vector<16xf32>,
        tpu.vector_store %arg63[%parallel_loop3A_1283, %parallel_loop3A_1284], %parallel_loop3A_1280 {strides = array<i32>} : memref<2x512xf32, #tpu.memory_space<vmem>>, vector<16xf32>,
        %parallel_loop3A_1286 = arith.constant 16 : i32
        %parallel_loop3A_1287 = arith.addi %parallel_loop3A_883, %parallel_loop3A_1286 : i32
        %parallel_loop3A_1288 = arith.constant 1 : i32
        %parallel_loop3A_1289 = arith.index_cast %parallel_loop3A_1288 : i32 to index
        %parallel_loop3A_1290 = arith.index_cast %parallel_loop3A_1287 : i32 to index
        %parallel_loop3A_1291 = tpu.vector_load %arg63[%parallel_loop3A_1289, %parallel_loop3A_1290] {strides = array<i32>} : memref<2x512xf32, #tpu.memory_space<vmem>>, vector<16xf32>,
        tpu.vector_store %arg63[%parallel_loop3A_1289, %parallel_loop3A_1290], %parallel_loop3A_1281 {strides = array<i32>} : memref<2x512xf32, #tpu.memory_space<vmem>>, vector<16xf32>,
        %parallel_loop3A_1292 = arith.addf %parallel_loop3A_1007, %parallel_loop3A_1051 : vector<32xbf16>
        %parallel_loop3A_1293 = arith.mulf %parallel_loop3A_1292, %parallel_loop3A_884 : vector<32xbf16>
        %parallel_loop3A_1294 = arith.addf %parallel_loop3A_996, %parallel_loop3A_1062 : vector<32xbf16>
        %parallel_loop3A_1295 = arith.mulf %parallel_loop3A_1294, %parallel_loop3A_885 : vector<32xbf16>
        %parallel_loop3A_1296 = arith.addf %parallel_loop3A_1293, %parallel_loop3A_1295 : vector<32xbf16>
        %parallel_loop3A_1297 = arith.mulf %parallel_loop3A_974, %parallel_loop3A_886 : vector<32xbf16>
        %parallel_loop3A_1298 = arith.addf %parallel_loop3A_1296, %parallel_loop3A_1297 : vector<32xbf16>
        %parallel_loop3A_1299 = tpu.unpack_subelements %parallel_loop3A_1298, 0 {pack_format = #tpu.pack_format<interleaved>} : vector<32xbf16> -> vector<16xf32>
        %parallel_loop3A_1300 = tpu.unpack_subelements %parallel_loop3A_1298, 1 {pack_format = #tpu.pack_format<interleaved>} : vector<32xbf16> -> vector<16xf32>
        %parallel_loop3A_1301 = arith.constant 1 : i32
        %parallel_loop3A_1302 = arith.index_cast %parallel_loop3A_1301 : i32 to index
        %parallel_loop3A_1303 = arith.index_cast %parallel_loop3A_883 : i32 to index
        %parallel_loop3A_1304 = tpu.vector_load %arg64[%parallel_loop3A_1302, %parallel_loop3A_1303] {strides = array<i32>} : memref<2x512xf32, #tpu.memory_space<vmem>>, vector<16xf32>,
        tpu.vector_store %arg64[%parallel_loop3A_1302, %parallel_loop3A_1303], %parallel_loop3A_1299 {strides = array<i32>} : memref<2x512xf32, #tpu.memory_space<vmem>>, vector<16xf32>,
        %parallel_loop3A_1305 = arith.constant 16 : i32
        %parallel_loop3A_1306 = arith.addi %parallel_loop3A_883, %parallel_loop3A_1305 : i32
        %parallel_loop3A_1307 = arith.constant 1 : i32
        %parallel_loop3A_1308 = arith.index_cast %parallel_loop3A_1307 : i32 to index
        %parallel_loop3A_1309 = arith.index_cast %parallel_loop3A_1306 : i32 to index
        %parallel_loop3A_1310 = tpu.vector_load %arg64[%parallel_loop3A_1308, %parallel_loop3A_1309] {strides = array<i32>} : memref<2x512xf32, #tpu.memory_space<vmem>>, vector<16xf32>,
        tpu.vector_store %arg64[%parallel_loop3A_1308, %parallel_loop3A_1309], %parallel_loop3A_1300 {strides = array<i32>} : memref<2x512xf32, #tpu.memory_space<vmem>>, vector<16xf32>,
        %parallel_loop3A_1311 = arith.addf %parallel_loop3A_1018, %parallel_loop3A_1062 : vector<32xbf16>
        %parallel_loop3A_1312 = arith.mulf %parallel_loop3A_1311, %parallel_loop3A_884 : vector<32xbf16>
        %parallel_loop3A_1313 = arith.mulf %parallel_loop3A_1007, %parallel_loop3A_885 : vector<32xbf16>
        %parallel_loop3A_1314 = arith.addf %parallel_loop3A_1312, %parallel_loop3A_1313 : vector<32xbf16>
        %parallel_loop3A_1315 = arith.mulf %parallel_loop3A_985, %parallel_loop3A_886 : vector<32xbf16>
        %parallel_loop3A_1316 = arith.addf %parallel_loop3A_1314, %parallel_loop3A_1315 : vector<32xbf16>
        %parallel_loop3A_1317 = tpu.unpack_subelements %parallel_loop3A_1316, 0 {pack_format = #tpu.pack_format<interleaved>} : vector<32xbf16> -> vector<16xf32>
        %parallel_loop3A_1318 = tpu.unpack_subelements %parallel_loop3A_1316, 1 {pack_format = #tpu.pack_format<interleaved>} : vector<32xbf16> -> vector<16xf32>
        %parallel_loop3A_1319 = arith.constant 1 : i32
        %parallel_loop3A_1320 = arith.index_cast %parallel_loop3A_1319 : i32 to index
        %parallel_loop3A_1321 = arith.index_cast %parallel_loop3A_883 : i32 to index
        %parallel_loop3A_1322 = tpu.vector_load %arg65[%parallel_loop3A_1320, %parallel_loop3A_1321] {strides = array<i32>} : memref<2x512xf32, #tpu.memory_space<vmem>>, vector<16xf32>,
        tpu.vector_store %arg65[%parallel_loop3A_1320, %parallel_loop3A_1321], %parallel_loop3A_1317 {strides = array<i32>} : memref<2x512xf32, #tpu.memory_space<vmem>>, vector<16xf32>,
        %parallel_loop3A_1323 = arith.constant 16 : i32
        %parallel_loop3A_1324 = arith.addi %parallel_loop3A_883, %parallel_loop3A_1323 : i32
        %parallel_loop3A_1325 = arith.constant 1 : i32
        %parallel_loop3A_1326 = arith.index_cast %parallel_loop3A_1325 : i32 to index
        %parallel_loop3A_1327 = arith.index_cast %parallel_loop3A_1324 : i32 to index
        %parallel_loop3A_1328 = tpu.vector_load %arg65[%parallel_loop3A_1326, %parallel_loop3A_1327] {strides = array<i32>} : memref<2x512xf32, #tpu.memory_space<vmem>>, vector<16xf32>,
        tpu.vector_store %arg65[%parallel_loop3A_1326, %parallel_loop3A_1327], %parallel_loop3A_1318 {strides = array<i32>} : memref<2x512xf32, #tpu.memory_space<vmem>>, vector<16xf32>,
        %parallel_loop3A_1329 = arith.mulf %parallel_loop3A_1029, %parallel_loop3A_884 : vector<32xbf16>
        %parallel_loop3A_1330 = arith.mulf %parallel_loop3A_1018, %parallel_loop3A_885 : vector<32xbf16>
        %parallel_loop3A_1331 = arith.addf %parallel_loop3A_1329, %parallel_loop3A_1330 : vector<32xbf16>
        %parallel_loop3A_1332 = arith.mulf %parallel_loop3A_996, %parallel_loop3A_886 : vector<32xbf16>
        %parallel_loop3A_1333 = arith.addf %parallel_loop3A_1331, %parallel_loop3A_1332 : vector<32xbf16>
        %parallel_loop3A_1334 = tpu.unpack_subelements %parallel_loop3A_1333, 0 {pack_format = #tpu.pack_format<interleaved>} : vector<32xbf16> -> vector<16xf32>
        %parallel_loop3A_1335 = tpu.unpack_subelements %parallel_loop3A_1333, 1 {pack_format = #tpu.pack_format<interleaved>} : vector<32xbf16> -> vector<16xf32>
        %parallel_loop3A_1336 = arith.constant 1 : i32
        %parallel_loop3A_1337 = arith.index_cast %parallel_loop3A_1336 : i32 to index
        %parallel_loop3A_1338 = arith.index_cast %parallel_loop3A_883 : i32 to index
        %parallel_loop3A_1339 = tpu.vector_load %arg66[%parallel_loop3A_1337, %parallel_loop3A_1338] {strides = array<i32>} : memref<2x512xf32, #tpu.memory_space<vmem>>, vector<16xf32>,
        tpu.vector_store %arg66[%parallel_loop3A_1337, %parallel_loop3A_1338], %parallel_loop3A_1334 {strides = array<i32>} : memref<2x512xf32, #tpu.memory_space<vmem>>, vector<16xf32>,
        %parallel_loop3A_1340 = arith.constant 16 : i32
        %parallel_loop3A_1341 = arith.addi %parallel_loop3A_883, %parallel_loop3A_1340 : i32
        %parallel_loop3A_1342 = arith.constant 1 : i32
        %parallel_loop3A_1343 = arith.index_cast %parallel_loop3A_1342 : i32 to index
        %parallel_loop3A_1344 = arith.index_cast %parallel_loop3A_1341 : i32 to index
        %parallel_loop3A_1345 = tpu.vector_load %arg66[%parallel_loop3A_1343, %parallel_loop3A_1344] {strides = array<i32>} : memref<2x512xf32, #tpu.memory_space<vmem>>, vector<16xf32>,
        tpu.vector_store %arg66[%parallel_loop3A_1343, %parallel_loop3A_1344], %parallel_loop3A_1335 {strides = array<i32>} : memref<2x512xf32, #tpu.memory_space<vmem>>, vector<16xf32>,
        %parallel_loop3A_1346 = arith.mulf %parallel_loop3A_1040, %parallel_loop3A_884 : vector<32xbf16>
        %parallel_loop3A_1347 = arith.mulf %parallel_loop3A_1029, %parallel_loop3A_885 : vector<32xbf16>
        %parallel_loop3A_1348 = arith.addf %parallel_loop3A_1346, %parallel_loop3A_1347 : vector<32xbf16>
        %parallel_loop3A_1349 = arith.mulf %parallel_loop3A_1007, %parallel_loop3A_886 : vector<32xbf16>
        %parallel_loop3A_1350 = arith.addf %parallel_loop3A_1348, %parallel_loop3A_1349 : vector<32xbf16>
        %parallel_loop3A_1351 = tpu.unpack_subelements %parallel_loop3A_1350, 0 {pack_format = #tpu.pack_format<interleaved>} : vector<32xbf16> -> vector<16xf32>
        %parallel_loop3A_1352 = tpu.unpack_subelements %parallel_loop3A_1350, 1 {pack_format = #tpu.pack_format<interleaved>} : vector<32xbf16> -> vector<16xf32>
        %parallel_loop3A_1353 = arith.constant 1 : i32
        %parallel_loop3A_1354 = arith.index_cast %parallel_loop3A_1353 : i32 to index
        %parallel_loop3A_1355 = arith.index_cast %parallel_loop3A_883 : i32 to index
        %parallel_loop3A_1356 = tpu.vector_load %arg67[%parallel_loop3A_1354, %parallel_loop3A_1355] {strides = array<i32>} : memref<2x512xf32, #tpu.memory_space<vmem>>, vector<16xf32>,
        tpu.vector_store %arg67[%parallel_loop3A_1354, %parallel_loop3A_1355], %parallel_loop3A_1351 {strides = array<i32>} : memref<2x512xf32, #tpu.memory_space<vmem>>, vector<16xf32>,
        %parallel_loop3A_1357 = arith.constant 16 : i32
        %parallel_loop3A_1358 = arith.addi %parallel_loop3A_883, %parallel_loop3A_1357 : i32
        %parallel_loop3A_1359 = arith.constant 1 : i32
        %parallel_loop3A_1360 = arith.index_cast %parallel_loop3A_1359 : i32 to index
        %parallel_loop3A_1361 = arith.index_cast %parallel_loop3A_1358 : i32 to index
        %parallel_loop3A_1362 = tpu.vector_load %arg67[%parallel_loop3A_1360, %parallel_loop3A_1361] {strides = array<i32>} : memref<2x512xf32, #tpu.memory_space<vmem>>, vector<16xf32>,
        tpu.vector_store %arg67[%parallel_loop3A_1360, %parallel_loop3A_1361], %parallel_loop3A_1352 {strides = array<i32>} : memref<2x512xf32, #tpu.memory_space<vmem>>, vector<16xf32>,
      } {sc.loop_unroll_factor = 1 : i64, sc.parallel_access}
      %mul3A_540 = arith.constant 2 : i32
      %mul3A_541 = arith.muli %mul3A_367, %mul3A_540 : i32
      %add3A_542 = arith.addi %mul3A_2, %mul3A_541 : i32
      %dma_start3A_543 = arith.constant 0 : i32
      %dma_start3A_544 = arith.constant 0 : i32
      %dma_start3A_545 = tpu.memref_slice %arg19[%dma_start3A_543, %add3A_542, %dma_start3A_544] : memref<16x8192x512xf32, #tpu.memory_space<hbm>> -> memref<1x2x512xf32, #tpu.memory_space<hbm>>
      %dma_start3A_546 = tpu.memref_squeeze %dma_start3A_545 : memref<1x2x512xf32, #tpu.memory_space<hbm>> -> memref<2x512xf32, #tpu.memory_space<hbm>>
      %dma_start3A_547 = arith.constant 0 : i32
      %dma_start3A_548 = tpu.memref_slice %arg19[%dma_start3A_543, %add3A_542, %dma_start3A_547] : memref<16x8192x512xf32, #tpu.memory_space<hbm>> -> memref<1x2x512xf32, #tpu.memory_space<hbm>>
      %dma_start3A_549 = tpu.memref_squeeze %dma_start3A_548 : memref<1x2x512xf32, #tpu.memory_space<hbm>> -> memref<2x512xf32, #tpu.memory_space<hbm>>
      tpu.enqueue_dma source(%arg52 : memref<2x512xf32, #tpu.memory_space<vmem>>) target(%dma_start3A_549 : memref<2x512xf32, #tpu.memory_space<hbm>>) target_semaphore(%arg87 : memref<!tpu.dma_semaphore, #tpu.memory_space<semaphore_mem>>)
      %dma_start3A_550 = arith.constant 1 : i32
      %dma_start3A_551 = arith.constant 0 : i32
      %dma_start3A_552 = tpu.memref_slice %arg19[%dma_start3A_550, %add3A_542, %dma_start3A_551] : memref<16x8192x512xf32, #tpu.memory_space<hbm>> -> memref<1x2x512xf32, #tpu.memory_space<hbm>>
      %dma_start3A_553 = tpu.memref_squeeze %dma_start3A_552 : memref<1x2x512xf32, #tpu.memory_space<hbm>> -> memref<2x512xf32, #tpu.memory_space<hbm>>
      %dma_start3A_554 = arith.constant 0 : i32
      %dma_start3A_555 = tpu.memref_slice %arg19[%dma_start3A_550, %add3A_542, %dma_start3A_554] : memref<16x8192x512xf32, #tpu.memory_space<hbm>> -> memref<1x2x512xf32, #tpu.memory_space<hbm>>
      %dma_start3A_556 = tpu.memref_squeeze %dma_start3A_555 : memref<1x2x512xf32, #tpu.memory_space<hbm>> -> memref<2x512xf32, #tpu.memory_space<hbm>>
      tpu.enqueue_dma source(%arg53 : memref<2x512xf32, #tpu.memory_space<vmem>>) target(%dma_start3A_556 : memref<2x512xf32, #tpu.memory_space<hbm>>) target_semaphore(%arg87 : memref<!tpu.dma_semaphore, #tpu.memory_space<semaphore_mem>>)
      %dma_start3A_557 = arith.constant 2 : i32
      %dma_start3A_558 = arith.constant 0 : i32
      %dma_start3A_559 = tpu.memref_slice %arg19[%dma_start3A_557, %add3A_542, %dma_start3A_558] : memref<16x8192x512xf32, #tpu.memory_space<hbm>> -> memref<1x2x512xf32, #tpu.memory_space<hbm>>
      %dma_start3A_560 = tpu.memref_squeeze %dma_start3A_559 : memref<1x2x512xf32, #tpu.memory_space<hbm>> -> memref<2x512xf32, #tpu.memory_space<hbm>>
      %dma_start3A_561 = arith.constant 0 : i32
      %dma_start3A_562 = tpu.memref_slice %arg19[%dma_start3A_557, %add3A_542, %dma_start3A_561] : memref<16x8192x512xf32, #tpu.memory_space<hbm>> -> memref<1x2x512xf32, #tpu.memory_space<hbm>>
      %dma_start3A_563 = tpu.memref_squeeze %dma_start3A_562 : memref<1x2x512xf32, #tpu.memory_space<hbm>> -> memref<2x512xf32, #tpu.memory_space<hbm>>
      tpu.enqueue_dma source(%arg54 : memref<2x512xf32, #tpu.memory_space<vmem>>) target(%dma_start3A_563 : memref<2x512xf32, #tpu.memory_space<hbm>>) target_semaphore(%arg87 : memref<!tpu.dma_semaphore, #tpu.memory_space<semaphore_mem>>)
      %dma_start3A_564 = arith.constant 3 : i32
      %dma_start3A_565 = arith.constant 0 : i32
      %dma_start3A_566 = tpu.memref_slice %arg19[%dma_start3A_564, %add3A_542, %dma_start3A_565] : memref<16x8192x512xf32, #tpu.memory_space<hbm>> -> memref<1x2x512xf32, #tpu.memory_space<hbm>>
      %dma_start3A_567 = tpu.memref_squeeze %dma_start3A_566 : memref<1x2x512xf32, #tpu.memory_space<hbm>> -> memref<2x512xf32, #tpu.memory_space<hbm>>
      %dma_start3A_568 = arith.constant 0 : i32
      %dma_start3A_569 = tpu.memref_slice %arg19[%dma_start3A_564, %add3A_542, %dma_start3A_568] : memref<16x8192x512xf32, #tpu.memory_space<hbm>> -> memref<1x2x512xf32, #tpu.memory_space<hbm>>
      %dma_start3A_570 = tpu.memref_squeeze %dma_start3A_569 : memref<1x2x512xf32, #tpu.memory_space<hbm>> -> memref<2x512xf32, #tpu.memory_space<hbm>>
      tpu.enqueue_dma source(%arg55 : memref<2x512xf32, #tpu.memory_space<vmem>>) target(%dma_start3A_570 : memref<2x512xf32, #tpu.memory_space<hbm>>) target_semaphore(%arg87 : memref<!tpu.dma_semaphore, #tpu.memory_space<semaphore_mem>>)
      %dma_start3A_571 = arith.constant 4 : i32
      %dma_start3A_572 = arith.constant 0 : i32
      %dma_start3A_573 = tpu.memref_slice %arg19[%dma_start3A_571, %add3A_542, %dma_start3A_572] : memref<16x8192x512xf32, #tpu.memory_space<hbm>> -> memref<1x2x512xf32, #tpu.memory_space<hbm>>
      %dma_start3A_574 = tpu.memref_squeeze %dma_start3A_573 : memref<1x2x512xf32, #tpu.memory_space<hbm>> -> memref<2x512xf32, #tpu.memory_space<hbm>>
      %dma_start3A_575 = arith.constant 0 : i32
      %dma_start3A_576 = tpu.memref_slice %arg19[%dma_start3A_571, %add3A_542, %dma_start3A_575] : memref<16x8192x512xf32, #tpu.memory_space<hbm>> -> memref<1x2x512xf32, #tpu.memory_space<hbm>>
      %dma_start3A_577 = tpu.memref_squeeze %dma_start3A_576 : memref<1x2x512xf32, #tpu.memory_space<hbm>> -> memref<2x512xf32, #tpu.memory_space<hbm>>
      tpu.enqueue_dma source(%arg56 : memref<2x512xf32, #tpu.memory_space<vmem>>) target(%dma_start3A_577 : memref<2x512xf32, #tpu.memory_space<hbm>>) target_semaphore(%arg87 : memref<!tpu.dma_semaphore, #tpu.memory_space<semaphore_mem>>)
      %dma_start3A_578 = arith.constant 5 : i32
      %dma_start3A_579 = arith.constant 0 : i32
      %dma_start3A_580 = tpu.memref_slice %arg19[%dma_start3A_578, %add3A_542, %dma_start3A_579] : memref<16x8192x512xf32, #tpu.memory_space<hbm>> -> memref<1x2x512xf32, #tpu.memory_space<hbm>>
      %dma_start3A_581 = tpu.memref_squeeze %dma_start3A_580 : memref<1x2x512xf32, #tpu.memory_space<hbm>> -> memref<2x512xf32, #tpu.memory_space<hbm>>
      %dma_start3A_582 = arith.constant 0 : i32
      %dma_start3A_583 = tpu.memref_slice %arg19[%dma_start3A_578, %add3A_542, %dma_start3A_582] : memref<16x8192x512xf32, #tpu.memory_space<hbm>> -> memref<1x2x512xf32, #tpu.memory_space<hbm>>
      %dma_start3A_584 = tpu.memref_squeeze %dma_start3A_583 : memref<1x2x512xf32, #tpu.memory_space<hbm>> -> memref<2x512xf32, #tpu.memory_space<hbm>>
      tpu.enqueue_dma source(%arg57 : memref<2x512xf32, #tpu.memory_space<vmem>>) target(%dma_start3A_584 : memref<2x512xf32, #tpu.memory_space<hbm>>) target_semaphore(%arg87 : memref<!tpu.dma_semaphore, #tpu.memory_space<semaphore_mem>>)
      %dma_start3A_585 = arith.constant 6 : i32
      %dma_start3A_586 = arith.constant 0 : i32
      %dma_start3A_587 = tpu.memref_slice %arg19[%dma_start3A_585, %add3A_542, %dma_start3A_586] : memref<16x8192x512xf32, #tpu.memory_space<hbm>> -> memref<1x2x512xf32, #tpu.memory_space<hbm>>
      %dma_start3A_588 = tpu.memref_squeeze %dma_start3A_587 : memref<1x2x512xf32, #tpu.memory_space<hbm>> -> memref<2x512xf32, #tpu.memory_space<hbm>>
      %dma_start3A_589 = arith.constant 0 : i32
      %dma_start3A_590 = tpu.memref_slice %arg19[%dma_start3A_585, %add3A_542, %dma_start3A_589] : memref<16x8192x512xf32, #tpu.memory_space<hbm>> -> memref<1x2x512xf32, #tpu.memory_space<hbm>>
      %dma_start3A_591 = tpu.memref_squeeze %dma_start3A_590 : memref<1x2x512xf32, #tpu.memory_space<hbm>> -> memref<2x512xf32, #tpu.memory_space<hbm>>
      tpu.enqueue_dma source(%arg58 : memref<2x512xf32, #tpu.memory_space<vmem>>) target(%dma_start3A_591 : memref<2x512xf32, #tpu.memory_space<hbm>>) target_semaphore(%arg87 : memref<!tpu.dma_semaphore, #tpu.memory_space<semaphore_mem>>)
      %dma_start3A_592 = arith.constant 7 : i32
      %dma_start3A_593 = arith.constant 0 : i32
      %dma_start3A_594 = tpu.memref_slice %arg19[%dma_start3A_592, %add3A_542, %dma_start3A_593] : memref<16x8192x512xf32, #tpu.memory_space<hbm>> -> memref<1x2x512xf32, #tpu.memory_space<hbm>>
      %dma_start3A_595 = tpu.memref_squeeze %dma_start3A_594 : memref<1x2x512xf32, #tpu.memory_space<hbm>> -> memref<2x512xf32, #tpu.memory_space<hbm>>
      %dma_start3A_596 = arith.constant 0 : i32
      %dma_start3A_597 = tpu.memref_slice %arg19[%dma_start3A_592, %add3A_542, %dma_start3A_596] : memref<16x8192x512xf32, #tpu.memory_space<hbm>> -> memref<1x2x512xf32, #tpu.memory_space<hbm>>
      %dma_start3A_598 = tpu.memref_squeeze %dma_start3A_597 : memref<1x2x512xf32, #tpu.memory_space<hbm>> -> memref<2x512xf32, #tpu.memory_space<hbm>>
      tpu.enqueue_dma source(%arg59 : memref<2x512xf32, #tpu.memory_space<vmem>>) target(%dma_start3A_598 : memref<2x512xf32, #tpu.memory_space<hbm>>) target_semaphore(%arg87 : memref<!tpu.dma_semaphore, #tpu.memory_space<semaphore_mem>>)
      %dma_start3A_599 = arith.constant 8 : i32
      %dma_start3A_600 = arith.constant 0 : i32
      %dma_start3A_601 = tpu.memref_slice %arg19[%dma_start3A_599, %add3A_542, %dma_start3A_600] : memref<16x8192x512xf32, #tpu.memory_space<hbm>> -> memref<1x2x512xf32, #tpu.memory_space<hbm>>
      %dma_start3A_602 = tpu.memref_squeeze %dma_start3A_601 : memref<1x2x512xf32, #tpu.memory_space<hbm>> -> memref<2x512xf32, #tpu.memory_space<hbm>>
      %dma_start3A_603 = arith.constant 0 : i32
      %dma_start3A_604 = tpu.memref_slice %arg19[%dma_start3A_599, %add3A_542, %dma_start3A_603] : memref<16x8192x512xf32, #tpu.memory_space<hbm>> -> memref<1x2x512xf32, #tpu.memory_space<hbm>>
      %dma_start3A_605 = tpu.memref_squeeze %dma_start3A_604 : memref<1x2x512xf32, #tpu.memory_space<hbm>> -> memref<2x512xf32, #tpu.memory_space<hbm>>
      tpu.enqueue_dma source(%arg60 : memref<2x512xf32, #tpu.memory_space<vmem>>) target(%dma_start3A_605 : memref<2x512xf32, #tpu.memory_space<hbm>>) target_semaphore(%arg87 : memref<!tpu.dma_semaphore, #tpu.memory_space<semaphore_mem>>)
      %dma_start3A_606 = arith.constant 9 : i32
      %dma_start3A_607 = arith.constant 0 : i32
      %dma_start3A_608 = tpu.memref_slice %arg19[%dma_start3A_606, %add3A_542, %dma_start3A_607] : memref<16x8192x512xf32, #tpu.memory_space<hbm>> -> memref<1x2x512xf32, #tpu.memory_space<hbm>>
      %dma_start3A_609 = tpu.memref_squeeze %dma_start3A_608 : memref<1x2x512xf32, #tpu.memory_space<hbm>> -> memref<2x512xf32, #tpu.memory_space<hbm>>
      %dma_start3A_610 = arith.constant 0 : i32
      %dma_start3A_611 = tpu.memref_slice %arg19[%dma_start3A_606, %add3A_542, %dma_start3A_610] : memref<16x8192x512xf32, #tpu.memory_space<hbm>> -> memref<1x2x512xf32, #tpu.memory_space<hbm>>
      %dma_start3A_612 = tpu.memref_squeeze %dma_start3A_611 : memref<1x2x512xf32, #tpu.memory_space<hbm>> -> memref<2x512xf32, #tpu.memory_space<hbm>>
      tpu.enqueue_dma source(%arg61 : memref<2x512xf32, #tpu.memory_space<vmem>>) target(%dma_start3A_612 : memref<2x512xf32, #tpu.memory_space<hbm>>) target_semaphore(%arg87 : memref<!tpu.dma_semaphore, #tpu.memory_space<semaphore_mem>>)
      %dma_start3A_613 = arith.constant 10 : i32
      %dma_start3A_614 = arith.constant 0 : i32
      %dma_start3A_615 = tpu.memref_slice %arg19[%dma_start3A_613, %add3A_542, %dma_start3A_614] : memref<16x8192x512xf32, #tpu.memory_space<hbm>> -> memref<1x2x512xf32, #tpu.memory_space<hbm>>
      %dma_start3A_616 = tpu.memref_squeeze %dma_start3A_615 : memref<1x2x512xf32, #tpu.memory_space<hbm>> -> memref<2x512xf32, #tpu.memory_space<hbm>>
      %dma_start3A_617 = arith.constant 0 : i32
      %dma_start3A_618 = tpu.memref_slice %arg19[%dma_start3A_613, %add3A_542, %dma_start3A_617] : memref<16x8192x512xf32, #tpu.memory_space<hbm>> -> memref<1x2x512xf32, #tpu.memory_space<hbm>>
      %dma_start3A_619 = tpu.memref_squeeze %dma_start3A_618 : memref<1x2x512xf32, #tpu.memory_space<hbm>> -> memref<2x512xf32, #tpu.memory_space<hbm>>
      tpu.enqueue_dma source(%arg62 : memref<2x512xf32, #tpu.memory_space<vmem>>) target(%dma_start3A_619 : memref<2x512xf32, #tpu.memory_space<hbm>>) target_semaphore(%arg87 : memref<!tpu.dma_semaphore, #tpu.memory_space<semaphore_mem>>)
      %dma_start3A_620 = arith.constant 11 : i32
      %dma_start3A_621 = arith.constant 0 : i32
      %dma_start3A_622 = tpu.memref_slice %arg19[%dma_start3A_620, %add3A_542, %dma_start3A_621] : memref<16x8192x512xf32, #tpu.memory_space<hbm>> -> memref<1x2x512xf32, #tpu.memory_space<hbm>>
      %dma_start3A_623 = tpu.memref_squeeze %dma_start3A_622 : memref<1x2x512xf32, #tpu.memory_space<hbm>> -> memref<2x512xf32, #tpu.memory_space<hbm>>
      %dma_start3A_624 = arith.constant 0 : i32
      %dma_start3A_625 = tpu.memref_slice %arg19[%dma_start3A_620, %add3A_542, %dma_start3A_624] : memref<16x8192x512xf32, #tpu.memory_space<hbm>> -> memref<1x2x512xf32, #tpu.memory_space<hbm>>
      %dma_start3A_626 = tpu.memref_squeeze %dma_start3A_625 : memref<1x2x512xf32, #tpu.memory_space<hbm>> -> memref<2x512xf32, #tpu.memory_space<hbm>>
      tpu.enqueue_dma source(%arg63 : memref<2x512xf32, #tpu.memory_space<vmem>>) target(%dma_start3A_626 : memref<2x512xf32, #tpu.memory_space<hbm>>) target_semaphore(%arg87 : memref<!tpu.dma_semaphore, #tpu.memory_space<semaphore_mem>>)
      %dma_start3A_627 = arith.constant 12 : i32
      %dma_start3A_628 = arith.constant 0 : i32
      %dma_start3A_629 = tpu.memref_slice %arg19[%dma_start3A_627, %add3A_542, %dma_start3A_628] : memref<16x8192x512xf32, #tpu.memory_space<hbm>> -> memref<1x2x512xf32, #tpu.memory_space<hbm>>
      %dma_start3A_630 = tpu.memref_squeeze %dma_start3A_629 : memref<1x2x512xf32, #tpu.memory_space<hbm>> -> memref<2x512xf32, #tpu.memory_space<hbm>>
      %dma_start3A_631 = arith.constant 0 : i32
      %dma_start3A_632 = tpu.memref_slice %arg19[%dma_start3A_627, %add3A_542, %dma_start3A_631] : memref<16x8192x512xf32, #tpu.memory_space<hbm>> -> memref<1x2x512xf32, #tpu.memory_space<hbm>>
      %dma_start3A_633 = tpu.memref_squeeze %dma_start3A_632 : memref<1x2x512xf32, #tpu.memory_space<hbm>> -> memref<2x512xf32, #tpu.memory_space<hbm>>
      tpu.enqueue_dma source(%arg64 : memref<2x512xf32, #tpu.memory_space<vmem>>) target(%dma_start3A_633 : memref<2x512xf32, #tpu.memory_space<hbm>>) target_semaphore(%arg87 : memref<!tpu.dma_semaphore, #tpu.memory_space<semaphore_mem>>)
      %dma_start3A_634 = arith.constant 13 : i32
      %dma_start3A_635 = arith.constant 0 : i32
      %dma_start3A_636 = tpu.memref_slice %arg19[%dma_start3A_634, %add3A_542, %dma_start3A_635] : memref<16x8192x512xf32, #tpu.memory_space<hbm>> -> memref<1x2x512xf32, #tpu.memory_space<hbm>>
      %dma_start3A_637 = tpu.memref_squeeze %dma_start3A_636 : memref<1x2x512xf32, #tpu.memory_space<hbm>> -> memref<2x512xf32, #tpu.memory_space<hbm>>
      %dma_start3A_638 = arith.constant 0 : i32
      %dma_start3A_639 = tpu.memref_slice %arg19[%dma_start3A_634, %add3A_542, %dma_start3A_638] : memref<16x8192x512xf32, #tpu.memory_space<hbm>> -> memref<1x2x512xf32, #tpu.memory_space<hbm>>
      %dma_start3A_640 = tpu.memref_squeeze %dma_start3A_639 : memref<1x2x512xf32, #tpu.memory_space<hbm>> -> memref<2x512xf32, #tpu.memory_space<hbm>>
      tpu.enqueue_dma source(%arg65 : memref<2x512xf32, #tpu.memory_space<vmem>>) target(%dma_start3A_640 : memref<2x512xf32, #tpu.memory_space<hbm>>) target_semaphore(%arg87 : memref<!tpu.dma_semaphore, #tpu.memory_space<semaphore_mem>>)
      %dma_start3A_641 = arith.constant 14 : i32
      %dma_start3A_642 = arith.constant 0 : i32
      %dma_start3A_643 = tpu.memref_slice %arg19[%dma_start3A_641, %add3A_542, %dma_start3A_642] : memref<16x8192x512xf32, #tpu.memory_space<hbm>> -> memref<1x2x512xf32, #tpu.memory_space<hbm>>
      %dma_start3A_644 = tpu.memref_squeeze %dma_start3A_643 : memref<1x2x512xf32, #tpu.memory_space<hbm>> -> memref<2x512xf32, #tpu.memory_space<hbm>>
      %dma_start3A_645 = arith.constant 0 : i32
      %dma_start3A_646 = tpu.memref_slice %arg19[%dma_start3A_641, %add3A_542, %dma_start3A_645] : memref<16x8192x512xf32, #tpu.memory_space<hbm>> -> memref<1x2x512xf32, #tpu.memory_space<hbm>>
      %dma_start3A_647 = tpu.memref_squeeze %dma_start3A_646 : memref<1x2x512xf32, #tpu.memory_space<hbm>> -> memref<2x512xf32, #tpu.memory_space<hbm>>
      tpu.enqueue_dma source(%arg66 : memref<2x512xf32, #tpu.memory_space<vmem>>) target(%dma_start3A_647 : memref<2x512xf32, #tpu.memory_space<hbm>>) target_semaphore(%arg87 : memref<!tpu.dma_semaphore, #tpu.memory_space<semaphore_mem>>)
      %dma_start3A_648 = arith.constant 15 : i32
      %dma_start3A_649 = arith.constant 0 : i32
      %dma_start3A_650 = tpu.memref_slice %arg19[%dma_start3A_648, %add3A_542, %dma_start3A_649] : memref<16x8192x512xf32, #tpu.memory_space<hbm>> -> memref<1x2x512xf32, #tpu.memory_space<hbm>>
      %dma_start3A_651 = tpu.memref_squeeze %dma_start3A_650 : memref<1x2x512xf32, #tpu.memory_space<hbm>> -> memref<2x512xf32, #tpu.memory_space<hbm>>
      %dma_start3A_652 = arith.constant 0 : i32
      %dma_start3A_653 = tpu.memref_slice %arg19[%dma_start3A_648, %add3A_542, %dma_start3A_652] : memref<16x8192x512xf32, #tpu.memory_space<hbm>> -> memref<1x2x512xf32, #tpu.memory_space<hbm>>
      %dma_start3A_654 = tpu.memref_squeeze %dma_start3A_653 : memref<1x2x512xf32, #tpu.memory_space<hbm>> -> memref<2x512xf32, #tpu.memory_space<hbm>>
      tpu.enqueue_dma source(%arg67 : memref<2x512xf32, #tpu.memory_space<vmem>>) target(%dma_start3A_654 : memref<2x512xf32, #tpu.memory_space<hbm>>) target_semaphore(%arg87 : memref<!tpu.dma_semaphore, #tpu.memory_space<semaphore_mem>>)
      %lt3A = arith.constant 63 : i32
      %lt3A_655 = arith.cmpi slt, %scan3A_365, %lt3A : i32
      %convert_element_type3A_656 = arith.extui %lt3A_655 : i1 to i32
      %cond3A_657 = arith.constant 0 : i32
      %cond3A_658 = arith.cmpi ne, %convert_element_type3A_656, %cond3A_657 : i32
      scf.if %cond3A_658 {
        %add3A_883 = arith.constant 2 : i32
        %add3A_884 = arith.addi %mul3A_367, %add3A_883 : i32
        %mul3A_885 = arith.constant 2 : i32
        %mul3A_886 = arith.muli %add3A_884, %mul3A_885 : i32
        %add3A_887 = arith.addi %mul3A_2, %mul3A_886 : i32
        %dma_start3A_888 = arith.constant 0 : i32
        %dma_start3A_889 = tpu.memref_slice %arg2[%add3A_887, %dma_start3A_888] : memref<8192x512xf32, #tpu.memory_space<hbm>> -> memref<2x512xf32, #tpu.memory_space<hbm>>
        %dma_start3A_890 = arith.constant 0 : i32
        %dma_start3A_891 = tpu.memref_slice %arg2[%add3A_887, %dma_start3A_890] : memref<8192x512xf32, #tpu.memory_space<hbm>> -> memref<2x512xf32, #tpu.memory_space<hbm>>
        tpu.enqueue_dma source(%dma_start3A_891 : memref<2x512xf32, #tpu.memory_space<hbm>>) target(%arg20 : memref<2x512xf32, #tpu.memory_space<vmem>>) target_semaphore(%arg85 : memref<!tpu.dma_semaphore, #tpu.memory_space<semaphore_mem>>)
        %dma_start3A_892 = arith.constant 0 : i32
        %dma_start3A_893 = tpu.memref_slice %arg3[%add3A_887, %dma_start3A_892] : memref<8192x512xf32, #tpu.memory_space<hbm>> -> memref<2x512xf32, #tpu.memory_space<hbm>>
        %dma_start3A_894 = arith.constant 0 : i32
        %dma_start3A_895 = tpu.memref_slice %arg3[%add3A_887, %dma_start3A_894] : memref<8192x512xf32, #tpu.memory_space<hbm>> -> memref<2x512xf32, #tpu.memory_space<hbm>>
        tpu.enqueue_dma source(%dma_start3A_895 : memref<2x512xf32, #tpu.memory_space<hbm>>) target(%arg21 : memref<2x512xf32, #tpu.memory_space<vmem>>) target_semaphore(%arg85 : memref<!tpu.dma_semaphore, #tpu.memory_space<semaphore_mem>>)
        %dma_start3A_896 = arith.constant 0 : i32
        %dma_start3A_897 = tpu.memref_slice %arg4[%add3A_887, %dma_start3A_896] : memref<8192x512xf32, #tpu.memory_space<hbm>> -> memref<2x512xf32, #tpu.memory_space<hbm>>
        %dma_start3A_898 = arith.constant 0 : i32
        %dma_start3A_899 = tpu.memref_slice %arg4[%add3A_887, %dma_start3A_898] : memref<8192x512xf32, #tpu.memory_space<hbm>> -> memref<2x512xf32, #tpu.memory_space<hbm>>
        tpu.enqueue_dma source(%dma_start3A_899 : memref<2x512xf32, #tpu.memory_space<hbm>>) target(%arg22 : memref<2x512xf32, #tpu.memory_space<vmem>>) target_semaphore(%arg85 : memref<!tpu.dma_semaphore, #tpu.memory_space<semaphore_mem>>)
        %dma_start3A_900 = arith.constant 0 : i32
        %dma_start3A_901 = tpu.memref_slice %arg5[%add3A_887, %dma_start3A_900] : memref<8192x512xf32, #tpu.memory_space<hbm>> -> memref<2x512xf32, #tpu.memory_space<hbm>>
        %dma_start3A_902 = arith.constant 0 : i32
        %dma_start3A_903 = tpu.memref_slice %arg5[%add3A_887, %dma_start3A_902] : memref<8192x512xf32, #tpu.memory_space<hbm>> -> memref<2x512xf32, #tpu.memory_space<hbm>>
        tpu.enqueue_dma source(%dma_start3A_903 : memref<2x512xf32, #tpu.memory_space<hbm>>) target(%arg23 : memref<2x512xf32, #tpu.memory_space<vmem>>) target_semaphore(%arg85 : memref<!tpu.dma_semaphore, #tpu.memory_space<semaphore_mem>>)
        %dma_start3A_904 = arith.constant 0 : i32
        %dma_start3A_905 = tpu.memref_slice %arg6[%add3A_887, %dma_start3A_904] : memref<8192x512xf32, #tpu.memory_space<hbm>> -> memref<2x512xf32, #tpu.memory_space<hbm>>
        %dma_start3A_906 = arith.constant 0 : i32
        %dma_start3A_907 = tpu.memref_slice %arg6[%add3A_887, %dma_start3A_906] : memref<8192x512xf32, #tpu.memory_space<hbm>> -> memref<2x512xf32, #tpu.memory_space<hbm>>
        tpu.enqueue_dma source(%dma_start3A_907 : memref<2x512xf32, #tpu.memory_space<hbm>>) target(%arg24 : memref<2x512xf32, #tpu.memory_space<vmem>>) target_semaphore(%arg85 : memref<!tpu.dma_semaphore, #tpu.memory_space<semaphore_mem>>)
        %dma_start3A_908 = arith.constant 0 : i32
        %dma_start3A_909 = tpu.memref_slice %arg7[%add3A_887, %dma_start3A_908] : memref<8192x512xf32, #tpu.memory_space<hbm>> -> memref<2x512xf32, #tpu.memory_space<hbm>>
        %dma_start3A_910 = arith.constant 0 : i32
        %dma_start3A_911 = tpu.memref_slice %arg7[%add3A_887, %dma_start3A_910] : memref<8192x512xf32, #tpu.memory_space<hbm>> -> memref<2x512xf32, #tpu.memory_space<hbm>>
        tpu.enqueue_dma source(%dma_start3A_911 : memref<2x512xf32, #tpu.memory_space<hbm>>) target(%arg25 : memref<2x512xf32, #tpu.memory_space<vmem>>) target_semaphore(%arg85 : memref<!tpu.dma_semaphore, #tpu.memory_space<semaphore_mem>>)
        %dma_start3A_912 = arith.constant 0 : i32
        %dma_start3A_913 = tpu.memref_slice %arg8[%add3A_887, %dma_start3A_912] : memref<8192x512xf32, #tpu.memory_space<hbm>> -> memref<2x512xf32, #tpu.memory_space<hbm>>
        %dma_start3A_914 = arith.constant 0 : i32
        %dma_start3A_915 = tpu.memref_slice %arg8[%add3A_887, %dma_start3A_914] : memref<8192x512xf32, #tpu.memory_space<hbm>> -> memref<2x512xf32, #tpu.memory_space<hbm>>
        tpu.enqueue_dma source(%dma_start3A_915 : memref<2x512xf32, #tpu.memory_space<hbm>>) target(%arg26 : memref<2x512xf32, #tpu.memory_space<vmem>>) target_semaphore(%arg85 : memref<!tpu.dma_semaphore, #tpu.memory_space<semaphore_mem>>)
        %dma_start3A_916 = arith.constant 0 : i32
        %dma_start3A_917 = tpu.memref_slice %arg9[%add3A_887, %dma_start3A_916] : memref<8192x512xf32, #tpu.memory_space<hbm>> -> memref<2x512xf32, #tpu.memory_space<hbm>>
        %dma_start3A_918 = arith.constant 0 : i32
        %dma_start3A_919 = tpu.memref_slice %arg9[%add3A_887, %dma_start3A_918] : memref<8192x512xf32, #tpu.memory_space<hbm>> -> memref<2x512xf32, #tpu.memory_space<hbm>>
        tpu.enqueue_dma source(%dma_start3A_919 : memref<2x512xf32, #tpu.memory_space<hbm>>) target(%arg27 : memref<2x512xf32, #tpu.memory_space<vmem>>) target_semaphore(%arg85 : memref<!tpu.dma_semaphore, #tpu.memory_space<semaphore_mem>>)
        %dma_start3A_920 = arith.constant 0 : i32
        %dma_start3A_921 = tpu.memref_slice %arg10[%add3A_887, %dma_start3A_920] : memref<8192x512xf32, #tpu.memory_space<hbm>> -> memref<2x512xf32, #tpu.memory_space<hbm>>
        %dma_start3A_922 = arith.constant 0 : i32
        %dma_start3A_923 = tpu.memref_slice %arg10[%add3A_887, %dma_start3A_922] : memref<8192x512xf32, #tpu.memory_space<hbm>> -> memref<2x512xf32, #tpu.memory_space<hbm>>
        tpu.enqueue_dma source(%dma_start3A_923 : memref<2x512xf32, #tpu.memory_space<hbm>>) target(%arg28 : memref<2x512xf32, #tpu.memory_space<vmem>>) target_semaphore(%arg85 : memref<!tpu.dma_semaphore, #tpu.memory_space<semaphore_mem>>)
        %dma_start3A_924 = arith.constant 0 : i32
        %dma_start3A_925 = tpu.memref_slice %arg11[%add3A_887, %dma_start3A_924] : memref<8192x512xf32, #tpu.memory_space<hbm>> -> memref<2x512xf32, #tpu.memory_space<hbm>>
        %dma_start3A_926 = arith.constant 0 : i32
        %dma_start3A_927 = tpu.memref_slice %arg11[%add3A_887, %dma_start3A_926] : memref<8192x512xf32, #tpu.memory_space<hbm>> -> memref<2x512xf32, #tpu.memory_space<hbm>>
        tpu.enqueue_dma source(%dma_start3A_927 : memref<2x512xf32, #tpu.memory_space<hbm>>) target(%arg29 : memref<2x512xf32, #tpu.memory_space<vmem>>) target_semaphore(%arg85 : memref<!tpu.dma_semaphore, #tpu.memory_space<semaphore_mem>>)
        %dma_start3A_928 = arith.constant 0 : i32
        %dma_start3A_929 = tpu.memref_slice %arg12[%add3A_887, %dma_start3A_928] : memref<8192x512xf32, #tpu.memory_space<hbm>> -> memref<2x512xf32, #tpu.memory_space<hbm>>
        %dma_start3A_930 = arith.constant 0 : i32
        %dma_start3A_931 = tpu.memref_slice %arg12[%add3A_887, %dma_start3A_930] : memref<8192x512xf32, #tpu.memory_space<hbm>> -> memref<2x512xf32, #tpu.memory_space<hbm>>
        tpu.enqueue_dma source(%dma_start3A_931 : memref<2x512xf32, #tpu.memory_space<hbm>>) target(%arg30 : memref<2x512xf32, #tpu.memory_space<vmem>>) target_semaphore(%arg85 : memref<!tpu.dma_semaphore, #tpu.memory_space<semaphore_mem>>)
        %dma_start3A_932 = arith.constant 0 : i32
        %dma_start3A_933 = tpu.memref_slice %arg13[%add3A_887, %dma_start3A_932] : memref<8192x512xf32, #tpu.memory_space<hbm>> -> memref<2x512xf32, #tpu.memory_space<hbm>>
        %dma_start3A_934 = arith.constant 0 : i32
        %dma_start3A_935 = tpu.memref_slice %arg13[%add3A_887, %dma_start3A_934] : memref<8192x512xf32, #tpu.memory_space<hbm>> -> memref<2x512xf32, #tpu.memory_space<hbm>>
        tpu.enqueue_dma source(%dma_start3A_935 : memref<2x512xf32, #tpu.memory_space<hbm>>) target(%arg31 : memref<2x512xf32, #tpu.memory_space<vmem>>) target_semaphore(%arg85 : memref<!tpu.dma_semaphore, #tpu.memory_space<semaphore_mem>>)
        %dma_start3A_936 = arith.constant 0 : i32
        %dma_start3A_937 = tpu.memref_slice %arg14[%add3A_887, %dma_start3A_936] : memref<8192x512xf32, #tpu.memory_space<hbm>> -> memref<2x512xf32, #tpu.memory_space<hbm>>
        %dma_start3A_938 = arith.constant 0 : i32
        %dma_start3A_939 = tpu.memref_slice %arg14[%add3A_887, %dma_start3A_938] : memref<8192x512xf32, #tpu.memory_space<hbm>> -> memref<2x512xf32, #tpu.memory_space<hbm>>
        tpu.enqueue_dma source(%dma_start3A_939 : memref<2x512xf32, #tpu.memory_space<hbm>>) target(%arg32 : memref<2x512xf32, #tpu.memory_space<vmem>>) target_semaphore(%arg85 : memref<!tpu.dma_semaphore, #tpu.memory_space<semaphore_mem>>)
        %dma_start3A_940 = arith.constant 0 : i32
        %dma_start3A_941 = tpu.memref_slice %arg15[%add3A_887, %dma_start3A_940] : memref<8192x512xf32, #tpu.memory_space<hbm>> -> memref<2x512xf32, #tpu.memory_space<hbm>>
        %dma_start3A_942 = arith.constant 0 : i32
        %dma_start3A_943 = tpu.memref_slice %arg15[%add3A_887, %dma_start3A_942] : memref<8192x512xf32, #tpu.memory_space<hbm>> -> memref<2x512xf32, #tpu.memory_space<hbm>>
        tpu.enqueue_dma source(%dma_start3A_943 : memref<2x512xf32, #tpu.memory_space<hbm>>) target(%arg33 : memref<2x512xf32, #tpu.memory_space<vmem>>) target_semaphore(%arg85 : memref<!tpu.dma_semaphore, #tpu.memory_space<semaphore_mem>>)
        %dma_start3A_944 = arith.constant 0 : i32
        %dma_start3A_945 = tpu.memref_slice %arg16[%add3A_887, %dma_start3A_944] : memref<8192x512xf32, #tpu.memory_space<hbm>> -> memref<2x512xf32, #tpu.memory_space<hbm>>
        %dma_start3A_946 = arith.constant 0 : i32
        %dma_start3A_947 = tpu.memref_slice %arg16[%add3A_887, %dma_start3A_946] : memref<8192x512xf32, #tpu.memory_space<hbm>> -> memref<2x512xf32, #tpu.memory_space<hbm>>
        tpu.enqueue_dma source(%dma_start3A_947 : memref<2x512xf32, #tpu.memory_space<hbm>>) target(%arg34 : memref<2x512xf32, #tpu.memory_space<vmem>>) target_semaphore(%arg85 : memref<!tpu.dma_semaphore, #tpu.memory_space<semaphore_mem>>)
        %dma_start3A_948 = arith.constant 0 : i32
        %dma_start3A_949 = tpu.memref_slice %arg17[%add3A_887, %dma_start3A_948] : memref<8192x512xf32, #tpu.memory_space<hbm>> -> memref<2x512xf32, #tpu.memory_space<hbm>>
        %dma_start3A_950 = arith.constant 0 : i32
        %dma_start3A_951 = tpu.memref_slice %arg17[%add3A_887, %dma_start3A_950] : memref<8192x512xf32, #tpu.memory_space<hbm>> -> memref<2x512xf32, #tpu.memory_space<hbm>>
        tpu.enqueue_dma source(%dma_start3A_951 : memref<2x512xf32, #tpu.memory_space<hbm>>) target(%arg35 : memref<2x512xf32, #tpu.memory_space<vmem>>) target_semaphore(%arg85 : memref<!tpu.dma_semaphore, #tpu.memory_space<semaphore_mem>>)
      } else {
      }
      %dma_wait3A_659 = arith.constant 0 : i32
      %dma_wait3A_660 = arith.constant 0 : i32
      %dma_wait3A_661 = tpu.memref_slice %arg2[%dma_wait3A_659, %dma_wait3A_660] : memref<8192x512xf32, #tpu.memory_space<hbm>> -> memref<2x512xf32, #tpu.memory_space<hbm>>
      %dma_wait3A_662 = arith.constant 0 : i32
      %dma_wait3A_663 = arith.constant 0 : i32
      %dma_wait3A_664 = tpu.memref_slice %arg2[%dma_wait3A_662, %dma_wait3A_663] : memref<8192x512xf32, #tpu.memory_space<hbm>> -> memref<2x512xf32, #tpu.memory_space<hbm>>
      tpu.wait_dma2 semaphore(%arg86 : memref<!tpu.dma_semaphore, #tpu.memory_space<semaphore_mem>>) src(%dma_wait3A_664 : memref<2x512xf32, #tpu.memory_space<hbm>>) dst(%arg36 : memref<2x512xf32, #tpu.memory_space<vmem>>)
      %dma_wait3A_665 = arith.constant 0 : i32
      %dma_wait3A_666 = arith.constant 0 : i32
      %dma_wait3A_667 = tpu.memref_slice %arg3[%dma_wait3A_665, %dma_wait3A_666] : memref<8192x512xf32, #tpu.memory_space<hbm>> -> memref<2x512xf32, #tpu.memory_space<hbm>>
      %dma_wait3A_668 = arith.constant 0 : i32
      %dma_wait3A_669 = arith.constant 0 : i32
      %dma_wait3A_670 = tpu.memref_slice %arg3[%dma_wait3A_668, %dma_wait3A_669] : memref<8192x512xf32, #tpu.memory_space<hbm>> -> memref<2x512xf32, #tpu.memory_space<hbm>>
      tpu.wait_dma2 semaphore(%arg86 : memref<!tpu.dma_semaphore, #tpu.memory_space<semaphore_mem>>) src(%dma_wait3A_670 : memref<2x512xf32, #tpu.memory_space<hbm>>) dst(%arg37 : memref<2x512xf32, #tpu.memory_space<vmem>>)
      %dma_wait3A_671 = arith.constant 0 : i32
      %dma_wait3A_672 = arith.constant 0 : i32
      %dma_wait3A_673 = tpu.memref_slice %arg4[%dma_wait3A_671, %dma_wait3A_672] : memref<8192x512xf32, #tpu.memory_space<hbm>> -> memref<2x512xf32, #tpu.memory_space<hbm>>
      %dma_wait3A_674 = arith.constant 0 : i32
      %dma_wait3A_675 = arith.constant 0 : i32
      %dma_wait3A_676 = tpu.memref_slice %arg4[%dma_wait3A_674, %dma_wait3A_675] : memref<8192x512xf32, #tpu.memory_space<hbm>> -> memref<2x512xf32, #tpu.memory_space<hbm>>
      tpu.wait_dma2 semaphore(%arg86 : memref<!tpu.dma_semaphore, #tpu.memory_space<semaphore_mem>>) src(%dma_wait3A_676 : memref<2x512xf32, #tpu.memory_space<hbm>>) dst(%arg38 : memref<2x512xf32, #tpu.memory_space<vmem>>)
      %dma_wait3A_677 = arith.constant 0 : i32
      %dma_wait3A_678 = arith.constant 0 : i32
      %dma_wait3A_679 = tpu.memref_slice %arg5[%dma_wait3A_677, %dma_wait3A_678] : memref<8192x512xf32, #tpu.memory_space<hbm>> -> memref<2x512xf32, #tpu.memory_space<hbm>>
      %dma_wait3A_680 = arith.constant 0 : i32
      %dma_wait3A_681 = arith.constant 0 : i32
      %dma_wait3A_682 = tpu.memref_slice %arg5[%dma_wait3A_680, %dma_wait3A_681] : memref<8192x512xf32, #tpu.memory_space<hbm>> -> memref<2x512xf32, #tpu.memory_space<hbm>>
      tpu.wait_dma2 semaphore(%arg86 : memref<!tpu.dma_semaphore, #tpu.memory_space<semaphore_mem>>) src(%dma_wait3A_682 : memref<2x512xf32, #tpu.memory_space<hbm>>) dst(%arg39 : memref<2x512xf32, #tpu.memory_space<vmem>>)
      %dma_wait3A_683 = arith.constant 0 : i32
      %dma_wait3A_684 = arith.constant 0 : i32
      %dma_wait3A_685 = tpu.memref_slice %arg6[%dma_wait3A_683, %dma_wait3A_684] : memref<8192x512xf32, #tpu.memory_space<hbm>> -> memref<2x512xf32, #tpu.memory_space<hbm>>
      %dma_wait3A_686 = arith.constant 0 : i32
      %dma_wait3A_687 = arith.constant 0 : i32
      %dma_wait3A_688 = tpu.memref_slice %arg6[%dma_wait3A_686, %dma_wait3A_687] : memref<8192x512xf32, #tpu.memory_space<hbm>> -> memref<2x512xf32, #tpu.memory_space<hbm>>
      tpu.wait_dma2 semaphore(%arg86 : memref<!tpu.dma_semaphore, #tpu.memory_space<semaphore_mem>>) src(%dma_wait3A_688 : memref<2x512xf32, #tpu.memory_space<hbm>>) dst(%arg40 : memref<2x512xf32, #tpu.memory_space<vmem>>)
      %dma_wait3A_689 = arith.constant 0 : i32
      %dma_wait3A_690 = arith.constant 0 : i32
      %dma_wait3A_691 = tpu.memref_slice %arg7[%dma_wait3A_689, %dma_wait3A_690] : memref<8192x512xf32, #tpu.memory_space<hbm>> -> memref<2x512xf32, #tpu.memory_space<hbm>>
      %dma_wait3A_692 = arith.constant 0 : i32
      %dma_wait3A_693 = arith.constant 0 : i32
      %dma_wait3A_694 = tpu.memref_slice %arg7[%dma_wait3A_692, %dma_wait3A_693] : memref<8192x512xf32, #tpu.memory_space<hbm>> -> memref<2x512xf32, #tpu.memory_space<hbm>>
      tpu.wait_dma2 semaphore(%arg86 : memref<!tpu.dma_semaphore, #tpu.memory_space<semaphore_mem>>) src(%dma_wait3A_694 : memref<2x512xf32, #tpu.memory_space<hbm>>) dst(%arg41 : memref<2x512xf32, #tpu.memory_space<vmem>>)
      %dma_wait3A_695 = arith.constant 0 : i32
      %dma_wait3A_696 = arith.constant 0 : i32
      %dma_wait3A_697 = tpu.memref_slice %arg8[%dma_wait3A_695, %dma_wait3A_696] : memref<8192x512xf32, #tpu.memory_space<hbm>> -> memref<2x512xf32, #tpu.memory_space<hbm>>
      %dma_wait3A_698 = arith.constant 0 : i32
      %dma_wait3A_699 = arith.constant 0 : i32
      %dma_wait3A_700 = tpu.memref_slice %arg8[%dma_wait3A_698, %dma_wait3A_699] : memref<8192x512xf32, #tpu.memory_space<hbm>> -> memref<2x512xf32, #tpu.memory_space<hbm>>
      tpu.wait_dma2 semaphore(%arg86 : memref<!tpu.dma_semaphore, #tpu.memory_space<semaphore_mem>>) src(%dma_wait3A_700 : memref<2x512xf32, #tpu.memory_space<hbm>>) dst(%arg42 : memref<2x512xf32, #tpu.memory_space<vmem>>)
      %dma_wait3A_701 = arith.constant 0 : i32
      %dma_wait3A_702 = arith.constant 0 : i32
      %dma_wait3A_703 = tpu.memref_slice %arg9[%dma_wait3A_701, %dma_wait3A_702] : memref<8192x512xf32, #tpu.memory_space<hbm>> -> memref<2x512xf32, #tpu.memory_space<hbm>>
      %dma_wait3A_704 = arith.constant 0 : i32
      %dma_wait3A_705 = arith.constant 0 : i32
      %dma_wait3A_706 = tpu.memref_slice %arg9[%dma_wait3A_704, %dma_wait3A_705] : memref<8192x512xf32, #tpu.memory_space<hbm>> -> memref<2x512xf32, #tpu.memory_space<hbm>>
      tpu.wait_dma2 semaphore(%arg86 : memref<!tpu.dma_semaphore, #tpu.memory_space<semaphore_mem>>) src(%dma_wait3A_706 : memref<2x512xf32, #tpu.memory_space<hbm>>) dst(%arg43 : memref<2x512xf32, #tpu.memory_space<vmem>>)
      %dma_wait3A_707 = arith.constant 0 : i32
      %dma_wait3A_708 = arith.constant 0 : i32
      %dma_wait3A_709 = tpu.memref_slice %arg10[%dma_wait3A_707, %dma_wait3A_708] : memref<8192x512xf32, #tpu.memory_space<hbm>> -> memref<2x512xf32, #tpu.memory_space<hbm>>
      %dma_wait3A_710 = arith.constant 0 : i32
      %dma_wait3A_711 = arith.constant 0 : i32
      %dma_wait3A_712 = tpu.memref_slice %arg10[%dma_wait3A_710, %dma_wait3A_711] : memref<8192x512xf32, #tpu.memory_space<hbm>> -> memref<2x512xf32, #tpu.memory_space<hbm>>
      tpu.wait_dma2 semaphore(%arg86 : memref<!tpu.dma_semaphore, #tpu.memory_space<semaphore_mem>>) src(%dma_wait3A_712 : memref<2x512xf32, #tpu.memory_space<hbm>>) dst(%arg44 : memref<2x512xf32, #tpu.memory_space<vmem>>)
      %dma_wait3A_713 = arith.constant 0 : i32
      %dma_wait3A_714 = arith.constant 0 : i32
      %dma_wait3A_715 = tpu.memref_slice %arg11[%dma_wait3A_713, %dma_wait3A_714] : memref<8192x512xf32, #tpu.memory_space<hbm>> -> memref<2x512xf32, #tpu.memory_space<hbm>>
      %dma_wait3A_716 = arith.constant 0 : i32
      %dma_wait3A_717 = arith.constant 0 : i32
      %dma_wait3A_718 = tpu.memref_slice %arg11[%dma_wait3A_716, %dma_wait3A_717] : memref<8192x512xf32, #tpu.memory_space<hbm>> -> memref<2x512xf32, #tpu.memory_space<hbm>>
      tpu.wait_dma2 semaphore(%arg86 : memref<!tpu.dma_semaphore, #tpu.memory_space<semaphore_mem>>) src(%dma_wait3A_718 : memref<2x512xf32, #tpu.memory_space<hbm>>) dst(%arg45 : memref<2x512xf32, #tpu.memory_space<vmem>>)
      %dma_wait3A_719 = arith.constant 0 : i32
      %dma_wait3A_720 = arith.constant 0 : i32
      %dma_wait3A_721 = tpu.memref_slice %arg12[%dma_wait3A_719, %dma_wait3A_720] : memref<8192x512xf32, #tpu.memory_space<hbm>> -> memref<2x512xf32, #tpu.memory_space<hbm>>
      %dma_wait3A_722 = arith.constant 0 : i32
      %dma_wait3A_723 = arith.constant 0 : i32
      %dma_wait3A_724 = tpu.memref_slice %arg12[%dma_wait3A_722, %dma_wait3A_723] : memref<8192x512xf32, #tpu.memory_space<hbm>> -> memref<2x512xf32, #tpu.memory_space<hbm>>
      tpu.wait_dma2 semaphore(%arg86 : memref<!tpu.dma_semaphore, #tpu.memory_space<semaphore_mem>>) src(%dma_wait3A_724 : memref<2x512xf32, #tpu.memory_space<hbm>>) dst(%arg46 : memref<2x512xf32, #tpu.memory_space<vmem>>)
      %dma_wait3A_725 = arith.constant 0 : i32
      %dma_wait3A_726 = arith.constant 0 : i32
      %dma_wait3A_727 = tpu.memref_slice %arg13[%dma_wait3A_725, %dma_wait3A_726] : memref<8192x512xf32, #tpu.memory_space<hbm>> -> memref<2x512xf32, #tpu.memory_space<hbm>>
      %dma_wait3A_728 = arith.constant 0 : i32
      %dma_wait3A_729 = arith.constant 0 : i32
      %dma_wait3A_730 = tpu.memref_slice %arg13[%dma_wait3A_728, %dma_wait3A_729] : memref<8192x512xf32, #tpu.memory_space<hbm>> -> memref<2x512xf32, #tpu.memory_space<hbm>>
      tpu.wait_dma2 semaphore(%arg86 : memref<!tpu.dma_semaphore, #tpu.memory_space<semaphore_mem>>) src(%dma_wait3A_730 : memref<2x512xf32, #tpu.memory_space<hbm>>) dst(%arg47 : memref<2x512xf32, #tpu.memory_space<vmem>>)
      %dma_wait3A_731 = arith.constant 0 : i32
      %dma_wait3A_732 = arith.constant 0 : i32
      %dma_wait3A_733 = tpu.memref_slice %arg14[%dma_wait3A_731, %dma_wait3A_732] : memref<8192x512xf32, #tpu.memory_space<hbm>> -> memref<2x512xf32, #tpu.memory_space<hbm>>
      %dma_wait3A_734 = arith.constant 0 : i32
      %dma_wait3A_735 = arith.constant 0 : i32
      %dma_wait3A_736 = tpu.memref_slice %arg14[%dma_wait3A_734, %dma_wait3A_735] : memref<8192x512xf32, #tpu.memory_space<hbm>> -> memref<2x512xf32, #tpu.memory_space<hbm>>
      tpu.wait_dma2 semaphore(%arg86 : memref<!tpu.dma_semaphore, #tpu.memory_space<semaphore_mem>>) src(%dma_wait3A_736 : memref<2x512xf32, #tpu.memory_space<hbm>>) dst(%arg48 : memref<2x512xf32, #tpu.memory_space<vmem>>)
      %dma_wait3A_737 = arith.constant 0 : i32
      %dma_wait3A_738 = arith.constant 0 : i32
      %dma_wait3A_739 = tpu.memref_slice %arg15[%dma_wait3A_737, %dma_wait3A_738] : memref<8192x512xf32, #tpu.memory_space<hbm>> -> memref<2x512xf32, #tpu.memory_space<hbm>>
      %dma_wait3A_740 = arith.constant 0 : i32
      %dma_wait3A_741 = arith.constant 0 : i32
      %dma_wait3A_742 = tpu.memref_slice %arg15[%dma_wait3A_740, %dma_wait3A_741] : memref<8192x512xf32, #tpu.memory_space<hbm>> -> memref<2x512xf32, #tpu.memory_space<hbm>>
      tpu.wait_dma2 semaphore(%arg86 : memref<!tpu.dma_semaphore, #tpu.memory_space<semaphore_mem>>) src(%dma_wait3A_742 : memref<2x512xf32, #tpu.memory_space<hbm>>) dst(%arg49 : memref<2x512xf32, #tpu.memory_space<vmem>>)
      %dma_wait3A_743 = arith.constant 0 : i32
      %dma_wait3A_744 = arith.constant 0 : i32
      %dma_wait3A_745 = tpu.memref_slice %arg16[%dma_wait3A_743, %dma_wait3A_744] : memref<8192x512xf32, #tpu.memory_space<hbm>> -> memref<2x512xf32, #tpu.memory_space<hbm>>
      %dma_wait3A_746 = arith.constant 0 : i32
      %dma_wait3A_747 = arith.constant 0 : i32
      %dma_wait3A_748 = tpu.memref_slice %arg16[%dma_wait3A_746, %dma_wait3A_747] : memref<8192x512xf32, #tpu.memory_space<hbm>> -> memref<2x512xf32, #tpu.memory_space<hbm>>
      tpu.wait_dma2 semaphore(%arg86 : memref<!tpu.dma_semaphore, #tpu.memory_space<semaphore_mem>>) src(%dma_wait3A_748 : memref<2x512xf32, #tpu.memory_space<hbm>>) dst(%arg50 : memref<2x512xf32, #tpu.memory_space<vmem>>)
      %dma_wait3A_749 = arith.constant 0 : i32
      %dma_wait3A_750 = arith.constant 0 : i32
      %dma_wait3A_751 = tpu.memref_slice %arg17[%dma_wait3A_749, %dma_wait3A_750] : memref<8192x512xf32, #tpu.memory_space<hbm>> -> memref<2x512xf32, #tpu.memory_space<hbm>>
      %dma_wait3A_752 = arith.constant 0 : i32
      %dma_wait3A_753 = arith.constant 0 : i32
      %dma_wait3A_754 = tpu.memref_slice %arg17[%dma_wait3A_752, %dma_wait3A_753] : memref<8192x512xf32, #tpu.memory_space<hbm>> -> memref<2x512xf32, #tpu.memory_space<hbm>>
      tpu.wait_dma2 semaphore(%arg86 : memref<!tpu.dma_semaphore, #tpu.memory_space<semaphore_mem>>) src(%dma_wait3A_754 : memref<2x512xf32, #tpu.memory_space<hbm>>) dst(%arg51 : memref<2x512xf32, #tpu.memory_space<vmem>>)
      %gt3A_755 = arith.constant 0 : i32
      %gt3A_756 = arith.cmpi sgt, %scan3A_365, %gt3A_755 : i32
      %convert_element_type3A_757 = arith.extui %gt3A_756 : i1 to i32
      %cond3A_758 = arith.constant 0 : i32
      %cond3A_759 = arith.cmpi ne, %convert_element_type3A_757, %cond3A_758 : i32
      scf.if %cond3A_759 {
        %dma_wait3A_883 = arith.constant 0 : i32
        %dma_wait3A_884 = arith.constant 0 : i32
        %dma_wait3A_885 = arith.constant 0 : i32
        %dma_wait3A_886 = tpu.memref_slice %arg19[%dma_wait3A_883, %dma_wait3A_884, %dma_wait3A_885] : memref<16x8192x512xf32, #tpu.memory_space<hbm>> -> memref<1x2x512xf32, #tpu.memory_space<hbm>>
        %dma_wait3A_887 = tpu.memref_squeeze %dma_wait3A_886 : memref<1x2x512xf32, #tpu.memory_space<hbm>> -> memref<2x512xf32, #tpu.memory_space<hbm>>
        %dma_wait3A_888 = arith.constant 0 : i32
        %dma_wait3A_889 = arith.constant 0 : i32
        %dma_wait3A_890 = tpu.memref_slice %arg19[%dma_wait3A_883, %dma_wait3A_888, %dma_wait3A_889] : memref<16x8192x512xf32, #tpu.memory_space<hbm>> -> memref<1x2x512xf32, #tpu.memory_space<hbm>>
        %dma_wait3A_891 = tpu.memref_squeeze %dma_wait3A_890 : memref<1x2x512xf32, #tpu.memory_space<hbm>> -> memref<2x512xf32, #tpu.memory_space<hbm>>
        tpu.wait_dma2 semaphore(%arg88 : memref<!tpu.dma_semaphore, #tpu.memory_space<semaphore_mem>>) src(%arg68 : memref<2x512xf32, #tpu.memory_space<vmem>>) dst(%dma_wait3A_891 : memref<2x512xf32, #tpu.memory_space<hbm>>)
        %dma_wait3A_892 = arith.constant 1 : i32
        %dma_wait3A_893 = arith.constant 0 : i32
        %dma_wait3A_894 = arith.constant 0 : i32
        %dma_wait3A_895 = tpu.memref_slice %arg19[%dma_wait3A_892, %dma_wait3A_893, %dma_wait3A_894] : memref<16x8192x512xf32, #tpu.memory_space<hbm>> -> memref<1x2x512xf32, #tpu.memory_space<hbm>>
        %dma_wait3A_896 = tpu.memref_squeeze %dma_wait3A_895 : memref<1x2x512xf32, #tpu.memory_space<hbm>> -> memref<2x512xf32, #tpu.memory_space<hbm>>
        %dma_wait3A_897 = arith.constant 0 : i32
        %dma_wait3A_898 = arith.constant 0 : i32
        %dma_wait3A_899 = tpu.memref_slice %arg19[%dma_wait3A_892, %dma_wait3A_897, %dma_wait3A_898] : memref<16x8192x512xf32, #tpu.memory_space<hbm>> -> memref<1x2x512xf32, #tpu.memory_space<hbm>>
        %dma_wait3A_900 = tpu.memref_squeeze %dma_wait3A_899 : memref<1x2x512xf32, #tpu.memory_space<hbm>> -> memref<2x512xf32, #tpu.memory_space<hbm>>
        tpu.wait_dma2 semaphore(%arg88 : memref<!tpu.dma_semaphore, #tpu.memory_space<semaphore_mem>>) src(%arg69 : memref<2x512xf32, #tpu.memory_space<vmem>>) dst(%dma_wait3A_900 : memref<2x512xf32, #tpu.memory_space<hbm>>)
        %dma_wait3A_901 = arith.constant 2 : i32
        %dma_wait3A_902 = arith.constant 0 : i32
        %dma_wait3A_903 = arith.constant 0 : i32
        %dma_wait3A_904 = tpu.memref_slice %arg19[%dma_wait3A_901, %dma_wait3A_902, %dma_wait3A_903] : memref<16x8192x512xf32, #tpu.memory_space<hbm>> -> memref<1x2x512xf32, #tpu.memory_space<hbm>>
        %dma_wait3A_905 = tpu.memref_squeeze %dma_wait3A_904 : memref<1x2x512xf32, #tpu.memory_space<hbm>> -> memref<2x512xf32, #tpu.memory_space<hbm>>
        %dma_wait3A_906 = arith.constant 0 : i32
        %dma_wait3A_907 = arith.constant 0 : i32
        %dma_wait3A_908 = tpu.memref_slice %arg19[%dma_wait3A_901, %dma_wait3A_906, %dma_wait3A_907] : memref<16x8192x512xf32, #tpu.memory_space<hbm>> -> memref<1x2x512xf32, #tpu.memory_space<hbm>>
        %dma_wait3A_909 = tpu.memref_squeeze %dma_wait3A_908 : memref<1x2x512xf32, #tpu.memory_space<hbm>> -> memref<2x512xf32, #tpu.memory_space<hbm>>
        tpu.wait_dma2 semaphore(%arg88 : memref<!tpu.dma_semaphore, #tpu.memory_space<semaphore_mem>>) src(%arg70 : memref<2x512xf32, #tpu.memory_space<vmem>>) dst(%dma_wait3A_909 : memref<2x512xf32, #tpu.memory_space<hbm>>)
        %dma_wait3A_910 = arith.constant 3 : i32
        %dma_wait3A_911 = arith.constant 0 : i32
        %dma_wait3A_912 = arith.constant 0 : i32
        %dma_wait3A_913 = tpu.memref_slice %arg19[%dma_wait3A_910, %dma_wait3A_911, %dma_wait3A_912] : memref<16x8192x512xf32, #tpu.memory_space<hbm>> -> memref<1x2x512xf32, #tpu.memory_space<hbm>>
        %dma_wait3A_914 = tpu.memref_squeeze %dma_wait3A_913 : memref<1x2x512xf32, #tpu.memory_space<hbm>> -> memref<2x512xf32, #tpu.memory_space<hbm>>
        %dma_wait3A_915 = arith.constant 0 : i32
        %dma_wait3A_916 = arith.constant 0 : i32
        %dma_wait3A_917 = tpu.memref_slice %arg19[%dma_wait3A_910, %dma_wait3A_915, %dma_wait3A_916] : memref<16x8192x512xf32, #tpu.memory_space<hbm>> -> memref<1x2x512xf32, #tpu.memory_space<hbm>>
        %dma_wait3A_918 = tpu.memref_squeeze %dma_wait3A_917 : memref<1x2x512xf32, #tpu.memory_space<hbm>> -> memref<2x512xf32, #tpu.memory_space<hbm>>
        tpu.wait_dma2 semaphore(%arg88 : memref<!tpu.dma_semaphore, #tpu.memory_space<semaphore_mem>>) src(%arg71 : memref<2x512xf32, #tpu.memory_space<vmem>>) dst(%dma_wait3A_918 : memref<2x512xf32, #tpu.memory_space<hbm>>)
        %dma_wait3A_919 = arith.constant 4 : i32
        %dma_wait3A_920 = arith.constant 0 : i32
        %dma_wait3A_921 = arith.constant 0 : i32
        %dma_wait3A_922 = tpu.memref_slice %arg19[%dma_wait3A_919, %dma_wait3A_920, %dma_wait3A_921] : memref<16x8192x512xf32, #tpu.memory_space<hbm>> -> memref<1x2x512xf32, #tpu.memory_space<hbm>>
        %dma_wait3A_923 = tpu.memref_squeeze %dma_wait3A_922 : memref<1x2x512xf32, #tpu.memory_space<hbm>> -> memref<2x512xf32, #tpu.memory_space<hbm>>
        %dma_wait3A_924 = arith.constant 0 : i32
        %dma_wait3A_925 = arith.constant 0 : i32
        %dma_wait3A_926 = tpu.memref_slice %arg19[%dma_wait3A_919, %dma_wait3A_924, %dma_wait3A_925] : memref<16x8192x512xf32, #tpu.memory_space<hbm>> -> memref<1x2x512xf32, #tpu.memory_space<hbm>>
        %dma_wait3A_927 = tpu.memref_squeeze %dma_wait3A_926 : memref<1x2x512xf32, #tpu.memory_space<hbm>> -> memref<2x512xf32, #tpu.memory_space<hbm>>
        tpu.wait_dma2 semaphore(%arg88 : memref<!tpu.dma_semaphore, #tpu.memory_space<semaphore_mem>>) src(%arg72 : memref<2x512xf32, #tpu.memory_space<vmem>>) dst(%dma_wait3A_927 : memref<2x512xf32, #tpu.memory_space<hbm>>)
        %dma_wait3A_928 = arith.constant 5 : i32
        %dma_wait3A_929 = arith.constant 0 : i32
        %dma_wait3A_930 = arith.constant 0 : i32
        %dma_wait3A_931 = tpu.memref_slice %arg19[%dma_wait3A_928, %dma_wait3A_929, %dma_wait3A_930] : memref<16x8192x512xf32, #tpu.memory_space<hbm>> -> memref<1x2x512xf32, #tpu.memory_space<hbm>>
        %dma_wait3A_932 = tpu.memref_squeeze %dma_wait3A_931 : memref<1x2x512xf32, #tpu.memory_space<hbm>> -> memref<2x512xf32, #tpu.memory_space<hbm>>
        %dma_wait3A_933 = arith.constant 0 : i32
        %dma_wait3A_934 = arith.constant 0 : i32
        %dma_wait3A_935 = tpu.memref_slice %arg19[%dma_wait3A_928, %dma_wait3A_933, %dma_wait3A_934] : memref<16x8192x512xf32, #tpu.memory_space<hbm>> -> memref<1x2x512xf32, #tpu.memory_space<hbm>>
        %dma_wait3A_936 = tpu.memref_squeeze %dma_wait3A_935 : memref<1x2x512xf32, #tpu.memory_space<hbm>> -> memref<2x512xf32, #tpu.memory_space<hbm>>
        tpu.wait_dma2 semaphore(%arg88 : memref<!tpu.dma_semaphore, #tpu.memory_space<semaphore_mem>>) src(%arg73 : memref<2x512xf32, #tpu.memory_space<vmem>>) dst(%dma_wait3A_936 : memref<2x512xf32, #tpu.memory_space<hbm>>)
        %dma_wait3A_937 = arith.constant 6 : i32
        %dma_wait3A_938 = arith.constant 0 : i32
        %dma_wait3A_939 = arith.constant 0 : i32
        %dma_wait3A_940 = tpu.memref_slice %arg19[%dma_wait3A_937, %dma_wait3A_938, %dma_wait3A_939] : memref<16x8192x512xf32, #tpu.memory_space<hbm>> -> memref<1x2x512xf32, #tpu.memory_space<hbm>>
        %dma_wait3A_941 = tpu.memref_squeeze %dma_wait3A_940 : memref<1x2x512xf32, #tpu.memory_space<hbm>> -> memref<2x512xf32, #tpu.memory_space<hbm>>
        %dma_wait3A_942 = arith.constant 0 : i32
        %dma_wait3A_943 = arith.constant 0 : i32
        %dma_wait3A_944 = tpu.memref_slice %arg19[%dma_wait3A_937, %dma_wait3A_942, %dma_wait3A_943] : memref<16x8192x512xf32, #tpu.memory_space<hbm>> -> memref<1x2x512xf32, #tpu.memory_space<hbm>>
        %dma_wait3A_945 = tpu.memref_squeeze %dma_wait3A_944 : memref<1x2x512xf32, #tpu.memory_space<hbm>> -> memref<2x512xf32, #tpu.memory_space<hbm>>
        tpu.wait_dma2 semaphore(%arg88 : memref<!tpu.dma_semaphore, #tpu.memory_space<semaphore_mem>>) src(%arg74 : memref<2x512xf32, #tpu.memory_space<vmem>>) dst(%dma_wait3A_945 : memref<2x512xf32, #tpu.memory_space<hbm>>)
        %dma_wait3A_946 = arith.constant 7 : i32
        %dma_wait3A_947 = arith.constant 0 : i32
        %dma_wait3A_948 = arith.constant 0 : i32
        %dma_wait3A_949 = tpu.memref_slice %arg19[%dma_wait3A_946, %dma_wait3A_947, %dma_wait3A_948] : memref<16x8192x512xf32, #tpu.memory_space<hbm>> -> memref<1x2x512xf32, #tpu.memory_space<hbm>>
        %dma_wait3A_950 = tpu.memref_squeeze %dma_wait3A_949 : memref<1x2x512xf32, #tpu.memory_space<hbm>> -> memref<2x512xf32, #tpu.memory_space<hbm>>
        %dma_wait3A_951 = arith.constant 0 : i32
        %dma_wait3A_952 = arith.constant 0 : i32
        %dma_wait3A_953 = tpu.memref_slice %arg19[%dma_wait3A_946, %dma_wait3A_951, %dma_wait3A_952] : memref<16x8192x512xf32, #tpu.memory_space<hbm>> -> memref<1x2x512xf32, #tpu.memory_space<hbm>>
        %dma_wait3A_954 = tpu.memref_squeeze %dma_wait3A_953 : memref<1x2x512xf32, #tpu.memory_space<hbm>> -> memref<2x512xf32, #tpu.memory_space<hbm>>
        tpu.wait_dma2 semaphore(%arg88 : memref<!tpu.dma_semaphore, #tpu.memory_space<semaphore_mem>>) src(%arg75 : memref<2x512xf32, #tpu.memory_space<vmem>>) dst(%dma_wait3A_954 : memref<2x512xf32, #tpu.memory_space<hbm>>)
        %dma_wait3A_955 = arith.constant 8 : i32
        %dma_wait3A_956 = arith.constant 0 : i32
        %dma_wait3A_957 = arith.constant 0 : i32
        %dma_wait3A_958 = tpu.memref_slice %arg19[%dma_wait3A_955, %dma_wait3A_956, %dma_wait3A_957] : memref<16x8192x512xf32, #tpu.memory_space<hbm>> -> memref<1x2x512xf32, #tpu.memory_space<hbm>>
        %dma_wait3A_959 = tpu.memref_squeeze %dma_wait3A_958 : memref<1x2x512xf32, #tpu.memory_space<hbm>> -> memref<2x512xf32, #tpu.memory_space<hbm>>
        %dma_wait3A_960 = arith.constant 0 : i32
        %dma_wait3A_961 = arith.constant 0 : i32
        %dma_wait3A_962 = tpu.memref_slice %arg19[%dma_wait3A_955, %dma_wait3A_960, %dma_wait3A_961] : memref<16x8192x512xf32, #tpu.memory_space<hbm>> -> memref<1x2x512xf32, #tpu.memory_space<hbm>>
        %dma_wait3A_963 = tpu.memref_squeeze %dma_wait3A_962 : memref<1x2x512xf32, #tpu.memory_space<hbm>> -> memref<2x512xf32, #tpu.memory_space<hbm>>
        tpu.wait_dma2 semaphore(%arg88 : memref<!tpu.dma_semaphore, #tpu.memory_space<semaphore_mem>>) src(%arg76 : memref<2x512xf32, #tpu.memory_space<vmem>>) dst(%dma_wait3A_963 : memref<2x512xf32, #tpu.memory_space<hbm>>)
        %dma_wait3A_964 = arith.constant 9 : i32
        %dma_wait3A_965 = arith.constant 0 : i32
        %dma_wait3A_966 = arith.constant 0 : i32
        %dma_wait3A_967 = tpu.memref_slice %arg19[%dma_wait3A_964, %dma_wait3A_965, %dma_wait3A_966] : memref<16x8192x512xf32, #tpu.memory_space<hbm>> -> memref<1x2x512xf32, #tpu.memory_space<hbm>>
        %dma_wait3A_968 = tpu.memref_squeeze %dma_wait3A_967 : memref<1x2x512xf32, #tpu.memory_space<hbm>> -> memref<2x512xf32, #tpu.memory_space<hbm>>
        %dma_wait3A_969 = arith.constant 0 : i32
        %dma_wait3A_970 = arith.constant 0 : i32
        %dma_wait3A_971 = tpu.memref_slice %arg19[%dma_wait3A_964, %dma_wait3A_969, %dma_wait3A_970] : memref<16x8192x512xf32, #tpu.memory_space<hbm>> -> memref<1x2x512xf32, #tpu.memory_space<hbm>>
        %dma_wait3A_972 = tpu.memref_squeeze %dma_wait3A_971 : memref<1x2x512xf32, #tpu.memory_space<hbm>> -> memref<2x512xf32, #tpu.memory_space<hbm>>
        tpu.wait_dma2 semaphore(%arg88 : memref<!tpu.dma_semaphore, #tpu.memory_space<semaphore_mem>>) src(%arg77 : memref<2x512xf32, #tpu.memory_space<vmem>>) dst(%dma_wait3A_972 : memref<2x512xf32, #tpu.memory_space<hbm>>)
        %dma_wait3A_973 = arith.constant 10 : i32
        %dma_wait3A_974 = arith.constant 0 : i32
        %dma_wait3A_975 = arith.constant 0 : i32
        %dma_wait3A_976 = tpu.memref_slice %arg19[%dma_wait3A_973, %dma_wait3A_974, %dma_wait3A_975] : memref<16x8192x512xf32, #tpu.memory_space<hbm>> -> memref<1x2x512xf32, #tpu.memory_space<hbm>>
        %dma_wait3A_977 = tpu.memref_squeeze %dma_wait3A_976 : memref<1x2x512xf32, #tpu.memory_space<hbm>> -> memref<2x512xf32, #tpu.memory_space<hbm>>
        %dma_wait3A_978 = arith.constant 0 : i32
        %dma_wait3A_979 = arith.constant 0 : i32
        %dma_wait3A_980 = tpu.memref_slice %arg19[%dma_wait3A_973, %dma_wait3A_978, %dma_wait3A_979] : memref<16x8192x512xf32, #tpu.memory_space<hbm>> -> memref<1x2x512xf32, #tpu.memory_space<hbm>>
        %dma_wait3A_981 = tpu.memref_squeeze %dma_wait3A_980 : memref<1x2x512xf32, #tpu.memory_space<hbm>> -> memref<2x512xf32, #tpu.memory_space<hbm>>
        tpu.wait_dma2 semaphore(%arg88 : memref<!tpu.dma_semaphore, #tpu.memory_space<semaphore_mem>>) src(%arg78 : memref<2x512xf32, #tpu.memory_space<vmem>>) dst(%dma_wait3A_981 : memref<2x512xf32, #tpu.memory_space<hbm>>)
        %dma_wait3A_982 = arith.constant 11 : i32
        %dma_wait3A_983 = arith.constant 0 : i32
        %dma_wait3A_984 = arith.constant 0 : i32
        %dma_wait3A_985 = tpu.memref_slice %arg19[%dma_wait3A_982, %dma_wait3A_983, %dma_wait3A_984] : memref<16x8192x512xf32, #tpu.memory_space<hbm>> -> memref<1x2x512xf32, #tpu.memory_space<hbm>>
        %dma_wait3A_986 = tpu.memref_squeeze %dma_wait3A_985 : memref<1x2x512xf32, #tpu.memory_space<hbm>> -> memref<2x512xf32, #tpu.memory_space<hbm>>
        %dma_wait3A_987 = arith.constant 0 : i32
        %dma_wait3A_988 = arith.constant 0 : i32
        %dma_wait3A_989 = tpu.memref_slice %arg19[%dma_wait3A_982, %dma_wait3A_987, %dma_wait3A_988] : memref<16x8192x512xf32, #tpu.memory_space<hbm>> -> memref<1x2x512xf32, #tpu.memory_space<hbm>>
        %dma_wait3A_990 = tpu.memref_squeeze %dma_wait3A_989 : memref<1x2x512xf32, #tpu.memory_space<hbm>> -> memref<2x512xf32, #tpu.memory_space<hbm>>
        tpu.wait_dma2 semaphore(%arg88 : memref<!tpu.dma_semaphore, #tpu.memory_space<semaphore_mem>>) src(%arg79 : memref<2x512xf32, #tpu.memory_space<vmem>>) dst(%dma_wait3A_990 : memref<2x512xf32, #tpu.memory_space<hbm>>)
        %dma_wait3A_991 = arith.constant 12 : i32
        %dma_wait3A_992 = arith.constant 0 : i32
        %dma_wait3A_993 = arith.constant 0 : i32
        %dma_wait3A_994 = tpu.memref_slice %arg19[%dma_wait3A_991, %dma_wait3A_992, %dma_wait3A_993] : memref<16x8192x512xf32, #tpu.memory_space<hbm>> -> memref<1x2x512xf32, #tpu.memory_space<hbm>>
        %dma_wait3A_995 = tpu.memref_squeeze %dma_wait3A_994 : memref<1x2x512xf32, #tpu.memory_space<hbm>> -> memref<2x512xf32, #tpu.memory_space<hbm>>
        %dma_wait3A_996 = arith.constant 0 : i32
        %dma_wait3A_997 = arith.constant 0 : i32
        %dma_wait3A_998 = tpu.memref_slice %arg19[%dma_wait3A_991, %dma_wait3A_996, %dma_wait3A_997] : memref<16x8192x512xf32, #tpu.memory_space<hbm>> -> memref<1x2x512xf32, #tpu.memory_space<hbm>>
        %dma_wait3A_999 = tpu.memref_squeeze %dma_wait3A_998 : memref<1x2x512xf32, #tpu.memory_space<hbm>> -> memref<2x512xf32, #tpu.memory_space<hbm>>
        tpu.wait_dma2 semaphore(%arg88 : memref<!tpu.dma_semaphore, #tpu.memory_space<semaphore_mem>>) src(%arg80 : memref<2x512xf32, #tpu.memory_space<vmem>>) dst(%dma_wait3A_999 : memref<2x512xf32, #tpu.memory_space<hbm>>)
        %dma_wait3A_1000 = arith.constant 13 : i32
        %dma_wait3A_1001 = arith.constant 0 : i32
        %dma_wait3A_1002 = arith.constant 0 : i32
        %dma_wait3A_1003 = tpu.memref_slice %arg19[%dma_wait3A_1000, %dma_wait3A_1001, %dma_wait3A_1002] : memref<16x8192x512xf32, #tpu.memory_space<hbm>> -> memref<1x2x512xf32, #tpu.memory_space<hbm>>
        %dma_wait3A_1004 = tpu.memref_squeeze %dma_wait3A_1003 : memref<1x2x512xf32, #tpu.memory_space<hbm>> -> memref<2x512xf32, #tpu.memory_space<hbm>>
        %dma_wait3A_1005 = arith.constant 0 : i32
        %dma_wait3A_1006 = arith.constant 0 : i32
        %dma_wait3A_1007 = tpu.memref_slice %arg19[%dma_wait3A_1000, %dma_wait3A_1005, %dma_wait3A_1006] : memref<16x8192x512xf32, #tpu.memory_space<hbm>> -> memref<1x2x512xf32, #tpu.memory_space<hbm>>
        %dma_wait3A_1008 = tpu.memref_squeeze %dma_wait3A_1007 : memref<1x2x512xf32, #tpu.memory_space<hbm>> -> memref<2x512xf32, #tpu.memory_space<hbm>>
        tpu.wait_dma2 semaphore(%arg88 : memref<!tpu.dma_semaphore, #tpu.memory_space<semaphore_mem>>) src(%arg81 : memref<2x512xf32, #tpu.memory_space<vmem>>) dst(%dma_wait3A_1008 : memref<2x512xf32, #tpu.memory_space<hbm>>)
        %dma_wait3A_1009 = arith.constant 14 : i32
        %dma_wait3A_1010 = arith.constant 0 : i32
        %dma_wait3A_1011 = arith.constant 0 : i32
        %dma_wait3A_1012 = tpu.memref_slice %arg19[%dma_wait3A_1009, %dma_wait3A_1010, %dma_wait3A_1011] : memref<16x8192x512xf32, #tpu.memory_space<hbm>> -> memref<1x2x512xf32, #tpu.memory_space<hbm>>
        %dma_wait3A_1013 = tpu.memref_squeeze %dma_wait3A_1012 : memref<1x2x512xf32, #tpu.memory_space<hbm>> -> memref<2x512xf32, #tpu.memory_space<hbm>>
        %dma_wait3A_1014 = arith.constant 0 : i32
        %dma_wait3A_1015 = arith.constant 0 : i32
        %dma_wait3A_1016 = tpu.memref_slice %arg19[%dma_wait3A_1009, %dma_wait3A_1014, %dma_wait3A_1015] : memref<16x8192x512xf32, #tpu.memory_space<hbm>> -> memref<1x2x512xf32, #tpu.memory_space<hbm>>
        %dma_wait3A_1017 = tpu.memref_squeeze %dma_wait3A_1016 : memref<1x2x512xf32, #tpu.memory_space<hbm>> -> memref<2x512xf32, #tpu.memory_space<hbm>>
        tpu.wait_dma2 semaphore(%arg88 : memref<!tpu.dma_semaphore, #tpu.memory_space<semaphore_mem>>) src(%arg82 : memref<2x512xf32, #tpu.memory_space<vmem>>) dst(%dma_wait3A_1017 : memref<2x512xf32, #tpu.memory_space<hbm>>)
        %dma_wait3A_1018 = arith.constant 15 : i32
        %dma_wait3A_1019 = arith.constant 0 : i32
        %dma_wait3A_1020 = arith.constant 0 : i32
        %dma_wait3A_1021 = tpu.memref_slice %arg19[%dma_wait3A_1018, %dma_wait3A_1019, %dma_wait3A_1020] : memref<16x8192x512xf32, #tpu.memory_space<hbm>> -> memref<1x2x512xf32, #tpu.memory_space<hbm>>
        %dma_wait3A_1022 = tpu.memref_squeeze %dma_wait3A_1021 : memref<1x2x512xf32, #tpu.memory_space<hbm>> -> memref<2x512xf32, #tpu.memory_space<hbm>>
        %dma_wait3A_1023 = arith.constant 0 : i32
        %dma_wait3A_1024 = arith.constant 0 : i32
        %dma_wait3A_1025 = tpu.memref_slice %arg19[%dma_wait3A_1018, %dma_wait3A_1023, %dma_wait3A_1024] : memref<16x8192x512xf32, #tpu.memory_space<hbm>> -> memref<1x2x512xf32, #tpu.memory_space<hbm>>
        %dma_wait3A_1026 = tpu.memref_squeeze %dma_wait3A_1025 : memref<1x2x512xf32, #tpu.memory_space<hbm>> -> memref<2x512xf32, #tpu.memory_space<hbm>>
        tpu.wait_dma2 semaphore(%arg88 : memref<!tpu.dma_semaphore, #tpu.memory_space<semaphore_mem>>) src(%arg83 : memref<2x512xf32, #tpu.memory_space<vmem>>) dst(%dma_wait3A_1026 : memref<2x512xf32, #tpu.memory_space<hbm>>)
      } else {
      }
      %parallel_loop3A_760 = arith.constant 0 : i32
      %parallel_loop3A_761 = arith.constant 512 : i32
      %parallel_loop3A_762 = arith.constant 32 : i32
      scf.for %parallel_loop3A_883 = %parallel_loop3A_760 to %parallel_loop3A_761 step %parallel_loop3A_762  : i32 {
        %parallel_loop3A_884 = tpu.pack_subelements %get3A_3, %get3A_3 {pack_format = #tpu.pack_format<interleaved>, positions = array<i32: 0, 1>} : vector<16xf32>, vector<16xf32> -> vector<32xbf16>
        %parallel_loop3A_885 = tpu.pack_subelements %get3A_5, %get3A_5 {pack_format = #tpu.pack_format<interleaved>, positions = array<i32: 0, 1>} : vector<16xf32>, vector<16xf32> -> vector<32xbf16>
        %parallel_loop3A_886 = tpu.pack_subelements %get3A_7, %get3A_7 {pack_format = #tpu.pack_format<interleaved>, positions = array<i32: 0, 1>} : vector<16xf32>, vector<16xf32> -> vector<32xbf16>
        %parallel_loop3A_887 = arith.constant 0 : i32
        %parallel_loop3A_888 = arith.index_cast %parallel_loop3A_887 : i32 to index
        %parallel_loop3A_889 = arith.index_cast %parallel_loop3A_883 : i32 to index
        %parallel_loop3A_890 = tpu.vector_load %arg36[%parallel_loop3A_888, %parallel_loop3A_889] {strides = array<i32>} : memref<2x512xf32, #tpu.memory_space<vmem>>, vector<16xf32>,
        %parallel_loop3A_891 = arith.constant 16 : i32
        %parallel_loop3A_892 = arith.addi %parallel_loop3A_883, %parallel_loop3A_891 : i32
        %parallel_loop3A_893 = arith.constant 0 : i32
        %parallel_loop3A_894 = arith.index_cast %parallel_loop3A_893 : i32 to index
        %parallel_loop3A_895 = arith.index_cast %parallel_loop3A_892 : i32 to index
        %parallel_loop3A_896 = tpu.vector_load %arg36[%parallel_loop3A_894, %parallel_loop3A_895] {strides = array<i32>} : memref<2x512xf32, #tpu.memory_space<vmem>>, vector<16xf32>,
        %parallel_loop3A_897 = tpu.pack_subelements %parallel_loop3A_890, %parallel_loop3A_896 {pack_format = #tpu.pack_format<interleaved>, positions = array<i32: 0, 1>} : vector<16xf32>, vector<16xf32> -> vector<32xbf16>
        %parallel_loop3A_898 = arith.constant 0 : i32
        %parallel_loop3A_899 = arith.index_cast %parallel_loop3A_898 : i32 to index
        %parallel_loop3A_900 = arith.index_cast %parallel_loop3A_883 : i32 to index
        %parallel_loop3A_901 = tpu.vector_load %arg37[%parallel_loop3A_899, %parallel_loop3A_900] {strides = array<i32>} : memref<2x512xf32, #tpu.memory_space<vmem>>, vector<16xf32>,
        %parallel_loop3A_902 = arith.constant 16 : i32
        %parallel_loop3A_903 = arith.addi %parallel_loop3A_883, %parallel_loop3A_902 : i32
        %parallel_loop3A_904 = arith.constant 0 : i32
        %parallel_loop3A_905 = arith.index_cast %parallel_loop3A_904 : i32 to index
        %parallel_loop3A_906 = arith.index_cast %parallel_loop3A_903 : i32 to index
        %parallel_loop3A_907 = tpu.vector_load %arg37[%parallel_loop3A_905, %parallel_loop3A_906] {strides = array<i32>} : memref<2x512xf32, #tpu.memory_space<vmem>>, vector<16xf32>,
        %parallel_loop3A_908 = tpu.pack_subelements %parallel_loop3A_901, %parallel_loop3A_907 {pack_format = #tpu.pack_format<interleaved>, positions = array<i32: 0, 1>} : vector<16xf32>, vector<16xf32> -> vector<32xbf16>
        %parallel_loop3A_909 = arith.constant 0 : i32
        %parallel_loop3A_910 = arith.index_cast %parallel_loop3A_909 : i32 to index
        %parallel_loop3A_911 = arith.index_cast %parallel_loop3A_883 : i32 to index
        %parallel_loop3A_912 = tpu.vector_load %arg38[%parallel_loop3A_910, %parallel_loop3A_911] {strides = array<i32>} : memref<2x512xf32, #tpu.memory_space<vmem>>, vector<16xf32>,
        %parallel_loop3A_913 = arith.constant 16 : i32
        %parallel_loop3A_914 = arith.addi %parallel_loop3A_883, %parallel_loop3A_913 : i32
        %parallel_loop3A_915 = arith.constant 0 : i32
        %parallel_loop3A_916 = arith.index_cast %parallel_loop3A_915 : i32 to index
        %parallel_loop3A_917 = arith.index_cast %parallel_loop3A_914 : i32 to index
        %parallel_loop3A_918 = tpu.vector_load %arg38[%parallel_loop3A_916, %parallel_loop3A_917] {strides = array<i32>} : memref<2x512xf32, #tpu.memory_space<vmem>>, vector<16xf32>,
        %parallel_loop3A_919 = tpu.pack_subelements %parallel_loop3A_912, %parallel_loop3A_918 {pack_format = #tpu.pack_format<interleaved>, positions = array<i32: 0, 1>} : vector<16xf32>, vector<16xf32> -> vector<32xbf16>
        %parallel_loop3A_920 = arith.constant 0 : i32
        %parallel_loop3A_921 = arith.index_cast %parallel_loop3A_920 : i32 to index
        %parallel_loop3A_922 = arith.index_cast %parallel_loop3A_883 : i32 to index
        %parallel_loop3A_923 = tpu.vector_load %arg39[%parallel_loop3A_921, %parallel_loop3A_922] {strides = array<i32>} : memref<2x512xf32, #tpu.memory_space<vmem>>, vector<16xf32>,
        %parallel_loop3A_924 = arith.constant 16 : i32
        %parallel_loop3A_925 = arith.addi %parallel_loop3A_883, %parallel_loop3A_924 : i32
        %parallel_loop3A_926 = arith.constant 0 : i32
        %parallel_loop3A_927 = arith.index_cast %parallel_loop3A_926 : i32 to index
        %parallel_loop3A_928 = arith.index_cast %parallel_loop3A_925 : i32 to index
        %parallel_loop3A_929 = tpu.vector_load %arg39[%parallel_loop3A_927, %parallel_loop3A_928] {strides = array<i32>} : memref<2x512xf32, #tpu.memory_space<vmem>>, vector<16xf32>,
        %parallel_loop3A_930 = tpu.pack_subelements %parallel_loop3A_923, %parallel_loop3A_929 {pack_format = #tpu.pack_format<interleaved>, positions = array<i32: 0, 1>} : vector<16xf32>, vector<16xf32> -> vector<32xbf16>
        %parallel_loop3A_931 = arith.constant 0 : i32
        %parallel_loop3A_932 = arith.index_cast %parallel_loop3A_931 : i32 to index
        %parallel_loop3A_933 = arith.index_cast %parallel_loop3A_883 : i32 to index
        %parallel_loop3A_934 = tpu.vector_load %arg40[%parallel_loop3A_932, %parallel_loop3A_933] {strides = array<i32>} : memref<2x512xf32, #tpu.memory_space<vmem>>, vector<16xf32>,
        %parallel_loop3A_935 = arith.constant 16 : i32
        %parallel_loop3A_936 = arith.addi %parallel_loop3A_883, %parallel_loop3A_935 : i32
        %parallel_loop3A_937 = arith.constant 0 : i32
        %parallel_loop3A_938 = arith.index_cast %parallel_loop3A_937 : i32 to index
        %parallel_loop3A_939 = arith.index_cast %parallel_loop3A_936 : i32 to index
        %parallel_loop3A_940 = tpu.vector_load %arg40[%parallel_loop3A_938, %parallel_loop3A_939] {strides = array<i32>} : memref<2x512xf32, #tpu.memory_space<vmem>>, vector<16xf32>,
        %parallel_loop3A_941 = tpu.pack_subelements %parallel_loop3A_934, %parallel_loop3A_940 {pack_format = #tpu.pack_format<interleaved>, positions = array<i32: 0, 1>} : vector<16xf32>, vector<16xf32> -> vector<32xbf16>
        %parallel_loop3A_942 = arith.constant 0 : i32
        %parallel_loop3A_943 = arith.index_cast %parallel_loop3A_942 : i32 to index
        %parallel_loop3A_944 = arith.index_cast %parallel_loop3A_883 : i32 to index
        %parallel_loop3A_945 = tpu.vector_load %arg41[%parallel_loop3A_943, %parallel_loop3A_944] {strides = array<i32>} : memref<2x512xf32, #tpu.memory_space<vmem>>, vector<16xf32>,
        %parallel_loop3A_946 = arith.constant 16 : i32
        %parallel_loop3A_947 = arith.addi %parallel_loop3A_883, %parallel_loop3A_946 : i32
        %parallel_loop3A_948 = arith.constant 0 : i32
        %parallel_loop3A_949 = arith.index_cast %parallel_loop3A_948 : i32 to index
        %parallel_loop3A_950 = arith.index_cast %parallel_loop3A_947 : i32 to index
        %parallel_loop3A_951 = tpu.vector_load %arg41[%parallel_loop3A_949, %parallel_loop3A_950] {strides = array<i32>} : memref<2x512xf32, #tpu.memory_space<vmem>>, vector<16xf32>,
        %parallel_loop3A_952 = tpu.pack_subelements %parallel_loop3A_945, %parallel_loop3A_951 {pack_format = #tpu.pack_format<interleaved>, positions = array<i32: 0, 1>} : vector<16xf32>, vector<16xf32> -> vector<32xbf16>
        %parallel_loop3A_953 = arith.constant 0 : i32
        %parallel_loop3A_954 = arith.index_cast %parallel_loop3A_953 : i32 to index
        %parallel_loop3A_955 = arith.index_cast %parallel_loop3A_883 : i32 to index
        %parallel_loop3A_956 = tpu.vector_load %arg42[%parallel_loop3A_954, %parallel_loop3A_955] {strides = array<i32>} : memref<2x512xf32, #tpu.memory_space<vmem>>, vector<16xf32>,
        %parallel_loop3A_957 = arith.constant 16 : i32
        %parallel_loop3A_958 = arith.addi %parallel_loop3A_883, %parallel_loop3A_957 : i32
        %parallel_loop3A_959 = arith.constant 0 : i32
        %parallel_loop3A_960 = arith.index_cast %parallel_loop3A_959 : i32 to index
        %parallel_loop3A_961 = arith.index_cast %parallel_loop3A_958 : i32 to index
        %parallel_loop3A_962 = tpu.vector_load %arg42[%parallel_loop3A_960, %parallel_loop3A_961] {strides = array<i32>} : memref<2x512xf32, #tpu.memory_space<vmem>>, vector<16xf32>,
        %parallel_loop3A_963 = tpu.pack_subelements %parallel_loop3A_956, %parallel_loop3A_962 {pack_format = #tpu.pack_format<interleaved>, positions = array<i32: 0, 1>} : vector<16xf32>, vector<16xf32> -> vector<32xbf16>
        %parallel_loop3A_964 = arith.constant 0 : i32
        %parallel_loop3A_965 = arith.index_cast %parallel_loop3A_964 : i32 to index
        %parallel_loop3A_966 = arith.index_cast %parallel_loop3A_883 : i32 to index
        %parallel_loop3A_967 = tpu.vector_load %arg43[%parallel_loop3A_965, %parallel_loop3A_966] {strides = array<i32>} : memref<2x512xf32, #tpu.memory_space<vmem>>, vector<16xf32>,
        %parallel_loop3A_968 = arith.constant 16 : i32
        %parallel_loop3A_969 = arith.addi %parallel_loop3A_883, %parallel_loop3A_968 : i32
        %parallel_loop3A_970 = arith.constant 0 : i32
        %parallel_loop3A_971 = arith.index_cast %parallel_loop3A_970 : i32 to index
        %parallel_loop3A_972 = arith.index_cast %parallel_loop3A_969 : i32 to index
        %parallel_loop3A_973 = tpu.vector_load %arg43[%parallel_loop3A_971, %parallel_loop3A_972] {strides = array<i32>} : memref<2x512xf32, #tpu.memory_space<vmem>>, vector<16xf32>,
        %parallel_loop3A_974 = tpu.pack_subelements %parallel_loop3A_967, %parallel_loop3A_973 {pack_format = #tpu.pack_format<interleaved>, positions = array<i32: 0, 1>} : vector<16xf32>, vector<16xf32> -> vector<32xbf16>
        %parallel_loop3A_975 = arith.constant 0 : i32
        %parallel_loop3A_976 = arith.index_cast %parallel_loop3A_975 : i32 to index
        %parallel_loop3A_977 = arith.index_cast %parallel_loop3A_883 : i32 to index
        %parallel_loop3A_978 = tpu.vector_load %arg44[%parallel_loop3A_976, %parallel_loop3A_977] {strides = array<i32>} : memref<2x512xf32, #tpu.memory_space<vmem>>, vector<16xf32>,
        %parallel_loop3A_979 = arith.constant 16 : i32
        %parallel_loop3A_980 = arith.addi %parallel_loop3A_883, %parallel_loop3A_979 : i32
        %parallel_loop3A_981 = arith.constant 0 : i32
        %parallel_loop3A_982 = arith.index_cast %parallel_loop3A_981 : i32 to index
        %parallel_loop3A_983 = arith.index_cast %parallel_loop3A_980 : i32 to index
        %parallel_loop3A_984 = tpu.vector_load %arg44[%parallel_loop3A_982, %parallel_loop3A_983] {strides = array<i32>} : memref<2x512xf32, #tpu.memory_space<vmem>>, vector<16xf32>,
        %parallel_loop3A_985 = tpu.pack_subelements %parallel_loop3A_978, %parallel_loop3A_984 {pack_format = #tpu.pack_format<interleaved>, positions = array<i32: 0, 1>} : vector<16xf32>, vector<16xf32> -> vector<32xbf16>
        %parallel_loop3A_986 = arith.constant 0 : i32
        %parallel_loop3A_987 = arith.index_cast %parallel_loop3A_986 : i32 to index
        %parallel_loop3A_988 = arith.index_cast %parallel_loop3A_883 : i32 to index
        %parallel_loop3A_989 = tpu.vector_load %arg45[%parallel_loop3A_987, %parallel_loop3A_988] {strides = array<i32>} : memref<2x512xf32, #tpu.memory_space<vmem>>, vector<16xf32>,
        %parallel_loop3A_990 = arith.constant 16 : i32
        %parallel_loop3A_991 = arith.addi %parallel_loop3A_883, %parallel_loop3A_990 : i32
        %parallel_loop3A_992 = arith.constant 0 : i32
        %parallel_loop3A_993 = arith.index_cast %parallel_loop3A_992 : i32 to index
        %parallel_loop3A_994 = arith.index_cast %parallel_loop3A_991 : i32 to index
        %parallel_loop3A_995 = tpu.vector_load %arg45[%parallel_loop3A_993, %parallel_loop3A_994] {strides = array<i32>} : memref<2x512xf32, #tpu.memory_space<vmem>>, vector<16xf32>,
        %parallel_loop3A_996 = tpu.pack_subelements %parallel_loop3A_989, %parallel_loop3A_995 {pack_format = #tpu.pack_format<interleaved>, positions = array<i32: 0, 1>} : vector<16xf32>, vector<16xf32> -> vector<32xbf16>
        %parallel_loop3A_997 = arith.constant 0 : i32
        %parallel_loop3A_998 = arith.index_cast %parallel_loop3A_997 : i32 to index
        %parallel_loop3A_999 = arith.index_cast %parallel_loop3A_883 : i32 to index
        %parallel_loop3A_1000 = tpu.vector_load %arg46[%parallel_loop3A_998, %parallel_loop3A_999] {strides = array<i32>} : memref<2x512xf32, #tpu.memory_space<vmem>>, vector<16xf32>,
        %parallel_loop3A_1001 = arith.constant 16 : i32
        %parallel_loop3A_1002 = arith.addi %parallel_loop3A_883, %parallel_loop3A_1001 : i32
        %parallel_loop3A_1003 = arith.constant 0 : i32
        %parallel_loop3A_1004 = arith.index_cast %parallel_loop3A_1003 : i32 to index
        %parallel_loop3A_1005 = arith.index_cast %parallel_loop3A_1002 : i32 to index
        %parallel_loop3A_1006 = tpu.vector_load %arg46[%parallel_loop3A_1004, %parallel_loop3A_1005] {strides = array<i32>} : memref<2x512xf32, #tpu.memory_space<vmem>>, vector<16xf32>,
        %parallel_loop3A_1007 = tpu.pack_subelements %parallel_loop3A_1000, %parallel_loop3A_1006 {pack_format = #tpu.pack_format<interleaved>, positions = array<i32: 0, 1>} : vector<16xf32>, vector<16xf32> -> vector<32xbf16>
        %parallel_loop3A_1008 = arith.constant 0 : i32
        %parallel_loop3A_1009 = arith.index_cast %parallel_loop3A_1008 : i32 to index
        %parallel_loop3A_1010 = arith.index_cast %parallel_loop3A_883 : i32 to index
        %parallel_loop3A_1011 = tpu.vector_load %arg47[%parallel_loop3A_1009, %parallel_loop3A_1010] {strides = array<i32>} : memref<2x512xf32, #tpu.memory_space<vmem>>, vector<16xf32>,
        %parallel_loop3A_1012 = arith.constant 16 : i32
        %parallel_loop3A_1013 = arith.addi %parallel_loop3A_883, %parallel_loop3A_1012 : i32
        %parallel_loop3A_1014 = arith.constant 0 : i32
        %parallel_loop3A_1015 = arith.index_cast %parallel_loop3A_1014 : i32 to index
        %parallel_loop3A_1016 = arith.index_cast %parallel_loop3A_1013 : i32 to index
        %parallel_loop3A_1017 = tpu.vector_load %arg47[%parallel_loop3A_1015, %parallel_loop3A_1016] {strides = array<i32>} : memref<2x512xf32, #tpu.memory_space<vmem>>, vector<16xf32>,
        %parallel_loop3A_1018 = tpu.pack_subelements %parallel_loop3A_1011, %parallel_loop3A_1017 {pack_format = #tpu.pack_format<interleaved>, positions = array<i32: 0, 1>} : vector<16xf32>, vector<16xf32> -> vector<32xbf16>
        %parallel_loop3A_1019 = arith.constant 0 : i32
        %parallel_loop3A_1020 = arith.index_cast %parallel_loop3A_1019 : i32 to index
        %parallel_loop3A_1021 = arith.index_cast %parallel_loop3A_883 : i32 to index
        %parallel_loop3A_1022 = tpu.vector_load %arg48[%parallel_loop3A_1020, %parallel_loop3A_1021] {strides = array<i32>} : memref<2x512xf32, #tpu.memory_space<vmem>>, vector<16xf32>,
        %parallel_loop3A_1023 = arith.constant 16 : i32
        %parallel_loop3A_1024 = arith.addi %parallel_loop3A_883, %parallel_loop3A_1023 : i32
        %parallel_loop3A_1025 = arith.constant 0 : i32
        %parallel_loop3A_1026 = arith.index_cast %parallel_loop3A_1025 : i32 to index
        %parallel_loop3A_1027 = arith.index_cast %parallel_loop3A_1024 : i32 to index
        %parallel_loop3A_1028 = tpu.vector_load %arg48[%parallel_loop3A_1026, %parallel_loop3A_1027] {strides = array<i32>} : memref<2x512xf32, #tpu.memory_space<vmem>>, vector<16xf32>,
        %parallel_loop3A_1029 = tpu.pack_subelements %parallel_loop3A_1022, %parallel_loop3A_1028 {pack_format = #tpu.pack_format<interleaved>, positions = array<i32: 0, 1>} : vector<16xf32>, vector<16xf32> -> vector<32xbf16>
        %parallel_loop3A_1030 = arith.constant 0 : i32
        %parallel_loop3A_1031 = arith.index_cast %parallel_loop3A_1030 : i32 to index
        %parallel_loop3A_1032 = arith.index_cast %parallel_loop3A_883 : i32 to index
        %parallel_loop3A_1033 = tpu.vector_load %arg49[%parallel_loop3A_1031, %parallel_loop3A_1032] {strides = array<i32>} : memref<2x512xf32, #tpu.memory_space<vmem>>, vector<16xf32>,
        %parallel_loop3A_1034 = arith.constant 16 : i32
        %parallel_loop3A_1035 = arith.addi %parallel_loop3A_883, %parallel_loop3A_1034 : i32
        %parallel_loop3A_1036 = arith.constant 0 : i32
        %parallel_loop3A_1037 = arith.index_cast %parallel_loop3A_1036 : i32 to index
        %parallel_loop3A_1038 = arith.index_cast %parallel_loop3A_1035 : i32 to index
        %parallel_loop3A_1039 = tpu.vector_load %arg49[%parallel_loop3A_1037, %parallel_loop3A_1038] {strides = array<i32>} : memref<2x512xf32, #tpu.memory_space<vmem>>, vector<16xf32>,
        %parallel_loop3A_1040 = tpu.pack_subelements %parallel_loop3A_1033, %parallel_loop3A_1039 {pack_format = #tpu.pack_format<interleaved>, positions = array<i32: 0, 1>} : vector<16xf32>, vector<16xf32> -> vector<32xbf16>
        %parallel_loop3A_1041 = arith.constant 0 : i32
        %parallel_loop3A_1042 = arith.index_cast %parallel_loop3A_1041 : i32 to index
        %parallel_loop3A_1043 = arith.index_cast %parallel_loop3A_883 : i32 to index
        %parallel_loop3A_1044 = tpu.vector_load %arg50[%parallel_loop3A_1042, %parallel_loop3A_1043] {strides = array<i32>} : memref<2x512xf32, #tpu.memory_space<vmem>>, vector<16xf32>,
        %parallel_loop3A_1045 = arith.constant 16 : i32
        %parallel_loop3A_1046 = arith.addi %parallel_loop3A_883, %parallel_loop3A_1045 : i32
        %parallel_loop3A_1047 = arith.constant 0 : i32
        %parallel_loop3A_1048 = arith.index_cast %parallel_loop3A_1047 : i32 to index
        %parallel_loop3A_1049 = arith.index_cast %parallel_loop3A_1046 : i32 to index
        %parallel_loop3A_1050 = tpu.vector_load %arg50[%parallel_loop3A_1048, %parallel_loop3A_1049] {strides = array<i32>} : memref<2x512xf32, #tpu.memory_space<vmem>>, vector<16xf32>,
        %parallel_loop3A_1051 = tpu.pack_subelements %parallel_loop3A_1044, %parallel_loop3A_1050 {pack_format = #tpu.pack_format<interleaved>, positions = array<i32: 0, 1>} : vector<16xf32>, vector<16xf32> -> vector<32xbf16>
        %parallel_loop3A_1052 = arith.constant 0 : i32
        %parallel_loop3A_1053 = arith.index_cast %parallel_loop3A_1052 : i32 to index
        %parallel_loop3A_1054 = arith.index_cast %parallel_loop3A_883 : i32 to index
        %parallel_loop3A_1055 = tpu.vector_load %arg51[%parallel_loop3A_1053, %parallel_loop3A_1054] {strides = array<i32>} : memref<2x512xf32, #tpu.memory_space<vmem>>, vector<16xf32>,
        %parallel_loop3A_1056 = arith.constant 16 : i32
        %parallel_loop3A_1057 = arith.addi %parallel_loop3A_883, %parallel_loop3A_1056 : i32
        %parallel_loop3A_1058 = arith.constant 0 : i32
        %parallel_loop3A_1059 = arith.index_cast %parallel_loop3A_1058 : i32 to index
        %parallel_loop3A_1060 = arith.index_cast %parallel_loop3A_1057 : i32 to index
        %parallel_loop3A_1061 = tpu.vector_load %arg51[%parallel_loop3A_1059, %parallel_loop3A_1060] {strides = array<i32>} : memref<2x512xf32, #tpu.memory_space<vmem>>, vector<16xf32>,
        %parallel_loop3A_1062 = tpu.pack_subelements %parallel_loop3A_1055, %parallel_loop3A_1061 {pack_format = #tpu.pack_format<interleaved>, positions = array<i32: 0, 1>} : vector<16xf32>, vector<16xf32> -> vector<32xbf16>
        %parallel_loop3A_1063 = arith.mulf %parallel_loop3A_919, %parallel_loop3A_884 : vector<32xbf16>
        %parallel_loop3A_1064 = arith.mulf %parallel_loop3A_930, %parallel_loop3A_885 : vector<32xbf16>
        %parallel_loop3A_1065 = arith.addf %parallel_loop3A_1063, %parallel_loop3A_1064 : vector<32xbf16>
        %parallel_loop3A_1066 = arith.mulf %parallel_loop3A_952, %parallel_loop3A_886 : vector<32xbf16>
        %parallel_loop3A_1067 = arith.addf %parallel_loop3A_1065, %parallel_loop3A_1066 : vector<32xbf16>
        %parallel_loop3A_1068 = tpu.unpack_subelements %parallel_loop3A_1067, 0 {pack_format = #tpu.pack_format<interleaved>} : vector<32xbf16> -> vector<16xf32>
        %parallel_loop3A_1069 = tpu.unpack_subelements %parallel_loop3A_1067, 1 {pack_format = #tpu.pack_format<interleaved>} : vector<32xbf16> -> vector<16xf32>
        %parallel_loop3A_1070 = arith.constant 0 : i32
        %parallel_loop3A_1071 = arith.index_cast %parallel_loop3A_1070 : i32 to index
        %parallel_loop3A_1072 = arith.index_cast %parallel_loop3A_883 : i32 to index
        %parallel_loop3A_1073 = tpu.vector_load %arg68[%parallel_loop3A_1071, %parallel_loop3A_1072] {strides = array<i32>} : memref<2x512xf32, #tpu.memory_space<vmem>>, vector<16xf32>,
        tpu.vector_store %arg68[%parallel_loop3A_1071, %parallel_loop3A_1072], %parallel_loop3A_1068 {strides = array<i32>} : memref<2x512xf32, #tpu.memory_space<vmem>>, vector<16xf32>,
        %parallel_loop3A_1074 = arith.constant 16 : i32
        %parallel_loop3A_1075 = arith.addi %parallel_loop3A_883, %parallel_loop3A_1074 : i32
        %parallel_loop3A_1076 = arith.constant 0 : i32
        %parallel_loop3A_1077 = arith.index_cast %parallel_loop3A_1076 : i32 to index
        %parallel_loop3A_1078 = arith.index_cast %parallel_loop3A_1075 : i32 to index
        %parallel_loop3A_1079 = tpu.vector_load %arg68[%parallel_loop3A_1077, %parallel_loop3A_1078] {strides = array<i32>} : memref<2x512xf32, #tpu.memory_space<vmem>>, vector<16xf32>,
        tpu.vector_store %arg68[%parallel_loop3A_1077, %parallel_loop3A_1078], %parallel_loop3A_1069 {strides = array<i32>} : memref<2x512xf32, #tpu.memory_space<vmem>>, vector<16xf32>,
        %parallel_loop3A_1080 = arith.mulf %parallel_loop3A_930, %parallel_loop3A_884 : vector<32xbf16>
        %parallel_loop3A_1081 = arith.mulf %parallel_loop3A_941, %parallel_loop3A_885 : vector<32xbf16>
        %parallel_loop3A_1082 = arith.addf %parallel_loop3A_1080, %parallel_loop3A_1081 : vector<32xbf16>
        %parallel_loop3A_1083 = arith.mulf %parallel_loop3A_963, %parallel_loop3A_886 : vector<32xbf16>
        %parallel_loop3A_1084 = arith.addf %parallel_loop3A_1082, %parallel_loop3A_1083 : vector<32xbf16>
        %parallel_loop3A_1085 = tpu.unpack_subelements %parallel_loop3A_1084, 0 {pack_format = #tpu.pack_format<interleaved>} : vector<32xbf16> -> vector<16xf32>
        %parallel_loop3A_1086 = tpu.unpack_subelements %parallel_loop3A_1084, 1 {pack_format = #tpu.pack_format<interleaved>} : vector<32xbf16> -> vector<16xf32>
        %parallel_loop3A_1087 = arith.constant 0 : i32
        %parallel_loop3A_1088 = arith.index_cast %parallel_loop3A_1087 : i32 to index
        %parallel_loop3A_1089 = arith.index_cast %parallel_loop3A_883 : i32 to index
        %parallel_loop3A_1090 = tpu.vector_load %arg69[%parallel_loop3A_1088, %parallel_loop3A_1089] {strides = array<i32>} : memref<2x512xf32, #tpu.memory_space<vmem>>, vector<16xf32>,
        tpu.vector_store %arg69[%parallel_loop3A_1088, %parallel_loop3A_1089], %parallel_loop3A_1085 {strides = array<i32>} : memref<2x512xf32, #tpu.memory_space<vmem>>, vector<16xf32>,
        %parallel_loop3A_1091 = arith.constant 16 : i32
        %parallel_loop3A_1092 = arith.addi %parallel_loop3A_883, %parallel_loop3A_1091 : i32
        %parallel_loop3A_1093 = arith.constant 0 : i32
        %parallel_loop3A_1094 = arith.index_cast %parallel_loop3A_1093 : i32 to index
        %parallel_loop3A_1095 = arith.index_cast %parallel_loop3A_1092 : i32 to index
        %parallel_loop3A_1096 = tpu.vector_load %arg69[%parallel_loop3A_1094, %parallel_loop3A_1095] {strides = array<i32>} : memref<2x512xf32, #tpu.memory_space<vmem>>, vector<16xf32>,
        tpu.vector_store %arg69[%parallel_loop3A_1094, %parallel_loop3A_1095], %parallel_loop3A_1086 {strides = array<i32>} : memref<2x512xf32, #tpu.memory_space<vmem>>, vector<16xf32>,
        %parallel_loop3A_1097 = arith.addf %parallel_loop3A_897, %parallel_loop3A_941 : vector<32xbf16>
        %parallel_loop3A_1098 = arith.mulf %parallel_loop3A_1097, %parallel_loop3A_884 : vector<32xbf16>
        %parallel_loop3A_1099 = arith.mulf %parallel_loop3A_952, %parallel_loop3A_885 : vector<32xbf16>
        %parallel_loop3A_1100 = arith.addf %parallel_loop3A_1098, %parallel_loop3A_1099 : vector<32xbf16>
        %parallel_loop3A_1101 = arith.mulf %parallel_loop3A_974, %parallel_loop3A_886 : vector<32xbf16>
        %parallel_loop3A_1102 = arith.addf %parallel_loop3A_1100, %parallel_loop3A_1101 : vector<32xbf16>
        %parallel_loop3A_1103 = tpu.unpack_subelements %parallel_loop3A_1102, 0 {pack_format = #tpu.pack_format<interleaved>} : vector<32xbf16> -> vector<16xf32>
        %parallel_loop3A_1104 = tpu.unpack_subelements %parallel_loop3A_1102, 1 {pack_format = #tpu.pack_format<interleaved>} : vector<32xbf16> -> vector<16xf32>
        %parallel_loop3A_1105 = arith.constant 0 : i32
        %parallel_loop3A_1106 = arith.index_cast %parallel_loop3A_1105 : i32 to index
        %parallel_loop3A_1107 = arith.index_cast %parallel_loop3A_883 : i32 to index
        %parallel_loop3A_1108 = tpu.vector_load %arg70[%parallel_loop3A_1106, %parallel_loop3A_1107] {strides = array<i32>} : memref<2x512xf32, #tpu.memory_space<vmem>>, vector<16xf32>,
        tpu.vector_store %arg70[%parallel_loop3A_1106, %parallel_loop3A_1107], %parallel_loop3A_1103 {strides = array<i32>} : memref<2x512xf32, #tpu.memory_space<vmem>>, vector<16xf32>,
        %parallel_loop3A_1109 = arith.constant 16 : i32
        %parallel_loop3A_1110 = arith.addi %parallel_loop3A_883, %parallel_loop3A_1109 : i32
        %parallel_loop3A_1111 = arith.constant 0 : i32
        %parallel_loop3A_1112 = arith.index_cast %parallel_loop3A_1111 : i32 to index
        %parallel_loop3A_1113 = arith.index_cast %parallel_loop3A_1110 : i32 to index
        %parallel_loop3A_1114 = tpu.vector_load %arg70[%parallel_loop3A_1112, %parallel_loop3A_1113] {strides = array<i32>} : memref<2x512xf32, #tpu.memory_space<vmem>>, vector<16xf32>,
        tpu.vector_store %arg70[%parallel_loop3A_1112, %parallel_loop3A_1113], %parallel_loop3A_1104 {strides = array<i32>} : memref<2x512xf32, #tpu.memory_space<vmem>>, vector<16xf32>,
        %parallel_loop3A_1115 = arith.addf %parallel_loop3A_908, %parallel_loop3A_952 : vector<32xbf16>
        %parallel_loop3A_1116 = arith.mulf %parallel_loop3A_1115, %parallel_loop3A_884 : vector<32xbf16>
        %parallel_loop3A_1117 = arith.addf %parallel_loop3A_897, %parallel_loop3A_963 : vector<32xbf16>
        %parallel_loop3A_1118 = arith.mulf %parallel_loop3A_1117, %parallel_loop3A_885 : vector<32xbf16>
        %parallel_loop3A_1119 = arith.addf %parallel_loop3A_1116, %parallel_loop3A_1118 : vector<32xbf16>
        %parallel_loop3A_1120 = arith.mulf %parallel_loop3A_985, %parallel_loop3A_886 : vector<32xbf16>
        %parallel_loop3A_1121 = arith.addf %parallel_loop3A_1119, %parallel_loop3A_1120 : vector<32xbf16>
        %parallel_loop3A_1122 = tpu.unpack_subelements %parallel_loop3A_1121, 0 {pack_format = #tpu.pack_format<interleaved>} : vector<32xbf16> -> vector<16xf32>
        %parallel_loop3A_1123 = tpu.unpack_subelements %parallel_loop3A_1121, 1 {pack_format = #tpu.pack_format<interleaved>} : vector<32xbf16> -> vector<16xf32>
        %parallel_loop3A_1124 = arith.constant 0 : i32
        %parallel_loop3A_1125 = arith.index_cast %parallel_loop3A_1124 : i32 to index
        %parallel_loop3A_1126 = arith.index_cast %parallel_loop3A_883 : i32 to index
        %parallel_loop3A_1127 = tpu.vector_load %arg71[%parallel_loop3A_1125, %parallel_loop3A_1126] {strides = array<i32>} : memref<2x512xf32, #tpu.memory_space<vmem>>, vector<16xf32>,
        tpu.vector_store %arg71[%parallel_loop3A_1125, %parallel_loop3A_1126], %parallel_loop3A_1122 {strides = array<i32>} : memref<2x512xf32, #tpu.memory_space<vmem>>, vector<16xf32>,
        %parallel_loop3A_1128 = arith.constant 16 : i32
        %parallel_loop3A_1129 = arith.addi %parallel_loop3A_883, %parallel_loop3A_1128 : i32
        %parallel_loop3A_1130 = arith.constant 0 : i32
        %parallel_loop3A_1131 = arith.index_cast %parallel_loop3A_1130 : i32 to index
        %parallel_loop3A_1132 = arith.index_cast %parallel_loop3A_1129 : i32 to index
        %parallel_loop3A_1133 = tpu.vector_load %arg71[%parallel_loop3A_1131, %parallel_loop3A_1132] {strides = array<i32>} : memref<2x512xf32, #tpu.memory_space<vmem>>, vector<16xf32>,
        tpu.vector_store %arg71[%parallel_loop3A_1131, %parallel_loop3A_1132], %parallel_loop3A_1123 {strides = array<i32>} : memref<2x512xf32, #tpu.memory_space<vmem>>, vector<16xf32>,
        %parallel_loop3A_1134 = arith.addf %parallel_loop3A_919, %parallel_loop3A_963 : vector<32xbf16>
        %parallel_loop3A_1135 = arith.mulf %parallel_loop3A_1134, %parallel_loop3A_884 : vector<32xbf16>
        %parallel_loop3A_1136 = arith.addf %parallel_loop3A_908, %parallel_loop3A_974 : vector<32xbf16>
        %parallel_loop3A_1137 = arith.mulf %parallel_loop3A_1136, %parallel_loop3A_885 : vector<32xbf16>
        %parallel_loop3A_1138 = arith.addf %parallel_loop3A_1135, %parallel_loop3A_1137 : vector<32xbf16>
        %parallel_loop3A_1139 = arith.mulf %parallel_loop3A_996, %parallel_loop3A_886 : vector<32xbf16>
        %parallel_loop3A_1140 = arith.addf %parallel_loop3A_1138, %parallel_loop3A_1139 : vector<32xbf16>
        %parallel_loop3A_1141 = tpu.unpack_subelements %parallel_loop3A_1140, 0 {pack_format = #tpu.pack_format<interleaved>} : vector<32xbf16> -> vector<16xf32>
        %parallel_loop3A_1142 = tpu.unpack_subelements %parallel_loop3A_1140, 1 {pack_format = #tpu.pack_format<interleaved>} : vector<32xbf16> -> vector<16xf32>
        %parallel_loop3A_1143 = arith.constant 0 : i32
        %parallel_loop3A_1144 = arith.index_cast %parallel_loop3A_1143 : i32 to index
        %parallel_loop3A_1145 = arith.index_cast %parallel_loop3A_883 : i32 to index
        %parallel_loop3A_1146 = tpu.vector_load %arg72[%parallel_loop3A_1144, %parallel_loop3A_1145] {strides = array<i32>} : memref<2x512xf32, #tpu.memory_space<vmem>>, vector<16xf32>,
        tpu.vector_store %arg72[%parallel_loop3A_1144, %parallel_loop3A_1145], %parallel_loop3A_1141 {strides = array<i32>} : memref<2x512xf32, #tpu.memory_space<vmem>>, vector<16xf32>,
        %parallel_loop3A_1147 = arith.constant 16 : i32
        %parallel_loop3A_1148 = arith.addi %parallel_loop3A_883, %parallel_loop3A_1147 : i32
        %parallel_loop3A_1149 = arith.constant 0 : i32
        %parallel_loop3A_1150 = arith.index_cast %parallel_loop3A_1149 : i32 to index
        %parallel_loop3A_1151 = arith.index_cast %parallel_loop3A_1148 : i32 to index
        %parallel_loop3A_1152 = tpu.vector_load %arg72[%parallel_loop3A_1150, %parallel_loop3A_1151] {strides = array<i32>} : memref<2x512xf32, #tpu.memory_space<vmem>>, vector<16xf32>,
        tpu.vector_store %arg72[%parallel_loop3A_1150, %parallel_loop3A_1151], %parallel_loop3A_1142 {strides = array<i32>} : memref<2x512xf32, #tpu.memory_space<vmem>>, vector<16xf32>,
        %parallel_loop3A_1153 = arith.addf %parallel_loop3A_930, %parallel_loop3A_974 : vector<32xbf16>
        %parallel_loop3A_1154 = arith.mulf %parallel_loop3A_1153, %parallel_loop3A_884 : vector<32xbf16>
        %parallel_loop3A_1155 = arith.addf %parallel_loop3A_919, %parallel_loop3A_985 : vector<32xbf16>
        %parallel_loop3A_1156 = arith.mulf %parallel_loop3A_1155, %parallel_loop3A_885 : vector<32xbf16>
        %parallel_loop3A_1157 = arith.addf %parallel_loop3A_1154, %parallel_loop3A_1156 : vector<32xbf16>
        %parallel_loop3A_1158 = arith.addf %parallel_loop3A_897, %parallel_loop3A_1007 : vector<32xbf16>
        %parallel_loop3A_1159 = arith.mulf %parallel_loop3A_1158, %parallel_loop3A_886 : vector<32xbf16>
        %parallel_loop3A_1160 = arith.addf %parallel_loop3A_1157, %parallel_loop3A_1159 : vector<32xbf16>
        %parallel_loop3A_1161 = tpu.unpack_subelements %parallel_loop3A_1160, 0 {pack_format = #tpu.pack_format<interleaved>} : vector<32xbf16> -> vector<16xf32>
        %parallel_loop3A_1162 = tpu.unpack_subelements %parallel_loop3A_1160, 1 {pack_format = #tpu.pack_format<interleaved>} : vector<32xbf16> -> vector<16xf32>
        %parallel_loop3A_1163 = arith.constant 0 : i32
        %parallel_loop3A_1164 = arith.index_cast %parallel_loop3A_1163 : i32 to index
        %parallel_loop3A_1165 = arith.index_cast %parallel_loop3A_883 : i32 to index
        %parallel_loop3A_1166 = tpu.vector_load %arg73[%parallel_loop3A_1164, %parallel_loop3A_1165] {strides = array<i32>} : memref<2x512xf32, #tpu.memory_space<vmem>>, vector<16xf32>,
        tpu.vector_store %arg73[%parallel_loop3A_1164, %parallel_loop3A_1165], %parallel_loop3A_1161 {strides = array<i32>} : memref<2x512xf32, #tpu.memory_space<vmem>>, vector<16xf32>,
        %parallel_loop3A_1167 = arith.constant 16 : i32
        %parallel_loop3A_1168 = arith.addi %parallel_loop3A_883, %parallel_loop3A_1167 : i32
        %parallel_loop3A_1169 = arith.constant 0 : i32
        %parallel_loop3A_1170 = arith.index_cast %parallel_loop3A_1169 : i32 to index
        %parallel_loop3A_1171 = arith.index_cast %parallel_loop3A_1168 : i32 to index
        %parallel_loop3A_1172 = tpu.vector_load %arg73[%parallel_loop3A_1170, %parallel_loop3A_1171] {strides = array<i32>} : memref<2x512xf32, #tpu.memory_space<vmem>>, vector<16xf32>,
        tpu.vector_store %arg73[%parallel_loop3A_1170, %parallel_loop3A_1171], %parallel_loop3A_1162 {strides = array<i32>} : memref<2x512xf32, #tpu.memory_space<vmem>>, vector<16xf32>,
        %parallel_loop3A_1173 = arith.addf %parallel_loop3A_941, %parallel_loop3A_985 : vector<32xbf16>
        %parallel_loop3A_1174 = arith.mulf %parallel_loop3A_1173, %parallel_loop3A_884 : vector<32xbf16>
        %parallel_loop3A_1175 = arith.addf %parallel_loop3A_930, %parallel_loop3A_996 : vector<32xbf16>
        %parallel_loop3A_1176 = arith.mulf %parallel_loop3A_1175, %parallel_loop3A_885 : vector<32xbf16>
        %parallel_loop3A_1177 = arith.addf %parallel_loop3A_1174, %parallel_loop3A_1176 : vector<32xbf16>
        %parallel_loop3A_1178 = arith.addf %parallel_loop3A_908, %parallel_loop3A_1018 : vector<32xbf16>
        %parallel_loop3A_1179 = arith.mulf %parallel_loop3A_1178, %parallel_loop3A_886 : vector<32xbf16>
        %parallel_loop3A_1180 = arith.addf %parallel_loop3A_1177, %parallel_loop3A_1179 : vector<32xbf16>
        %parallel_loop3A_1181 = tpu.unpack_subelements %parallel_loop3A_1180, 0 {pack_format = #tpu.pack_format<interleaved>} : vector<32xbf16> -> vector<16xf32>
        %parallel_loop3A_1182 = tpu.unpack_subelements %parallel_loop3A_1180, 1 {pack_format = #tpu.pack_format<interleaved>} : vector<32xbf16> -> vector<16xf32>
        %parallel_loop3A_1183 = arith.constant 0 : i32
        %parallel_loop3A_1184 = arith.index_cast %parallel_loop3A_1183 : i32 to index
        %parallel_loop3A_1185 = arith.index_cast %parallel_loop3A_883 : i32 to index
        %parallel_loop3A_1186 = tpu.vector_load %arg74[%parallel_loop3A_1184, %parallel_loop3A_1185] {strides = array<i32>} : memref<2x512xf32, #tpu.memory_space<vmem>>, vector<16xf32>,
        tpu.vector_store %arg74[%parallel_loop3A_1184, %parallel_loop3A_1185], %parallel_loop3A_1181 {strides = array<i32>} : memref<2x512xf32, #tpu.memory_space<vmem>>, vector<16xf32>,
        %parallel_loop3A_1187 = arith.constant 16 : i32
        %parallel_loop3A_1188 = arith.addi %parallel_loop3A_883, %parallel_loop3A_1187 : i32
        %parallel_loop3A_1189 = arith.constant 0 : i32
        %parallel_loop3A_1190 = arith.index_cast %parallel_loop3A_1189 : i32 to index
        %parallel_loop3A_1191 = arith.index_cast %parallel_loop3A_1188 : i32 to index
        %parallel_loop3A_1192 = tpu.vector_load %arg74[%parallel_loop3A_1190, %parallel_loop3A_1191] {strides = array<i32>} : memref<2x512xf32, #tpu.memory_space<vmem>>, vector<16xf32>,
        tpu.vector_store %arg74[%parallel_loop3A_1190, %parallel_loop3A_1191], %parallel_loop3A_1182 {strides = array<i32>} : memref<2x512xf32, #tpu.memory_space<vmem>>, vector<16xf32>,
        %parallel_loop3A_1193 = arith.addf %parallel_loop3A_952, %parallel_loop3A_996 : vector<32xbf16>
        %parallel_loop3A_1194 = arith.mulf %parallel_loop3A_1193, %parallel_loop3A_884 : vector<32xbf16>
        %parallel_loop3A_1195 = arith.addf %parallel_loop3A_941, %parallel_loop3A_1007 : vector<32xbf16>
        %parallel_loop3A_1196 = arith.mulf %parallel_loop3A_1195, %parallel_loop3A_885 : vector<32xbf16>
        %parallel_loop3A_1197 = arith.addf %parallel_loop3A_1194, %parallel_loop3A_1196 : vector<32xbf16>
        %parallel_loop3A_1198 = arith.addf %parallel_loop3A_919, %parallel_loop3A_1029 : vector<32xbf16>
        %parallel_loop3A_1199 = arith.mulf %parallel_loop3A_1198, %parallel_loop3A_886 : vector<32xbf16>
        %parallel_loop3A_1200 = arith.addf %parallel_loop3A_1197, %parallel_loop3A_1199 : vector<32xbf16>
        %parallel_loop3A_1201 = tpu.unpack_subelements %parallel_loop3A_1200, 0 {pack_format = #tpu.pack_format<interleaved>} : vector<32xbf16> -> vector<16xf32>
        %parallel_loop3A_1202 = tpu.unpack_subelements %parallel_loop3A_1200, 1 {pack_format = #tpu.pack_format<interleaved>} : vector<32xbf16> -> vector<16xf32>
        %parallel_loop3A_1203 = arith.constant 0 : i32
        %parallel_loop3A_1204 = arith.index_cast %parallel_loop3A_1203 : i32 to index
        %parallel_loop3A_1205 = arith.index_cast %parallel_loop3A_883 : i32 to index
        %parallel_loop3A_1206 = tpu.vector_load %arg75[%parallel_loop3A_1204, %parallel_loop3A_1205] {strides = array<i32>} : memref<2x512xf32, #tpu.memory_space<vmem>>, vector<16xf32>,
        tpu.vector_store %arg75[%parallel_loop3A_1204, %parallel_loop3A_1205], %parallel_loop3A_1201 {strides = array<i32>} : memref<2x512xf32, #tpu.memory_space<vmem>>, vector<16xf32>,
        %parallel_loop3A_1207 = arith.constant 16 : i32
        %parallel_loop3A_1208 = arith.addi %parallel_loop3A_883, %parallel_loop3A_1207 : i32
        %parallel_loop3A_1209 = arith.constant 0 : i32
        %parallel_loop3A_1210 = arith.index_cast %parallel_loop3A_1209 : i32 to index
        %parallel_loop3A_1211 = arith.index_cast %parallel_loop3A_1208 : i32 to index
        %parallel_loop3A_1212 = tpu.vector_load %arg75[%parallel_loop3A_1210, %parallel_loop3A_1211] {strides = array<i32>} : memref<2x512xf32, #tpu.memory_space<vmem>>, vector<16xf32>,
        tpu.vector_store %arg75[%parallel_loop3A_1210, %parallel_loop3A_1211], %parallel_loop3A_1202 {strides = array<i32>} : memref<2x512xf32, #tpu.memory_space<vmem>>, vector<16xf32>,
        %parallel_loop3A_1213 = arith.addf %parallel_loop3A_963, %parallel_loop3A_1007 : vector<32xbf16>
        %parallel_loop3A_1214 = arith.mulf %parallel_loop3A_1213, %parallel_loop3A_884 : vector<32xbf16>
        %parallel_loop3A_1215 = arith.addf %parallel_loop3A_952, %parallel_loop3A_1018 : vector<32xbf16>
        %parallel_loop3A_1216 = arith.mulf %parallel_loop3A_1215, %parallel_loop3A_885 : vector<32xbf16>
        %parallel_loop3A_1217 = arith.addf %parallel_loop3A_1214, %parallel_loop3A_1216 : vector<32xbf16>
        %parallel_loop3A_1218 = arith.addf %parallel_loop3A_930, %parallel_loop3A_1040 : vector<32xbf16>
        %parallel_loop3A_1219 = arith.mulf %parallel_loop3A_1218, %parallel_loop3A_886 : vector<32xbf16>
        %parallel_loop3A_1220 = arith.addf %parallel_loop3A_1217, %parallel_loop3A_1219 : vector<32xbf16>
        %parallel_loop3A_1221 = tpu.unpack_subelements %parallel_loop3A_1220, 0 {pack_format = #tpu.pack_format<interleaved>} : vector<32xbf16> -> vector<16xf32>
        %parallel_loop3A_1222 = tpu.unpack_subelements %parallel_loop3A_1220, 1 {pack_format = #tpu.pack_format<interleaved>} : vector<32xbf16> -> vector<16xf32>
        %parallel_loop3A_1223 = arith.constant 0 : i32
        %parallel_loop3A_1224 = arith.index_cast %parallel_loop3A_1223 : i32 to index
        %parallel_loop3A_1225 = arith.index_cast %parallel_loop3A_883 : i32 to index
        %parallel_loop3A_1226 = tpu.vector_load %arg76[%parallel_loop3A_1224, %parallel_loop3A_1225] {strides = array<i32>} : memref<2x512xf32, #tpu.memory_space<vmem>>, vector<16xf32>,
        tpu.vector_store %arg76[%parallel_loop3A_1224, %parallel_loop3A_1225], %parallel_loop3A_1221 {strides = array<i32>} : memref<2x512xf32, #tpu.memory_space<vmem>>, vector<16xf32>,
        %parallel_loop3A_1227 = arith.constant 16 : i32
        %parallel_loop3A_1228 = arith.addi %parallel_loop3A_883, %parallel_loop3A_1227 : i32
        %parallel_loop3A_1229 = arith.constant 0 : i32
        %parallel_loop3A_1230 = arith.index_cast %parallel_loop3A_1229 : i32 to index
        %parallel_loop3A_1231 = arith.index_cast %parallel_loop3A_1228 : i32 to index
        %parallel_loop3A_1232 = tpu.vector_load %arg76[%parallel_loop3A_1230, %parallel_loop3A_1231] {strides = array<i32>} : memref<2x512xf32, #tpu.memory_space<vmem>>, vector<16xf32>,
        tpu.vector_store %arg76[%parallel_loop3A_1230, %parallel_loop3A_1231], %parallel_loop3A_1222 {strides = array<i32>} : memref<2x512xf32, #tpu.memory_space<vmem>>, vector<16xf32>,
        %parallel_loop3A_1233 = arith.addf %parallel_loop3A_974, %parallel_loop3A_1018 : vector<32xbf16>
        %parallel_loop3A_1234 = arith.mulf %parallel_loop3A_1233, %parallel_loop3A_884 : vector<32xbf16>
        %parallel_loop3A_1235 = arith.addf %parallel_loop3A_963, %parallel_loop3A_1029 : vector<32xbf16>
        %parallel_loop3A_1236 = arith.mulf %parallel_loop3A_1235, %parallel_loop3A_885 : vector<32xbf16>
        %parallel_loop3A_1237 = arith.addf %parallel_loop3A_1234, %parallel_loop3A_1236 : vector<32xbf16>
        %parallel_loop3A_1238 = arith.addf %parallel_loop3A_941, %parallel_loop3A_1051 : vector<32xbf16>
        %parallel_loop3A_1239 = arith.mulf %parallel_loop3A_1238, %parallel_loop3A_886 : vector<32xbf16>
        %parallel_loop3A_1240 = arith.addf %parallel_loop3A_1237, %parallel_loop3A_1239 : vector<32xbf16>
        %parallel_loop3A_1241 = tpu.unpack_subelements %parallel_loop3A_1240, 0 {pack_format = #tpu.pack_format<interleaved>} : vector<32xbf16> -> vector<16xf32>
        %parallel_loop3A_1242 = tpu.unpack_subelements %parallel_loop3A_1240, 1 {pack_format = #tpu.pack_format<interleaved>} : vector<32xbf16> -> vector<16xf32>
        %parallel_loop3A_1243 = arith.constant 0 : i32
        %parallel_loop3A_1244 = arith.index_cast %parallel_loop3A_1243 : i32 to index
        %parallel_loop3A_1245 = arith.index_cast %parallel_loop3A_883 : i32 to index
        %parallel_loop3A_1246 = tpu.vector_load %arg77[%parallel_loop3A_1244, %parallel_loop3A_1245] {strides = array<i32>} : memref<2x512xf32, #tpu.memory_space<vmem>>, vector<16xf32>,
        tpu.vector_store %arg77[%parallel_loop3A_1244, %parallel_loop3A_1245], %parallel_loop3A_1241 {strides = array<i32>} : memref<2x512xf32, #tpu.memory_space<vmem>>, vector<16xf32>,
        %parallel_loop3A_1247 = arith.constant 16 : i32
        %parallel_loop3A_1248 = arith.addi %parallel_loop3A_883, %parallel_loop3A_1247 : i32
        %parallel_loop3A_1249 = arith.constant 0 : i32
        %parallel_loop3A_1250 = arith.index_cast %parallel_loop3A_1249 : i32 to index
        %parallel_loop3A_1251 = arith.index_cast %parallel_loop3A_1248 : i32 to index
        %parallel_loop3A_1252 = tpu.vector_load %arg77[%parallel_loop3A_1250, %parallel_loop3A_1251] {strides = array<i32>} : memref<2x512xf32, #tpu.memory_space<vmem>>, vector<16xf32>,
        tpu.vector_store %arg77[%parallel_loop3A_1250, %parallel_loop3A_1251], %parallel_loop3A_1242 {strides = array<i32>} : memref<2x512xf32, #tpu.memory_space<vmem>>, vector<16xf32>,
        %parallel_loop3A_1253 = arith.addf %parallel_loop3A_985, %parallel_loop3A_1029 : vector<32xbf16>
        %parallel_loop3A_1254 = arith.mulf %parallel_loop3A_1253, %parallel_loop3A_884 : vector<32xbf16>
        %parallel_loop3A_1255 = arith.addf %parallel_loop3A_974, %parallel_loop3A_1040 : vector<32xbf16>
        %parallel_loop3A_1256 = arith.mulf %parallel_loop3A_1255, %parallel_loop3A_885 : vector<32xbf16>
        %parallel_loop3A_1257 = arith.addf %parallel_loop3A_1254, %parallel_loop3A_1256 : vector<32xbf16>
        %parallel_loop3A_1258 = arith.addf %parallel_loop3A_952, %parallel_loop3A_1062 : vector<32xbf16>
        %parallel_loop3A_1259 = arith.mulf %parallel_loop3A_1258, %parallel_loop3A_886 : vector<32xbf16>
        %parallel_loop3A_1260 = arith.addf %parallel_loop3A_1257, %parallel_loop3A_1259 : vector<32xbf16>
        %parallel_loop3A_1261 = tpu.unpack_subelements %parallel_loop3A_1260, 0 {pack_format = #tpu.pack_format<interleaved>} : vector<32xbf16> -> vector<16xf32>
        %parallel_loop3A_1262 = tpu.unpack_subelements %parallel_loop3A_1260, 1 {pack_format = #tpu.pack_format<interleaved>} : vector<32xbf16> -> vector<16xf32>
        %parallel_loop3A_1263 = arith.constant 0 : i32
        %parallel_loop3A_1264 = arith.index_cast %parallel_loop3A_1263 : i32 to index
        %parallel_loop3A_1265 = arith.index_cast %parallel_loop3A_883 : i32 to index
        %parallel_loop3A_1266 = tpu.vector_load %arg78[%parallel_loop3A_1264, %parallel_loop3A_1265] {strides = array<i32>} : memref<2x512xf32, #tpu.memory_space<vmem>>, vector<16xf32>,
        tpu.vector_store %arg78[%parallel_loop3A_1264, %parallel_loop3A_1265], %parallel_loop3A_1261 {strides = array<i32>} : memref<2x512xf32, #tpu.memory_space<vmem>>, vector<16xf32>,
        %parallel_loop3A_1267 = arith.constant 16 : i32
        %parallel_loop3A_1268 = arith.addi %parallel_loop3A_883, %parallel_loop3A_1267 : i32
        %parallel_loop3A_1269 = arith.constant 0 : i32
        %parallel_loop3A_1270 = arith.index_cast %parallel_loop3A_1269 : i32 to index
        %parallel_loop3A_1271 = arith.index_cast %parallel_loop3A_1268 : i32 to index
        %parallel_loop3A_1272 = tpu.vector_load %arg78[%parallel_loop3A_1270, %parallel_loop3A_1271] {strides = array<i32>} : memref<2x512xf32, #tpu.memory_space<vmem>>, vector<16xf32>,
        tpu.vector_store %arg78[%parallel_loop3A_1270, %parallel_loop3A_1271], %parallel_loop3A_1262 {strides = array<i32>} : memref<2x512xf32, #tpu.memory_space<vmem>>, vector<16xf32>,
        %parallel_loop3A_1273 = arith.addf %parallel_loop3A_996, %parallel_loop3A_1040 : vector<32xbf16>
        %parallel_loop3A_1274 = arith.mulf %parallel_loop3A_1273, %parallel_loop3A_884 : vector<32xbf16>
        %parallel_loop3A_1275 = arith.addf %parallel_loop3A_985, %parallel_loop3A_1051 : vector<32xbf16>
        %parallel_loop3A_1276 = arith.mulf %parallel_loop3A_1275, %parallel_loop3A_885 : vector<32xbf16>
        %parallel_loop3A_1277 = arith.addf %parallel_loop3A_1274, %parallel_loop3A_1276 : vector<32xbf16>
        %parallel_loop3A_1278 = arith.mulf %parallel_loop3A_963, %parallel_loop3A_886 : vector<32xbf16>
        %parallel_loop3A_1279 = arith.addf %parallel_loop3A_1277, %parallel_loop3A_1278 : vector<32xbf16>
        %parallel_loop3A_1280 = tpu.unpack_subelements %parallel_loop3A_1279, 0 {pack_format = #tpu.pack_format<interleaved>} : vector<32xbf16> -> vector<16xf32>
        %parallel_loop3A_1281 = tpu.unpack_subelements %parallel_loop3A_1279, 1 {pack_format = #tpu.pack_format<interleaved>} : vector<32xbf16> -> vector<16xf32>
        %parallel_loop3A_1282 = arith.constant 0 : i32
        %parallel_loop3A_1283 = arith.index_cast %parallel_loop3A_1282 : i32 to index
        %parallel_loop3A_1284 = arith.index_cast %parallel_loop3A_883 : i32 to index
        %parallel_loop3A_1285 = tpu.vector_load %arg79[%parallel_loop3A_1283, %parallel_loop3A_1284] {strides = array<i32>} : memref<2x512xf32, #tpu.memory_space<vmem>>, vector<16xf32>,
        tpu.vector_store %arg79[%parallel_loop3A_1283, %parallel_loop3A_1284], %parallel_loop3A_1280 {strides = array<i32>} : memref<2x512xf32, #tpu.memory_space<vmem>>, vector<16xf32>,
        %parallel_loop3A_1286 = arith.constant 16 : i32
        %parallel_loop3A_1287 = arith.addi %parallel_loop3A_883, %parallel_loop3A_1286 : i32
        %parallel_loop3A_1288 = arith.constant 0 : i32
        %parallel_loop3A_1289 = arith.index_cast %parallel_loop3A_1288 : i32 to index
        %parallel_loop3A_1290 = arith.index_cast %parallel_loop3A_1287 : i32 to index
        %parallel_loop3A_1291 = tpu.vector_load %arg79[%parallel_loop3A_1289, %parallel_loop3A_1290] {strides = array<i32>} : memref<2x512xf32, #tpu.memory_space<vmem>>, vector<16xf32>,
        tpu.vector_store %arg79[%parallel_loop3A_1289, %parallel_loop3A_1290], %parallel_loop3A_1281 {strides = array<i32>} : memref<2x512xf32, #tpu.memory_space<vmem>>, vector<16xf32>,
        %parallel_loop3A_1292 = arith.addf %parallel_loop3A_1007, %parallel_loop3A_1051 : vector<32xbf16>
        %parallel_loop3A_1293 = arith.mulf %parallel_loop3A_1292, %parallel_loop3A_884 : vector<32xbf16>
        %parallel_loop3A_1294 = arith.addf %parallel_loop3A_996, %parallel_loop3A_1062 : vector<32xbf16>
        %parallel_loop3A_1295 = arith.mulf %parallel_loop3A_1294, %parallel_loop3A_885 : vector<32xbf16>
        %parallel_loop3A_1296 = arith.addf %parallel_loop3A_1293, %parallel_loop3A_1295 : vector<32xbf16>
        %parallel_loop3A_1297 = arith.mulf %parallel_loop3A_974, %parallel_loop3A_886 : vector<32xbf16>
        %parallel_loop3A_1298 = arith.addf %parallel_loop3A_1296, %parallel_loop3A_1297 : vector<32xbf16>
        %parallel_loop3A_1299 = tpu.unpack_subelements %parallel_loop3A_1298, 0 {pack_format = #tpu.pack_format<interleaved>} : vector<32xbf16> -> vector<16xf32>
        %parallel_loop3A_1300 = tpu.unpack_subelements %parallel_loop3A_1298, 1 {pack_format = #tpu.pack_format<interleaved>} : vector<32xbf16> -> vector<16xf32>
        %parallel_loop3A_1301 = arith.constant 0 : i32
        %parallel_loop3A_1302 = arith.index_cast %parallel_loop3A_1301 : i32 to index
        %parallel_loop3A_1303 = arith.index_cast %parallel_loop3A_883 : i32 to index
        %parallel_loop3A_1304 = tpu.vector_load %arg80[%parallel_loop3A_1302, %parallel_loop3A_1303] {strides = array<i32>} : memref<2x512xf32, #tpu.memory_space<vmem>>, vector<16xf32>,
        tpu.vector_store %arg80[%parallel_loop3A_1302, %parallel_loop3A_1303], %parallel_loop3A_1299 {strides = array<i32>} : memref<2x512xf32, #tpu.memory_space<vmem>>, vector<16xf32>,
        %parallel_loop3A_1305 = arith.constant 16 : i32
        %parallel_loop3A_1306 = arith.addi %parallel_loop3A_883, %parallel_loop3A_1305 : i32
        %parallel_loop3A_1307 = arith.constant 0 : i32
        %parallel_loop3A_1308 = arith.index_cast %parallel_loop3A_1307 : i32 to index
        %parallel_loop3A_1309 = arith.index_cast %parallel_loop3A_1306 : i32 to index
        %parallel_loop3A_1310 = tpu.vector_load %arg80[%parallel_loop3A_1308, %parallel_loop3A_1309] {strides = array<i32>} : memref<2x512xf32, #tpu.memory_space<vmem>>, vector<16xf32>,
        tpu.vector_store %arg80[%parallel_loop3A_1308, %parallel_loop3A_1309], %parallel_loop3A_1300 {strides = array<i32>} : memref<2x512xf32, #tpu.memory_space<vmem>>, vector<16xf32>,
        %parallel_loop3A_1311 = arith.addf %parallel_loop3A_1018, %parallel_loop3A_1062 : vector<32xbf16>
        %parallel_loop3A_1312 = arith.mulf %parallel_loop3A_1311, %parallel_loop3A_884 : vector<32xbf16>
        %parallel_loop3A_1313 = arith.mulf %parallel_loop3A_1007, %parallel_loop3A_885 : vector<32xbf16>
        %parallel_loop3A_1314 = arith.addf %parallel_loop3A_1312, %parallel_loop3A_1313 : vector<32xbf16>
        %parallel_loop3A_1315 = arith.mulf %parallel_loop3A_985, %parallel_loop3A_886 : vector<32xbf16>
        %parallel_loop3A_1316 = arith.addf %parallel_loop3A_1314, %parallel_loop3A_1315 : vector<32xbf16>
        %parallel_loop3A_1317 = tpu.unpack_subelements %parallel_loop3A_1316, 0 {pack_format = #tpu.pack_format<interleaved>} : vector<32xbf16> -> vector<16xf32>
        %parallel_loop3A_1318 = tpu.unpack_subelements %parallel_loop3A_1316, 1 {pack_format = #tpu.pack_format<interleaved>} : vector<32xbf16> -> vector<16xf32>
        %parallel_loop3A_1319 = arith.constant 0 : i32
        %parallel_loop3A_1320 = arith.index_cast %parallel_loop3A_1319 : i32 to index
        %parallel_loop3A_1321 = arith.index_cast %parallel_loop3A_883 : i32 to index
        %parallel_loop3A_1322 = tpu.vector_load %arg81[%parallel_loop3A_1320, %parallel_loop3A_1321] {strides = array<i32>} : memref<2x512xf32, #tpu.memory_space<vmem>>, vector<16xf32>,
        tpu.vector_store %arg81[%parallel_loop3A_1320, %parallel_loop3A_1321], %parallel_loop3A_1317 {strides = array<i32>} : memref<2x512xf32, #tpu.memory_space<vmem>>, vector<16xf32>,
        %parallel_loop3A_1323 = arith.constant 16 : i32
        %parallel_loop3A_1324 = arith.addi %parallel_loop3A_883, %parallel_loop3A_1323 : i32
        %parallel_loop3A_1325 = arith.constant 0 : i32
        %parallel_loop3A_1326 = arith.index_cast %parallel_loop3A_1325 : i32 to index
        %parallel_loop3A_1327 = arith.index_cast %parallel_loop3A_1324 : i32 to index
        %parallel_loop3A_1328 = tpu.vector_load %arg81[%parallel_loop3A_1326, %parallel_loop3A_1327] {strides = array<i32>} : memref<2x512xf32, #tpu.memory_space<vmem>>, vector<16xf32>,
        tpu.vector_store %arg81[%parallel_loop3A_1326, %parallel_loop3A_1327], %parallel_loop3A_1318 {strides = array<i32>} : memref<2x512xf32, #tpu.memory_space<vmem>>, vector<16xf32>,
        %parallel_loop3A_1329 = arith.mulf %parallel_loop3A_1029, %parallel_loop3A_884 : vector<32xbf16>
        %parallel_loop3A_1330 = arith.mulf %parallel_loop3A_1018, %parallel_loop3A_885 : vector<32xbf16>
        %parallel_loop3A_1331 = arith.addf %parallel_loop3A_1329, %parallel_loop3A_1330 : vector<32xbf16>
        %parallel_loop3A_1332 = arith.mulf %parallel_loop3A_996, %parallel_loop3A_886 : vector<32xbf16>
        %parallel_loop3A_1333 = arith.addf %parallel_loop3A_1331, %parallel_loop3A_1332 : vector<32xbf16>
        %parallel_loop3A_1334 = tpu.unpack_subelements %parallel_loop3A_1333, 0 {pack_format = #tpu.pack_format<interleaved>} : vector<32xbf16> -> vector<16xf32>
        %parallel_loop3A_1335 = tpu.unpack_subelements %parallel_loop3A_1333, 1 {pack_format = #tpu.pack_format<interleaved>} : vector<32xbf16> -> vector<16xf32>
        %parallel_loop3A_1336 = arith.constant 0 : i32
        %parallel_loop3A_1337 = arith.index_cast %parallel_loop3A_1336 : i32 to index
        %parallel_loop3A_1338 = arith.index_cast %parallel_loop3A_883 : i32 to index
        %parallel_loop3A_1339 = tpu.vector_load %arg82[%parallel_loop3A_1337, %parallel_loop3A_1338] {strides = array<i32>} : memref<2x512xf32, #tpu.memory_space<vmem>>, vector<16xf32>,
        tpu.vector_store %arg82[%parallel_loop3A_1337, %parallel_loop3A_1338], %parallel_loop3A_1334 {strides = array<i32>} : memref<2x512xf32, #tpu.memory_space<vmem>>, vector<16xf32>,
        %parallel_loop3A_1340 = arith.constant 16 : i32
        %parallel_loop3A_1341 = arith.addi %parallel_loop3A_883, %parallel_loop3A_1340 : i32
        %parallel_loop3A_1342 = arith.constant 0 : i32
        %parallel_loop3A_1343 = arith.index_cast %parallel_loop3A_1342 : i32 to index
        %parallel_loop3A_1344 = arith.index_cast %parallel_loop3A_1341 : i32 to index
        %parallel_loop3A_1345 = tpu.vector_load %arg82[%parallel_loop3A_1343, %parallel_loop3A_1344] {strides = array<i32>} : memref<2x512xf32, #tpu.memory_space<vmem>>, vector<16xf32>,
        tpu.vector_store %arg82[%parallel_loop3A_1343, %parallel_loop3A_1344], %parallel_loop3A_1335 {strides = array<i32>} : memref<2x512xf32, #tpu.memory_space<vmem>>, vector<16xf32>,
        %parallel_loop3A_1346 = arith.mulf %parallel_loop3A_1040, %parallel_loop3A_884 : vector<32xbf16>
        %parallel_loop3A_1347 = arith.mulf %parallel_loop3A_1029, %parallel_loop3A_885 : vector<32xbf16>
        %parallel_loop3A_1348 = arith.addf %parallel_loop3A_1346, %parallel_loop3A_1347 : vector<32xbf16>
        %parallel_loop3A_1349 = arith.mulf %parallel_loop3A_1007, %parallel_loop3A_886 : vector<32xbf16>
        %parallel_loop3A_1350 = arith.addf %parallel_loop3A_1348, %parallel_loop3A_1349 : vector<32xbf16>
        %parallel_loop3A_1351 = tpu.unpack_subelements %parallel_loop3A_1350, 0 {pack_format = #tpu.pack_format<interleaved>} : vector<32xbf16> -> vector<16xf32>
        %parallel_loop3A_1352 = tpu.unpack_subelements %parallel_loop3A_1350, 1 {pack_format = #tpu.pack_format<interleaved>} : vector<32xbf16> -> vector<16xf32>
        %parallel_loop3A_1353 = arith.constant 0 : i32
        %parallel_loop3A_1354 = arith.index_cast %parallel_loop3A_1353 : i32 to index
        %parallel_loop3A_1355 = arith.index_cast %parallel_loop3A_883 : i32 to index
        %parallel_loop3A_1356 = tpu.vector_load %arg83[%parallel_loop3A_1354, %parallel_loop3A_1355] {strides = array<i32>} : memref<2x512xf32, #tpu.memory_space<vmem>>, vector<16xf32>,
        tpu.vector_store %arg83[%parallel_loop3A_1354, %parallel_loop3A_1355], %parallel_loop3A_1351 {strides = array<i32>} : memref<2x512xf32, #tpu.memory_space<vmem>>, vector<16xf32>,
        %parallel_loop3A_1357 = arith.constant 16 : i32
        %parallel_loop3A_1358 = arith.addi %parallel_loop3A_883, %parallel_loop3A_1357 : i32
        %parallel_loop3A_1359 = arith.constant 0 : i32
        %parallel_loop3A_1360 = arith.index_cast %parallel_loop3A_1359 : i32 to index
        %parallel_loop3A_1361 = arith.index_cast %parallel_loop3A_1358 : i32 to index
        %parallel_loop3A_1362 = tpu.vector_load %arg83[%parallel_loop3A_1360, %parallel_loop3A_1361] {strides = array<i32>} : memref<2x512xf32, #tpu.memory_space<vmem>>, vector<16xf32>,
        tpu.vector_store %arg83[%parallel_loop3A_1360, %parallel_loop3A_1361], %parallel_loop3A_1352 {strides = array<i32>} : memref<2x512xf32, #tpu.memory_space<vmem>>, vector<16xf32>,
      } {sc.loop_unroll_factor = 1 : i64, sc.parallel_access}
      %parallel_loop3A_763 = arith.constant 0 : i32
      %parallel_loop3A_764 = arith.constant 512 : i32
      %parallel_loop3A_765 = arith.constant 32 : i32
      scf.for %parallel_loop3A_883 = %parallel_loop3A_763 to %parallel_loop3A_764 step %parallel_loop3A_765  : i32 {
        %parallel_loop3A_884 = tpu.pack_subelements %get3A_3, %get3A_3 {pack_format = #tpu.pack_format<interleaved>, positions = array<i32: 0, 1>} : vector<16xf32>, vector<16xf32> -> vector<32xbf16>
        %parallel_loop3A_885 = tpu.pack_subelements %get3A_5, %get3A_5 {pack_format = #tpu.pack_format<interleaved>, positions = array<i32: 0, 1>} : vector<16xf32>, vector<16xf32> -> vector<32xbf16>
        %parallel_loop3A_886 = tpu.pack_subelements %get3A_7, %get3A_7 {pack_format = #tpu.pack_format<interleaved>, positions = array<i32: 0, 1>} : vector<16xf32>, vector<16xf32> -> vector<32xbf16>
        %parallel_loop3A_887 = arith.constant 1 : i32
        %parallel_loop3A_888 = arith.index_cast %parallel_loop3A_887 : i32 to index
        %parallel_loop3A_889 = arith.index_cast %parallel_loop3A_883 : i32 to index
        %parallel_loop3A_890 = tpu.vector_load %arg36[%parallel_loop3A_888, %parallel_loop3A_889] {strides = array<i32>} : memref<2x512xf32, #tpu.memory_space<vmem>>, vector<16xf32>,
        %parallel_loop3A_891 = arith.constant 16 : i32
        %parallel_loop3A_892 = arith.addi %parallel_loop3A_883, %parallel_loop3A_891 : i32
        %parallel_loop3A_893 = arith.constant 1 : i32
        %parallel_loop3A_894 = arith.index_cast %parallel_loop3A_893 : i32 to index
        %parallel_loop3A_895 = arith.index_cast %parallel_loop3A_892 : i32 to index
        %parallel_loop3A_896 = tpu.vector_load %arg36[%parallel_loop3A_894, %parallel_loop3A_895] {strides = array<i32>} : memref<2x512xf32, #tpu.memory_space<vmem>>, vector<16xf32>,
        %parallel_loop3A_897 = tpu.pack_subelements %parallel_loop3A_890, %parallel_loop3A_896 {pack_format = #tpu.pack_format<interleaved>, positions = array<i32: 0, 1>} : vector<16xf32>, vector<16xf32> -> vector<32xbf16>
        %parallel_loop3A_898 = arith.constant 1 : i32
        %parallel_loop3A_899 = arith.index_cast %parallel_loop3A_898 : i32 to index
        %parallel_loop3A_900 = arith.index_cast %parallel_loop3A_883 : i32 to index
        %parallel_loop3A_901 = tpu.vector_load %arg37[%parallel_loop3A_899, %parallel_loop3A_900] {strides = array<i32>} : memref<2x512xf32, #tpu.memory_space<vmem>>, vector<16xf32>,
        %parallel_loop3A_902 = arith.constant 16 : i32
        %parallel_loop3A_903 = arith.addi %parallel_loop3A_883, %parallel_loop3A_902 : i32
        %parallel_loop3A_904 = arith.constant 1 : i32
        %parallel_loop3A_905 = arith.index_cast %parallel_loop3A_904 : i32 to index
        %parallel_loop3A_906 = arith.index_cast %parallel_loop3A_903 : i32 to index
        %parallel_loop3A_907 = tpu.vector_load %arg37[%parallel_loop3A_905, %parallel_loop3A_906] {strides = array<i32>} : memref<2x512xf32, #tpu.memory_space<vmem>>, vector<16xf32>,
        %parallel_loop3A_908 = tpu.pack_subelements %parallel_loop3A_901, %parallel_loop3A_907 {pack_format = #tpu.pack_format<interleaved>, positions = array<i32: 0, 1>} : vector<16xf32>, vector<16xf32> -> vector<32xbf16>
        %parallel_loop3A_909 = arith.constant 1 : i32
        %parallel_loop3A_910 = arith.index_cast %parallel_loop3A_909 : i32 to index
        %parallel_loop3A_911 = arith.index_cast %parallel_loop3A_883 : i32 to index
        %parallel_loop3A_912 = tpu.vector_load %arg38[%parallel_loop3A_910, %parallel_loop3A_911] {strides = array<i32>} : memref<2x512xf32, #tpu.memory_space<vmem>>, vector<16xf32>,
        %parallel_loop3A_913 = arith.constant 16 : i32
        %parallel_loop3A_914 = arith.addi %parallel_loop3A_883, %parallel_loop3A_913 : i32
        %parallel_loop3A_915 = arith.constant 1 : i32
        %parallel_loop3A_916 = arith.index_cast %parallel_loop3A_915 : i32 to index
        %parallel_loop3A_917 = arith.index_cast %parallel_loop3A_914 : i32 to index
        %parallel_loop3A_918 = tpu.vector_load %arg38[%parallel_loop3A_916, %parallel_loop3A_917] {strides = array<i32>} : memref<2x512xf32, #tpu.memory_space<vmem>>, vector<16xf32>,
        %parallel_loop3A_919 = tpu.pack_subelements %parallel_loop3A_912, %parallel_loop3A_918 {pack_format = #tpu.pack_format<interleaved>, positions = array<i32: 0, 1>} : vector<16xf32>, vector<16xf32> -> vector<32xbf16>
        %parallel_loop3A_920 = arith.constant 1 : i32
        %parallel_loop3A_921 = arith.index_cast %parallel_loop3A_920 : i32 to index
        %parallel_loop3A_922 = arith.index_cast %parallel_loop3A_883 : i32 to index
        %parallel_loop3A_923 = tpu.vector_load %arg39[%parallel_loop3A_921, %parallel_loop3A_922] {strides = array<i32>} : memref<2x512xf32, #tpu.memory_space<vmem>>, vector<16xf32>,
        %parallel_loop3A_924 = arith.constant 16 : i32
        %parallel_loop3A_925 = arith.addi %parallel_loop3A_883, %parallel_loop3A_924 : i32
        %parallel_loop3A_926 = arith.constant 1 : i32
        %parallel_loop3A_927 = arith.index_cast %parallel_loop3A_926 : i32 to index
        %parallel_loop3A_928 = arith.index_cast %parallel_loop3A_925 : i32 to index
        %parallel_loop3A_929 = tpu.vector_load %arg39[%parallel_loop3A_927, %parallel_loop3A_928] {strides = array<i32>} : memref<2x512xf32, #tpu.memory_space<vmem>>, vector<16xf32>,
        %parallel_loop3A_930 = tpu.pack_subelements %parallel_loop3A_923, %parallel_loop3A_929 {pack_format = #tpu.pack_format<interleaved>, positions = array<i32: 0, 1>} : vector<16xf32>, vector<16xf32> -> vector<32xbf16>
        %parallel_loop3A_931 = arith.constant 1 : i32
        %parallel_loop3A_932 = arith.index_cast %parallel_loop3A_931 : i32 to index
        %parallel_loop3A_933 = arith.index_cast %parallel_loop3A_883 : i32 to index
        %parallel_loop3A_934 = tpu.vector_load %arg40[%parallel_loop3A_932, %parallel_loop3A_933] {strides = array<i32>} : memref<2x512xf32, #tpu.memory_space<vmem>>, vector<16xf32>,
        %parallel_loop3A_935 = arith.constant 16 : i32
        %parallel_loop3A_936 = arith.addi %parallel_loop3A_883, %parallel_loop3A_935 : i32
        %parallel_loop3A_937 = arith.constant 1 : i32
        %parallel_loop3A_938 = arith.index_cast %parallel_loop3A_937 : i32 to index
        %parallel_loop3A_939 = arith.index_cast %parallel_loop3A_936 : i32 to index
        %parallel_loop3A_940 = tpu.vector_load %arg40[%parallel_loop3A_938, %parallel_loop3A_939] {strides = array<i32>} : memref<2x512xf32, #tpu.memory_space<vmem>>, vector<16xf32>,
        %parallel_loop3A_941 = tpu.pack_subelements %parallel_loop3A_934, %parallel_loop3A_940 {pack_format = #tpu.pack_format<interleaved>, positions = array<i32: 0, 1>} : vector<16xf32>, vector<16xf32> -> vector<32xbf16>
        %parallel_loop3A_942 = arith.constant 1 : i32
        %parallel_loop3A_943 = arith.index_cast %parallel_loop3A_942 : i32 to index
        %parallel_loop3A_944 = arith.index_cast %parallel_loop3A_883 : i32 to index
        %parallel_loop3A_945 = tpu.vector_load %arg41[%parallel_loop3A_943, %parallel_loop3A_944] {strides = array<i32>} : memref<2x512xf32, #tpu.memory_space<vmem>>, vector<16xf32>,
        %parallel_loop3A_946 = arith.constant 16 : i32
        %parallel_loop3A_947 = arith.addi %parallel_loop3A_883, %parallel_loop3A_946 : i32
        %parallel_loop3A_948 = arith.constant 1 : i32
        %parallel_loop3A_949 = arith.index_cast %parallel_loop3A_948 : i32 to index
        %parallel_loop3A_950 = arith.index_cast %parallel_loop3A_947 : i32 to index
        %parallel_loop3A_951 = tpu.vector_load %arg41[%parallel_loop3A_949, %parallel_loop3A_950] {strides = array<i32>} : memref<2x512xf32, #tpu.memory_space<vmem>>, vector<16xf32>,
        %parallel_loop3A_952 = tpu.pack_subelements %parallel_loop3A_945, %parallel_loop3A_951 {pack_format = #tpu.pack_format<interleaved>, positions = array<i32: 0, 1>} : vector<16xf32>, vector<16xf32> -> vector<32xbf16>
        %parallel_loop3A_953 = arith.constant 1 : i32
        %parallel_loop3A_954 = arith.index_cast %parallel_loop3A_953 : i32 to index
        %parallel_loop3A_955 = arith.index_cast %parallel_loop3A_883 : i32 to index
        %parallel_loop3A_956 = tpu.vector_load %arg42[%parallel_loop3A_954, %parallel_loop3A_955] {strides = array<i32>} : memref<2x512xf32, #tpu.memory_space<vmem>>, vector<16xf32>,
        %parallel_loop3A_957 = arith.constant 16 : i32
        %parallel_loop3A_958 = arith.addi %parallel_loop3A_883, %parallel_loop3A_957 : i32
        %parallel_loop3A_959 = arith.constant 1 : i32
        %parallel_loop3A_960 = arith.index_cast %parallel_loop3A_959 : i32 to index
        %parallel_loop3A_961 = arith.index_cast %parallel_loop3A_958 : i32 to index
        %parallel_loop3A_962 = tpu.vector_load %arg42[%parallel_loop3A_960, %parallel_loop3A_961] {strides = array<i32>} : memref<2x512xf32, #tpu.memory_space<vmem>>, vector<16xf32>,
        %parallel_loop3A_963 = tpu.pack_subelements %parallel_loop3A_956, %parallel_loop3A_962 {pack_format = #tpu.pack_format<interleaved>, positions = array<i32: 0, 1>} : vector<16xf32>, vector<16xf32> -> vector<32xbf16>
        %parallel_loop3A_964 = arith.constant 1 : i32
        %parallel_loop3A_965 = arith.index_cast %parallel_loop3A_964 : i32 to index
        %parallel_loop3A_966 = arith.index_cast %parallel_loop3A_883 : i32 to index
        %parallel_loop3A_967 = tpu.vector_load %arg43[%parallel_loop3A_965, %parallel_loop3A_966] {strides = array<i32>} : memref<2x512xf32, #tpu.memory_space<vmem>>, vector<16xf32>,
        %parallel_loop3A_968 = arith.constant 16 : i32
        %parallel_loop3A_969 = arith.addi %parallel_loop3A_883, %parallel_loop3A_968 : i32
        %parallel_loop3A_970 = arith.constant 1 : i32
        %parallel_loop3A_971 = arith.index_cast %parallel_loop3A_970 : i32 to index
        %parallel_loop3A_972 = arith.index_cast %parallel_loop3A_969 : i32 to index
        %parallel_loop3A_973 = tpu.vector_load %arg43[%parallel_loop3A_971, %parallel_loop3A_972] {strides = array<i32>} : memref<2x512xf32, #tpu.memory_space<vmem>>, vector<16xf32>,
        %parallel_loop3A_974 = tpu.pack_subelements %parallel_loop3A_967, %parallel_loop3A_973 {pack_format = #tpu.pack_format<interleaved>, positions = array<i32: 0, 1>} : vector<16xf32>, vector<16xf32> -> vector<32xbf16>
        %parallel_loop3A_975 = arith.constant 1 : i32
        %parallel_loop3A_976 = arith.index_cast %parallel_loop3A_975 : i32 to index
        %parallel_loop3A_977 = arith.index_cast %parallel_loop3A_883 : i32 to index
        %parallel_loop3A_978 = tpu.vector_load %arg44[%parallel_loop3A_976, %parallel_loop3A_977] {strides = array<i32>} : memref<2x512xf32, #tpu.memory_space<vmem>>, vector<16xf32>,
        %parallel_loop3A_979 = arith.constant 16 : i32
        %parallel_loop3A_980 = arith.addi %parallel_loop3A_883, %parallel_loop3A_979 : i32
        %parallel_loop3A_981 = arith.constant 1 : i32
        %parallel_loop3A_982 = arith.index_cast %parallel_loop3A_981 : i32 to index
        %parallel_loop3A_983 = arith.index_cast %parallel_loop3A_980 : i32 to index
        %parallel_loop3A_984 = tpu.vector_load %arg44[%parallel_loop3A_982, %parallel_loop3A_983] {strides = array<i32>} : memref<2x512xf32, #tpu.memory_space<vmem>>, vector<16xf32>,
        %parallel_loop3A_985 = tpu.pack_subelements %parallel_loop3A_978, %parallel_loop3A_984 {pack_format = #tpu.pack_format<interleaved>, positions = array<i32: 0, 1>} : vector<16xf32>, vector<16xf32> -> vector<32xbf16>
        %parallel_loop3A_986 = arith.constant 1 : i32
        %parallel_loop3A_987 = arith.index_cast %parallel_loop3A_986 : i32 to index
        %parallel_loop3A_988 = arith.index_cast %parallel_loop3A_883 : i32 to index
        %parallel_loop3A_989 = tpu.vector_load %arg45[%parallel_loop3A_987, %parallel_loop3A_988] {strides = array<i32>} : memref<2x512xf32, #tpu.memory_space<vmem>>, vector<16xf32>,
        %parallel_loop3A_990 = arith.constant 16 : i32
        %parallel_loop3A_991 = arith.addi %parallel_loop3A_883, %parallel_loop3A_990 : i32
        %parallel_loop3A_992 = arith.constant 1 : i32
        %parallel_loop3A_993 = arith.index_cast %parallel_loop3A_992 : i32 to index
        %parallel_loop3A_994 = arith.index_cast %parallel_loop3A_991 : i32 to index
        %parallel_loop3A_995 = tpu.vector_load %arg45[%parallel_loop3A_993, %parallel_loop3A_994] {strides = array<i32>} : memref<2x512xf32, #tpu.memory_space<vmem>>, vector<16xf32>,
        %parallel_loop3A_996 = tpu.pack_subelements %parallel_loop3A_989, %parallel_loop3A_995 {pack_format = #tpu.pack_format<interleaved>, positions = array<i32: 0, 1>} : vector<16xf32>, vector<16xf32> -> vector<32xbf16>
        %parallel_loop3A_997 = arith.constant 1 : i32
        %parallel_loop3A_998 = arith.index_cast %parallel_loop3A_997 : i32 to index
        %parallel_loop3A_999 = arith.index_cast %parallel_loop3A_883 : i32 to index
        %parallel_loop3A_1000 = tpu.vector_load %arg46[%parallel_loop3A_998, %parallel_loop3A_999] {strides = array<i32>} : memref<2x512xf32, #tpu.memory_space<vmem>>, vector<16xf32>,
        %parallel_loop3A_1001 = arith.constant 16 : i32
        %parallel_loop3A_1002 = arith.addi %parallel_loop3A_883, %parallel_loop3A_1001 : i32
        %parallel_loop3A_1003 = arith.constant 1 : i32
        %parallel_loop3A_1004 = arith.index_cast %parallel_loop3A_1003 : i32 to index
        %parallel_loop3A_1005 = arith.index_cast %parallel_loop3A_1002 : i32 to index
        %parallel_loop3A_1006 = tpu.vector_load %arg46[%parallel_loop3A_1004, %parallel_loop3A_1005] {strides = array<i32>} : memref<2x512xf32, #tpu.memory_space<vmem>>, vector<16xf32>,
        %parallel_loop3A_1007 = tpu.pack_subelements %parallel_loop3A_1000, %parallel_loop3A_1006 {pack_format = #tpu.pack_format<interleaved>, positions = array<i32: 0, 1>} : vector<16xf32>, vector<16xf32> -> vector<32xbf16>
        %parallel_loop3A_1008 = arith.constant 1 : i32
        %parallel_loop3A_1009 = arith.index_cast %parallel_loop3A_1008 : i32 to index
        %parallel_loop3A_1010 = arith.index_cast %parallel_loop3A_883 : i32 to index
        %parallel_loop3A_1011 = tpu.vector_load %arg47[%parallel_loop3A_1009, %parallel_loop3A_1010] {strides = array<i32>} : memref<2x512xf32, #tpu.memory_space<vmem>>, vector<16xf32>,
        %parallel_loop3A_1012 = arith.constant 16 : i32
        %parallel_loop3A_1013 = arith.addi %parallel_loop3A_883, %parallel_loop3A_1012 : i32
        %parallel_loop3A_1014 = arith.constant 1 : i32
        %parallel_loop3A_1015 = arith.index_cast %parallel_loop3A_1014 : i32 to index
        %parallel_loop3A_1016 = arith.index_cast %parallel_loop3A_1013 : i32 to index
        %parallel_loop3A_1017 = tpu.vector_load %arg47[%parallel_loop3A_1015, %parallel_loop3A_1016] {strides = array<i32>} : memref<2x512xf32, #tpu.memory_space<vmem>>, vector<16xf32>,
        %parallel_loop3A_1018 = tpu.pack_subelements %parallel_loop3A_1011, %parallel_loop3A_1017 {pack_format = #tpu.pack_format<interleaved>, positions = array<i32: 0, 1>} : vector<16xf32>, vector<16xf32> -> vector<32xbf16>
        %parallel_loop3A_1019 = arith.constant 1 : i32
        %parallel_loop3A_1020 = arith.index_cast %parallel_loop3A_1019 : i32 to index
        %parallel_loop3A_1021 = arith.index_cast %parallel_loop3A_883 : i32 to index
        %parallel_loop3A_1022 = tpu.vector_load %arg48[%parallel_loop3A_1020, %parallel_loop3A_1021] {strides = array<i32>} : memref<2x512xf32, #tpu.memory_space<vmem>>, vector<16xf32>,
        %parallel_loop3A_1023 = arith.constant 16 : i32
        %parallel_loop3A_1024 = arith.addi %parallel_loop3A_883, %parallel_loop3A_1023 : i32
        %parallel_loop3A_1025 = arith.constant 1 : i32
        %parallel_loop3A_1026 = arith.index_cast %parallel_loop3A_1025 : i32 to index
        %parallel_loop3A_1027 = arith.index_cast %parallel_loop3A_1024 : i32 to index
        %parallel_loop3A_1028 = tpu.vector_load %arg48[%parallel_loop3A_1026, %parallel_loop3A_1027] {strides = array<i32>} : memref<2x512xf32, #tpu.memory_space<vmem>>, vector<16xf32>,
        %parallel_loop3A_1029 = tpu.pack_subelements %parallel_loop3A_1022, %parallel_loop3A_1028 {pack_format = #tpu.pack_format<interleaved>, positions = array<i32: 0, 1>} : vector<16xf32>, vector<16xf32> -> vector<32xbf16>
        %parallel_loop3A_1030 = arith.constant 1 : i32
        %parallel_loop3A_1031 = arith.index_cast %parallel_loop3A_1030 : i32 to index
        %parallel_loop3A_1032 = arith.index_cast %parallel_loop3A_883 : i32 to index
        %parallel_loop3A_1033 = tpu.vector_load %arg49[%parallel_loop3A_1031, %parallel_loop3A_1032] {strides = array<i32>} : memref<2x512xf32, #tpu.memory_space<vmem>>, vector<16xf32>,
        %parallel_loop3A_1034 = arith.constant 16 : i32
        %parallel_loop3A_1035 = arith.addi %parallel_loop3A_883, %parallel_loop3A_1034 : i32
        %parallel_loop3A_1036 = arith.constant 1 : i32
        %parallel_loop3A_1037 = arith.index_cast %parallel_loop3A_1036 : i32 to index
        %parallel_loop3A_1038 = arith.index_cast %parallel_loop3A_1035 : i32 to index
        %parallel_loop3A_1039 = tpu.vector_load %arg49[%parallel_loop3A_1037, %parallel_loop3A_1038] {strides = array<i32>} : memref<2x512xf32, #tpu.memory_space<vmem>>, vector<16xf32>,
        %parallel_loop3A_1040 = tpu.pack_subelements %parallel_loop3A_1033, %parallel_loop3A_1039 {pack_format = #tpu.pack_format<interleaved>, positions = array<i32: 0, 1>} : vector<16xf32>, vector<16xf32> -> vector<32xbf16>
        %parallel_loop3A_1041 = arith.constant 1 : i32
        %parallel_loop3A_1042 = arith.index_cast %parallel_loop3A_1041 : i32 to index
        %parallel_loop3A_1043 = arith.index_cast %parallel_loop3A_883 : i32 to index
        %parallel_loop3A_1044 = tpu.vector_load %arg50[%parallel_loop3A_1042, %parallel_loop3A_1043] {strides = array<i32>} : memref<2x512xf32, #tpu.memory_space<vmem>>, vector<16xf32>,
        %parallel_loop3A_1045 = arith.constant 16 : i32
        %parallel_loop3A_1046 = arith.addi %parallel_loop3A_883, %parallel_loop3A_1045 : i32
        %parallel_loop3A_1047 = arith.constant 1 : i32
        %parallel_loop3A_1048 = arith.index_cast %parallel_loop3A_1047 : i32 to index
        %parallel_loop3A_1049 = arith.index_cast %parallel_loop3A_1046 : i32 to index
        %parallel_loop3A_1050 = tpu.vector_load %arg50[%parallel_loop3A_1048, %parallel_loop3A_1049] {strides = array<i32>} : memref<2x512xf32, #tpu.memory_space<vmem>>, vector<16xf32>,
        %parallel_loop3A_1051 = tpu.pack_subelements %parallel_loop3A_1044, %parallel_loop3A_1050 {pack_format = #tpu.pack_format<interleaved>, positions = array<i32: 0, 1>} : vector<16xf32>, vector<16xf32> -> vector<32xbf16>
        %parallel_loop3A_1052 = arith.constant 1 : i32
        %parallel_loop3A_1053 = arith.index_cast %parallel_loop3A_1052 : i32 to index
        %parallel_loop3A_1054 = arith.index_cast %parallel_loop3A_883 : i32 to index
        %parallel_loop3A_1055 = tpu.vector_load %arg51[%parallel_loop3A_1053, %parallel_loop3A_1054] {strides = array<i32>} : memref<2x512xf32, #tpu.memory_space<vmem>>, vector<16xf32>,
        %parallel_loop3A_1056 = arith.constant 16 : i32
        %parallel_loop3A_1057 = arith.addi %parallel_loop3A_883, %parallel_loop3A_1056 : i32
        %parallel_loop3A_1058 = arith.constant 1 : i32
        %parallel_loop3A_1059 = arith.index_cast %parallel_loop3A_1058 : i32 to index
        %parallel_loop3A_1060 = arith.index_cast %parallel_loop3A_1057 : i32 to index
        %parallel_loop3A_1061 = tpu.vector_load %arg51[%parallel_loop3A_1059, %parallel_loop3A_1060] {strides = array<i32>} : memref<2x512xf32, #tpu.memory_space<vmem>>, vector<16xf32>,
        %parallel_loop3A_1062 = tpu.pack_subelements %parallel_loop3A_1055, %parallel_loop3A_1061 {pack_format = #tpu.pack_format<interleaved>, positions = array<i32: 0, 1>} : vector<16xf32>, vector<16xf32> -> vector<32xbf16>
        %parallel_loop3A_1063 = arith.mulf %parallel_loop3A_919, %parallel_loop3A_884 : vector<32xbf16>
        %parallel_loop3A_1064 = arith.mulf %parallel_loop3A_930, %parallel_loop3A_885 : vector<32xbf16>
        %parallel_loop3A_1065 = arith.addf %parallel_loop3A_1063, %parallel_loop3A_1064 : vector<32xbf16>
        %parallel_loop3A_1066 = arith.mulf %parallel_loop3A_952, %parallel_loop3A_886 : vector<32xbf16>
        %parallel_loop3A_1067 = arith.addf %parallel_loop3A_1065, %parallel_loop3A_1066 : vector<32xbf16>
        %parallel_loop3A_1068 = tpu.unpack_subelements %parallel_loop3A_1067, 0 {pack_format = #tpu.pack_format<interleaved>} : vector<32xbf16> -> vector<16xf32>
        %parallel_loop3A_1069 = tpu.unpack_subelements %parallel_loop3A_1067, 1 {pack_format = #tpu.pack_format<interleaved>} : vector<32xbf16> -> vector<16xf32>
        %parallel_loop3A_1070 = arith.constant 1 : i32
        %parallel_loop3A_1071 = arith.index_cast %parallel_loop3A_1070 : i32 to index
        %parallel_loop3A_1072 = arith.index_cast %parallel_loop3A_883 : i32 to index
        %parallel_loop3A_1073 = tpu.vector_load %arg68[%parallel_loop3A_1071, %parallel_loop3A_1072] {strides = array<i32>} : memref<2x512xf32, #tpu.memory_space<vmem>>, vector<16xf32>,
        tpu.vector_store %arg68[%parallel_loop3A_1071, %parallel_loop3A_1072], %parallel_loop3A_1068 {strides = array<i32>} : memref<2x512xf32, #tpu.memory_space<vmem>>, vector<16xf32>,
        %parallel_loop3A_1074 = arith.constant 16 : i32
        %parallel_loop3A_1075 = arith.addi %parallel_loop3A_883, %parallel_loop3A_1074 : i32
        %parallel_loop3A_1076 = arith.constant 1 : i32
        %parallel_loop3A_1077 = arith.index_cast %parallel_loop3A_1076 : i32 to index
        %parallel_loop3A_1078 = arith.index_cast %parallel_loop3A_1075 : i32 to index
        %parallel_loop3A_1079 = tpu.vector_load %arg68[%parallel_loop3A_1077, %parallel_loop3A_1078] {strides = array<i32>} : memref<2x512xf32, #tpu.memory_space<vmem>>, vector<16xf32>,
        tpu.vector_store %arg68[%parallel_loop3A_1077, %parallel_loop3A_1078], %parallel_loop3A_1069 {strides = array<i32>} : memref<2x512xf32, #tpu.memory_space<vmem>>, vector<16xf32>,
        %parallel_loop3A_1080 = arith.mulf %parallel_loop3A_930, %parallel_loop3A_884 : vector<32xbf16>
        %parallel_loop3A_1081 = arith.mulf %parallel_loop3A_941, %parallel_loop3A_885 : vector<32xbf16>
        %parallel_loop3A_1082 = arith.addf %parallel_loop3A_1080, %parallel_loop3A_1081 : vector<32xbf16>
        %parallel_loop3A_1083 = arith.mulf %parallel_loop3A_963, %parallel_loop3A_886 : vector<32xbf16>
        %parallel_loop3A_1084 = arith.addf %parallel_loop3A_1082, %parallel_loop3A_1083 : vector<32xbf16>
        %parallel_loop3A_1085 = tpu.unpack_subelements %parallel_loop3A_1084, 0 {pack_format = #tpu.pack_format<interleaved>} : vector<32xbf16> -> vector<16xf32>
        %parallel_loop3A_1086 = tpu.unpack_subelements %parallel_loop3A_1084, 1 {pack_format = #tpu.pack_format<interleaved>} : vector<32xbf16> -> vector<16xf32>
        %parallel_loop3A_1087 = arith.constant 1 : i32
        %parallel_loop3A_1088 = arith.index_cast %parallel_loop3A_1087 : i32 to index
        %parallel_loop3A_1089 = arith.index_cast %parallel_loop3A_883 : i32 to index
        %parallel_loop3A_1090 = tpu.vector_load %arg69[%parallel_loop3A_1088, %parallel_loop3A_1089] {strides = array<i32>} : memref<2x512xf32, #tpu.memory_space<vmem>>, vector<16xf32>,
        tpu.vector_store %arg69[%parallel_loop3A_1088, %parallel_loop3A_1089], %parallel_loop3A_1085 {strides = array<i32>} : memref<2x512xf32, #tpu.memory_space<vmem>>, vector<16xf32>,
        %parallel_loop3A_1091 = arith.constant 16 : i32
        %parallel_loop3A_1092 = arith.addi %parallel_loop3A_883, %parallel_loop3A_1091 : i32
        %parallel_loop3A_1093 = arith.constant 1 : i32
        %parallel_loop3A_1094 = arith.index_cast %parallel_loop3A_1093 : i32 to index
        %parallel_loop3A_1095 = arith.index_cast %parallel_loop3A_1092 : i32 to index
        %parallel_loop3A_1096 = tpu.vector_load %arg69[%parallel_loop3A_1094, %parallel_loop3A_1095] {strides = array<i32>} : memref<2x512xf32, #tpu.memory_space<vmem>>, vector<16xf32>,
        tpu.vector_store %arg69[%parallel_loop3A_1094, %parallel_loop3A_1095], %parallel_loop3A_1086 {strides = array<i32>} : memref<2x512xf32, #tpu.memory_space<vmem>>, vector<16xf32>,
        %parallel_loop3A_1097 = arith.addf %parallel_loop3A_897, %parallel_loop3A_941 : vector<32xbf16>
        %parallel_loop3A_1098 = arith.mulf %parallel_loop3A_1097, %parallel_loop3A_884 : vector<32xbf16>
        %parallel_loop3A_1099 = arith.mulf %parallel_loop3A_952, %parallel_loop3A_885 : vector<32xbf16>
        %parallel_loop3A_1100 = arith.addf %parallel_loop3A_1098, %parallel_loop3A_1099 : vector<32xbf16>
        %parallel_loop3A_1101 = arith.mulf %parallel_loop3A_974, %parallel_loop3A_886 : vector<32xbf16>
        %parallel_loop3A_1102 = arith.addf %parallel_loop3A_1100, %parallel_loop3A_1101 : vector<32xbf16>
        %parallel_loop3A_1103 = tpu.unpack_subelements %parallel_loop3A_1102, 0 {pack_format = #tpu.pack_format<interleaved>} : vector<32xbf16> -> vector<16xf32>
        %parallel_loop3A_1104 = tpu.unpack_subelements %parallel_loop3A_1102, 1 {pack_format = #tpu.pack_format<interleaved>} : vector<32xbf16> -> vector<16xf32>
        %parallel_loop3A_1105 = arith.constant 1 : i32
        %parallel_loop3A_1106 = arith.index_cast %parallel_loop3A_1105 : i32 to index
        %parallel_loop3A_1107 = arith.index_cast %parallel_loop3A_883 : i32 to index
        %parallel_loop3A_1108 = tpu.vector_load %arg70[%parallel_loop3A_1106, %parallel_loop3A_1107] {strides = array<i32>} : memref<2x512xf32, #tpu.memory_space<vmem>>, vector<16xf32>,
        tpu.vector_store %arg70[%parallel_loop3A_1106, %parallel_loop3A_1107], %parallel_loop3A_1103 {strides = array<i32>} : memref<2x512xf32, #tpu.memory_space<vmem>>, vector<16xf32>,
        %parallel_loop3A_1109 = arith.constant 16 : i32
        %parallel_loop3A_1110 = arith.addi %parallel_loop3A_883, %parallel_loop3A_1109 : i32
        %parallel_loop3A_1111 = arith.constant 1 : i32
        %parallel_loop3A_1112 = arith.index_cast %parallel_loop3A_1111 : i32 to index
        %parallel_loop3A_1113 = arith.index_cast %parallel_loop3A_1110 : i32 to index
        %parallel_loop3A_1114 = tpu.vector_load %arg70[%parallel_loop3A_1112, %parallel_loop3A_1113] {strides = array<i32>} : memref<2x512xf32, #tpu.memory_space<vmem>>, vector<16xf32>,
        tpu.vector_store %arg70[%parallel_loop3A_1112, %parallel_loop3A_1113], %parallel_loop3A_1104 {strides = array<i32>} : memref<2x512xf32, #tpu.memory_space<vmem>>, vector<16xf32>,
        %parallel_loop3A_1115 = arith.addf %parallel_loop3A_908, %parallel_loop3A_952 : vector<32xbf16>
        %parallel_loop3A_1116 = arith.mulf %parallel_loop3A_1115, %parallel_loop3A_884 : vector<32xbf16>
        %parallel_loop3A_1117 = arith.addf %parallel_loop3A_897, %parallel_loop3A_963 : vector<32xbf16>
        %parallel_loop3A_1118 = arith.mulf %parallel_loop3A_1117, %parallel_loop3A_885 : vector<32xbf16>
        %parallel_loop3A_1119 = arith.addf %parallel_loop3A_1116, %parallel_loop3A_1118 : vector<32xbf16>
        %parallel_loop3A_1120 = arith.mulf %parallel_loop3A_985, %parallel_loop3A_886 : vector<32xbf16>
        %parallel_loop3A_1121 = arith.addf %parallel_loop3A_1119, %parallel_loop3A_1120 : vector<32xbf16>
        %parallel_loop3A_1122 = tpu.unpack_subelements %parallel_loop3A_1121, 0 {pack_format = #tpu.pack_format<interleaved>} : vector<32xbf16> -> vector<16xf32>
        %parallel_loop3A_1123 = tpu.unpack_subelements %parallel_loop3A_1121, 1 {pack_format = #tpu.pack_format<interleaved>} : vector<32xbf16> -> vector<16xf32>
        %parallel_loop3A_1124 = arith.constant 1 : i32
        %parallel_loop3A_1125 = arith.index_cast %parallel_loop3A_1124 : i32 to index
        %parallel_loop3A_1126 = arith.index_cast %parallel_loop3A_883 : i32 to index
        %parallel_loop3A_1127 = tpu.vector_load %arg71[%parallel_loop3A_1125, %parallel_loop3A_1126] {strides = array<i32>} : memref<2x512xf32, #tpu.memory_space<vmem>>, vector<16xf32>,
        tpu.vector_store %arg71[%parallel_loop3A_1125, %parallel_loop3A_1126], %parallel_loop3A_1122 {strides = array<i32>} : memref<2x512xf32, #tpu.memory_space<vmem>>, vector<16xf32>,
        %parallel_loop3A_1128 = arith.constant 16 : i32
        %parallel_loop3A_1129 = arith.addi %parallel_loop3A_883, %parallel_loop3A_1128 : i32
        %parallel_loop3A_1130 = arith.constant 1 : i32
        %parallel_loop3A_1131 = arith.index_cast %parallel_loop3A_1130 : i32 to index
        %parallel_loop3A_1132 = arith.index_cast %parallel_loop3A_1129 : i32 to index
        %parallel_loop3A_1133 = tpu.vector_load %arg71[%parallel_loop3A_1131, %parallel_loop3A_1132] {strides = array<i32>} : memref<2x512xf32, #tpu.memory_space<vmem>>, vector<16xf32>,
        tpu.vector_store %arg71[%parallel_loop3A_1131, %parallel_loop3A_1132], %parallel_loop3A_1123 {strides = array<i32>} : memref<2x512xf32, #tpu.memory_space<vmem>>, vector<16xf32>,
        %parallel_loop3A_1134 = arith.addf %parallel_loop3A_919, %parallel_loop3A_963 : vector<32xbf16>
        %parallel_loop3A_1135 = arith.mulf %parallel_loop3A_1134, %parallel_loop3A_884 : vector<32xbf16>
        %parallel_loop3A_1136 = arith.addf %parallel_loop3A_908, %parallel_loop3A_974 : vector<32xbf16>
        %parallel_loop3A_1137 = arith.mulf %parallel_loop3A_1136, %parallel_loop3A_885 : vector<32xbf16>
        %parallel_loop3A_1138 = arith.addf %parallel_loop3A_1135, %parallel_loop3A_1137 : vector<32xbf16>
        %parallel_loop3A_1139 = arith.mulf %parallel_loop3A_996, %parallel_loop3A_886 : vector<32xbf16>
        %parallel_loop3A_1140 = arith.addf %parallel_loop3A_1138, %parallel_loop3A_1139 : vector<32xbf16>
        %parallel_loop3A_1141 = tpu.unpack_subelements %parallel_loop3A_1140, 0 {pack_format = #tpu.pack_format<interleaved>} : vector<32xbf16> -> vector<16xf32>
        %parallel_loop3A_1142 = tpu.unpack_subelements %parallel_loop3A_1140, 1 {pack_format = #tpu.pack_format<interleaved>} : vector<32xbf16> -> vector<16xf32>
        %parallel_loop3A_1143 = arith.constant 1 : i32
        %parallel_loop3A_1144 = arith.index_cast %parallel_loop3A_1143 : i32 to index
        %parallel_loop3A_1145 = arith.index_cast %parallel_loop3A_883 : i32 to index
        %parallel_loop3A_1146 = tpu.vector_load %arg72[%parallel_loop3A_1144, %parallel_loop3A_1145] {strides = array<i32>} : memref<2x512xf32, #tpu.memory_space<vmem>>, vector<16xf32>,
        tpu.vector_store %arg72[%parallel_loop3A_1144, %parallel_loop3A_1145], %parallel_loop3A_1141 {strides = array<i32>} : memref<2x512xf32, #tpu.memory_space<vmem>>, vector<16xf32>,
        %parallel_loop3A_1147 = arith.constant 16 : i32
        %parallel_loop3A_1148 = arith.addi %parallel_loop3A_883, %parallel_loop3A_1147 : i32
        %parallel_loop3A_1149 = arith.constant 1 : i32
        %parallel_loop3A_1150 = arith.index_cast %parallel_loop3A_1149 : i32 to index
        %parallel_loop3A_1151 = arith.index_cast %parallel_loop3A_1148 : i32 to index
        %parallel_loop3A_1152 = tpu.vector_load %arg72[%parallel_loop3A_1150, %parallel_loop3A_1151] {strides = array<i32>} : memref<2x512xf32, #tpu.memory_space<vmem>>, vector<16xf32>,
        tpu.vector_store %arg72[%parallel_loop3A_1150, %parallel_loop3A_1151], %parallel_loop3A_1142 {strides = array<i32>} : memref<2x512xf32, #tpu.memory_space<vmem>>, vector<16xf32>,
        %parallel_loop3A_1153 = arith.addf %parallel_loop3A_930, %parallel_loop3A_974 : vector<32xbf16>
        %parallel_loop3A_1154 = arith.mulf %parallel_loop3A_1153, %parallel_loop3A_884 : vector<32xbf16>
        %parallel_loop3A_1155 = arith.addf %parallel_loop3A_919, %parallel_loop3A_985 : vector<32xbf16>
        %parallel_loop3A_1156 = arith.mulf %parallel_loop3A_1155, %parallel_loop3A_885 : vector<32xbf16>
        %parallel_loop3A_1157 = arith.addf %parallel_loop3A_1154, %parallel_loop3A_1156 : vector<32xbf16>
        %parallel_loop3A_1158 = arith.addf %parallel_loop3A_897, %parallel_loop3A_1007 : vector<32xbf16>
        %parallel_loop3A_1159 = arith.mulf %parallel_loop3A_1158, %parallel_loop3A_886 : vector<32xbf16>
        %parallel_loop3A_1160 = arith.addf %parallel_loop3A_1157, %parallel_loop3A_1159 : vector<32xbf16>
        %parallel_loop3A_1161 = tpu.unpack_subelements %parallel_loop3A_1160, 0 {pack_format = #tpu.pack_format<interleaved>} : vector<32xbf16> -> vector<16xf32>
        %parallel_loop3A_1162 = tpu.unpack_subelements %parallel_loop3A_1160, 1 {pack_format = #tpu.pack_format<interleaved>} : vector<32xbf16> -> vector<16xf32>
        %parallel_loop3A_1163 = arith.constant 1 : i32
        %parallel_loop3A_1164 = arith.index_cast %parallel_loop3A_1163 : i32 to index
        %parallel_loop3A_1165 = arith.index_cast %parallel_loop3A_883 : i32 to index
        %parallel_loop3A_1166 = tpu.vector_load %arg73[%parallel_loop3A_1164, %parallel_loop3A_1165] {strides = array<i32>} : memref<2x512xf32, #tpu.memory_space<vmem>>, vector<16xf32>,
        tpu.vector_store %arg73[%parallel_loop3A_1164, %parallel_loop3A_1165], %parallel_loop3A_1161 {strides = array<i32>} : memref<2x512xf32, #tpu.memory_space<vmem>>, vector<16xf32>,
        %parallel_loop3A_1167 = arith.constant 16 : i32
        %parallel_loop3A_1168 = arith.addi %parallel_loop3A_883, %parallel_loop3A_1167 : i32
        %parallel_loop3A_1169 = arith.constant 1 : i32
        %parallel_loop3A_1170 = arith.index_cast %parallel_loop3A_1169 : i32 to index
        %parallel_loop3A_1171 = arith.index_cast %parallel_loop3A_1168 : i32 to index
        %parallel_loop3A_1172 = tpu.vector_load %arg73[%parallel_loop3A_1170, %parallel_loop3A_1171] {strides = array<i32>} : memref<2x512xf32, #tpu.memory_space<vmem>>, vector<16xf32>,
        tpu.vector_store %arg73[%parallel_loop3A_1170, %parallel_loop3A_1171], %parallel_loop3A_1162 {strides = array<i32>} : memref<2x512xf32, #tpu.memory_space<vmem>>, vector<16xf32>,
        %parallel_loop3A_1173 = arith.addf %parallel_loop3A_941, %parallel_loop3A_985 : vector<32xbf16>
        %parallel_loop3A_1174 = arith.mulf %parallel_loop3A_1173, %parallel_loop3A_884 : vector<32xbf16>
        %parallel_loop3A_1175 = arith.addf %parallel_loop3A_930, %parallel_loop3A_996 : vector<32xbf16>
        %parallel_loop3A_1176 = arith.mulf %parallel_loop3A_1175, %parallel_loop3A_885 : vector<32xbf16>
        %parallel_loop3A_1177 = arith.addf %parallel_loop3A_1174, %parallel_loop3A_1176 : vector<32xbf16>
        %parallel_loop3A_1178 = arith.addf %parallel_loop3A_908, %parallel_loop3A_1018 : vector<32xbf16>
        %parallel_loop3A_1179 = arith.mulf %parallel_loop3A_1178, %parallel_loop3A_886 : vector<32xbf16>
        %parallel_loop3A_1180 = arith.addf %parallel_loop3A_1177, %parallel_loop3A_1179 : vector<32xbf16>
        %parallel_loop3A_1181 = tpu.unpack_subelements %parallel_loop3A_1180, 0 {pack_format = #tpu.pack_format<interleaved>} : vector<32xbf16> -> vector<16xf32>
        %parallel_loop3A_1182 = tpu.unpack_subelements %parallel_loop3A_1180, 1 {pack_format = #tpu.pack_format<interleaved>} : vector<32xbf16> -> vector<16xf32>
        %parallel_loop3A_1183 = arith.constant 1 : i32
        %parallel_loop3A_1184 = arith.index_cast %parallel_loop3A_1183 : i32 to index
        %parallel_loop3A_1185 = arith.index_cast %parallel_loop3A_883 : i32 to index
        %parallel_loop3A_1186 = tpu.vector_load %arg74[%parallel_loop3A_1184, %parallel_loop3A_1185] {strides = array<i32>} : memref<2x512xf32, #tpu.memory_space<vmem>>, vector<16xf32>,
        tpu.vector_store %arg74[%parallel_loop3A_1184, %parallel_loop3A_1185], %parallel_loop3A_1181 {strides = array<i32>} : memref<2x512xf32, #tpu.memory_space<vmem>>, vector<16xf32>,
        %parallel_loop3A_1187 = arith.constant 16 : i32
        %parallel_loop3A_1188 = arith.addi %parallel_loop3A_883, %parallel_loop3A_1187 : i32
        %parallel_loop3A_1189 = arith.constant 1 : i32
        %parallel_loop3A_1190 = arith.index_cast %parallel_loop3A_1189 : i32 to index
        %parallel_loop3A_1191 = arith.index_cast %parallel_loop3A_1188 : i32 to index
        %parallel_loop3A_1192 = tpu.vector_load %arg74[%parallel_loop3A_1190, %parallel_loop3A_1191] {strides = array<i32>} : memref<2x512xf32, #tpu.memory_space<vmem>>, vector<16xf32>,
        tpu.vector_store %arg74[%parallel_loop3A_1190, %parallel_loop3A_1191], %parallel_loop3A_1182 {strides = array<i32>} : memref<2x512xf32, #tpu.memory_space<vmem>>, vector<16xf32>,
        %parallel_loop3A_1193 = arith.addf %parallel_loop3A_952, %parallel_loop3A_996 : vector<32xbf16>
        %parallel_loop3A_1194 = arith.mulf %parallel_loop3A_1193, %parallel_loop3A_884 : vector<32xbf16>
        %parallel_loop3A_1195 = arith.addf %parallel_loop3A_941, %parallel_loop3A_1007 : vector<32xbf16>
        %parallel_loop3A_1196 = arith.mulf %parallel_loop3A_1195, %parallel_loop3A_885 : vector<32xbf16>
        %parallel_loop3A_1197 = arith.addf %parallel_loop3A_1194, %parallel_loop3A_1196 : vector<32xbf16>
        %parallel_loop3A_1198 = arith.addf %parallel_loop3A_919, %parallel_loop3A_1029 : vector<32xbf16>
        %parallel_loop3A_1199 = arith.mulf %parallel_loop3A_1198, %parallel_loop3A_886 : vector<32xbf16>
        %parallel_loop3A_1200 = arith.addf %parallel_loop3A_1197, %parallel_loop3A_1199 : vector<32xbf16>
        %parallel_loop3A_1201 = tpu.unpack_subelements %parallel_loop3A_1200, 0 {pack_format = #tpu.pack_format<interleaved>} : vector<32xbf16> -> vector<16xf32>
        %parallel_loop3A_1202 = tpu.unpack_subelements %parallel_loop3A_1200, 1 {pack_format = #tpu.pack_format<interleaved>} : vector<32xbf16> -> vector<16xf32>
        %parallel_loop3A_1203 = arith.constant 1 : i32
        %parallel_loop3A_1204 = arith.index_cast %parallel_loop3A_1203 : i32 to index
        %parallel_loop3A_1205 = arith.index_cast %parallel_loop3A_883 : i32 to index
        %parallel_loop3A_1206 = tpu.vector_load %arg75[%parallel_loop3A_1204, %parallel_loop3A_1205] {strides = array<i32>} : memref<2x512xf32, #tpu.memory_space<vmem>>, vector<16xf32>,
        tpu.vector_store %arg75[%parallel_loop3A_1204, %parallel_loop3A_1205], %parallel_loop3A_1201 {strides = array<i32>} : memref<2x512xf32, #tpu.memory_space<vmem>>, vector<16xf32>,
        %parallel_loop3A_1207 = arith.constant 16 : i32
        %parallel_loop3A_1208 = arith.addi %parallel_loop3A_883, %parallel_loop3A_1207 : i32
        %parallel_loop3A_1209 = arith.constant 1 : i32
        %parallel_loop3A_1210 = arith.index_cast %parallel_loop3A_1209 : i32 to index
        %parallel_loop3A_1211 = arith.index_cast %parallel_loop3A_1208 : i32 to index
        %parallel_loop3A_1212 = tpu.vector_load %arg75[%parallel_loop3A_1210, %parallel_loop3A_1211] {strides = array<i32>} : memref<2x512xf32, #tpu.memory_space<vmem>>, vector<16xf32>,
        tpu.vector_store %arg75[%parallel_loop3A_1210, %parallel_loop3A_1211], %parallel_loop3A_1202 {strides = array<i32>} : memref<2x512xf32, #tpu.memory_space<vmem>>, vector<16xf32>,
        %parallel_loop3A_1213 = arith.addf %parallel_loop3A_963, %parallel_loop3A_1007 : vector<32xbf16>
        %parallel_loop3A_1214 = arith.mulf %parallel_loop3A_1213, %parallel_loop3A_884 : vector<32xbf16>
        %parallel_loop3A_1215 = arith.addf %parallel_loop3A_952, %parallel_loop3A_1018 : vector<32xbf16>
        %parallel_loop3A_1216 = arith.mulf %parallel_loop3A_1215, %parallel_loop3A_885 : vector<32xbf16>
        %parallel_loop3A_1217 = arith.addf %parallel_loop3A_1214, %parallel_loop3A_1216 : vector<32xbf16>
        %parallel_loop3A_1218 = arith.addf %parallel_loop3A_930, %parallel_loop3A_1040 : vector<32xbf16>
        %parallel_loop3A_1219 = arith.mulf %parallel_loop3A_1218, %parallel_loop3A_886 : vector<32xbf16>
        %parallel_loop3A_1220 = arith.addf %parallel_loop3A_1217, %parallel_loop3A_1219 : vector<32xbf16>
        %parallel_loop3A_1221 = tpu.unpack_subelements %parallel_loop3A_1220, 0 {pack_format = #tpu.pack_format<interleaved>} : vector<32xbf16> -> vector<16xf32>
        %parallel_loop3A_1222 = tpu.unpack_subelements %parallel_loop3A_1220, 1 {pack_format = #tpu.pack_format<interleaved>} : vector<32xbf16> -> vector<16xf32>
        %parallel_loop3A_1223 = arith.constant 1 : i32
        %parallel_loop3A_1224 = arith.index_cast %parallel_loop3A_1223 : i32 to index
        %parallel_loop3A_1225 = arith.index_cast %parallel_loop3A_883 : i32 to index
        %parallel_loop3A_1226 = tpu.vector_load %arg76[%parallel_loop3A_1224, %parallel_loop3A_1225] {strides = array<i32>} : memref<2x512xf32, #tpu.memory_space<vmem>>, vector<16xf32>,
        tpu.vector_store %arg76[%parallel_loop3A_1224, %parallel_loop3A_1225], %parallel_loop3A_1221 {strides = array<i32>} : memref<2x512xf32, #tpu.memory_space<vmem>>, vector<16xf32>,
        %parallel_loop3A_1227 = arith.constant 16 : i32
        %parallel_loop3A_1228 = arith.addi %parallel_loop3A_883, %parallel_loop3A_1227 : i32
        %parallel_loop3A_1229 = arith.constant 1 : i32
        %parallel_loop3A_1230 = arith.index_cast %parallel_loop3A_1229 : i32 to index
        %parallel_loop3A_1231 = arith.index_cast %parallel_loop3A_1228 : i32 to index
        %parallel_loop3A_1232 = tpu.vector_load %arg76[%parallel_loop3A_1230, %parallel_loop3A_1231] {strides = array<i32>} : memref<2x512xf32, #tpu.memory_space<vmem>>, vector<16xf32>,
        tpu.vector_store %arg76[%parallel_loop3A_1230, %parallel_loop3A_1231], %parallel_loop3A_1222 {strides = array<i32>} : memref<2x512xf32, #tpu.memory_space<vmem>>, vector<16xf32>,
        %parallel_loop3A_1233 = arith.addf %parallel_loop3A_974, %parallel_loop3A_1018 : vector<32xbf16>
        %parallel_loop3A_1234 = arith.mulf %parallel_loop3A_1233, %parallel_loop3A_884 : vector<32xbf16>
        %parallel_loop3A_1235 = arith.addf %parallel_loop3A_963, %parallel_loop3A_1029 : vector<32xbf16>
        %parallel_loop3A_1236 = arith.mulf %parallel_loop3A_1235, %parallel_loop3A_885 : vector<32xbf16>
        %parallel_loop3A_1237 = arith.addf %parallel_loop3A_1234, %parallel_loop3A_1236 : vector<32xbf16>
        %parallel_loop3A_1238 = arith.addf %parallel_loop3A_941, %parallel_loop3A_1051 : vector<32xbf16>
        %parallel_loop3A_1239 = arith.mulf %parallel_loop3A_1238, %parallel_loop3A_886 : vector<32xbf16>
        %parallel_loop3A_1240 = arith.addf %parallel_loop3A_1237, %parallel_loop3A_1239 : vector<32xbf16>
        %parallel_loop3A_1241 = tpu.unpack_subelements %parallel_loop3A_1240, 0 {pack_format = #tpu.pack_format<interleaved>} : vector<32xbf16> -> vector<16xf32>
        %parallel_loop3A_1242 = tpu.unpack_subelements %parallel_loop3A_1240, 1 {pack_format = #tpu.pack_format<interleaved>} : vector<32xbf16> -> vector<16xf32>
        %parallel_loop3A_1243 = arith.constant 1 : i32
        %parallel_loop3A_1244 = arith.index_cast %parallel_loop3A_1243 : i32 to index
        %parallel_loop3A_1245 = arith.index_cast %parallel_loop3A_883 : i32 to index
        %parallel_loop3A_1246 = tpu.vector_load %arg77[%parallel_loop3A_1244, %parallel_loop3A_1245] {strides = array<i32>} : memref<2x512xf32, #tpu.memory_space<vmem>>, vector<16xf32>,
        tpu.vector_store %arg77[%parallel_loop3A_1244, %parallel_loop3A_1245], %parallel_loop3A_1241 {strides = array<i32>} : memref<2x512xf32, #tpu.memory_space<vmem>>, vector<16xf32>,
        %parallel_loop3A_1247 = arith.constant 16 : i32
        %parallel_loop3A_1248 = arith.addi %parallel_loop3A_883, %parallel_loop3A_1247 : i32
        %parallel_loop3A_1249 = arith.constant 1 : i32
        %parallel_loop3A_1250 = arith.index_cast %parallel_loop3A_1249 : i32 to index
        %parallel_loop3A_1251 = arith.index_cast %parallel_loop3A_1248 : i32 to index
        %parallel_loop3A_1252 = tpu.vector_load %arg77[%parallel_loop3A_1250, %parallel_loop3A_1251] {strides = array<i32>} : memref<2x512xf32, #tpu.memory_space<vmem>>, vector<16xf32>,
        tpu.vector_store %arg77[%parallel_loop3A_1250, %parallel_loop3A_1251], %parallel_loop3A_1242 {strides = array<i32>} : memref<2x512xf32, #tpu.memory_space<vmem>>, vector<16xf32>,
        %parallel_loop3A_1253 = arith.addf %parallel_loop3A_985, %parallel_loop3A_1029 : vector<32xbf16>
        %parallel_loop3A_1254 = arith.mulf %parallel_loop3A_1253, %parallel_loop3A_884 : vector<32xbf16>
        %parallel_loop3A_1255 = arith.addf %parallel_loop3A_974, %parallel_loop3A_1040 : vector<32xbf16>
        %parallel_loop3A_1256 = arith.mulf %parallel_loop3A_1255, %parallel_loop3A_885 : vector<32xbf16>
        %parallel_loop3A_1257 = arith.addf %parallel_loop3A_1254, %parallel_loop3A_1256 : vector<32xbf16>
        %parallel_loop3A_1258 = arith.addf %parallel_loop3A_952, %parallel_loop3A_1062 : vector<32xbf16>
        %parallel_loop3A_1259 = arith.mulf %parallel_loop3A_1258, %parallel_loop3A_886 : vector<32xbf16>
        %parallel_loop3A_1260 = arith.addf %parallel_loop3A_1257, %parallel_loop3A_1259 : vector<32xbf16>
        %parallel_loop3A_1261 = tpu.unpack_subelements %parallel_loop3A_1260, 0 {pack_format = #tpu.pack_format<interleaved>} : vector<32xbf16> -> vector<16xf32>
        %parallel_loop3A_1262 = tpu.unpack_subelements %parallel_loop3A_1260, 1 {pack_format = #tpu.pack_format<interleaved>} : vector<32xbf16> -> vector<16xf32>
        %parallel_loop3A_1263 = arith.constant 1 : i32
        %parallel_loop3A_1264 = arith.index_cast %parallel_loop3A_1263 : i32 to index
        %parallel_loop3A_1265 = arith.index_cast %parallel_loop3A_883 : i32 to index
        %parallel_loop3A_1266 = tpu.vector_load %arg78[%parallel_loop3A_1264, %parallel_loop3A_1265] {strides = array<i32>} : memref<2x512xf32, #tpu.memory_space<vmem>>, vector<16xf32>,
        tpu.vector_store %arg78[%parallel_loop3A_1264, %parallel_loop3A_1265], %parallel_loop3A_1261 {strides = array<i32>} : memref<2x512xf32, #tpu.memory_space<vmem>>, vector<16xf32>,
        %parallel_loop3A_1267 = arith.constant 16 : i32
        %parallel_loop3A_1268 = arith.addi %parallel_loop3A_883, %parallel_loop3A_1267 : i32
        %parallel_loop3A_1269 = arith.constant 1 : i32
        %parallel_loop3A_1270 = arith.index_cast %parallel_loop3A_1269 : i32 to index
        %parallel_loop3A_1271 = arith.index_cast %parallel_loop3A_1268 : i32 to index
        %parallel_loop3A_1272 = tpu.vector_load %arg78[%parallel_loop3A_1270, %parallel_loop3A_1271] {strides = array<i32>} : memref<2x512xf32, #tpu.memory_space<vmem>>, vector<16xf32>,
        tpu.vector_store %arg78[%parallel_loop3A_1270, %parallel_loop3A_1271], %parallel_loop3A_1262 {strides = array<i32>} : memref<2x512xf32, #tpu.memory_space<vmem>>, vector<16xf32>,
        %parallel_loop3A_1273 = arith.addf %parallel_loop3A_996, %parallel_loop3A_1040 : vector<32xbf16>
        %parallel_loop3A_1274 = arith.mulf %parallel_loop3A_1273, %parallel_loop3A_884 : vector<32xbf16>
        %parallel_loop3A_1275 = arith.addf %parallel_loop3A_985, %parallel_loop3A_1051 : vector<32xbf16>
        %parallel_loop3A_1276 = arith.mulf %parallel_loop3A_1275, %parallel_loop3A_885 : vector<32xbf16>
        %parallel_loop3A_1277 = arith.addf %parallel_loop3A_1274, %parallel_loop3A_1276 : vector<32xbf16>
        %parallel_loop3A_1278 = arith.mulf %parallel_loop3A_963, %parallel_loop3A_886 : vector<32xbf16>
        %parallel_loop3A_1279 = arith.addf %parallel_loop3A_1277, %parallel_loop3A_1278 : vector<32xbf16>
        %parallel_loop3A_1280 = tpu.unpack_subelements %parallel_loop3A_1279, 0 {pack_format = #tpu.pack_format<interleaved>} : vector<32xbf16> -> vector<16xf32>
        %parallel_loop3A_1281 = tpu.unpack_subelements %parallel_loop3A_1279, 1 {pack_format = #tpu.pack_format<interleaved>} : vector<32xbf16> -> vector<16xf32>
        %parallel_loop3A_1282 = arith.constant 1 : i32
        %parallel_loop3A_1283 = arith.index_cast %parallel_loop3A_1282 : i32 to index
        %parallel_loop3A_1284 = arith.index_cast %parallel_loop3A_883 : i32 to index
        %parallel_loop3A_1285 = tpu.vector_load %arg79[%parallel_loop3A_1283, %parallel_loop3A_1284] {strides = array<i32>} : memref<2x512xf32, #tpu.memory_space<vmem>>, vector<16xf32>,
        tpu.vector_store %arg79[%parallel_loop3A_1283, %parallel_loop3A_1284], %parallel_loop3A_1280 {strides = array<i32>} : memref<2x512xf32, #tpu.memory_space<vmem>>, vector<16xf32>,
        %parallel_loop3A_1286 = arith.constant 16 : i32
        %parallel_loop3A_1287 = arith.addi %parallel_loop3A_883, %parallel_loop3A_1286 : i32
        %parallel_loop3A_1288 = arith.constant 1 : i32
        %parallel_loop3A_1289 = arith.index_cast %parallel_loop3A_1288 : i32 to index
        %parallel_loop3A_1290 = arith.index_cast %parallel_loop3A_1287 : i32 to index
        %parallel_loop3A_1291 = tpu.vector_load %arg79[%parallel_loop3A_1289, %parallel_loop3A_1290] {strides = array<i32>} : memref<2x512xf32, #tpu.memory_space<vmem>>, vector<16xf32>,
        tpu.vector_store %arg79[%parallel_loop3A_1289, %parallel_loop3A_1290], %parallel_loop3A_1281 {strides = array<i32>} : memref<2x512xf32, #tpu.memory_space<vmem>>, vector<16xf32>,
        %parallel_loop3A_1292 = arith.addf %parallel_loop3A_1007, %parallel_loop3A_1051 : vector<32xbf16>
        %parallel_loop3A_1293 = arith.mulf %parallel_loop3A_1292, %parallel_loop3A_884 : vector<32xbf16>
        %parallel_loop3A_1294 = arith.addf %parallel_loop3A_996, %parallel_loop3A_1062 : vector<32xbf16>
        %parallel_loop3A_1295 = arith.mulf %parallel_loop3A_1294, %parallel_loop3A_885 : vector<32xbf16>
        %parallel_loop3A_1296 = arith.addf %parallel_loop3A_1293, %parallel_loop3A_1295 : vector<32xbf16>
        %parallel_loop3A_1297 = arith.mulf %parallel_loop3A_974, %parallel_loop3A_886 : vector<32xbf16>
        %parallel_loop3A_1298 = arith.addf %parallel_loop3A_1296, %parallel_loop3A_1297 : vector<32xbf16>
        %parallel_loop3A_1299 = tpu.unpack_subelements %parallel_loop3A_1298, 0 {pack_format = #tpu.pack_format<interleaved>} : vector<32xbf16> -> vector<16xf32>
        %parallel_loop3A_1300 = tpu.unpack_subelements %parallel_loop3A_1298, 1 {pack_format = #tpu.pack_format<interleaved>} : vector<32xbf16> -> vector<16xf32>
        %parallel_loop3A_1301 = arith.constant 1 : i32
        %parallel_loop3A_1302 = arith.index_cast %parallel_loop3A_1301 : i32 to index
        %parallel_loop3A_1303 = arith.index_cast %parallel_loop3A_883 : i32 to index
        %parallel_loop3A_1304 = tpu.vector_load %arg80[%parallel_loop3A_1302, %parallel_loop3A_1303] {strides = array<i32>} : memref<2x512xf32, #tpu.memory_space<vmem>>, vector<16xf32>,
        tpu.vector_store %arg80[%parallel_loop3A_1302, %parallel_loop3A_1303], %parallel_loop3A_1299 {strides = array<i32>} : memref<2x512xf32, #tpu.memory_space<vmem>>, vector<16xf32>,
        %parallel_loop3A_1305 = arith.constant 16 : i32
        %parallel_loop3A_1306 = arith.addi %parallel_loop3A_883, %parallel_loop3A_1305 : i32
        %parallel_loop3A_1307 = arith.constant 1 : i32
        %parallel_loop3A_1308 = arith.index_cast %parallel_loop3A_1307 : i32 to index
        %parallel_loop3A_1309 = arith.index_cast %parallel_loop3A_1306 : i32 to index
        %parallel_loop3A_1310 = tpu.vector_load %arg80[%parallel_loop3A_1308, %parallel_loop3A_1309] {strides = array<i32>} : memref<2x512xf32, #tpu.memory_space<vmem>>, vector<16xf32>,
        tpu.vector_store %arg80[%parallel_loop3A_1308, %parallel_loop3A_1309], %parallel_loop3A_1300 {strides = array<i32>} : memref<2x512xf32, #tpu.memory_space<vmem>>, vector<16xf32>,
        %parallel_loop3A_1311 = arith.addf %parallel_loop3A_1018, %parallel_loop3A_1062 : vector<32xbf16>
        %parallel_loop3A_1312 = arith.mulf %parallel_loop3A_1311, %parallel_loop3A_884 : vector<32xbf16>
        %parallel_loop3A_1313 = arith.mulf %parallel_loop3A_1007, %parallel_loop3A_885 : vector<32xbf16>
        %parallel_loop3A_1314 = arith.addf %parallel_loop3A_1312, %parallel_loop3A_1313 : vector<32xbf16>
        %parallel_loop3A_1315 = arith.mulf %parallel_loop3A_985, %parallel_loop3A_886 : vector<32xbf16>
        %parallel_loop3A_1316 = arith.addf %parallel_loop3A_1314, %parallel_loop3A_1315 : vector<32xbf16>
        %parallel_loop3A_1317 = tpu.unpack_subelements %parallel_loop3A_1316, 0 {pack_format = #tpu.pack_format<interleaved>} : vector<32xbf16> -> vector<16xf32>
        %parallel_loop3A_1318 = tpu.unpack_subelements %parallel_loop3A_1316, 1 {pack_format = #tpu.pack_format<interleaved>} : vector<32xbf16> -> vector<16xf32>
        %parallel_loop3A_1319 = arith.constant 1 : i32
        %parallel_loop3A_1320 = arith.index_cast %parallel_loop3A_1319 : i32 to index
        %parallel_loop3A_1321 = arith.index_cast %parallel_loop3A_883 : i32 to index
        %parallel_loop3A_1322 = tpu.vector_load %arg81[%parallel_loop3A_1320, %parallel_loop3A_1321] {strides = array<i32>} : memref<2x512xf32, #tpu.memory_space<vmem>>, vector<16xf32>,
        tpu.vector_store %arg81[%parallel_loop3A_1320, %parallel_loop3A_1321], %parallel_loop3A_1317 {strides = array<i32>} : memref<2x512xf32, #tpu.memory_space<vmem>>, vector<16xf32>,
        %parallel_loop3A_1323 = arith.constant 16 : i32
        %parallel_loop3A_1324 = arith.addi %parallel_loop3A_883, %parallel_loop3A_1323 : i32
        %parallel_loop3A_1325 = arith.constant 1 : i32
        %parallel_loop3A_1326 = arith.index_cast %parallel_loop3A_1325 : i32 to index
        %parallel_loop3A_1327 = arith.index_cast %parallel_loop3A_1324 : i32 to index
        %parallel_loop3A_1328 = tpu.vector_load %arg81[%parallel_loop3A_1326, %parallel_loop3A_1327] {strides = array<i32>} : memref<2x512xf32, #tpu.memory_space<vmem>>, vector<16xf32>,
        tpu.vector_store %arg81[%parallel_loop3A_1326, %parallel_loop3A_1327], %parallel_loop3A_1318 {strides = array<i32>} : memref<2x512xf32, #tpu.memory_space<vmem>>, vector<16xf32>,
        %parallel_loop3A_1329 = arith.mulf %parallel_loop3A_1029, %parallel_loop3A_884 : vector<32xbf16>
        %parallel_loop3A_1330 = arith.mulf %parallel_loop3A_1018, %parallel_loop3A_885 : vector<32xbf16>
        %parallel_loop3A_1331 = arith.addf %parallel_loop3A_1329, %parallel_loop3A_1330 : vector<32xbf16>
        %parallel_loop3A_1332 = arith.mulf %parallel_loop3A_996, %parallel_loop3A_886 : vector<32xbf16>
        %parallel_loop3A_1333 = arith.addf %parallel_loop3A_1331, %parallel_loop3A_1332 : vector<32xbf16>
        %parallel_loop3A_1334 = tpu.unpack_subelements %parallel_loop3A_1333, 0 {pack_format = #tpu.pack_format<interleaved>} : vector<32xbf16> -> vector<16xf32>
        %parallel_loop3A_1335 = tpu.unpack_subelements %parallel_loop3A_1333, 1 {pack_format = #tpu.pack_format<interleaved>} : vector<32xbf16> -> vector<16xf32>
        %parallel_loop3A_1336 = arith.constant 1 : i32
        %parallel_loop3A_1337 = arith.index_cast %parallel_loop3A_1336 : i32 to index
        %parallel_loop3A_1338 = arith.index_cast %parallel_loop3A_883 : i32 to index
        %parallel_loop3A_1339 = tpu.vector_load %arg82[%parallel_loop3A_1337, %parallel_loop3A_1338] {strides = array<i32>} : memref<2x512xf32, #tpu.memory_space<vmem>>, vector<16xf32>,
        tpu.vector_store %arg82[%parallel_loop3A_1337, %parallel_loop3A_1338], %parallel_loop3A_1334 {strides = array<i32>} : memref<2x512xf32, #tpu.memory_space<vmem>>, vector<16xf32>,
        %parallel_loop3A_1340 = arith.constant 16 : i32
        %parallel_loop3A_1341 = arith.addi %parallel_loop3A_883, %parallel_loop3A_1340 : i32
        %parallel_loop3A_1342 = arith.constant 1 : i32
        %parallel_loop3A_1343 = arith.index_cast %parallel_loop3A_1342 : i32 to index
        %parallel_loop3A_1344 = arith.index_cast %parallel_loop3A_1341 : i32 to index
        %parallel_loop3A_1345 = tpu.vector_load %arg82[%parallel_loop3A_1343, %parallel_loop3A_1344] {strides = array<i32>} : memref<2x512xf32, #tpu.memory_space<vmem>>, vector<16xf32>,
        tpu.vector_store %arg82[%parallel_loop3A_1343, %parallel_loop3A_1344], %parallel_loop3A_1335 {strides = array<i32>} : memref<2x512xf32, #tpu.memory_space<vmem>>, vector<16xf32>,
        %parallel_loop3A_1346 = arith.mulf %parallel_loop3A_1040, %parallel_loop3A_884 : vector<32xbf16>
        %parallel_loop3A_1347 = arith.mulf %parallel_loop3A_1029, %parallel_loop3A_885 : vector<32xbf16>
        %parallel_loop3A_1348 = arith.addf %parallel_loop3A_1346, %parallel_loop3A_1347 : vector<32xbf16>
        %parallel_loop3A_1349 = arith.mulf %parallel_loop3A_1007, %parallel_loop3A_886 : vector<32xbf16>
        %parallel_loop3A_1350 = arith.addf %parallel_loop3A_1348, %parallel_loop3A_1349 : vector<32xbf16>
        %parallel_loop3A_1351 = tpu.unpack_subelements %parallel_loop3A_1350, 0 {pack_format = #tpu.pack_format<interleaved>} : vector<32xbf16> -> vector<16xf32>
        %parallel_loop3A_1352 = tpu.unpack_subelements %parallel_loop3A_1350, 1 {pack_format = #tpu.pack_format<interleaved>} : vector<32xbf16> -> vector<16xf32>
        %parallel_loop3A_1353 = arith.constant 1 : i32
        %parallel_loop3A_1354 = arith.index_cast %parallel_loop3A_1353 : i32 to index
        %parallel_loop3A_1355 = arith.index_cast %parallel_loop3A_883 : i32 to index
        %parallel_loop3A_1356 = tpu.vector_load %arg83[%parallel_loop3A_1354, %parallel_loop3A_1355] {strides = array<i32>} : memref<2x512xf32, #tpu.memory_space<vmem>>, vector<16xf32>,
        tpu.vector_store %arg83[%parallel_loop3A_1354, %parallel_loop3A_1355], %parallel_loop3A_1351 {strides = array<i32>} : memref<2x512xf32, #tpu.memory_space<vmem>>, vector<16xf32>,
        %parallel_loop3A_1357 = arith.constant 16 : i32
        %parallel_loop3A_1358 = arith.addi %parallel_loop3A_883, %parallel_loop3A_1357 : i32
        %parallel_loop3A_1359 = arith.constant 1 : i32
        %parallel_loop3A_1360 = arith.index_cast %parallel_loop3A_1359 : i32 to index
        %parallel_loop3A_1361 = arith.index_cast %parallel_loop3A_1358 : i32 to index
        %parallel_loop3A_1362 = tpu.vector_load %arg83[%parallel_loop3A_1360, %parallel_loop3A_1361] {strides = array<i32>} : memref<2x512xf32, #tpu.memory_space<vmem>>, vector<16xf32>,
        tpu.vector_store %arg83[%parallel_loop3A_1360, %parallel_loop3A_1361], %parallel_loop3A_1352 {strides = array<i32>} : memref<2x512xf32, #tpu.memory_space<vmem>>, vector<16xf32>,
      } {sc.loop_unroll_factor = 1 : i64, sc.parallel_access}
      %add3A_766 = arith.constant 1 : i32
      %add3A_767 = arith.addi %mul3A_367, %add3A_766 : i32
      %mul3A_768 = arith.constant 2 : i32
      %mul3A_769 = arith.muli %add3A_767, %mul3A_768 : i32
      %add3A_770 = arith.addi %mul3A_2, %mul3A_769 : i32
      %dma_start3A_771 = arith.constant 0 : i32
      %dma_start3A_772 = arith.constant 0 : i32
      %dma_start3A_773 = tpu.memref_slice %arg19[%dma_start3A_771, %add3A_770, %dma_start3A_772] : memref<16x8192x512xf32, #tpu.memory_space<hbm>> -> memref<1x2x512xf32, #tpu.memory_space<hbm>>
      %dma_start3A_774 = tpu.memref_squeeze %dma_start3A_773 : memref<1x2x512xf32, #tpu.memory_space<hbm>> -> memref<2x512xf32, #tpu.memory_space<hbm>>
      %dma_start3A_775 = arith.constant 0 : i32
      %dma_start3A_776 = tpu.memref_slice %arg19[%dma_start3A_771, %add3A_770, %dma_start3A_775] : memref<16x8192x512xf32, #tpu.memory_space<hbm>> -> memref<1x2x512xf32, #tpu.memory_space<hbm>>
      %dma_start3A_777 = tpu.memref_squeeze %dma_start3A_776 : memref<1x2x512xf32, #tpu.memory_space<hbm>> -> memref<2x512xf32, #tpu.memory_space<hbm>>
      tpu.enqueue_dma source(%arg68 : memref<2x512xf32, #tpu.memory_space<vmem>>) target(%dma_start3A_777 : memref<2x512xf32, #tpu.memory_space<hbm>>) target_semaphore(%arg88 : memref<!tpu.dma_semaphore, #tpu.memory_space<semaphore_mem>>)
      %dma_start3A_778 = arith.constant 1 : i32
      %dma_start3A_779 = arith.constant 0 : i32
      %dma_start3A_780 = tpu.memref_slice %arg19[%dma_start3A_778, %add3A_770, %dma_start3A_779] : memref<16x8192x512xf32, #tpu.memory_space<hbm>> -> memref<1x2x512xf32, #tpu.memory_space<hbm>>
      %dma_start3A_781 = tpu.memref_squeeze %dma_start3A_780 : memref<1x2x512xf32, #tpu.memory_space<hbm>> -> memref<2x512xf32, #tpu.memory_space<hbm>>
      %dma_start3A_782 = arith.constant 0 : i32
      %dma_start3A_783 = tpu.memref_slice %arg19[%dma_start3A_778, %add3A_770, %dma_start3A_782] : memref<16x8192x512xf32, #tpu.memory_space<hbm>> -> memref<1x2x512xf32, #tpu.memory_space<hbm>>
      %dma_start3A_784 = tpu.memref_squeeze %dma_start3A_783 : memref<1x2x512xf32, #tpu.memory_space<hbm>> -> memref<2x512xf32, #tpu.memory_space<hbm>>
      tpu.enqueue_dma source(%arg69 : memref<2x512xf32, #tpu.memory_space<vmem>>) target(%dma_start3A_784 : memref<2x512xf32, #tpu.memory_space<hbm>>) target_semaphore(%arg88 : memref<!tpu.dma_semaphore, #tpu.memory_space<semaphore_mem>>)
      %dma_start3A_785 = arith.constant 2 : i32
      %dma_start3A_786 = arith.constant 0 : i32
      %dma_start3A_787 = tpu.memref_slice %arg19[%dma_start3A_785, %add3A_770, %dma_start3A_786] : memref<16x8192x512xf32, #tpu.memory_space<hbm>> -> memref<1x2x512xf32, #tpu.memory_space<hbm>>
      %dma_start3A_788 = tpu.memref_squeeze %dma_start3A_787 : memref<1x2x512xf32, #tpu.memory_space<hbm>> -> memref<2x512xf32, #tpu.memory_space<hbm>>
      %dma_start3A_789 = arith.constant 0 : i32
      %dma_start3A_790 = tpu.memref_slice %arg19[%dma_start3A_785, %add3A_770, %dma_start3A_789] : memref<16x8192x512xf32, #tpu.memory_space<hbm>> -> memref<1x2x512xf32, #tpu.memory_space<hbm>>
      %dma_start3A_791 = tpu.memref_squeeze %dma_start3A_790 : memref<1x2x512xf32, #tpu.memory_space<hbm>> -> memref<2x512xf32, #tpu.memory_space<hbm>>
      tpu.enqueue_dma source(%arg70 : memref<2x512xf32, #tpu.memory_space<vmem>>) target(%dma_start3A_791 : memref<2x512xf32, #tpu.memory_space<hbm>>) target_semaphore(%arg88 : memref<!tpu.dma_semaphore, #tpu.memory_space<semaphore_mem>>)
      %dma_start3A_792 = arith.constant 3 : i32
      %dma_start3A_793 = arith.constant 0 : i32
      %dma_start3A_794 = tpu.memref_slice %arg19[%dma_start3A_792, %add3A_770, %dma_start3A_793] : memref<16x8192x512xf32, #tpu.memory_space<hbm>> -> memref<1x2x512xf32, #tpu.memory_space<hbm>>
      %dma_start3A_795 = tpu.memref_squeeze %dma_start3A_794 : memref<1x2x512xf32, #tpu.memory_space<hbm>> -> memref<2x512xf32, #tpu.memory_space<hbm>>
      %dma_start3A_796 = arith.constant 0 : i32
      %dma_start3A_797 = tpu.memref_slice %arg19[%dma_start3A_792, %add3A_770, %dma_start3A_796] : memref<16x8192x512xf32, #tpu.memory_space<hbm>> -> memref<1x2x512xf32, #tpu.memory_space<hbm>>
      %dma_start3A_798 = tpu.memref_squeeze %dma_start3A_797 : memref<1x2x512xf32, #tpu.memory_space<hbm>> -> memref<2x512xf32, #tpu.memory_space<hbm>>
      tpu.enqueue_dma source(%arg71 : memref<2x512xf32, #tpu.memory_space<vmem>>) target(%dma_start3A_798 : memref<2x512xf32, #tpu.memory_space<hbm>>) target_semaphore(%arg88 : memref<!tpu.dma_semaphore, #tpu.memory_space<semaphore_mem>>)
      %dma_start3A_799 = arith.constant 4 : i32
      %dma_start3A_800 = arith.constant 0 : i32
      %dma_start3A_801 = tpu.memref_slice %arg19[%dma_start3A_799, %add3A_770, %dma_start3A_800] : memref<16x8192x512xf32, #tpu.memory_space<hbm>> -> memref<1x2x512xf32, #tpu.memory_space<hbm>>
      %dma_start3A_802 = tpu.memref_squeeze %dma_start3A_801 : memref<1x2x512xf32, #tpu.memory_space<hbm>> -> memref<2x512xf32, #tpu.memory_space<hbm>>
      %dma_start3A_803 = arith.constant 0 : i32
      %dma_start3A_804 = tpu.memref_slice %arg19[%dma_start3A_799, %add3A_770, %dma_start3A_803] : memref<16x8192x512xf32, #tpu.memory_space<hbm>> -> memref<1x2x512xf32, #tpu.memory_space<hbm>>
      %dma_start3A_805 = tpu.memref_squeeze %dma_start3A_804 : memref<1x2x512xf32, #tpu.memory_space<hbm>> -> memref<2x512xf32, #tpu.memory_space<hbm>>
      tpu.enqueue_dma source(%arg72 : memref<2x512xf32, #tpu.memory_space<vmem>>) target(%dma_start3A_805 : memref<2x512xf32, #tpu.memory_space<hbm>>) target_semaphore(%arg88 : memref<!tpu.dma_semaphore, #tpu.memory_space<semaphore_mem>>)
      %dma_start3A_806 = arith.constant 5 : i32
      %dma_start3A_807 = arith.constant 0 : i32
      %dma_start3A_808 = tpu.memref_slice %arg19[%dma_start3A_806, %add3A_770, %dma_start3A_807] : memref<16x8192x512xf32, #tpu.memory_space<hbm>> -> memref<1x2x512xf32, #tpu.memory_space<hbm>>
      %dma_start3A_809 = tpu.memref_squeeze %dma_start3A_808 : memref<1x2x512xf32, #tpu.memory_space<hbm>> -> memref<2x512xf32, #tpu.memory_space<hbm>>
      %dma_start3A_810 = arith.constant 0 : i32
      %dma_start3A_811 = tpu.memref_slice %arg19[%dma_start3A_806, %add3A_770, %dma_start3A_810] : memref<16x8192x512xf32, #tpu.memory_space<hbm>> -> memref<1x2x512xf32, #tpu.memory_space<hbm>>
      %dma_start3A_812 = tpu.memref_squeeze %dma_start3A_811 : memref<1x2x512xf32, #tpu.memory_space<hbm>> -> memref<2x512xf32, #tpu.memory_space<hbm>>
      tpu.enqueue_dma source(%arg73 : memref<2x512xf32, #tpu.memory_space<vmem>>) target(%dma_start3A_812 : memref<2x512xf32, #tpu.memory_space<hbm>>) target_semaphore(%arg88 : memref<!tpu.dma_semaphore, #tpu.memory_space<semaphore_mem>>)
      %dma_start3A_813 = arith.constant 6 : i32
      %dma_start3A_814 = arith.constant 0 : i32
      %dma_start3A_815 = tpu.memref_slice %arg19[%dma_start3A_813, %add3A_770, %dma_start3A_814] : memref<16x8192x512xf32, #tpu.memory_space<hbm>> -> memref<1x2x512xf32, #tpu.memory_space<hbm>>
      %dma_start3A_816 = tpu.memref_squeeze %dma_start3A_815 : memref<1x2x512xf32, #tpu.memory_space<hbm>> -> memref<2x512xf32, #tpu.memory_space<hbm>>
      %dma_start3A_817 = arith.constant 0 : i32
      %dma_start3A_818 = tpu.memref_slice %arg19[%dma_start3A_813, %add3A_770, %dma_start3A_817] : memref<16x8192x512xf32, #tpu.memory_space<hbm>> -> memref<1x2x512xf32, #tpu.memory_space<hbm>>
      %dma_start3A_819 = tpu.memref_squeeze %dma_start3A_818 : memref<1x2x512xf32, #tpu.memory_space<hbm>> -> memref<2x512xf32, #tpu.memory_space<hbm>>
      tpu.enqueue_dma source(%arg74 : memref<2x512xf32, #tpu.memory_space<vmem>>) target(%dma_start3A_819 : memref<2x512xf32, #tpu.memory_space<hbm>>) target_semaphore(%arg88 : memref<!tpu.dma_semaphore, #tpu.memory_space<semaphore_mem>>)
      %dma_start3A_820 = arith.constant 7 : i32
      %dma_start3A_821 = arith.constant 0 : i32
      %dma_start3A_822 = tpu.memref_slice %arg19[%dma_start3A_820, %add3A_770, %dma_start3A_821] : memref<16x8192x512xf32, #tpu.memory_space<hbm>> -> memref<1x2x512xf32, #tpu.memory_space<hbm>>
      %dma_start3A_823 = tpu.memref_squeeze %dma_start3A_822 : memref<1x2x512xf32, #tpu.memory_space<hbm>> -> memref<2x512xf32, #tpu.memory_space<hbm>>
      %dma_start3A_824 = arith.constant 0 : i32
      %dma_start3A_825 = tpu.memref_slice %arg19[%dma_start3A_820, %add3A_770, %dma_start3A_824] : memref<16x8192x512xf32, #tpu.memory_space<hbm>> -> memref<1x2x512xf32, #tpu.memory_space<hbm>>
      %dma_start3A_826 = tpu.memref_squeeze %dma_start3A_825 : memref<1x2x512xf32, #tpu.memory_space<hbm>> -> memref<2x512xf32, #tpu.memory_space<hbm>>
      tpu.enqueue_dma source(%arg75 : memref<2x512xf32, #tpu.memory_space<vmem>>) target(%dma_start3A_826 : memref<2x512xf32, #tpu.memory_space<hbm>>) target_semaphore(%arg88 : memref<!tpu.dma_semaphore, #tpu.memory_space<semaphore_mem>>)
      %dma_start3A_827 = arith.constant 8 : i32
      %dma_start3A_828 = arith.constant 0 : i32
      %dma_start3A_829 = tpu.memref_slice %arg19[%dma_start3A_827, %add3A_770, %dma_start3A_828] : memref<16x8192x512xf32, #tpu.memory_space<hbm>> -> memref<1x2x512xf32, #tpu.memory_space<hbm>>
      %dma_start3A_830 = tpu.memref_squeeze %dma_start3A_829 : memref<1x2x512xf32, #tpu.memory_space<hbm>> -> memref<2x512xf32, #tpu.memory_space<hbm>>
      %dma_start3A_831 = arith.constant 0 : i32
      %dma_start3A_832 = tpu.memref_slice %arg19[%dma_start3A_827, %add3A_770, %dma_start3A_831] : memref<16x8192x512xf32, #tpu.memory_space<hbm>> -> memref<1x2x512xf32, #tpu.memory_space<hbm>>
      %dma_start3A_833 = tpu.memref_squeeze %dma_start3A_832 : memref<1x2x512xf32, #tpu.memory_space<hbm>> -> memref<2x512xf32, #tpu.memory_space<hbm>>
      tpu.enqueue_dma source(%arg76 : memref<2x512xf32, #tpu.memory_space<vmem>>) target(%dma_start3A_833 : memref<2x512xf32, #tpu.memory_space<hbm>>) target_semaphore(%arg88 : memref<!tpu.dma_semaphore, #tpu.memory_space<semaphore_mem>>)
      %dma_start3A_834 = arith.constant 9 : i32
      %dma_start3A_835 = arith.constant 0 : i32
      %dma_start3A_836 = tpu.memref_slice %arg19[%dma_start3A_834, %add3A_770, %dma_start3A_835] : memref<16x8192x512xf32, #tpu.memory_space<hbm>> -> memref<1x2x512xf32, #tpu.memory_space<hbm>>
      %dma_start3A_837 = tpu.memref_squeeze %dma_start3A_836 : memref<1x2x512xf32, #tpu.memory_space<hbm>> -> memref<2x512xf32, #tpu.memory_space<hbm>>
      %dma_start3A_838 = arith.constant 0 : i32
      %dma_start3A_839 = tpu.memref_slice %arg19[%dma_start3A_834, %add3A_770, %dma_start3A_838] : memref<16x8192x512xf32, #tpu.memory_space<hbm>> -> memref<1x2x512xf32, #tpu.memory_space<hbm>>
      %dma_start3A_840 = tpu.memref_squeeze %dma_start3A_839 : memref<1x2x512xf32, #tpu.memory_space<hbm>> -> memref<2x512xf32, #tpu.memory_space<hbm>>
      tpu.enqueue_dma source(%arg77 : memref<2x512xf32, #tpu.memory_space<vmem>>) target(%dma_start3A_840 : memref<2x512xf32, #tpu.memory_space<hbm>>) target_semaphore(%arg88 : memref<!tpu.dma_semaphore, #tpu.memory_space<semaphore_mem>>)
      %dma_start3A_841 = arith.constant 10 : i32
      %dma_start3A_842 = arith.constant 0 : i32
      %dma_start3A_843 = tpu.memref_slice %arg19[%dma_start3A_841, %add3A_770, %dma_start3A_842] : memref<16x8192x512xf32, #tpu.memory_space<hbm>> -> memref<1x2x512xf32, #tpu.memory_space<hbm>>
      %dma_start3A_844 = tpu.memref_squeeze %dma_start3A_843 : memref<1x2x512xf32, #tpu.memory_space<hbm>> -> memref<2x512xf32, #tpu.memory_space<hbm>>
      %dma_start3A_845 = arith.constant 0 : i32
      %dma_start3A_846 = tpu.memref_slice %arg19[%dma_start3A_841, %add3A_770, %dma_start3A_845] : memref<16x8192x512xf32, #tpu.memory_space<hbm>> -> memref<1x2x512xf32, #tpu.memory_space<hbm>>
      %dma_start3A_847 = tpu.memref_squeeze %dma_start3A_846 : memref<1x2x512xf32, #tpu.memory_space<hbm>> -> memref<2x512xf32, #tpu.memory_space<hbm>>
      tpu.enqueue_dma source(%arg78 : memref<2x512xf32, #tpu.memory_space<vmem>>) target(%dma_start3A_847 : memref<2x512xf32, #tpu.memory_space<hbm>>) target_semaphore(%arg88 : memref<!tpu.dma_semaphore, #tpu.memory_space<semaphore_mem>>)
      %dma_start3A_848 = arith.constant 11 : i32
      %dma_start3A_849 = arith.constant 0 : i32
      %dma_start3A_850 = tpu.memref_slice %arg19[%dma_start3A_848, %add3A_770, %dma_start3A_849] : memref<16x8192x512xf32, #tpu.memory_space<hbm>> -> memref<1x2x512xf32, #tpu.memory_space<hbm>>
      %dma_start3A_851 = tpu.memref_squeeze %dma_start3A_850 : memref<1x2x512xf32, #tpu.memory_space<hbm>> -> memref<2x512xf32, #tpu.memory_space<hbm>>
      %dma_start3A_852 = arith.constant 0 : i32
      %dma_start3A_853 = tpu.memref_slice %arg19[%dma_start3A_848, %add3A_770, %dma_start3A_852] : memref<16x8192x512xf32, #tpu.memory_space<hbm>> -> memref<1x2x512xf32, #tpu.memory_space<hbm>>
      %dma_start3A_854 = tpu.memref_squeeze %dma_start3A_853 : memref<1x2x512xf32, #tpu.memory_space<hbm>> -> memref<2x512xf32, #tpu.memory_space<hbm>>
      tpu.enqueue_dma source(%arg79 : memref<2x512xf32, #tpu.memory_space<vmem>>) target(%dma_start3A_854 : memref<2x512xf32, #tpu.memory_space<hbm>>) target_semaphore(%arg88 : memref<!tpu.dma_semaphore, #tpu.memory_space<semaphore_mem>>)
      %dma_start3A_855 = arith.constant 12 : i32
      %dma_start3A_856 = arith.constant 0 : i32
      %dma_start3A_857 = tpu.memref_slice %arg19[%dma_start3A_855, %add3A_770, %dma_start3A_856] : memref<16x8192x512xf32, #tpu.memory_space<hbm>> -> memref<1x2x512xf32, #tpu.memory_space<hbm>>
      %dma_start3A_858 = tpu.memref_squeeze %dma_start3A_857 : memref<1x2x512xf32, #tpu.memory_space<hbm>> -> memref<2x512xf32, #tpu.memory_space<hbm>>
      %dma_start3A_859 = arith.constant 0 : i32
      %dma_start3A_860 = tpu.memref_slice %arg19[%dma_start3A_855, %add3A_770, %dma_start3A_859] : memref<16x8192x512xf32, #tpu.memory_space<hbm>> -> memref<1x2x512xf32, #tpu.memory_space<hbm>>
      %dma_start3A_861 = tpu.memref_squeeze %dma_start3A_860 : memref<1x2x512xf32, #tpu.memory_space<hbm>> -> memref<2x512xf32, #tpu.memory_space<hbm>>
      tpu.enqueue_dma source(%arg80 : memref<2x512xf32, #tpu.memory_space<vmem>>) target(%dma_start3A_861 : memref<2x512xf32, #tpu.memory_space<hbm>>) target_semaphore(%arg88 : memref<!tpu.dma_semaphore, #tpu.memory_space<semaphore_mem>>)
      %dma_start3A_862 = arith.constant 13 : i32
      %dma_start3A_863 = arith.constant 0 : i32
      %dma_start3A_864 = tpu.memref_slice %arg19[%dma_start3A_862, %add3A_770, %dma_start3A_863] : memref<16x8192x512xf32, #tpu.memory_space<hbm>> -> memref<1x2x512xf32, #tpu.memory_space<hbm>>
      %dma_start3A_865 = tpu.memref_squeeze %dma_start3A_864 : memref<1x2x512xf32, #tpu.memory_space<hbm>> -> memref<2x512xf32, #tpu.memory_space<hbm>>
      %dma_start3A_866 = arith.constant 0 : i32
      %dma_start3A_867 = tpu.memref_slice %arg19[%dma_start3A_862, %add3A_770, %dma_start3A_866] : memref<16x8192x512xf32, #tpu.memory_space<hbm>> -> memref<1x2x512xf32, #tpu.memory_space<hbm>>
      %dma_start3A_868 = tpu.memref_squeeze %dma_start3A_867 : memref<1x2x512xf32, #tpu.memory_space<hbm>> -> memref<2x512xf32, #tpu.memory_space<hbm>>
      tpu.enqueue_dma source(%arg81 : memref<2x512xf32, #tpu.memory_space<vmem>>) target(%dma_start3A_868 : memref<2x512xf32, #tpu.memory_space<hbm>>) target_semaphore(%arg88 : memref<!tpu.dma_semaphore, #tpu.memory_space<semaphore_mem>>)
      %dma_start3A_869 = arith.constant 14 : i32
      %dma_start3A_870 = arith.constant 0 : i32
      %dma_start3A_871 = tpu.memref_slice %arg19[%dma_start3A_869, %add3A_770, %dma_start3A_870] : memref<16x8192x512xf32, #tpu.memory_space<hbm>> -> memref<1x2x512xf32, #tpu.memory_space<hbm>>
      %dma_start3A_872 = tpu.memref_squeeze %dma_start3A_871 : memref<1x2x512xf32, #tpu.memory_space<hbm>> -> memref<2x512xf32, #tpu.memory_space<hbm>>
      %dma_start3A_873 = arith.constant 0 : i32
      %dma_start3A_874 = tpu.memref_slice %arg19[%dma_start3A_869, %add3A_770, %dma_start3A_873] : memref<16x8192x512xf32, #tpu.memory_space<hbm>> -> memref<1x2x512xf32, #tpu.memory_space<hbm>>
      %dma_start3A_875 = tpu.memref_squeeze %dma_start3A_874 : memref<1x2x512xf32, #tpu.memory_space<hbm>> -> memref<2x512xf32, #tpu.memory_space<hbm>>
      tpu.enqueue_dma source(%arg82 : memref<2x512xf32, #tpu.memory_space<vmem>>) target(%dma_start3A_875 : memref<2x512xf32, #tpu.memory_space<hbm>>) target_semaphore(%arg88 : memref<!tpu.dma_semaphore, #tpu.memory_space<semaphore_mem>>)
      %dma_start3A_876 = arith.constant 15 : i32
      %dma_start3A_877 = arith.constant 0 : i32
      %dma_start3A_878 = tpu.memref_slice %arg19[%dma_start3A_876, %add3A_770, %dma_start3A_877] : memref<16x8192x512xf32, #tpu.memory_space<hbm>> -> memref<1x2x512xf32, #tpu.memory_space<hbm>>
      %dma_start3A_879 = tpu.memref_squeeze %dma_start3A_878 : memref<1x2x512xf32, #tpu.memory_space<hbm>> -> memref<2x512xf32, #tpu.memory_space<hbm>>
      %dma_start3A_880 = arith.constant 0 : i32
      %dma_start3A_881 = tpu.memref_slice %arg19[%dma_start3A_876, %add3A_770, %dma_start3A_880] : memref<16x8192x512xf32, #tpu.memory_space<hbm>> -> memref<1x2x512xf32, #tpu.memory_space<hbm>>
      %dma_start3A_882 = tpu.memref_squeeze %dma_start3A_881 : memref<1x2x512xf32, #tpu.memory_space<hbm>> -> memref<2x512xf32, #tpu.memory_space<hbm>>
      tpu.enqueue_dma source(%arg83 : memref<2x512xf32, #tpu.memory_space<vmem>>) target(%dma_start3A_882 : memref<2x512xf32, #tpu.memory_space<hbm>>) target_semaphore(%arg88 : memref<!tpu.dma_semaphore, #tpu.memory_space<semaphore_mem>>)
    }
    %scan3A_77 = arith.constant 64 : i32
    %dma_wait3A = arith.constant 0 : i32
    %dma_wait3A_78 = arith.constant 0 : i32
    %dma_wait3A_79 = arith.constant 0 : i32
    %dma_wait3A_80 = tpu.memref_slice %arg19[%dma_wait3A, %dma_wait3A_78, %dma_wait3A_79] : memref<16x8192x512xf32, #tpu.memory_space<hbm>> -> memref<1x2x512xf32, #tpu.memory_space<hbm>>
    %dma_wait3A_81 = tpu.memref_squeeze %dma_wait3A_80 : memref<1x2x512xf32, #tpu.memory_space<hbm>> -> memref<2x512xf32, #tpu.memory_space<hbm>>
    %dma_wait3A_82 = arith.constant 0 : i32
    %dma_wait3A_83 = arith.constant 0 : i32
    %dma_wait3A_84 = tpu.memref_slice %arg19[%dma_wait3A, %dma_wait3A_82, %dma_wait3A_83] : memref<16x8192x512xf32, #tpu.memory_space<hbm>> -> memref<1x2x512xf32, #tpu.memory_space<hbm>>
    %dma_wait3A_85 = tpu.memref_squeeze %dma_wait3A_84 : memref<1x2x512xf32, #tpu.memory_space<hbm>> -> memref<2x512xf32, #tpu.memory_space<hbm>>
    tpu.wait_dma2 semaphore(%arg87 : memref<!tpu.dma_semaphore, #tpu.memory_space<semaphore_mem>>) src(%arg52 : memref<2x512xf32, #tpu.memory_space<vmem>>) dst(%dma_wait3A_85 : memref<2x512xf32, #tpu.memory_space<hbm>>)
    %dma_wait3A_86 = arith.constant 1 : i32
    %dma_wait3A_87 = arith.constant 0 : i32
    %dma_wait3A_88 = arith.constant 0 : i32
    %dma_wait3A_89 = tpu.memref_slice %arg19[%dma_wait3A_86, %dma_wait3A_87, %dma_wait3A_88] : memref<16x8192x512xf32, #tpu.memory_space<hbm>> -> memref<1x2x512xf32, #tpu.memory_space<hbm>>
    %dma_wait3A_90 = tpu.memref_squeeze %dma_wait3A_89 : memref<1x2x512xf32, #tpu.memory_space<hbm>> -> memref<2x512xf32, #tpu.memory_space<hbm>>
    %dma_wait3A_91 = arith.constant 0 : i32
    %dma_wait3A_92 = arith.constant 0 : i32
    %dma_wait3A_93 = tpu.memref_slice %arg19[%dma_wait3A_86, %dma_wait3A_91, %dma_wait3A_92] : memref<16x8192x512xf32, #tpu.memory_space<hbm>> -> memref<1x2x512xf32, #tpu.memory_space<hbm>>
    %dma_wait3A_94 = tpu.memref_squeeze %dma_wait3A_93 : memref<1x2x512xf32, #tpu.memory_space<hbm>> -> memref<2x512xf32, #tpu.memory_space<hbm>>
    tpu.wait_dma2 semaphore(%arg87 : memref<!tpu.dma_semaphore, #tpu.memory_space<semaphore_mem>>) src(%arg53 : memref<2x512xf32, #tpu.memory_space<vmem>>) dst(%dma_wait3A_94 : memref<2x512xf32, #tpu.memory_space<hbm>>)
    %dma_wait3A_95 = arith.constant 2 : i32
    %dma_wait3A_96 = arith.constant 0 : i32
    %dma_wait3A_97 = arith.constant 0 : i32
    %dma_wait3A_98 = tpu.memref_slice %arg19[%dma_wait3A_95, %dma_wait3A_96, %dma_wait3A_97] : memref<16x8192x512xf32, #tpu.memory_space<hbm>> -> memref<1x2x512xf32, #tpu.memory_space<hbm>>
    %dma_wait3A_99 = tpu.memref_squeeze %dma_wait3A_98 : memref<1x2x512xf32, #tpu.memory_space<hbm>> -> memref<2x512xf32, #tpu.memory_space<hbm>>
    %dma_wait3A_100 = arith.constant 0 : i32
    %dma_wait3A_101 = arith.constant 0 : i32
    %dma_wait3A_102 = tpu.memref_slice %arg19[%dma_wait3A_95, %dma_wait3A_100, %dma_wait3A_101] : memref<16x8192x512xf32, #tpu.memory_space<hbm>> -> memref<1x2x512xf32, #tpu.memory_space<hbm>>
    %dma_wait3A_103 = tpu.memref_squeeze %dma_wait3A_102 : memref<1x2x512xf32, #tpu.memory_space<hbm>> -> memref<2x512xf32, #tpu.memory_space<hbm>>
    tpu.wait_dma2 semaphore(%arg87 : memref<!tpu.dma_semaphore, #tpu.memory_space<semaphore_mem>>) src(%arg54 : memref<2x512xf32, #tpu.memory_space<vmem>>) dst(%dma_wait3A_103 : memref<2x512xf32, #tpu.memory_space<hbm>>)
    %dma_wait3A_104 = arith.constant 3 : i32
    %dma_wait3A_105 = arith.constant 0 : i32
    %dma_wait3A_106 = arith.constant 0 : i32
    %dma_wait3A_107 = tpu.memref_slice %arg19[%dma_wait3A_104, %dma_wait3A_105, %dma_wait3A_106] : memref<16x8192x512xf32, #tpu.memory_space<hbm>> -> memref<1x2x512xf32, #tpu.memory_space<hbm>>
    %dma_wait3A_108 = tpu.memref_squeeze %dma_wait3A_107 : memref<1x2x512xf32, #tpu.memory_space<hbm>> -> memref<2x512xf32, #tpu.memory_space<hbm>>
    %dma_wait3A_109 = arith.constant 0 : i32
    %dma_wait3A_110 = arith.constant 0 : i32
    %dma_wait3A_111 = tpu.memref_slice %arg19[%dma_wait3A_104, %dma_wait3A_109, %dma_wait3A_110] : memref<16x8192x512xf32, #tpu.memory_space<hbm>> -> memref<1x2x512xf32, #tpu.memory_space<hbm>>
    %dma_wait3A_112 = tpu.memref_squeeze %dma_wait3A_111 : memref<1x2x512xf32, #tpu.memory_space<hbm>> -> memref<2x512xf32, #tpu.memory_space<hbm>>
    tpu.wait_dma2 semaphore(%arg87 : memref<!tpu.dma_semaphore, #tpu.memory_space<semaphore_mem>>) src(%arg55 : memref<2x512xf32, #tpu.memory_space<vmem>>) dst(%dma_wait3A_112 : memref<2x512xf32, #tpu.memory_space<hbm>>)
    %dma_wait3A_113 = arith.constant 4 : i32
    %dma_wait3A_114 = arith.constant 0 : i32
    %dma_wait3A_115 = arith.constant 0 : i32
    %dma_wait3A_116 = tpu.memref_slice %arg19[%dma_wait3A_113, %dma_wait3A_114, %dma_wait3A_115] : memref<16x8192x512xf32, #tpu.memory_space<hbm>> -> memref<1x2x512xf32, #tpu.memory_space<hbm>>
    %dma_wait3A_117 = tpu.memref_squeeze %dma_wait3A_116 : memref<1x2x512xf32, #tpu.memory_space<hbm>> -> memref<2x512xf32, #tpu.memory_space<hbm>>
    %dma_wait3A_118 = arith.constant 0 : i32
    %dma_wait3A_119 = arith.constant 0 : i32
    %dma_wait3A_120 = tpu.memref_slice %arg19[%dma_wait3A_113, %dma_wait3A_118, %dma_wait3A_119] : memref<16x8192x512xf32, #tpu.memory_space<hbm>> -> memref<1x2x512xf32, #tpu.memory_space<hbm>>
    %dma_wait3A_121 = tpu.memref_squeeze %dma_wait3A_120 : memref<1x2x512xf32, #tpu.memory_space<hbm>> -> memref<2x512xf32, #tpu.memory_space<hbm>>
    tpu.wait_dma2 semaphore(%arg87 : memref<!tpu.dma_semaphore, #tpu.memory_space<semaphore_mem>>) src(%arg56 : memref<2x512xf32, #tpu.memory_space<vmem>>) dst(%dma_wait3A_121 : memref<2x512xf32, #tpu.memory_space<hbm>>)
    %dma_wait3A_122 = arith.constant 5 : i32
    %dma_wait3A_123 = arith.constant 0 : i32
    %dma_wait3A_124 = arith.constant 0 : i32
    %dma_wait3A_125 = tpu.memref_slice %arg19[%dma_wait3A_122, %dma_wait3A_123, %dma_wait3A_124] : memref<16x8192x512xf32, #tpu.memory_space<hbm>> -> memref<1x2x512xf32, #tpu.memory_space<hbm>>
    %dma_wait3A_126 = tpu.memref_squeeze %dma_wait3A_125 : memref<1x2x512xf32, #tpu.memory_space<hbm>> -> memref<2x512xf32, #tpu.memory_space<hbm>>
    %dma_wait3A_127 = arith.constant 0 : i32
    %dma_wait3A_128 = arith.constant 0 : i32
    %dma_wait3A_129 = tpu.memref_slice %arg19[%dma_wait3A_122, %dma_wait3A_127, %dma_wait3A_128] : memref<16x8192x512xf32, #tpu.memory_space<hbm>> -> memref<1x2x512xf32, #tpu.memory_space<hbm>>
    %dma_wait3A_130 = tpu.memref_squeeze %dma_wait3A_129 : memref<1x2x512xf32, #tpu.memory_space<hbm>> -> memref<2x512xf32, #tpu.memory_space<hbm>>
    tpu.wait_dma2 semaphore(%arg87 : memref<!tpu.dma_semaphore, #tpu.memory_space<semaphore_mem>>) src(%arg57 : memref<2x512xf32, #tpu.memory_space<vmem>>) dst(%dma_wait3A_130 : memref<2x512xf32, #tpu.memory_space<hbm>>)
    %dma_wait3A_131 = arith.constant 6 : i32
    %dma_wait3A_132 = arith.constant 0 : i32
    %dma_wait3A_133 = arith.constant 0 : i32
    %dma_wait3A_134 = tpu.memref_slice %arg19[%dma_wait3A_131, %dma_wait3A_132, %dma_wait3A_133] : memref<16x8192x512xf32, #tpu.memory_space<hbm>> -> memref<1x2x512xf32, #tpu.memory_space<hbm>>
    %dma_wait3A_135 = tpu.memref_squeeze %dma_wait3A_134 : memref<1x2x512xf32, #tpu.memory_space<hbm>> -> memref<2x512xf32, #tpu.memory_space<hbm>>
    %dma_wait3A_136 = arith.constant 0 : i32
    %dma_wait3A_137 = arith.constant 0 : i32
    %dma_wait3A_138 = tpu.memref_slice %arg19[%dma_wait3A_131, %dma_wait3A_136, %dma_wait3A_137] : memref<16x8192x512xf32, #tpu.memory_space<hbm>> -> memref<1x2x512xf32, #tpu.memory_space<hbm>>
    %dma_wait3A_139 = tpu.memref_squeeze %dma_wait3A_138 : memref<1x2x512xf32, #tpu.memory_space<hbm>> -> memref<2x512xf32, #tpu.memory_space<hbm>>
    tpu.wait_dma2 semaphore(%arg87 : memref<!tpu.dma_semaphore, #tpu.memory_space<semaphore_mem>>) src(%arg58 : memref<2x512xf32, #tpu.memory_space<vmem>>) dst(%dma_wait3A_139 : memref<2x512xf32, #tpu.memory_space<hbm>>)
    %dma_wait3A_140 = arith.constant 7 : i32
    %dma_wait3A_141 = arith.constant 0 : i32
    %dma_wait3A_142 = arith.constant 0 : i32
    %dma_wait3A_143 = tpu.memref_slice %arg19[%dma_wait3A_140, %dma_wait3A_141, %dma_wait3A_142] : memref<16x8192x512xf32, #tpu.memory_space<hbm>> -> memref<1x2x512xf32, #tpu.memory_space<hbm>>
    %dma_wait3A_144 = tpu.memref_squeeze %dma_wait3A_143 : memref<1x2x512xf32, #tpu.memory_space<hbm>> -> memref<2x512xf32, #tpu.memory_space<hbm>>
    %dma_wait3A_145 = arith.constant 0 : i32
    %dma_wait3A_146 = arith.constant 0 : i32
    %dma_wait3A_147 = tpu.memref_slice %arg19[%dma_wait3A_140, %dma_wait3A_145, %dma_wait3A_146] : memref<16x8192x512xf32, #tpu.memory_space<hbm>> -> memref<1x2x512xf32, #tpu.memory_space<hbm>>
    %dma_wait3A_148 = tpu.memref_squeeze %dma_wait3A_147 : memref<1x2x512xf32, #tpu.memory_space<hbm>> -> memref<2x512xf32, #tpu.memory_space<hbm>>
    tpu.wait_dma2 semaphore(%arg87 : memref<!tpu.dma_semaphore, #tpu.memory_space<semaphore_mem>>) src(%arg59 : memref<2x512xf32, #tpu.memory_space<vmem>>) dst(%dma_wait3A_148 : memref<2x512xf32, #tpu.memory_space<hbm>>)
    %dma_wait3A_149 = arith.constant 8 : i32
    %dma_wait3A_150 = arith.constant 0 : i32
    %dma_wait3A_151 = arith.constant 0 : i32
    %dma_wait3A_152 = tpu.memref_slice %arg19[%dma_wait3A_149, %dma_wait3A_150, %dma_wait3A_151] : memref<16x8192x512xf32, #tpu.memory_space<hbm>> -> memref<1x2x512xf32, #tpu.memory_space<hbm>>
    %dma_wait3A_153 = tpu.memref_squeeze %dma_wait3A_152 : memref<1x2x512xf32, #tpu.memory_space<hbm>> -> memref<2x512xf32, #tpu.memory_space<hbm>>
    %dma_wait3A_154 = arith.constant 0 : i32
    %dma_wait3A_155 = arith.constant 0 : i32
    %dma_wait3A_156 = tpu.memref_slice %arg19[%dma_wait3A_149, %dma_wait3A_154, %dma_wait3A_155] : memref<16x8192x512xf32, #tpu.memory_space<hbm>> -> memref<1x2x512xf32, #tpu.memory_space<hbm>>
    %dma_wait3A_157 = tpu.memref_squeeze %dma_wait3A_156 : memref<1x2x512xf32, #tpu.memory_space<hbm>> -> memref<2x512xf32, #tpu.memory_space<hbm>>
    tpu.wait_dma2 semaphore(%arg87 : memref<!tpu.dma_semaphore, #tpu.memory_space<semaphore_mem>>) src(%arg60 : memref<2x512xf32, #tpu.memory_space<vmem>>) dst(%dma_wait3A_157 : memref<2x512xf32, #tpu.memory_space<hbm>>)
    %dma_wait3A_158 = arith.constant 9 : i32
    %dma_wait3A_159 = arith.constant 0 : i32
    %dma_wait3A_160 = arith.constant 0 : i32
    %dma_wait3A_161 = tpu.memref_slice %arg19[%dma_wait3A_158, %dma_wait3A_159, %dma_wait3A_160] : memref<16x8192x512xf32, #tpu.memory_space<hbm>> -> memref<1x2x512xf32, #tpu.memory_space<hbm>>
    %dma_wait3A_162 = tpu.memref_squeeze %dma_wait3A_161 : memref<1x2x512xf32, #tpu.memory_space<hbm>> -> memref<2x512xf32, #tpu.memory_space<hbm>>
    %dma_wait3A_163 = arith.constant 0 : i32
    %dma_wait3A_164 = arith.constant 0 : i32
    %dma_wait3A_165 = tpu.memref_slice %arg19[%dma_wait3A_158, %dma_wait3A_163, %dma_wait3A_164] : memref<16x8192x512xf32, #tpu.memory_space<hbm>> -> memref<1x2x512xf32, #tpu.memory_space<hbm>>
    %dma_wait3A_166 = tpu.memref_squeeze %dma_wait3A_165 : memref<1x2x512xf32, #tpu.memory_space<hbm>> -> memref<2x512xf32, #tpu.memory_space<hbm>>
    tpu.wait_dma2 semaphore(%arg87 : memref<!tpu.dma_semaphore, #tpu.memory_space<semaphore_mem>>) src(%arg61 : memref<2x512xf32, #tpu.memory_space<vmem>>) dst(%dma_wait3A_166 : memref<2x512xf32, #tpu.memory_space<hbm>>)
    %dma_wait3A_167 = arith.constant 10 : i32
    %dma_wait3A_168 = arith.constant 0 : i32
    %dma_wait3A_169 = arith.constant 0 : i32
    %dma_wait3A_170 = tpu.memref_slice %arg19[%dma_wait3A_167, %dma_wait3A_168, %dma_wait3A_169] : memref<16x8192x512xf32, #tpu.memory_space<hbm>> -> memref<1x2x512xf32, #tpu.memory_space<hbm>>
    %dma_wait3A_171 = tpu.memref_squeeze %dma_wait3A_170 : memref<1x2x512xf32, #tpu.memory_space<hbm>> -> memref<2x512xf32, #tpu.memory_space<hbm>>
    %dma_wait3A_172 = arith.constant 0 : i32
    %dma_wait3A_173 = arith.constant 0 : i32
    %dma_wait3A_174 = tpu.memref_slice %arg19[%dma_wait3A_167, %dma_wait3A_172, %dma_wait3A_173] : memref<16x8192x512xf32, #tpu.memory_space<hbm>> -> memref<1x2x512xf32, #tpu.memory_space<hbm>>
    %dma_wait3A_175 = tpu.memref_squeeze %dma_wait3A_174 : memref<1x2x512xf32, #tpu.memory_space<hbm>> -> memref<2x512xf32, #tpu.memory_space<hbm>>
    tpu.wait_dma2 semaphore(%arg87 : memref<!tpu.dma_semaphore, #tpu.memory_space<semaphore_mem>>) src(%arg62 : memref<2x512xf32, #tpu.memory_space<vmem>>) dst(%dma_wait3A_175 : memref<2x512xf32, #tpu.memory_space<hbm>>)
    %dma_wait3A_176 = arith.constant 11 : i32
    %dma_wait3A_177 = arith.constant 0 : i32
    %dma_wait3A_178 = arith.constant 0 : i32
    %dma_wait3A_179 = tpu.memref_slice %arg19[%dma_wait3A_176, %dma_wait3A_177, %dma_wait3A_178] : memref<16x8192x512xf32, #tpu.memory_space<hbm>> -> memref<1x2x512xf32, #tpu.memory_space<hbm>>
    %dma_wait3A_180 = tpu.memref_squeeze %dma_wait3A_179 : memref<1x2x512xf32, #tpu.memory_space<hbm>> -> memref<2x512xf32, #tpu.memory_space<hbm>>
    %dma_wait3A_181 = arith.constant 0 : i32
    %dma_wait3A_182 = arith.constant 0 : i32
    %dma_wait3A_183 = tpu.memref_slice %arg19[%dma_wait3A_176, %dma_wait3A_181, %dma_wait3A_182] : memref<16x8192x512xf32, #tpu.memory_space<hbm>> -> memref<1x2x512xf32, #tpu.memory_space<hbm>>
    %dma_wait3A_184 = tpu.memref_squeeze %dma_wait3A_183 : memref<1x2x512xf32, #tpu.memory_space<hbm>> -> memref<2x512xf32, #tpu.memory_space<hbm>>
    tpu.wait_dma2 semaphore(%arg87 : memref<!tpu.dma_semaphore, #tpu.memory_space<semaphore_mem>>) src(%arg63 : memref<2x512xf32, #tpu.memory_space<vmem>>) dst(%dma_wait3A_184 : memref<2x512xf32, #tpu.memory_space<hbm>>)
    %dma_wait3A_185 = arith.constant 12 : i32
    %dma_wait3A_186 = arith.constant 0 : i32
    %dma_wait3A_187 = arith.constant 0 : i32
    %dma_wait3A_188 = tpu.memref_slice %arg19[%dma_wait3A_185, %dma_wait3A_186, %dma_wait3A_187] : memref<16x8192x512xf32, #tpu.memory_space<hbm>> -> memref<1x2x512xf32, #tpu.memory_space<hbm>>
    %dma_wait3A_189 = tpu.memref_squeeze %dma_wait3A_188 : memref<1x2x512xf32, #tpu.memory_space<hbm>> -> memref<2x512xf32, #tpu.memory_space<hbm>>
    %dma_wait3A_190 = arith.constant 0 : i32
    %dma_wait3A_191 = arith.constant 0 : i32
    %dma_wait3A_192 = tpu.memref_slice %arg19[%dma_wait3A_185, %dma_wait3A_190, %dma_wait3A_191] : memref<16x8192x512xf32, #tpu.memory_space<hbm>> -> memref<1x2x512xf32, #tpu.memory_space<hbm>>
    %dma_wait3A_193 = tpu.memref_squeeze %dma_wait3A_192 : memref<1x2x512xf32, #tpu.memory_space<hbm>> -> memref<2x512xf32, #tpu.memory_space<hbm>>
    tpu.wait_dma2 semaphore(%arg87 : memref<!tpu.dma_semaphore, #tpu.memory_space<semaphore_mem>>) src(%arg64 : memref<2x512xf32, #tpu.memory_space<vmem>>) dst(%dma_wait3A_193 : memref<2x512xf32, #tpu.memory_space<hbm>>)
    %dma_wait3A_194 = arith.constant 13 : i32
    %dma_wait3A_195 = arith.constant 0 : i32
    %dma_wait3A_196 = arith.constant 0 : i32
    %dma_wait3A_197 = tpu.memref_slice %arg19[%dma_wait3A_194, %dma_wait3A_195, %dma_wait3A_196] : memref<16x8192x512xf32, #tpu.memory_space<hbm>> -> memref<1x2x512xf32, #tpu.memory_space<hbm>>
    %dma_wait3A_198 = tpu.memref_squeeze %dma_wait3A_197 : memref<1x2x512xf32, #tpu.memory_space<hbm>> -> memref<2x512xf32, #tpu.memory_space<hbm>>
    %dma_wait3A_199 = arith.constant 0 : i32
    %dma_wait3A_200 = arith.constant 0 : i32
    %dma_wait3A_201 = tpu.memref_slice %arg19[%dma_wait3A_194, %dma_wait3A_199, %dma_wait3A_200] : memref<16x8192x512xf32, #tpu.memory_space<hbm>> -> memref<1x2x512xf32, #tpu.memory_space<hbm>>
    %dma_wait3A_202 = tpu.memref_squeeze %dma_wait3A_201 : memref<1x2x512xf32, #tpu.memory_space<hbm>> -> memref<2x512xf32, #tpu.memory_space<hbm>>
    tpu.wait_dma2 semaphore(%arg87 : memref<!tpu.dma_semaphore, #tpu.memory_space<semaphore_mem>>) src(%arg65 : memref<2x512xf32, #tpu.memory_space<vmem>>) dst(%dma_wait3A_202 : memref<2x512xf32, #tpu.memory_space<hbm>>)
    %dma_wait3A_203 = arith.constant 14 : i32
    %dma_wait3A_204 = arith.constant 0 : i32
    %dma_wait3A_205 = arith.constant 0 : i32
    %dma_wait3A_206 = tpu.memref_slice %arg19[%dma_wait3A_203, %dma_wait3A_204, %dma_wait3A_205] : memref<16x8192x512xf32, #tpu.memory_space<hbm>> -> memref<1x2x512xf32, #tpu.memory_space<hbm>>
    %dma_wait3A_207 = tpu.memref_squeeze %dma_wait3A_206 : memref<1x2x512xf32, #tpu.memory_space<hbm>> -> memref<2x512xf32, #tpu.memory_space<hbm>>
    %dma_wait3A_208 = arith.constant 0 : i32
    %dma_wait3A_209 = arith.constant 0 : i32
    %dma_wait3A_210 = tpu.memref_slice %arg19[%dma_wait3A_203, %dma_wait3A_208, %dma_wait3A_209] : memref<16x8192x512xf32, #tpu.memory_space<hbm>> -> memref<1x2x512xf32, #tpu.memory_space<hbm>>
    %dma_wait3A_211 = tpu.memref_squeeze %dma_wait3A_210 : memref<1x2x512xf32, #tpu.memory_space<hbm>> -> memref<2x512xf32, #tpu.memory_space<hbm>>
    tpu.wait_dma2 semaphore(%arg87 : memref<!tpu.dma_semaphore, #tpu.memory_space<semaphore_mem>>) src(%arg66 : memref<2x512xf32, #tpu.memory_space<vmem>>) dst(%dma_wait3A_211 : memref<2x512xf32, #tpu.memory_space<hbm>>)
    %dma_wait3A_212 = arith.constant 15 : i32
    %dma_wait3A_213 = arith.constant 0 : i32
    %dma_wait3A_214 = arith.constant 0 : i32
    %dma_wait3A_215 = tpu.memref_slice %arg19[%dma_wait3A_212, %dma_wait3A_213, %dma_wait3A_214] : memref<16x8192x512xf32, #tpu.memory_space<hbm>> -> memref<1x2x512xf32, #tpu.memory_space<hbm>>
    %dma_wait3A_216 = tpu.memref_squeeze %dma_wait3A_215 : memref<1x2x512xf32, #tpu.memory_space<hbm>> -> memref<2x512xf32, #tpu.memory_space<hbm>>
    %dma_wait3A_217 = arith.constant 0 : i32
    %dma_wait3A_218 = arith.constant 0 : i32
    %dma_wait3A_219 = tpu.memref_slice %arg19[%dma_wait3A_212, %dma_wait3A_217, %dma_wait3A_218] : memref<16x8192x512xf32, #tpu.memory_space<hbm>> -> memref<1x2x512xf32, #tpu.memory_space<hbm>>
    %dma_wait3A_220 = tpu.memref_squeeze %dma_wait3A_219 : memref<1x2x512xf32, #tpu.memory_space<hbm>> -> memref<2x512xf32, #tpu.memory_space<hbm>>
    tpu.wait_dma2 semaphore(%arg87 : memref<!tpu.dma_semaphore, #tpu.memory_space<semaphore_mem>>) src(%arg67 : memref<2x512xf32, #tpu.memory_space<vmem>>) dst(%dma_wait3A_220 : memref<2x512xf32, #tpu.memory_space<hbm>>)
    %dma_wait3A_221 = arith.constant 0 : i32
    %dma_wait3A_222 = arith.constant 0 : i32
    %dma_wait3A_223 = arith.constant 0 : i32
    %dma_wait3A_224 = tpu.memref_slice %arg19[%dma_wait3A_221, %dma_wait3A_222, %dma_wait3A_223] : memref<16x8192x512xf32, #tpu.memory_space<hbm>> -> memref<1x2x512xf32, #tpu.memory_space<hbm>>
    %dma_wait3A_225 = tpu.memref_squeeze %dma_wait3A_224 : memref<1x2x512xf32, #tpu.memory_space<hbm>> -> memref<2x512xf32, #tpu.memory_space<hbm>>
    %dma_wait3A_226 = arith.constant 0 : i32
    %dma_wait3A_227 = arith.constant 0 : i32
    %dma_wait3A_228 = tpu.memref_slice %arg19[%dma_wait3A_221, %dma_wait3A_226, %dma_wait3A_227] : memref<16x8192x512xf32, #tpu.memory_space<hbm>> -> memref<1x2x512xf32, #tpu.memory_space<hbm>>
    %dma_wait3A_229 = tpu.memref_squeeze %dma_wait3A_228 : memref<1x2x512xf32, #tpu.memory_space<hbm>> -> memref<2x512xf32, #tpu.memory_space<hbm>>
    tpu.wait_dma2 semaphore(%arg88 : memref<!tpu.dma_semaphore, #tpu.memory_space<semaphore_mem>>) src(%arg68 : memref<2x512xf32, #tpu.memory_space<vmem>>) dst(%dma_wait3A_229 : memref<2x512xf32, #tpu.memory_space<hbm>>)
    %dma_wait3A_230 = arith.constant 1 : i32
    %dma_wait3A_231 = arith.constant 0 : i32
    %dma_wait3A_232 = arith.constant 0 : i32
    %dma_wait3A_233 = tpu.memref_slice %arg19[%dma_wait3A_230, %dma_wait3A_231, %dma_wait3A_232] : memref<16x8192x512xf32, #tpu.memory_space<hbm>> -> memref<1x2x512xf32, #tpu.memory_space<hbm>>
    %dma_wait3A_234 = tpu.memref_squeeze %dma_wait3A_233 : memref<1x2x512xf32, #tpu.memory_space<hbm>> -> memref<2x512xf32, #tpu.memory_space<hbm>>
    %dma_wait3A_235 = arith.constant 0 : i32
    %dma_wait3A_236 = arith.constant 0 : i32
    %dma_wait3A_237 = tpu.memref_slice %arg19[%dma_wait3A_230, %dma_wait3A_235, %dma_wait3A_236] : memref<16x8192x512xf32, #tpu.memory_space<hbm>> -> memref<1x2x512xf32, #tpu.memory_space<hbm>>
    %dma_wait3A_238 = tpu.memref_squeeze %dma_wait3A_237 : memref<1x2x512xf32, #tpu.memory_space<hbm>> -> memref<2x512xf32, #tpu.memory_space<hbm>>
    tpu.wait_dma2 semaphore(%arg88 : memref<!tpu.dma_semaphore, #tpu.memory_space<semaphore_mem>>) src(%arg69 : memref<2x512xf32, #tpu.memory_space<vmem>>) dst(%dma_wait3A_238 : memref<2x512xf32, #tpu.memory_space<hbm>>)
    %dma_wait3A_239 = arith.constant 2 : i32
    %dma_wait3A_240 = arith.constant 0 : i32
    %dma_wait3A_241 = arith.constant 0 : i32
    %dma_wait3A_242 = tpu.memref_slice %arg19[%dma_wait3A_239, %dma_wait3A_240, %dma_wait3A_241] : memref<16x8192x512xf32, #tpu.memory_space<hbm>> -> memref<1x2x512xf32, #tpu.memory_space<hbm>>
    %dma_wait3A_243 = tpu.memref_squeeze %dma_wait3A_242 : memref<1x2x512xf32, #tpu.memory_space<hbm>> -> memref<2x512xf32, #tpu.memory_space<hbm>>
    %dma_wait3A_244 = arith.constant 0 : i32
    %dma_wait3A_245 = arith.constant 0 : i32
    %dma_wait3A_246 = tpu.memref_slice %arg19[%dma_wait3A_239, %dma_wait3A_244, %dma_wait3A_245] : memref<16x8192x512xf32, #tpu.memory_space<hbm>> -> memref<1x2x512xf32, #tpu.memory_space<hbm>>
    %dma_wait3A_247 = tpu.memref_squeeze %dma_wait3A_246 : memref<1x2x512xf32, #tpu.memory_space<hbm>> -> memref<2x512xf32, #tpu.memory_space<hbm>>
    tpu.wait_dma2 semaphore(%arg88 : memref<!tpu.dma_semaphore, #tpu.memory_space<semaphore_mem>>) src(%arg70 : memref<2x512xf32, #tpu.memory_space<vmem>>) dst(%dma_wait3A_247 : memref<2x512xf32, #tpu.memory_space<hbm>>)
    %dma_wait3A_248 = arith.constant 3 : i32
    %dma_wait3A_249 = arith.constant 0 : i32
    %dma_wait3A_250 = arith.constant 0 : i32
    %dma_wait3A_251 = tpu.memref_slice %arg19[%dma_wait3A_248, %dma_wait3A_249, %dma_wait3A_250] : memref<16x8192x512xf32, #tpu.memory_space<hbm>> -> memref<1x2x512xf32, #tpu.memory_space<hbm>>
    %dma_wait3A_252 = tpu.memref_squeeze %dma_wait3A_251 : memref<1x2x512xf32, #tpu.memory_space<hbm>> -> memref<2x512xf32, #tpu.memory_space<hbm>>
    %dma_wait3A_253 = arith.constant 0 : i32
    %dma_wait3A_254 = arith.constant 0 : i32
    %dma_wait3A_255 = tpu.memref_slice %arg19[%dma_wait3A_248, %dma_wait3A_253, %dma_wait3A_254] : memref<16x8192x512xf32, #tpu.memory_space<hbm>> -> memref<1x2x512xf32, #tpu.memory_space<hbm>>
    %dma_wait3A_256 = tpu.memref_squeeze %dma_wait3A_255 : memref<1x2x512xf32, #tpu.memory_space<hbm>> -> memref<2x512xf32, #tpu.memory_space<hbm>>
    tpu.wait_dma2 semaphore(%arg88 : memref<!tpu.dma_semaphore, #tpu.memory_space<semaphore_mem>>) src(%arg71 : memref<2x512xf32, #tpu.memory_space<vmem>>) dst(%dma_wait3A_256 : memref<2x512xf32, #tpu.memory_space<hbm>>)
    %dma_wait3A_257 = arith.constant 4 : i32
    %dma_wait3A_258 = arith.constant 0 : i32
    %dma_wait3A_259 = arith.constant 0 : i32
    %dma_wait3A_260 = tpu.memref_slice %arg19[%dma_wait3A_257, %dma_wait3A_258, %dma_wait3A_259] : memref<16x8192x512xf32, #tpu.memory_space<hbm>> -> memref<1x2x512xf32, #tpu.memory_space<hbm>>
    %dma_wait3A_261 = tpu.memref_squeeze %dma_wait3A_260 : memref<1x2x512xf32, #tpu.memory_space<hbm>> -> memref<2x512xf32, #tpu.memory_space<hbm>>
    %dma_wait3A_262 = arith.constant 0 : i32
    %dma_wait3A_263 = arith.constant 0 : i32
    %dma_wait3A_264 = tpu.memref_slice %arg19[%dma_wait3A_257, %dma_wait3A_262, %dma_wait3A_263] : memref<16x8192x512xf32, #tpu.memory_space<hbm>> -> memref<1x2x512xf32, #tpu.memory_space<hbm>>
    %dma_wait3A_265 = tpu.memref_squeeze %dma_wait3A_264 : memref<1x2x512xf32, #tpu.memory_space<hbm>> -> memref<2x512xf32, #tpu.memory_space<hbm>>
    tpu.wait_dma2 semaphore(%arg88 : memref<!tpu.dma_semaphore, #tpu.memory_space<semaphore_mem>>) src(%arg72 : memref<2x512xf32, #tpu.memory_space<vmem>>) dst(%dma_wait3A_265 : memref<2x512xf32, #tpu.memory_space<hbm>>)
    %dma_wait3A_266 = arith.constant 5 : i32
    %dma_wait3A_267 = arith.constant 0 : i32
    %dma_wait3A_268 = arith.constant 0 : i32
    %dma_wait3A_269 = tpu.memref_slice %arg19[%dma_wait3A_266, %dma_wait3A_267, %dma_wait3A_268] : memref<16x8192x512xf32, #tpu.memory_space<hbm>> -> memref<1x2x512xf32, #tpu.memory_space<hbm>>
    %dma_wait3A_270 = tpu.memref_squeeze %dma_wait3A_269 : memref<1x2x512xf32, #tpu.memory_space<hbm>> -> memref<2x512xf32, #tpu.memory_space<hbm>>
    %dma_wait3A_271 = arith.constant 0 : i32
    %dma_wait3A_272 = arith.constant 0 : i32
    %dma_wait3A_273 = tpu.memref_slice %arg19[%dma_wait3A_266, %dma_wait3A_271, %dma_wait3A_272] : memref<16x8192x512xf32, #tpu.memory_space<hbm>> -> memref<1x2x512xf32, #tpu.memory_space<hbm>>
    %dma_wait3A_274 = tpu.memref_squeeze %dma_wait3A_273 : memref<1x2x512xf32, #tpu.memory_space<hbm>> -> memref<2x512xf32, #tpu.memory_space<hbm>>
    tpu.wait_dma2 semaphore(%arg88 : memref<!tpu.dma_semaphore, #tpu.memory_space<semaphore_mem>>) src(%arg73 : memref<2x512xf32, #tpu.memory_space<vmem>>) dst(%dma_wait3A_274 : memref<2x512xf32, #tpu.memory_space<hbm>>)
    %dma_wait3A_275 = arith.constant 6 : i32
    %dma_wait3A_276 = arith.constant 0 : i32
    %dma_wait3A_277 = arith.constant 0 : i32
    %dma_wait3A_278 = tpu.memref_slice %arg19[%dma_wait3A_275, %dma_wait3A_276, %dma_wait3A_277] : memref<16x8192x512xf32, #tpu.memory_space<hbm>> -> memref<1x2x512xf32, #tpu.memory_space<hbm>>
    %dma_wait3A_279 = tpu.memref_squeeze %dma_wait3A_278 : memref<1x2x512xf32, #tpu.memory_space<hbm>> -> memref<2x512xf32, #tpu.memory_space<hbm>>
    %dma_wait3A_280 = arith.constant 0 : i32
    %dma_wait3A_281 = arith.constant 0 : i32
    %dma_wait3A_282 = tpu.memref_slice %arg19[%dma_wait3A_275, %dma_wait3A_280, %dma_wait3A_281] : memref<16x8192x512xf32, #tpu.memory_space<hbm>> -> memref<1x2x512xf32, #tpu.memory_space<hbm>>
    %dma_wait3A_283 = tpu.memref_squeeze %dma_wait3A_282 : memref<1x2x512xf32, #tpu.memory_space<hbm>> -> memref<2x512xf32, #tpu.memory_space<hbm>>
    tpu.wait_dma2 semaphore(%arg88 : memref<!tpu.dma_semaphore, #tpu.memory_space<semaphore_mem>>) src(%arg74 : memref<2x512xf32, #tpu.memory_space<vmem>>) dst(%dma_wait3A_283 : memref<2x512xf32, #tpu.memory_space<hbm>>)
    %dma_wait3A_284 = arith.constant 7 : i32
    %dma_wait3A_285 = arith.constant 0 : i32
    %dma_wait3A_286 = arith.constant 0 : i32
    %dma_wait3A_287 = tpu.memref_slice %arg19[%dma_wait3A_284, %dma_wait3A_285, %dma_wait3A_286] : memref<16x8192x512xf32, #tpu.memory_space<hbm>> -> memref<1x2x512xf32, #tpu.memory_space<hbm>>
    %dma_wait3A_288 = tpu.memref_squeeze %dma_wait3A_287 : memref<1x2x512xf32, #tpu.memory_space<hbm>> -> memref<2x512xf32, #tpu.memory_space<hbm>>
    %dma_wait3A_289 = arith.constant 0 : i32
    %dma_wait3A_290 = arith.constant 0 : i32
    %dma_wait3A_291 = tpu.memref_slice %arg19[%dma_wait3A_284, %dma_wait3A_289, %dma_wait3A_290] : memref<16x8192x512xf32, #tpu.memory_space<hbm>> -> memref<1x2x512xf32, #tpu.memory_space<hbm>>
    %dma_wait3A_292 = tpu.memref_squeeze %dma_wait3A_291 : memref<1x2x512xf32, #tpu.memory_space<hbm>> -> memref<2x512xf32, #tpu.memory_space<hbm>>
    tpu.wait_dma2 semaphore(%arg88 : memref<!tpu.dma_semaphore, #tpu.memory_space<semaphore_mem>>) src(%arg75 : memref<2x512xf32, #tpu.memory_space<vmem>>) dst(%dma_wait3A_292 : memref<2x512xf32, #tpu.memory_space<hbm>>)
    %dma_wait3A_293 = arith.constant 8 : i32
    %dma_wait3A_294 = arith.constant 0 : i32
    %dma_wait3A_295 = arith.constant 0 : i32
    %dma_wait3A_296 = tpu.memref_slice %arg19[%dma_wait3A_293, %dma_wait3A_294, %dma_wait3A_295] : memref<16x8192x512xf32, #tpu.memory_space<hbm>> -> memref<1x2x512xf32, #tpu.memory_space<hbm>>
    %dma_wait3A_297 = tpu.memref_squeeze %dma_wait3A_296 : memref<1x2x512xf32, #tpu.memory_space<hbm>> -> memref<2x512xf32, #tpu.memory_space<hbm>>
    %dma_wait3A_298 = arith.constant 0 : i32
    %dma_wait3A_299 = arith.constant 0 : i32
    %dma_wait3A_300 = tpu.memref_slice %arg19[%dma_wait3A_293, %dma_wait3A_298, %dma_wait3A_299] : memref<16x8192x512xf32, #tpu.memory_space<hbm>> -> memref<1x2x512xf32, #tpu.memory_space<hbm>>
    %dma_wait3A_301 = tpu.memref_squeeze %dma_wait3A_300 : memref<1x2x512xf32, #tpu.memory_space<hbm>> -> memref<2x512xf32, #tpu.memory_space<hbm>>
    tpu.wait_dma2 semaphore(%arg88 : memref<!tpu.dma_semaphore, #tpu.memory_space<semaphore_mem>>) src(%arg76 : memref<2x512xf32, #tpu.memory_space<vmem>>) dst(%dma_wait3A_301 : memref<2x512xf32, #tpu.memory_space<hbm>>)
    %dma_wait3A_302 = arith.constant 9 : i32
    %dma_wait3A_303 = arith.constant 0 : i32
    %dma_wait3A_304 = arith.constant 0 : i32
    %dma_wait3A_305 = tpu.memref_slice %arg19[%dma_wait3A_302, %dma_wait3A_303, %dma_wait3A_304] : memref<16x8192x512xf32, #tpu.memory_space<hbm>> -> memref<1x2x512xf32, #tpu.memory_space<hbm>>
    %dma_wait3A_306 = tpu.memref_squeeze %dma_wait3A_305 : memref<1x2x512xf32, #tpu.memory_space<hbm>> -> memref<2x512xf32, #tpu.memory_space<hbm>>
    %dma_wait3A_307 = arith.constant 0 : i32
    %dma_wait3A_308 = arith.constant 0 : i32
    %dma_wait3A_309 = tpu.memref_slice %arg19[%dma_wait3A_302, %dma_wait3A_307, %dma_wait3A_308] : memref<16x8192x512xf32, #tpu.memory_space<hbm>> -> memref<1x2x512xf32, #tpu.memory_space<hbm>>
    %dma_wait3A_310 = tpu.memref_squeeze %dma_wait3A_309 : memref<1x2x512xf32, #tpu.memory_space<hbm>> -> memref<2x512xf32, #tpu.memory_space<hbm>>
    tpu.wait_dma2 semaphore(%arg88 : memref<!tpu.dma_semaphore, #tpu.memory_space<semaphore_mem>>) src(%arg77 : memref<2x512xf32, #tpu.memory_space<vmem>>) dst(%dma_wait3A_310 : memref<2x512xf32, #tpu.memory_space<hbm>>)
    %dma_wait3A_311 = arith.constant 10 : i32
    %dma_wait3A_312 = arith.constant 0 : i32
    %dma_wait3A_313 = arith.constant 0 : i32
    %dma_wait3A_314 = tpu.memref_slice %arg19[%dma_wait3A_311, %dma_wait3A_312, %dma_wait3A_313] : memref<16x8192x512xf32, #tpu.memory_space<hbm>> -> memref<1x2x512xf32, #tpu.memory_space<hbm>>
    %dma_wait3A_315 = tpu.memref_squeeze %dma_wait3A_314 : memref<1x2x512xf32, #tpu.memory_space<hbm>> -> memref<2x512xf32, #tpu.memory_space<hbm>>
    %dma_wait3A_316 = arith.constant 0 : i32
    %dma_wait3A_317 = arith.constant 0 : i32
    %dma_wait3A_318 = tpu.memref_slice %arg19[%dma_wait3A_311, %dma_wait3A_316, %dma_wait3A_317] : memref<16x8192x512xf32, #tpu.memory_space<hbm>> -> memref<1x2x512xf32, #tpu.memory_space<hbm>>
    %dma_wait3A_319 = tpu.memref_squeeze %dma_wait3A_318 : memref<1x2x512xf32, #tpu.memory_space<hbm>> -> memref<2x512xf32, #tpu.memory_space<hbm>>
    tpu.wait_dma2 semaphore(%arg88 : memref<!tpu.dma_semaphore, #tpu.memory_space<semaphore_mem>>) src(%arg78 : memref<2x512xf32, #tpu.memory_space<vmem>>) dst(%dma_wait3A_319 : memref<2x512xf32, #tpu.memory_space<hbm>>)
    %dma_wait3A_320 = arith.constant 11 : i32
    %dma_wait3A_321 = arith.constant 0 : i32
    %dma_wait3A_322 = arith.constant 0 : i32
    %dma_wait3A_323 = tpu.memref_slice %arg19[%dma_wait3A_320, %dma_wait3A_321, %dma_wait3A_322] : memref<16x8192x512xf32, #tpu.memory_space<hbm>> -> memref<1x2x512xf32, #tpu.memory_space<hbm>>
    %dma_wait3A_324 = tpu.memref_squeeze %dma_wait3A_323 : memref<1x2x512xf32, #tpu.memory_space<hbm>> -> memref<2x512xf32, #tpu.memory_space<hbm>>
    %dma_wait3A_325 = arith.constant 0 : i32
    %dma_wait3A_326 = arith.constant 0 : i32
    %dma_wait3A_327 = tpu.memref_slice %arg19[%dma_wait3A_320, %dma_wait3A_325, %dma_wait3A_326] : memref<16x8192x512xf32, #tpu.memory_space<hbm>> -> memref<1x2x512xf32, #tpu.memory_space<hbm>>
    %dma_wait3A_328 = tpu.memref_squeeze %dma_wait3A_327 : memref<1x2x512xf32, #tpu.memory_space<hbm>> -> memref<2x512xf32, #tpu.memory_space<hbm>>
    tpu.wait_dma2 semaphore(%arg88 : memref<!tpu.dma_semaphore, #tpu.memory_space<semaphore_mem>>) src(%arg79 : memref<2x512xf32, #tpu.memory_space<vmem>>) dst(%dma_wait3A_328 : memref<2x512xf32, #tpu.memory_space<hbm>>)
    %dma_wait3A_329 = arith.constant 12 : i32
    %dma_wait3A_330 = arith.constant 0 : i32
    %dma_wait3A_331 = arith.constant 0 : i32
    %dma_wait3A_332 = tpu.memref_slice %arg19[%dma_wait3A_329, %dma_wait3A_330, %dma_wait3A_331] : memref<16x8192x512xf32, #tpu.memory_space<hbm>> -> memref<1x2x512xf32, #tpu.memory_space<hbm>>
    %dma_wait3A_333 = tpu.memref_squeeze %dma_wait3A_332 : memref<1x2x512xf32, #tpu.memory_space<hbm>> -> memref<2x512xf32, #tpu.memory_space<hbm>>
    %dma_wait3A_334 = arith.constant 0 : i32
    %dma_wait3A_335 = arith.constant 0 : i32
    %dma_wait3A_336 = tpu.memref_slice %arg19[%dma_wait3A_329, %dma_wait3A_334, %dma_wait3A_335] : memref<16x8192x512xf32, #tpu.memory_space<hbm>> -> memref<1x2x512xf32, #tpu.memory_space<hbm>>
    %dma_wait3A_337 = tpu.memref_squeeze %dma_wait3A_336 : memref<1x2x512xf32, #tpu.memory_space<hbm>> -> memref<2x512xf32, #tpu.memory_space<hbm>>
    tpu.wait_dma2 semaphore(%arg88 : memref<!tpu.dma_semaphore, #tpu.memory_space<semaphore_mem>>) src(%arg80 : memref<2x512xf32, #tpu.memory_space<vmem>>) dst(%dma_wait3A_337 : memref<2x512xf32, #tpu.memory_space<hbm>>)
    %dma_wait3A_338 = arith.constant 13 : i32
    %dma_wait3A_339 = arith.constant 0 : i32
    %dma_wait3A_340 = arith.constant 0 : i32
    %dma_wait3A_341 = tpu.memref_slice %arg19[%dma_wait3A_338, %dma_wait3A_339, %dma_wait3A_340] : memref<16x8192x512xf32, #tpu.memory_space<hbm>> -> memref<1x2x512xf32, #tpu.memory_space<hbm>>
    %dma_wait3A_342 = tpu.memref_squeeze %dma_wait3A_341 : memref<1x2x512xf32, #tpu.memory_space<hbm>> -> memref<2x512xf32, #tpu.memory_space<hbm>>
    %dma_wait3A_343 = arith.constant 0 : i32
    %dma_wait3A_344 = arith.constant 0 : i32
    %dma_wait3A_345 = tpu.memref_slice %arg19[%dma_wait3A_338, %dma_wait3A_343, %dma_wait3A_344] : memref<16x8192x512xf32, #tpu.memory_space<hbm>> -> memref<1x2x512xf32, #tpu.memory_space<hbm>>
    %dma_wait3A_346 = tpu.memref_squeeze %dma_wait3A_345 : memref<1x2x512xf32, #tpu.memory_space<hbm>> -> memref<2x512xf32, #tpu.memory_space<hbm>>
    tpu.wait_dma2 semaphore(%arg88 : memref<!tpu.dma_semaphore, #tpu.memory_space<semaphore_mem>>) src(%arg81 : memref<2x512xf32, #tpu.memory_space<vmem>>) dst(%dma_wait3A_346 : memref<2x512xf32, #tpu.memory_space<hbm>>)
    %dma_wait3A_347 = arith.constant 14 : i32
    %dma_wait3A_348 = arith.constant 0 : i32
    %dma_wait3A_349 = arith.constant 0 : i32
    %dma_wait3A_350 = tpu.memref_slice %arg19[%dma_wait3A_347, %dma_wait3A_348, %dma_wait3A_349] : memref<16x8192x512xf32, #tpu.memory_space<hbm>> -> memref<1x2x512xf32, #tpu.memory_space<hbm>>
    %dma_wait3A_351 = tpu.memref_squeeze %dma_wait3A_350 : memref<1x2x512xf32, #tpu.memory_space<hbm>> -> memref<2x512xf32, #tpu.memory_space<hbm>>
    %dma_wait3A_352 = arith.constant 0 : i32
    %dma_wait3A_353 = arith.constant 0 : i32
    %dma_wait3A_354 = tpu.memref_slice %arg19[%dma_wait3A_347, %dma_wait3A_352, %dma_wait3A_353] : memref<16x8192x512xf32, #tpu.memory_space<hbm>> -> memref<1x2x512xf32, #tpu.memory_space<hbm>>
    %dma_wait3A_355 = tpu.memref_squeeze %dma_wait3A_354 : memref<1x2x512xf32, #tpu.memory_space<hbm>> -> memref<2x512xf32, #tpu.memory_space<hbm>>
    tpu.wait_dma2 semaphore(%arg88 : memref<!tpu.dma_semaphore, #tpu.memory_space<semaphore_mem>>) src(%arg82 : memref<2x512xf32, #tpu.memory_space<vmem>>) dst(%dma_wait3A_355 : memref<2x512xf32, #tpu.memory_space<hbm>>)
    %dma_wait3A_356 = arith.constant 15 : i32
    %dma_wait3A_357 = arith.constant 0 : i32
    %dma_wait3A_358 = arith.constant 0 : i32
    %dma_wait3A_359 = tpu.memref_slice %arg19[%dma_wait3A_356, %dma_wait3A_357, %dma_wait3A_358] : memref<16x8192x512xf32, #tpu.memory_space<hbm>> -> memref<1x2x512xf32, #tpu.memory_space<hbm>>
    %dma_wait3A_360 = tpu.memref_squeeze %dma_wait3A_359 : memref<1x2x512xf32, #tpu.memory_space<hbm>> -> memref<2x512xf32, #tpu.memory_space<hbm>>
    %dma_wait3A_361 = arith.constant 0 : i32
    %dma_wait3A_362 = arith.constant 0 : i32
    %dma_wait3A_363 = tpu.memref_slice %arg19[%dma_wait3A_356, %dma_wait3A_361, %dma_wait3A_362] : memref<16x8192x512xf32, #tpu.memory_space<hbm>> -> memref<1x2x512xf32, #tpu.memory_space<hbm>>
    %dma_wait3A_364 = tpu.memref_squeeze %dma_wait3A_363 : memref<1x2x512xf32, #tpu.memory_space<hbm>> -> memref<2x512xf32, #tpu.memory_space<hbm>>
    tpu.wait_dma2 semaphore(%arg88 : memref<!tpu.dma_semaphore, #tpu.memory_space<semaphore_mem>>) src(%arg83 : memref<2x512xf32, #tpu.memory_space<vmem>>) dst(%dma_wait3A_364 : memref<2x512xf32, #tpu.memory_space<hbm>>)
    return
  }
}

</mosaic_0001>

<sc_bundles>
// kernel: kernel.3.cloned.1.call-start
scs
__scs_entry_jumppad:
0x0: {  	(pc) =	sbr.rel $0x88, $3  }
0x1: {  	(tag) =	ssettag $0x0;
	lr =	simm.s32 $0x1  }
0x2: {  	[smem:$0x3F8E] =	sst lr;
	_ =	strace $0xD0000000  }
0x3: {  	_ = 	snop  }
0x4: {  	_ = 	snop  }
0x5: {  	_ = 	snop  }
0x6: {  	_ = 	snop  }
0x7: {  	_ = 	snop  }
__scs_overlays_trampoline_lowered:
0x8: {  	[smem:$0x3F9D] =	sst s0  }
0x9: {  	[smem:$0x3F9E] =	sst s1  }
0xa: {  	[smem:$0x3F9F] =	sst s2  }
0xb: {  	[smem:$0x3FA0] =	sst s3  }
0xc: {  	[smem:$0x3FA1] =	sst s4  }
0xd: {  	[smem:$0x3FA2] =	sst s5  }
0xe: {  	[smem:$0x3FA3] =	sst s6  }
0xf: {  	[smem:$0x3FA4] =	sst s7  }
0x10: {  	[smem:$0x3FA5] =	sst s8  }
0x11: {  	[smem:$0x3FA6] =	sst s9;
	s0 =	simm.s32 @!p0 $0x0  }
0x12: {  	s1 =	sld [smem:$0x3F8C];
	s0 =	simm.s32 @p0 $0x1  }
0x13: {  	[smem:$0x3FA7] =	sst s0;
	s0 =	simm.s32 @!p1 $0x0  }
0x14: {  	s2 =	sld [smem:$0x3F8B];
	s0 =	simm.s32 @p1 $0x1  }
0x15: {  	[smem:$0x3FA8] =	sst s0;
	s0 =	simm.s32 @!p2 $0x0  }
0x16: {  	s3 =	sld [smem:$0x3FDB];
	s0 =	simm.s32 @p2 $0x1  }
0x17: {  	s4 =	simm.s32 $0x1BF5;
	[smem:$0x3FAA] =	sst s0  }
0x18: {  	s0 =	sld [smem:$0x3F8D];
	_ =	swait.ge [sflag:s4], $0x0  }
0x19: {  	s7 =	sld [smem:$0x3F8E]  }
0x1a: {  	s8 =	sadd.s32 $0xFFFFE003, lr  }
0x1b: {  	s9 =	sadd.s32 $0xFFFFFEF7, lr;
	s5 =	simm.s32 $0xFFFFFFFF;
	p2 =	slt.u32 s8, $0xFFFFF086  }
0x1c: {  	p1 =	slt.u32 s9, $0xF7A;
	s5 =	simm.s32 @!p2 $0x0  }
0x1d: {  	s5 =	simm.s32 @p1 $0x1;
	p0 =	seq.s32 s7, s2  }
0x1e: {  	s7 =	smul.u32 @!p0 $0xF7A, s2;
	p2 =	seq.s32 @!p0 s5, $0x0  }
0x1f: {  	s9 =	smul.u32 $0xF7A, s1;
	s8 =	simm.s32 @!p0 $0x1BF5;
	p2 =	por !p2, p0  }
0x20: {  	[sflag:s8] =	ssyncset.s32 @!p0 $0xFFFFF086;
	s6 =	sadd.s32 @!p0 s3, s7;
	s7 =	simm.s32 @!p0 $0x108  }
0x21: {  	s3 =	sadd.s32 s3, s9;
	s6 =	sadd.s32 @!p0 $0x88, s6;
	s7 =	simm.s32 @p2 $0x1082  }
0x22: {  	[simem:s7], [sflag:s8] =	dma.local @!p0 [hbm:s6], $0xF7A  }
0x23: {  	s9 =	sor.u32 $0xD0000000, s2;
	s6 =	simm.s32 $0x108;
	_ =	swait.ge @!p0 [sflag:s8], $0x0  }
0x24: {  	s3 =	sadd.s32 $0x88, s3;
	s6 =	simm.s32 @!p1 $0x1082;
	[sflag:s4] =	ssyncset.s32 $0xFFFFF086  }
0x25: {  	[simem:s6], [sflag:s4] =	dma.local [hbm:s3], $0xF7A  }
0x26: {  	[smem:$0x3F8E] =	sst s1;
	(tag) =	ssettag s2;
	_ =	strace s9  }
0x27: {  	s1 =	sld [smem:$0x3F9E]  }
0x28: {  	s2 =	sld [smem:$0x3F9F]  }
0x29: {  	s4 =	sld [smem:$0x3FA1]  }
0x2a: {  	p0 =	seq.s32 s5, $0x0;
	s5 =	sld [smem:$0x3FA2]  }
0x2b: {  	s6 =	sld [smem:$0x3FA3]  }
0x2c: {  	s7 =	sld [smem:$0x3FA4]  }
0x2d: {  	s3 =	simm.s32 $0x108;
	s8 =	sld [smem:$0x3FA5]  }
0x2e: {  	s3 =	simm.s32 @!p0 $0x1082;
	s9 =	sld [smem:$0x3FA6]  }
0x2f: {  	lr =	sadd.s32 s0, s3;
	s0 =	sld [smem:$0x3F9D]  }
0x30: {  	s3 =	sld [smem:$0x3FA0]  }
0x31: {  	[smem:$0x3FA9] =	sst s10  }
0x32: {  	s10 =	sld [smem:$0x3FA7];
	_ =	sdelay $0x3  }
0x33: {  	p0 =	seq.s32 s10, $0x1;
	s10 =	sld [smem:$0x3FA9];
	_ =	sdelay $0x3  }
0x34: {  	[smem:$0x3FA9] =	sst s10  }
0x35: {  	s10 =	sld [smem:$0x3FA8];
	_ =	sdelay $0x3  }
0x36: {  	p1 =	seq.s32 s10, $0x1;
	s10 =	sld [smem:$0x3FA9];
	_ =	sdelay $0x3  }
0x37: {  	[smem:$0x3FA9] =	sst s10  }
0x38: {  	s10 =	sld [smem:$0x3FAA]  }
0x39: {  	_ = 	snop;
	(pc) =	sbr.ind lr, $3  }
0x3a: {  	_ = 	snop  }
0x3b: {  	_ = 	snop  }
0x3c: {  	p2 =	seq.s32 s10, $0x1;
	s10 =	sld [smem:$0x3FA9]  }
0x3d: {  	_ =	shalt  }
0x3e: {  	_ =	shalt  }
0x3f: {  	_ =	shalt  }
0x40: {  	_ =	shalt  }
0x41: {  	_ =	shalt  }
0x42: {  	_ =	shalt  }
0x43: {  	_ =	shalt  }
0x44: {  	_ =	shalt  }
0x45: {  	_ =	shalt  }
0x46: {  	_ =	shalt  }
0x47: {  	_ =	shalt  }
0x48: {  	_ =	shalt  }
0x49: {  	_ =	shalt  }
0x4a: {  	_ =	shalt  }
0x4b: {  	_ =	shalt  }
0x4c: {  	_ =	shalt  }
0x4d: {  	_ =	shalt  }
0x4e: {  	_ =	shalt  }
0x4f: {  	_ =	shalt  }
0x50: {  	_ =	shalt  }
0x51: {  	_ =	shalt  }
0x52: {  	_ =	shalt  }
0x53: {  	_ =	shalt  }
0x54: {  	_ =	shalt  }
0x55: {  	_ =	shalt  }
0x56: {  	_ =	shalt  }
0x57: {  	_ =	shalt  }
0x58: {  	_ =	shalt  }
0x59: {  	_ =	shalt  }
0x5a: {  	_ =	shalt  }
0x5b: {  	_ =	shalt  }
0x5c: {  	_ =	shalt  }
0x5d: {  	_ =	shalt  }
0x5e: {  	_ =	shalt  }
0x5f: {  	_ =	shalt  }
0x60: {  	_ =	shalt  }
0x61: {  	_ =	shalt  }
0x62: {  	_ =	shalt  }
0x63: {  	_ =	shalt  }
0x64: {  	_ =	shalt  }
0x65: {  	_ =	shalt  }
0x66: {  	_ =	shalt  }
0x67: {  	_ =	shalt  }
0x68: {  	_ =	shalt  }
0x69: {  	_ =	shalt  }
0x6a: {  	_ =	shalt  }
0x6b: {  	_ =	shalt  }
0x6c: {  	_ =	shalt  }
0x6d: {  	_ =	shalt  }
0x6e: {  	_ =	shalt  }
0x6f: {  	_ =	shalt  }
0x70: {  	_ =	shalt  }
0x71: {  	_ =	shalt  }
0x72: {  	_ =	shalt  }
0x73: {  	_ =	shalt  }
0x74: {  	_ =	shalt  }
0x75: {  	_ =	shalt  }
0x76: {  	_ =	shalt  }
0x77: {  	_ =	shalt  }
0x78: {  	_ =	shalt  }
0x79: {  	_ =	shalt  }
0x7a: {  	_ =	shalt  }
0x7b: {  	_ =	shalt  }
0x7c: {  	_ =	shalt  }
0x7d: {  	_ =	shalt  }
0x7e: {  	_ =	shalt  }
0x7f: {  	_ =	shalt  }
0x80: {  	_ =	shalt  }
0x81: {  	_ =	shalt  }
0x82: {  	_ =	shalt  }
0x83: {  	_ =	shalt  }
0x84: {  	_ =	shalt  }
0x85: {  	_ =	shalt  }
0x86: {  	_ =	shalt  }
0x87: {  	_ =	shalt  }
.Lfunc_end0:
.L_simem_size_0:
called_computation_lowered:
.L_overlay_start_0:
0x88: {  	s2 =	sld [smem:$0x3FD9]  }
0x89: {  	s3 =	sld [smem:$0x3FFE];
	_ =	sdelay $0x1  }
0x8a: {  	s1 =	srdreg.scid  }
0x8b: {  	s0 =	sand.u32 $0x1, s1  }
0x8c: {  	s22 =	sshll.u32 s0, $0xA;
	s2 =	sadd.s32 s3, s2  }
0x8d: {  	s2 =	sadd.s32 s2, s22  }
0x8e: {  	[smem:$0x3FB5] =	sst s2  }
0x8f: {  	_ = 	snop  }
0x90: {  	s2 =	sld [smem:$0x3FC9]  }
0x91: {  	s3 =	sld [smem:$0x3FC8]  }
0x92: {  	s4 =	sld [smem:$0x3FC7]  }
0x93: {  	s5 =	sld [smem:$0x3FC6]  }
0x94: {  	s6 =	sld [smem:$0x3FC5]  }
0x95: {  	s7 =	sld [smem:$0x3FC4]  }
0x96: {  	s8 =	sld [smem:$0x3FC3]  }
0x97: {  	s9 =	sld [smem:$0x3FC2]  }
0x98: {  	s10 =	sld [smem:$0x3FC1]  }
0x99: {  	s11 =	sld [smem:$0x3FC0]  }
0x9a: {  	s12 =	sld [smem:$0x3FBF]  }
0x9b: {  	s13 =	sld [smem:$0x3FBE]  }
0x9c: {  	s14 =	sld [smem:$0x3FBD]  }
0x9d: {  	s15 =	sld [smem:$0x3FBC]  }
0x9e: {  	s17 =	sld [smem:$0x3FBB]  }
0x9f: {  	s18 =	sld [smem:$0x3FBA]  }
0xa0: {  	s19 =	sld [smem:$0x3FD0];
	(tm) =	ssettm $0x1  }
0xa1: {  	s16 =	sld [smem:$0x3FFB];
	_ =	sdelay $0x3  }
0xa2: {  	_ =	strace s16  }
0xa3: {  	s16 =	sld [smem:$0x3FFC];
	_ =	sdelay $0x3  }
0xa4: {  	_ =	strace s16  }
0xa5: {  	s16 =	sld [smem:$0x3FFD];
	_ =	sdelay $0x3  }
0xa6: {  	_ =	strace s16  }
0xa7: {  	_ =	strace $0x8FFFFFFF  }
0xa8: {  	s23 =	sld [smem:$0x3FDB];
	_ =	sdelay $0x1  }
0xa9: {  	s20 =	simm.s32 $_scs_section_size  }
0xaa: {  	s21 =	simm.s32 $_size__tile_task_arg_handler_lowered;
	s22 =	simm.s32 $_tile_task_arg_handler_lowered  }
0xab: {  	s26 =	simm.s32 $0x1BFF;
	s25 =	sshll.u32 s22, $0x1;
	s20 =	sadd.s32 s20, s23  }
0xac: {  	s24 =	sshll.u32 s21, $0x1;
	s23 =	simm.s32 $0x60;
	s21 =	sadd.s32 s25, s20  }
0xad: {  	[timem:s23], [sflag:s26] =	dma.local [hbm:s21], s24  }
0xae: {  	_ =	swait.ge [sflag:s26], s24  }
0xaf: {  	s28 =	simm.s32 $_tile_overlayer_lowered;
	s16 =	ssub.s32 $0x0, s24;
	[sflag:s26] =	ssyncset.done $0x0  }
0xb0: {  	s29 =	simm.s32 $_size__tile_overlayer_lowered;
	s21 =	sshll.u32 s28, $0x1;
	[sflag:s26] =	ssyncadd.s32 s16  }
0xb1: {  	s30 =	sshll.u32 s29, $0x1;
	s21 =	sadd.s32 s21, s20;
	s16 =	simm.s32 $0x0  }
0xb2: {  	[timem:s16], [sflag:s26] =	dma.local [hbm:s21], s30  }
0xb3: {  	_ =	swait.ge [sflag:s26], s30  }
0xb4: {  	s31 =	ssub.s32 $0x0, s30;
	[sflag:s26] =	ssyncset.done $0x0  }
0xb5: {  	[sflag:s26] =	ssyncadd.s32 s31;
	_ =	sdelay $0x1  }
0xb6: {  	s23 =	simm.s32 $0x1B8B  }
0xb7: {  	_ =	swait.ge [sflag:s23], $0x1  }
0xb8: {  	[sflag:s23] =	ssyncset.done $0x0  }
0xb9: {  	s25 =	simm.s32 $0x1B8E;
	s24 =	sld [smem:$0x3FFE];
	[sflag:s23] =	ssyncadd.s32 $0xFFFFFFFF  }
0xba: {  	s26 =	simm.s32 $execute0_lowered;
	[smem:$0x3FD2] =	sst s25  }
0xbb: {  	s22 =	sshll.u32 s26, $0x1;
	_ =	strace $0x80000046;
	[dreg:$0x1] =	wrdreg $0xFFFFFFFF  }
0xbc: {  	s28 =	simm.s32 $_size_execute0_lowered;
	s20 =	sadd.s32 s20, s22;
	[dreg:$0x0] =	wrdreg $0x0  }
0xbd: {  	s22 =	sshll.u32 s28, $0x1;
	[dreg:$0x2] =	wrdreg s20  }
0xbe: {  	[dreg:$0x3] =	wrdreg s22  }
0xbf: {  	[dreg:$0x4] =	wrdreg $0xC0  }
0xc0: {  	_ =	task [dreg:s16], $0x5FFFF  }
0xc1: {  	[dreg:$0x1] =	wrdreg $0xFFFFFFFF  }
0xc2: {  	[dreg:$0x0] =	wrdreg $0x30  }
0xc3: {  	[dreg:$0x2] =	wrdreg $0x0  }
0xc4: {  	[dreg:$0x3] =	wrdreg s17  }
0xc5: {  	[dreg:$0x4] =	wrdreg s18  }
0xc6: {  	[dreg:$0x5] =	wrdreg s24  }
0xc7: {  	[dreg:$0x6] =	wrdreg s19  }
0xc8: {  	[dreg:$0x7] =	wrdreg $0x9  }
0xc9: {  	_ =	task [dreg:s16], $0x8FFFF  }
0xca: {  	[dreg:$0x1] =	wrdreg $0xFFFFFFFF  }
0xcb: {  	[dreg:$0x0] =	wrdreg $0x60  }
0xcc: {  	[dreg:$0x2] =	wrdreg s2  }
0xcd: {  	[dreg:$0x3] =	wrdreg s3  }
0xce: {  	[dreg:$0x4] =	wrdreg s4  }
0xcf: {  	[dreg:$0x5] =	wrdreg s5  }
0xd0: {  	[dreg:$0x6] =	wrdreg s6  }
0xd1: {  	[dreg:$0x7] =	wrdreg s7  }
0xd2: {  	[dreg:$0x8] =	wrdreg s8  }
0xd3: {  	[dreg:$0x9] =	wrdreg s9  }
0xd4: {  	[dreg:$0xa] =	wrdreg s10  }
0xd5: {  	[dreg:$0xb] =	wrdreg s11  }
0xd6: {  	[dreg:$0xc] =	wrdreg s12  }
0xd7: {  	[dreg:$0xd] =	wrdreg s13  }
0xd8: {  	[dreg:$0xe] =	wrdreg s14  }
0xd9: {  	[dreg:$0xf] =	wrdreg s15  }
0xda: {  	_ =	task.clear_ibuf [dreg:s16], $0x10FFFF;
	_ =	strace $0x90000046  }
0xdb: {  	s29 =	simm.s32 $0x9;
	_ =	strace $0x80000048  }
0xdc: {  	_ =	swait.ge [sflag:s29], $0x1  }
0xdd: {  	[sflag:s29] =	ssyncadd.s32 $0xFFFFFFFF  }
0xde: {  	_ =	strace $0x90000048  }
0xdf: {  	_ =	sfence  }
0xe0: {  	s30 =	sld [smem:$0x0];
	_ =	sdelay $0x2  }
0xe1: {  	s31 =	sshll.u32 s1, $0xD;
	s1 =	sshrl.u32 s1, $0x2  }
0xe2: {  	s3 =	sand.u32 $0x4000, s31;
	s1 =	sadd.s32 s1, s30  }
0xe3: {  	s0 =	sor.u32 s3, s0;
	s1 =	sshll.u32 s1, $0x11  }
0xe4: {  	s0 =	sor.u32 s1, s0  }
0xe5: {  	s0 =	sadd.s32 $0x8F2B, s0  }
0xe6: {  	[sflag:s0] =	ssyncadd.remote.s32 $0x1  }
0xe7: {  	_ =	sfence.sel $0xFFFF  }
0xe8: {  	[dreg:$0x0] =	wrdreg $0xFFFFFFFF;
	(pc) =	sbr.abs _section_cstart, $3  }
0xe9: {  	[dreg:$0x1] =	wrdreg $0xFFFFFFFF  }
0xea: {  	_ =	task.clear_ibuf [dreg:s16], $0x2FFFF;
	_ =	strace $0x9FFFFFFF  }
0xeb: {  	(tm) =	ssettm $0x7FFFFFFF  }
tec
_tile_task_arg_handler_lowered:
.L_overlay_start_1:
0x0: {  	(tag) =	ssettag $0x1  }
0x1: {  	s0 =	rddreg [dreg:$0x0]  }
0x2: {  	s1 =	rddreg [dreg:$0x1]  }
0x3: {  	s2 =	rddreg [dreg:$0x2]  }
0x4: {  	s3 =	rddreg [dreg:$0x3]  }
0x5: {  	s4 =	rddreg [dreg:$0x4]  }
0x6: {  	s5 =	rddreg [dreg:$0x5]  }
0x7: {  	s6 =	rddreg [dreg:$0x6]  }
0x8: {  	s7 =	rddreg [dreg:$0x7]  }
0x9: {  	s8 =	rddreg [dreg:$0x8]  }
0xa: {  	s9 =	rddreg [dreg:$0x9]  }
0xb: {  	s10 =	rddreg [dreg:$0xa]  }
0xc: {  	s11 =	rddreg [dreg:$0xb]  }
0xd: {  	s12 =	rddreg [dreg:$0xc]  }
0xe: {  	s13 =	rddreg [dreg:$0xd]  }
0xf: {  	[smem:s0] =	sst s1  }
0x10: {  	[smem:s0+$0x1] =	sst s2  }
0x11: {  	[smem:s0+$0x2] =	sst s3  }
0x12: {  	[smem:s0+$0x3] =	sst s4  }
0x13: {  	[smem:s0+$0x4] =	sst s5  }
0x14: {  	[smem:s0+$0x5] =	sst s6  }
0x15: {  	[smem:s0+$0x6] =	sst s7  }
0x16: {  	[smem:s0+$0x7] =	sst s8  }
0x17: {  	[smem:s0+$0x8] =	sst s9  }
0x18: {  	[smem:s0+$0x9] =	sst s10  }
0x19: {  	[smem:s0+$0xA] =	sst s11  }
0x1a: {  	[smem:s0+$0xB] =	sst s12  }
0x1b: {  	[smem:s0+$0xC] =	sst s13;
	_ =	shalt  }
.Lfunc_end2:
execute0_lowered:
.L_overlay_start_2:
0x1c: {  	(tag) =	ssettag $0x2  }
0x1d: {  	s29 =	rddreg [dreg:$0x0]  }
0x1e: {  	s30 =	rddreg [dreg:$0x1]  }
0x1f: {  	s4 =	rddreg [dreg:$0x2]  }
0x20: {  	s5 =	rddreg [dreg:$0x3]  }
0x21: {  	s6 =	rddreg [dreg:$0x4]  }
0x22: {  	s7 =	rddreg [dreg:$0x5]  }
0x23: {  	s8 =	rddreg [dreg:$0x6]  }
0x24: {  	s9 =	rddreg [dreg:$0x7]  }
0x25: {  	s10 =	rddreg [dreg:$0x8]  }
0x26: {  	s11 =	rddreg [dreg:$0x9]  }
0x27: {  	s12 =	rddreg [dreg:$0xa]  }
0x28: {  	s13 =	rddreg [dreg:$0xb]  }
0x29: {  	s17 =	rddreg [dreg:$0xc]  }
0x2a: {  	s26 =	rddreg [dreg:$0xd];
	s0 =	simm.s32 $0x0  }
0x2b: {  	[smem:$0x7FF] =	sst s0  }
0x2c: {  	s1 =	srdreg.scid;
	s15 =	sld [smem:$0x0]  }
0x2d: {  	s3 =	stileid.u32;
	s1 =	sand.u32 $0x1, s1;
	s0 =	sld [smem:$0x2]  }
0x2e: {  	s2 =	sld [smem:$0x4];
	s25 =	sshll.u32 s1, $0x8;
	s1 =	ssub.s32 $0x2, s1  }
0x2f: {  	s24 =	sshll.u32 s3, $0x9;
	s18 =	sld [smem:$0x1];
	s28 =	sshrl.u32 s1, $0x1  }
0x30: {  	s19 =	sld [smem:$0x3];
	s20 =	sor.u32 s25, s24;
	s1 =	ssub.s32 s1, s28  }
0x31: {  	[dreg:$0xe] =	wrdreg s2;
	s0 =	sadd.s32 $0x400, s0;
	s2 =	sshll.u32 s20, $0x6  }
0x32: {  	s1 =	smax.u32 s1, $0x1;
	_ =	strace $0x80000047;
	[dreg:$0xf] =	wrdreg s0  }
0x33: {  	s31 =	sadd.s32 s29, s2;
	[smem:$0x7EF] =	sst s1  }
0x34: {  	s3 =	sadd.s32 s30, s2;
	[dreg:$0x10] =	wrdreg s31  }
0x35: {  	s4 =	sadd.s32 s4, s2;
	[dreg:$0x11] =	wrdreg s3  }
0x36: {  	s5 =	sadd.s32 s5, s2;
	[dreg:$0x12] =	wrdreg s4  }
0x37: {  	s6 =	sadd.s32 s6, s2;
	[dreg:$0x13] =	wrdreg s5  }
0x38: {  	s7 =	sadd.s32 s7, s2;
	[dreg:$0x14] =	wrdreg s6  }
0x39: {  	s16 =	smov.u32 s8;
	s8 =	sadd.s32 s8, s2;
	[dreg:$0x15] =	wrdreg s7  }
0x3a: {  	s23 =	smov.u32 s9;
	s9 =	sadd.s32 s9, s2;
	[dreg:$0x16] =	wrdreg s8  }
0x3b: {  	s14 =	smov.u32 s10;
	s10 =	sadd.s32 s10, s2;
	[dreg:$0x17] =	wrdreg s9  }
0x3c: {  	s24 =	smov.u32 s11;
	s11 =	sadd.s32 s11, s2;
	[dreg:$0x18] =	wrdreg s10  }
0x3d: {  	s21 =	smov.u32 s12;
	s12 =	sadd.s32 s12, s2;
	[dreg:$0x19] =	wrdreg s11  }
0x3e: {  	s25 =	smov.u32 s13;
	s13 =	sadd.s32 s13, s2;
	[dreg:$0x1a] =	wrdreg s12  }
0x3f: {  	s22 =	smov.u32 s17;
	s17 =	sadd.s32 s17, s2;
	[dreg:$0x1b] =	wrdreg s13  }
0x40: {  	s28 =	sadd.s32 s26, s2;
	[dreg:$0x1c] =	wrdreg s17  }
0x41: {  	s0 =	smov.u32 s26;
	s26 =	sadd.s32 $0x580000, s19;
	[dreg:$0x1d] =	wrdreg s28  }
0x42: {  	s31 =	sadd.s32 s15, s2;
	[smem:$0x7FB] =	sst s26  }
0x43: {  	s2 =	sadd.s32 s18, s2;
	[dreg:$0x1e] =	wrdreg s31  }
0x44: {  	s4 =	sshll.u32 s20, $0x9;
	[dreg:$0x1f] =	wrdreg s2  }
0x45: {  	s5 =	sadd.s32 $0x80000, s19;
	[smem:$0x7F0] =	sst s4  }
0x46: {  	s6 =	sadd.s32 $0x100000, s19;
	[smem:$0x7F1] =	sst s5  }
0x47: {  	s7 =	sadd.s32 $0x180000, s19;
	[smem:$0x7F2] =	sst s6  }
0x48: {  	s8 =	sadd.s32 $0x200000, s19;
	[smem:$0x7F3] =	sst s7  }
0x49: {  	s9 =	sadd.s32 $0x280000, s19;
	[smem:$0x7F4] =	sst s8  }
0x4a: {  	s10 =	sadd.s32 $0x300000, s19;
	[smem:$0x7F5] =	sst s9  }
0x4b: {  	s11 =	sadd.s32 $0x380000, s19;
	[smem:$0x7F6] =	sst s10  }
0x4c: {  	s12 =	sadd.s32 $0x400000, s19;
	[smem:$0x7F7] =	sst s11  }
0x4d: {  	s13 =	sadd.s32 $0x480000, s19;
	[smem:$0x7F8] =	sst s12  }
0x4e: {  	s17 =	sadd.s32 $0x500000, s19;
	[smem:$0x7F9] =	sst s13  }
0x4f: {  	s1 =	sadd.s32 $0x700000, s19;
	s28 =	sadd.s32 $0x600000, s19;
	[smem:$0x7FA] =	sst s17  }
0x50: {  	s3 =	simm.s32 $0x100;
	[smem:$0x7FC] =	sst s28;
	s31 =	sadd.s32 $0x680000, s19  }
0x51: {  	s2 =	sadd.s32 $0x780000, s19;
	s4 =	simm.s32 $0x400;
	s5 =	simm.s32 $0x1  }
0x52: {  	s6 =	simm.s32 $0x2;
	s9 =	simm.s32 $0x0;
	[smem:$0x7FD] =	sst s31  }
.LBB3_1:
0x53: {  	[smem:$0x7EE] =	sst s9;
	s7 =	simm.s32 $0x0  }
0x54: {  	s8 =	rddreg [dreg:$0xf];
	s26 =	simm.s32 $0x10000;
	s28 =	simm.s32 $0x5  }
0x55: {  	[tilespmem:s26], [sflag:$0x5] =	stream.linear.gather [hbm4b:s8+s7], $0x80, $0x38;
	[tilespmem:$0x10080] =	vst v63  }
0x56: {  	_ =	swait.ge [sflag:s28], $0x80  }
0x57: {  	[sflag:s28] =	ssyncset.done $0x0  }
0x58: {  	[sflag:s28] =	ssyncadd.s32 $0xFFFFFF80  }
0x59: {  	v0 =	vld [tilespmem:$0x10000]  }
0x5a: {  	s31 =	rddreg [dreg:$0x10];
	v1 =	vld [tilespmem:$0x10010]  }
0x5b: {  	v2 =	vld [tilespmem:$0x10020];
	[tilespmem:s7], [sflag:$0x1] =	stream.strided.gather [hbm4b:s31+s3], $0x400, s4, s3, $0x38  }
0x5c: {  	s9 =	rddreg [dreg:$0x11]  }
0x5d: {  	[tilespmem:s4], [sflag:$0x1] =	stream.strided.gather [hbm4b:s9+s3], $0x400, s4, s3, $0x38;
	[tilespmem:$0x10080] =	vst v63  }
0x5e: {  	s11 =	simm.s32 $0x800;
	s10 =	rddreg [dreg:$0x12]  }
0x5f: {  	[tilespmem:s11], [sflag:$0x1] =	stream.strided.gather [hbm4b:s10+s3], $0x400, s4, s3, $0x38;
	[tilespmem:$0x10080] =	vst v63  }
0x60: {  	s13 =	simm.s32 $0xC00;
	s12 =	rddreg [dreg:$0x13]  }
0x61: {  	[tilespmem:s13], [sflag:$0x1] =	stream.strided.gather [hbm4b:s12+s3], $0x400, s4, s3, $0x38;
	[tilespmem:$0x10080] =	vst v63  }
0x62: {  	s26 =	simm.s32 $0x1000;
	s17 =	rddreg [dreg:$0x14]  }
0x63: {  	[tilespmem:s26], [sflag:$0x1] =	stream.strided.gather [hbm4b:s17+s3], $0x400, s4, s3, $0x38;
	[tilespmem:$0x10080] =	vst v63  }
0x64: {  	s28 =	rddreg [dreg:$0x15];
	s31 =	simm.s32 $0x1400  }
0x65: {  	[tilespmem:s31], [sflag:$0x1] =	stream.strided.gather [hbm4b:s28+s3], $0x400, s4, s3, $0x38;
	[tilespmem:$0x10080] =	vst v63  }
0x66: {  	s8 =	rddreg [dreg:$0x16];
	s9 =	simm.s32 $0x1800  }
0x67: {  	[tilespmem:s9], [sflag:$0x1] =	stream.strided.gather [hbm4b:s8+s3], $0x400, s4, s3, $0x38;
	[tilespmem:$0x10080] =	vst v63  }
0x68: {  	s10 =	rddreg [dreg:$0x17];
	s11 =	simm.s32 $0x1C00  }
0x69: {  	[tilespmem:s11], [sflag:$0x1] =	stream.strided.gather [hbm4b:s10+s3], $0x400, s4, s3, $0x38;
	[tilespmem:$0x10080] =	vst v63  }
0x6a: {  	s12 =	rddreg [dreg:$0x18];
	s13 =	simm.s32 $0x2000  }
0x6b: {  	[tilespmem:s13], [sflag:$0x1] =	stream.strided.gather [hbm4b:s12+s3], $0x400, s4, s3, $0x38;
	[tilespmem:$0x10080] =	vst v63  }
0x6c: {  	s17 =	rddreg [dreg:$0x19];
	s26 =	simm.s32 $0x2400  }
0x6d: {  	[tilespmem:s26], [sflag:$0x1] =	stream.strided.gather [hbm4b:s17+s3], $0x400, s4, s3, $0x38;
	[tilespmem:$0x10080] =	vst v63  }
0x6e: {  	s28 =	rddreg [dreg:$0x1a];
	s31 =	simm.s32 $0x2800  }
0x6f: {  	[tilespmem:s31], [sflag:$0x1] =	stream.strided.gather [hbm4b:s28+s3], $0x400, s4, s3, $0x38;
	[tilespmem:$0x10080] =	vst v63  }
0x70: {  	s8 =	rddreg [dreg:$0x1b];
	s9 =	simm.s32 $0x2C00  }
0x71: {  	[tilespmem:s9], [sflag:$0x1] =	stream.strided.gather [hbm4b:s8+s3], $0x400, s4, s3, $0x38;
	[tilespmem:$0x10080] =	vst v63  }
0x72: {  	s10 =	rddreg [dreg:$0x1c];
	s11 =	simm.s32 $0x3000  }
0x73: {  	[tilespmem:s11], [sflag:$0x1] =	stream.strided.gather [hbm4b:s10+s3], $0x400, s4, s3, $0x38;
	[tilespmem:$0x10080] =	vst v63  }
0x74: {  	s12 =	rddreg [dreg:$0x1d];
	s13 =	simm.s32 $0x3400  }
0x75: {  	[tilespmem:s13], [sflag:$0x1] =	stream.strided.gather [hbm4b:s12+s3], $0x400, s4, s3, $0x38;
	[tilespmem:$0x10080] =	vst v63  }
0x76: {  	s17 =	rddreg [dreg:$0x1e];
	s26 =	simm.s32 $0x3800  }
0x77: {  	[tilespmem:s26], [sflag:$0x1] =	stream.strided.gather [hbm4b:s17+s3], $0x400, s4, s3, $0x38;
	[tilespmem:$0x10080] =	vst v63  }
0x78: {  	s7 =	simm.s32 $0x0;
	s28 =	rddreg [dreg:$0x1f];
	s31 =	simm.s32 $0x3C00  }
0x79: {  	v0 =	vpack.i.f32.bf16 v0, v0;
	v1 =	vpack.i.f32.bf16 v1, v1;
	v2 =	vpack.i.f32.bf16 v2, v2;
	[tilespmem:s31], [sflag:$0x1] =	stream.strided.gather [hbm4b:s28+s3], $0x400, s4, s3, $0x38;
	[tilespmem:$0x10080] =	vst v63  }
.LBB3_2:
0x7a: {  	s9 =	sshll.u32 s7, $0x2  }
0x7b: {  	s8 =	sadd.s32 s20, s9  }
0x7c: {  	s10 =	sshll.u32 s7, $0x9;
	s8 =	sshll.u32 s8, $0x9  }
0x7d: {  	s10 =	sand.u32 $0x200, s10;
	s8 =	sand.u32 $0x3FF000, s8  }
0x7e: {  	s8 =	sor.u32 s8, s10  }
0x7f: {  	s8 =	sshrl.u32 s8, $0x3  }
0x80: {  	s31 =	smov.u32 s29;
	s8 =	sor.u32 $0x20, s8  }
0x81: {  	s12 =	simm.s32 $0x4000;
	s17 =	smov.u32 s30;
	s11 =	sadd.s32 s29, s8  }
0x82: {  	[tilespmem:s12], [sflag:$0x2] =	stream.strided.gather [hbm4b:s11+s3], $0x400, s4, s3, $0x38;
	[tilespmem:$0x10080] =	vst v63  }
0x83: {  	s13 =	rddreg [dreg:$0x2];
	s29 =	sadd.s32 s30, s8;
	s30 =	simm.s32 $0x4400  }
0x84: {  	[tilespmem:s30], [sflag:$0x2] =	stream.strided.gather [hbm4b:s29+s3], $0x400, s4, s3, $0x38;
	[tilespmem:$0x10080] =	vst v63  }
0x85: {  	s26 =	simm.s32 $0x4800;
	s11 =	sadd.s32 s13, s8;
	s29 =	rddreg [dreg:$0x3]  }
0x86: {  	[tilespmem:s26], [sflag:$0x2] =	stream.strided.gather [hbm4b:s11+s3], $0x400, s4, s3, $0x38;
	[tilespmem:$0x10080] =	vst v63  }
0x87: {  	s13 =	rddreg [dreg:$0x4];
	s30 =	simm.s32 $0x4C00;
	s11 =	sadd.s32 s29, s8  }
0x88: {  	[tilespmem:s30], [sflag:$0x2] =	stream.strided.gather [hbm4b:s11+s3], $0x400, s4, s3, $0x38;
	[tilespmem:$0x10080] =	vst v63  }
0x89: {  	s26 =	simm.s32 $0x5000;
	s29 =	rddreg [dreg:$0x5];
	s11 =	sadd.s32 s13, s8  }
0x8a: {  	[tilespmem:s26], [sflag:$0x2] =	stream.strided.gather [hbm4b:s11+s3], $0x400, s4, s3, $0x38;
	[tilespmem:$0x10080] =	vst v63  }
0x8b: {  	s30 =	simm.s32 $0x5400;
	s11 =	sadd.s32 s29, s8  }
0x8c: {  	[tilespmem:s30], [sflag:$0x2] =	stream.strided.gather [hbm4b:s11+s3], $0x400, s4, s3, $0x38;
	[tilespmem:$0x10080] =	vst v63  }
0x8d: {  	s13 =	sadd.s32 s16, s8;
	s26 =	simm.s32 $0x5800  }
0x8e: {  	[tilespmem:s26], [sflag:$0x2] =	stream.strided.gather [hbm4b:s13+s3], $0x400, s4, s3, $0x38;
	[tilespmem:$0x10080] =	vst v63  }
0x8f: {  	s29 =	sadd.s32 s23, s8;
	s30 =	simm.s32 $0x5C00  }
0x90: {  	[tilespmem:s30], [sflag:$0x2] =	stream.strided.gather [hbm4b:s29+s3], $0x400, s4, s3, $0x38;
	[tilespmem:$0x10080] =	vst v63  }
0x91: {  	s13 =	sadd.s32 s14, s8;
	s26 =	simm.s32 $0x6000  }
0x92: {  	[tilespmem:s26], [sflag:$0x2] =	stream.strided.gather [hbm4b:s13+s3], $0x400, s4, s3, $0x38;
	[tilespmem:$0x10080] =	vst v63  }
0x93: {  	s29 =	sadd.s32 s24, s8;
	s30 =	simm.s32 $0x6400  }
0x94: {  	[tilespmem:s30], [sflag:$0x2] =	stream.strided.gather [hbm4b:s29+s3], $0x400, s4, s3, $0x38;
	[tilespmem:$0x10080] =	vst v63  }
0x95: {  	s13 =	sadd.s32 s21, s8;
	s26 =	simm.s32 $0x6800  }
0x96: {  	[tilespmem:s26], [sflag:$0x2] =	stream.strided.gather [hbm4b:s13+s3], $0x400, s4, s3, $0x38;
	[tilespmem:$0x10080] =	vst v63  }
0x97: {  	s29 =	sadd.s32 s25, s8;
	s30 =	simm.s32 $0x6C00  }
0x98: {  	[tilespmem:s30], [sflag:$0x2] =	stream.strided.gather [hbm4b:s29+s3], $0x400, s4, s3, $0x38;
	[tilespmem:$0x10080] =	vst v63  }
0x99: {  	s13 =	sadd.s32 s22, s8;
	s26 =	simm.s32 $0x7000  }
0x9a: {  	[tilespmem:s26], [sflag:$0x2] =	stream.strided.gather [hbm4b:s13+s3], $0x400, s4, s3, $0x38;
	[tilespmem:$0x10080] =	vst v63  }
0x9b: {  	s29 =	sadd.s32 s0, s8;
	s30 =	simm.s32 $0x7400  }
0x9c: {  	[tilespmem:s30], [sflag:$0x2] =	stream.strided.gather [hbm4b:s29+s3], $0x400, s4, s3, $0x38;
	[tilespmem:$0x10080] =	vst v63  }
0x9d: {  	s13 =	sadd.s32 s15, s8;
	s26 =	simm.s32 $0x7800  }
0x9e: {  	[tilespmem:s26], [sflag:$0x2] =	stream.strided.gather [hbm4b:s13+s3], $0x400, s4, s3, $0x38;
	[tilespmem:$0x10080] =	vst v63  }
0x9f: {  	s29 =	sadd.s32 s18, s8;
	s30 =	simm.s32 $0x7C00  }
0xa0: {  	[tilespmem:s30], [sflag:$0x2] =	stream.strided.gather [hbm4b:s29+s3], $0x400, s4, s3, $0x38;
	[tilespmem:$0x10080] =	vst v63  }
0xa1: {  	_ =	swait.ge [sflag:s5], $0x400  }
0xa2: {  	[sflag:s5] =	ssyncset.done $0x0  }
0xa3: {  	[sflag:s5] =	ssyncadd.s32 $0xFFFFFC00  }
0xa4: {  	_ =	swait.ge [sflag:s5], $0x400  }
0xa5: {  	[sflag:s5] =	ssyncset.done $0x0  }
0xa6: {  	[sflag:s5] =	ssyncadd.s32 $0xFFFFFC00  }
0xa7: {  	_ =	swait.ge [sflag:s5], $0x400  }
0xa8: {  	[sflag:s5] =	ssyncset.done $0x0  }
0xa9: {  	[sflag:s5] =	ssyncadd.s32 $0xFFFFFC00  }
0xaa: {  	_ =	swait.ge [sflag:s5], $0x400  }
0xab: {  	[sflag:s5] =	ssyncset.done $0x0  }
0xac: {  	[sflag:s5] =	ssyncadd.s32 $0xFFFFFC00  }
0xad: {  	_ =	swait.ge [sflag:s5], $0x400  }
0xae: {  	[sflag:s5] =	ssyncset.done $0x0  }
0xaf: {  	[sflag:s5] =	ssyncadd.s32 $0xFFFFFC00  }
0xb0: {  	_ =	swait.ge [sflag:s5], $0x400  }
0xb1: {  	[sflag:s5] =	ssyncset.done $0x0  }
0xb2: {  	[sflag:s5] =	ssyncadd.s32 $0xFFFFFC00  }
0xb3: {  	_ =	swait.ge [sflag:s5], $0x400  }
0xb4: {  	[sflag:s5] =	ssyncset.done $0x0  }
0xb5: {  	[sflag:s5] =	ssyncadd.s32 $0xFFFFFC00  }
0xb6: {  	_ =	swait.ge [sflag:s5], $0x400  }
0xb7: {  	[sflag:s5] =	ssyncset.done $0x0  }
0xb8: {  	[sflag:s5] =	ssyncadd.s32 $0xFFFFFC00  }
0xb9: {  	_ =	swait.ge [sflag:s5], $0x400  }
0xba: {  	[sflag:s5] =	ssyncset.done $0x0  }
0xbb: {  	[sflag:s5] =	ssyncadd.s32 $0xFFFFFC00  }
0xbc: {  	_ =	swait.ge [sflag:s5], $0x400  }
0xbd: {  	[sflag:s5] =	ssyncset.done $0x0  }
0xbe: {  	[sflag:s5] =	ssyncadd.s32 $0xFFFFFC00  }
0xbf: {  	_ =	swait.ge [sflag:s5], $0x400  }
0xc0: {  	[sflag:s5] =	ssyncset.done $0x0  }
0xc1: {  	[sflag:s5] =	ssyncadd.s32 $0xFFFFFC00  }
0xc2: {  	_ =	swait.ge [sflag:s5], $0x400  }
0xc3: {  	[sflag:s5] =	ssyncset.done $0x0  }
0xc4: {  	[sflag:s5] =	ssyncadd.s32 $0xFFFFFC00  }
0xc5: {  	_ =	swait.ge [sflag:s5], $0x400  }
0xc6: {  	[sflag:s5] =	ssyncset.done $0x0  }
0xc7: {  	[sflag:s5] =	ssyncadd.s32 $0xFFFFFC00  }
0xc8: {  	_ =	swait.ge [sflag:s5], $0x400  }
0xc9: {  	[sflag:s5] =	ssyncset.done $0x0  }
0xca: {  	[sflag:s5] =	ssyncadd.s32 $0xFFFFFC00  }
0xcb: {  	_ =	swait.ge [sflag:s5], $0x400  }
0xcc: {  	[sflag:s5] =	ssyncset.done $0x0  }
0xcd: {  	[sflag:s5] =	ssyncadd.s32 $0xFFFFFC00  }
0xce: {  	_ =	swait.ge [sflag:s5], $0x400  }
0xcf: {  	p0 =	seq.s32 s7, $0x0;
	[sflag:s5] =	ssyncset.done $0x0  }
0xd0: {  	s13 =	simm.s32 @!p0 $0x3;
	[sflag:s5] =	ssyncadd.s32 $0xFFFFFC00  }
0xd1: {  	_ =	swait.ge @!p0 [sflag:s13], $0x400  }
0xd2: {  	[sflag:s13] =	ssyncset.done @!p0 $0x0  }
0xd3: {  	[sflag:s13] =	ssyncadd.s32 @!p0 $0xFFFFFC00  }
0xd4: {  	_ =	swait.ge @!p0 [sflag:s13], $0x400  }
0xd5: {  	[sflag:s13] =	ssyncset.done @!p0 $0x0  }
0xd6: {  	[sflag:s13] =	ssyncadd.s32 @!p0 $0xFFFFFC00  }
0xd7: {  	_ =	swait.ge @!p0 [sflag:s13], $0x400  }
0xd8: {  	[sflag:s13] =	ssyncset.done @!p0 $0x0  }
0xd9: {  	[sflag:s13] =	ssyncadd.s32 @!p0 $0xFFFFFC00  }
0xda: {  	_ =	swait.ge @!p0 [sflag:s13], $0x400  }
0xdb: {  	[sflag:s13] =	ssyncset.done @!p0 $0x0  }
0xdc: {  	[sflag:s13] =	ssyncadd.s32 @!p0 $0xFFFFFC00  }
0xdd: {  	_ =	swait.ge @!p0 [sflag:s13], $0x400  }
0xde: {  	[sflag:s13] =	ssyncset.done @!p0 $0x0  }
0xdf: {  	[sflag:s13] =	ssyncadd.s32 @!p0 $0xFFFFFC00  }
0xe0: {  	_ =	swait.ge @!p0 [sflag:s13], $0x400  }
0xe1: {  	[sflag:s13] =	ssyncset.done @!p0 $0x0  }
0xe2: {  	[sflag:s13] =	ssyncadd.s32 @!p0 $0xFFFFFC00  }
0xe3: {  	_ =	swait.ge @!p0 [sflag:s13], $0x400  }
0xe4: {  	[sflag:s13] =	ssyncset.done @!p0 $0x0  }
0xe5: {  	[sflag:s13] =	ssyncadd.s32 @!p0 $0xFFFFFC00  }
0xe6: {  	_ =	swait.ge @!p0 [sflag:s13], $0x400  }
0xe7: {  	[sflag:s13] =	ssyncset.done @!p0 $0x0  }
0xe8: {  	[sflag:s13] =	ssyncadd.s32 @!p0 $0xFFFFFC00  }
0xe9: {  	_ =	swait.ge @!p0 [sflag:s13], $0x400  }
0xea: {  	[sflag:s13] =	ssyncset.done @!p0 $0x0  }
0xeb: {  	[sflag:s13] =	ssyncadd.s32 @!p0 $0xFFFFFC00  }
0xec: {  	_ =	swait.ge @!p0 [sflag:s13], $0x400  }
0xed: {  	[sflag:s13] =	ssyncset.done @!p0 $0x0  }
0xee: {  	[sflag:s13] =	ssyncadd.s32 @!p0 $0xFFFFFC00  }
0xef: {  	_ =	swait.ge @!p0 [sflag:s13], $0x400  }
0xf0: {  	[sflag:s13] =	ssyncset.done @!p0 $0x0  }
0xf1: {  	[sflag:s13] =	ssyncadd.s32 @!p0 $0xFFFFFC00  }
0xf2: {  	_ =	swait.ge @!p0 [sflag:s13], $0x400  }
0xf3: {  	[sflag:s13] =	ssyncset.done @!p0 $0x0  }
0xf4: {  	[sflag:s13] =	ssyncadd.s32 @!p0 $0xFFFFFC00  }
0xf5: {  	_ =	swait.ge @!p0 [sflag:s13], $0x400  }
0xf6: {  	[sflag:s13] =	ssyncset.done @!p0 $0x0  }
0xf7: {  	[sflag:s13] =	ssyncadd.s32 @!p0 $0xFFFFFC00  }
0xf8: {  	_ =	swait.ge @!p0 [sflag:s13], $0x400  }
0xf9: {  	[sflag:s13] =	ssyncset.done @!p0 $0x0  }
0xfa: {  	[sflag:s13] =	ssyncadd.s32 @!p0 $0xFFFFFC00  }
0xfb: {  	_ =	swait.ge @!p0 [sflag:s13], $0x400  }
0xfc: {  	[sflag:s13] =	ssyncset.done @!p0 $0x0  }
0xfd: {  	[sflag:s13] =	ssyncadd.s32 @!p0 $0xFFFFFC00  }
0xfe: {  	s11 =	simm.s32 $0x0;
	s26 =	simm.s32 $0x0;
	_ =	swait.ge @!p0 [sflag:s13], $0x400  }
0xff: {  	s12 =	sand.u32 $0x300, s11;
	s28 =	sand.u32 $0x60, s26;
	[sflag:s13] =	ssyncset.done @!p0 $0x0  }
0x100: {  	[sflag:s13] =	ssyncadd.s32 @!p0 $0xFFFFFC00;
	s13 =	sor.u32 s28, s12  }
0x101: {  	v3 =	vld [tilespmem:s13+$0x2C00]  }
0x102: {  	v4 =	vld [tilespmem:s13+$0x2C10]  }
0x103: {  	v5 =	vld [tilespmem:s13+$0x3C00]  }
0x104: {  	v6 =	vld [tilespmem:s13+$0x3C10]  }
0x105: {  	v7 =	vld [tilespmem:s13+$0x2800]  }
0x106: {  	v8 =	vld [tilespmem:s13+$0x2810]  }
0x107: {  	v9 =	vld [tilespmem:s13+$0x2000]  }
0x108: {  	v10 =	vld [tilespmem:s13+$0x2010]  }
0x109: {  	v11 =	vld [tilespmem:s13+$0x0]  }
0x10a: {  	v13 =	vld [tilespmem:s13+$0x800]  }
0x10b: {  	v17 =	vld [tilespmem:s13+$0x1000]  }
0x10c: {  	v18 =	vld [tilespmem:s13+$0x1010]  }
0x10d: {  	v29 =	vld [tilespmem:s13+$0x3000]  }
0x10e: {  	v30 =	vld [tilespmem:s13+$0x3010]  }
0x10f: {  	v12 =	vpack.i.f32.bf16 v4, v3;
	v14 =	vpack.i.f32.bf16 v6, v5;
	v3 =	vld [tilespmem:s13+$0x10]  }
0x110: {  	v5 =	vld [tilespmem:s13+$0x400];
	v4 =	vadd.bf16 v14, v12  }
0x111: {  	v15 =	vpack.i.f32.bf16 v8, v7;
	v6 =	vld [tilespmem:s13+$0x410]  }
0x112: {  	v9 =	vpack.i.f32.bf16 v10, v9;
	v10 =	vld [tilespmem:s13+$0x810];
	v8 =	vmul.bf16 v15, v1;
	v7 =	vmul.bf16 v4, v0  }
0x113: {  	v16 =	vld [tilespmem:s13+$0xC10];
	v17 =	vpack.i.f32.bf16 v18, v17;
	v29 =	vpack.i.f32.bf16 v30, v29;
	v31 =	vmul.bf16 v12, v1  }
0x114: {  	v33 =	vmul.bf16 v17, v1;
	v27 =	vadd.bf16 v9, v17;
	v7 =	vadd.bf16 v7, v8;
	v8 =	vld [tilespmem:s13+$0xC00]  }
0x115: {  	v19 =	vld [tilespmem:s13+$0x1400];
	v42 =	vadd.bf16 v29, v9;
	v63 =	vmul.bf16 v29, v0;
	v4 =	vmul.bf16 v9, v2  }
0x116: {  	v27 =	vmul.bf16 v27, v0;
	v11 =	vpack.i.f32.bf16 v3, v11;
	v21 =	vpack.i.f32.bf16 v6, v5;
	v5 =	vld [tilespmem:s13+$0x1410]  }
0x117: {  	v42 =	vmul.bf16 v42, v0;
	v10 =	vpack.i.f32.bf16 v10, v13;
	v20 =	vadd.bf16 v15, v11  }
0x118: {  	v13 =	vld [tilespmem:s13+$0x1800];
	v22 =	vmul.bf16 v10, v0;
	v23 =	vadd.bf16 v9, v10;
	v7 =	vadd.bf16 v7, v4  }
0x119: {  	v26 =	vadd.bf16 v17, v11;
	v6 =	vmul.bf16 v20, v2;
	v16 =	vpack.i.f32.bf16 v16, v8;
	v8 =	vld [tilespmem:s13+$0x1810]  }
0x11a: {  	v25 =	vld [tilespmem:s13+$0x1C00];
	v20 =	vadd.bf16 v12, v21;
	v23 =	vmul.bf16 v23, v1;
	v3 =	vunpack.i.u.bf16.f32 v7  }
0x11b: {  	v18 =	vld [tilespmem:s13+$0x1C10];
	[tilespmem:s13+$0xB410] =	vst v3;
	v3 =	vmul.bf16 v15, v2;
	v34 =	vpack.i.f32.bf16 v5, v19;
	v19 =	vadd.bf16 v15, v17  }
0x11c: {  	v24 =	vunpack.i.l.bf16.f32 v7;
	v7 =	vmul.bf16 v20, v2;
	v20 =	vmul.bf16 v16, v1  }
0x11d: {  	v28 =	vld [tilespmem:s13+$0x2400];
	[tilespmem:s13+$0xB400] =	vst v24;
	v32 =	vmul.bf16 v16, v0;
	v24 =	vadd.bf16 v34, v21;
	v19 =	vmul.bf16 v19, v1  }
0x11e: {  	v5 =	vadd.bf16 v20, v22;
	v20 =	vld [tilespmem:s13+$0x2410];
	v22 =	vmul.bf16 v26, v0;
	v8 =	vpack.i.f32.bf16 v8, v13  }
0x11f: {  	v26 =	vadd.bf16 v12, v34;
	v24 =	vmul.bf16 v24, v0;
	v13 =	vadd.bf16 v8, v11  }
0x120: {  	v35 =	vadd.bf16 v8, v10;
	v11 =	vpack.i.f32.bf16 v18, v25;
	v25 =	vadd.bf16 v15, v8  }
0x121: {  	v36 =	vmul.bf16 v26, v1;
	v26 =	vld [tilespmem:s13+$0x3410];
	v41 =	vadd.bf16 v29, v8;
	v21 =	vadd.bf16 v11, v21  }
0x122: {  	v18 =	vld [tilespmem:s13+$0x3400];
	v38 =	vadd.bf16 v11, v16;
	v12 =	vadd.bf16 v12, v11;
	v37 =	vmul.bf16 v13, v1  }
0x123: {  	v13 =	vpack.i.f32.bf16 v20, v28;
	v20 =	vld [tilespmem:s13+$0x3800];
	v35 =	vmul.bf16 v35, v0;
	v43 =	vmul.bf16 v25, v0  }
0x124: {  	v28 =	vld [tilespmem:s13+$0x3810];
	v41 =	vmul.bf16 v41, v1;
	v21 =	vmul.bf16 v21, v1;
	v39 =	vadd.bf16 v13, v16  }
0x125: {  	v40 =	vadd.bf16 v13, v34;
	v38 =	vmul.bf16 v38, v0;
	v30 =	vadd.bf16 v14, v13  }
0x126: {  	v44 =	vmul.bf16 v12, v0;
	v14 =	vadd.bf16 v14, v34;
	v39 =	vmul.bf16 v39, v1  }
0x127: {  	v18 =	vpack.i.f32.bf16 v26, v18;
	v26 =	vadd.bf16 v21, v35;
	v21 =	vadd.bf16 v36, v43  }
0x128: {  	v40 =	vmul.bf16 v40, v0;
	v12 =	vadd.bf16 v18, v11;
	v25 =	vadd.bf16 v18, v13  }
0x129: {  	v16 =	vadd.bf16 v18, v16;
	v20 =	vpack.i.f32.bf16 v28, v20;
	v28 =	vadd.bf16 v37, v24  }
0x12a: {  	v47 =	vmul.bf16 v30, v1;
	v27 =	vadd.bf16 v39, v27;
	v9 =	vadd.bf16 v20, v9  }
0x12b: {  	v45 =	vmul.bf16 v12, v1;
	v12 =	vadd.bf16 v20, v15;
	v15 =	vadd.bf16 v29, v10  }
0x12c: {  	v46 =	vmul.bf16 v25, v0;
	v17 =	vadd.bf16 v20, v17;
	v10 =	vmul.bf16 v18, v0  }
0x12d: {  	v25 =	vadd.bf16 v19, v40;
	v20 =	vadd.bf16 v41, v44;
	v19 =	vmul.bf16 v14, v2  }
0x12e: {  	v14 =	vadd.bf16 v33, v32;
	v48 =	vmul.bf16 v12, v0;
	v12 =	vmul.bf16 v34, v1  }
0x12f: {  	v9 =	vmul.bf16 v9, v1;
	v24 =	vmul.bf16 v15, v2;
	v18 =	vadd.bf16 v45, v42  }
0x130: {  	v30 =	vadd.bf16 v12, v22;
	v12 =	vmul.bf16 v29, v1;
	v29 =	vadd.bf16 v23, v38  }
0x131: {  	v23 =	vmul.bf16 v16, v2;
	v22 =	vmul.bf16 v17, v2;
	v17 =	vadd.bf16 v9, v46  }
0x132: {  	s28 =	simm.s32 $0x0;
	v15 =	vadd.bf16 v47, v48;
	v16 =	vmul.bf16 v34, v2;
	v9 =	vadd.bf16 v63, v31  }
.LBB3_3:
0x133: {  	s26 =	sadd.s32 $0x20, s26;
	v8 =	vmul.bf16 v8, v2;
	v11 =	vmul.bf16 v11, v2;
	v10 =	vadd.bf16 v10, v12;
	s28 =	sadd.s32 $0x40, s28  }
0x134: {  	v4 =	vadd.bf16 v4, v28;
	v12 =	vmul.bf16 v13, v2;
	v6 =	vadd.bf16 v6, v29;
	s29 =	sand.u32 $0x60, s26;
	s30 =	sand.u32 $0x300, s28  }
0x135: {  	v7 =	vadd.bf16 v7, v27;
	s29 =	sor.u32 s29, s30;
	v13 =	vadd.bf16 v11, v30  }
0x136: {  	v24 =	vadd.bf16 v24, v25;
	p1 =	slt.u32 s26, $0x1E0;
	v28 =	vunpack.i.u.bf16.f32 v4;
	v26 =	vadd.bf16 v12, v26;
	v27 =	vld [tilespmem:s29+$0x2C00]  }
0x137: {  	v21 =	vadd.bf16 v23, v21;
	v20 =	vadd.bf16 v22, v20;
	v25 =	vld [tilespmem:s29+$0x2C10];
	v29 =	vunpack.i.u.bf16.f32 v13;
	[tilespmem:s13+$0x8C10] =	vst v28  }
0x138: {  	v18 =	vadd.bf16 v19, v18;
	v17 =	vadd.bf16 v17, v8;
	v13 =	vunpack.i.l.bf16.f32 v13;
	v22 =	vld [tilespmem:s29+$0x3C00];
	[tilespmem:s13+$0x8810] =	vst v29  }
0x139: {  	v5 =	vadd.bf16 v16, v5;
	v4 =	vunpack.i.l.bf16.f32 v4;
	v11 =	vadd.bf16 v15, v11;
	v19 =	vld [tilespmem:s29+$0x3C10];
	[tilespmem:s13+$0x8800] =	vst v13  }
0x13a: {  	v8 =	vadd.bf16 v8, v14;
	v16 =	vadd.bf16 v9, v12;
	v13 =	vld [tilespmem:s29+$0x2800];
	[tilespmem:s13+$0x8C00] =	vst v4;
	v4 =	vunpack.i.u.bf16.f32 v26  }
0x13b: {  	v23 =	vadd.bf16 v10, v3;
	v9 =	vunpack.i.l.bf16.f32 v26;
	v12 =	vld [tilespmem:s29+$0x2810];
	[tilespmem:s13+$0x9010] =	vst v4;
	v4 =	vunpack.i.u.bf16.f32 v6  }
0x13c: {  	v14 =	vunpack.i.u.bf16.f32 v7;
	v7 =	vunpack.i.l.bf16.f32 v7;
	v6 =	vunpack.i.l.bf16.f32 v6;
	v3 =	vld [tilespmem:s29+$0x2000];
	[tilespmem:s13+$0x9000] =	vst v9  }
0x13d: {  	v28 =	vunpack.i.u.bf16.f32 v21;
	v26 =	vld [tilespmem:s29+$0x2010];
	[tilespmem:s13+$0x9400] =	vst v6;
	v6 =	vunpack.i.u.bf16.f32 v24;
	v24 =	vunpack.i.l.bf16.f32 v24  }
0x13e: {  	v15 =	vpack.i.f32.bf16 v25, v27;
	v29 =	vld [tilespmem:s29+$0x0];
	v10 =	vpack.i.f32.bf16 v19, v22;
	[tilespmem:s13+$0x9410] =	vst v4;
	v19 =	vunpack.i.l.bf16.f32 v21  }
0x13f: {  	v9 =	vmul.bf16 v15, v1;
	v21 =	vld [tilespmem:s29+$0x10];
	v4 =	vadd.bf16 v10, v15;
	[tilespmem:s13+$0x9800] =	vst v7;
	v7 =	vunpack.i.u.bf16.f32 v20  }
0x140: {  	v22 =	vld [tilespmem:s29+$0x400];
	v12 =	vpack.i.f32.bf16 v12, v13;
	[tilespmem:s13+$0x9810] =	vst v14;
	v13 =	vunpack.i.l.bf16.f32 v20;
	v20 =	vunpack.i.u.bf16.f32 v18  }
0x141: {  	v18 =	vunpack.i.l.bf16.f32 v18;
	v25 =	vld [tilespmem:s29+$0x410];
	v27 =	vmul.bf16 v4, v0;
	v30 =	vmul.bf16 v12, v1;
	[tilespmem:s13+$0x9C00] =	vst v24  }
0x142: {  	v24 =	vld [tilespmem:s29+$0x800];
	v14 =	vpack.i.f32.bf16 v26, v3;
	v3 =	vmul.bf16 v12, v2;
	[tilespmem:s13+$0x9C10] =	vst v6;
	v26 =	vunpack.i.u.bf16.f32 v17  }
0x143: {  	v17 =	vunpack.i.l.bf16.f32 v17;
	v31 =	vld [tilespmem:s29+$0x810];
	v4 =	vmul.bf16 v14, v2;
	v6 =	vadd.bf16 v27, v30;
	[tilespmem:s13+$0xA000] =	vst v19  }
0x144: {  	v27 =	vunpack.i.u.bf16.f32 v11;
	v11 =	vunpack.i.l.bf16.f32 v11;
	v19 =	vpack.i.f32.bf16 v21, v29;
	v21 =	vld [tilespmem:s29+$0xC00];
	[tilespmem:s13+$0xA010] =	vst v28  }
0x145: {  	v32 =	vunpack.i.u.bf16.f32 v5;
	v28 =	vld [tilespmem:s29+$0xC10];
	v29 =	vadd.bf16 v12, v19;
	v30 =	vadd.bf16 v6, v4;
	[tilespmem:s13+$0xA400] =	vst v13  }
0x146: {  	v33 =	vunpack.i.u.bf16.f32 v8;
	v13 =	vpack.i.f32.bf16 v25, v22;
	v22 =	vld [tilespmem:s29+$0x1000];
	v25 =	vunpack.i.l.bf16.f32 v5;
	[tilespmem:s13+$0xA410] =	vst v7  }
0x147: {  	v5 =	vld [tilespmem:s29+$0x1010];
	v6 =	vmul.bf16 v29, v2;
	v7 =	vadd.bf16 v15, v13;
	v29 =	vunpack.i.u.bf16.f32 v30;
	[tilespmem:s13+$0xA800] =	vst v18  }
0x148: {  	v30 =	vunpack.i.l.bf16.f32 v30;
	v18 =	vpack.i.f32.bf16 v31, v24;
	v24 =	vld [tilespmem:s29+$0x1400];
	[tilespmem:s29+$0xB410] =	vst v29;
	v29 =	vunpack.i.l.bf16.f32 v8  }
0x149: {  	v8 =	vld [tilespmem:s29+$0x1410];
	v31 =	vmul.bf16 v18, v0;
	v34 =	vadd.bf16 v14, v18;
	v7 =	vmul.bf16 v7, v2;
	[tilespmem:s13+$0xA810] =	vst v20  }
0x14a: {  	v20 =	vpack.i.f32.bf16 v28, v21;
	v21 =	vld [tilespmem:s29+$0x1800];
	[tilespmem:s13+$0xAC00] =	vst v17;
	v17 =	vunpack.i.u.bf16.f32 v16;
	v16 =	vunpack.i.l.bf16.f32 v16  }
0x14b: {  	v28 =	vld [tilespmem:s29+$0x1810];
	v35 =	vmul.bf16 v20, v1;
	v34 =	vmul.bf16 v34, v1;
	[tilespmem:s13+$0xAC10] =	vst v26;
	v26 =	vunpack.i.u.bf16.f32 v23  }
0x14c: {  	v37 =	vmul.bf16 v20, v0;
	v23 =	vunpack.i.l.bf16.f32 v23;
	v22 =	vpack.i.f32.bf16 v5, v22;
	v36 =	vld [tilespmem:s29+$0x1C00];
	[tilespmem:s13+$0xB000] =	vst v11  }
0x14d: {  	v11 =	vld [tilespmem:s29+$0x1C10];
	v38 =	vmul.bf16 v22, v1;
	v39 =	vadd.bf16 v22, v19;
	v40 =	vadd.bf16 v14, v22;
	[tilespmem:s13+$0xB010] =	vst v27  }
0x14e: {  	v5 =	vadd.bf16 v35, v31;
	v27 =	vadd.bf16 v12, v22;
	v41 =	vpack.i.f32.bf16 v8, v24;
	v24 =	vld [tilespmem:s29+$0x2400];
	[tilespmem:s29+$0xB400] =	vst v30  }
0x14f: {  	v30 =	vld [tilespmem:s29+$0x2410];
	v31 =	vmul.bf16 v39, v0;
	v35 =	vadd.bf16 v41, v13;
	v39 =	vadd.bf16 v15, v41;
	[tilespmem:s13+$0x8000] =	vst v25  }
0x150: {  	v25 =	vmul.bf16 v40, v0;
	v40 =	vmul.bf16 v27, v1;
	v8 =	vpack.i.f32.bf16 v28, v21;
	v21 =	vld [tilespmem:s29+$0x3000];
	[tilespmem:s13+$0x8010] =	vst v32  }
0x151: {  	v27 =	vld [tilespmem:s29+$0x3010];
	v28 =	vmul.bf16 v35, v0;
	v19 =	vadd.bf16 v8, v19;
	v32 =	vadd.bf16 v8, v18;
	[tilespmem:s13+$0x8400] =	vst v29  }
0x152: {  	v35 =	vadd.bf16 v12, v8;
	v11 =	vpack.i.f32.bf16 v11, v36;
	v29 =	vld [tilespmem:s29+$0x3400];
	v36 =	vmul.bf16 v39, v1;
	[tilespmem:s13+$0x8410] =	vst v33  }
0x153: {  	v33 =	vld [tilespmem:s29+$0x3410];
	v19 =	vmul.bf16 v19, v1;
	v39 =	vadd.bf16 v11, v13;
	v42 =	vadd.bf16 v11, v20;
	[tilespmem:s13+$0xB800] =	vst v16  }
0x154: {  	v15 =	vadd.bf16 v15, v11;
	v13 =	vpack.i.f32.bf16 v30, v24;
	v16 =	vld [tilespmem:s29+$0x3800];
	v24 =	vmul.bf16 v32, v0;
	[tilespmem:s13+$0xB810] =	vst v17  }
0x155: {  	v17 =	vld [tilespmem:s29+$0x3810];
	v32 =	vmul.bf16 v39, v1;
	v30 =	vadd.bf16 v13, v20;
	v39 =	vadd.bf16 v13, v41;
	[tilespmem:s13+$0xBC00] =	vst v23  }
0x156: {  	v23 =	vmul.bf16 v42, v0;
	v21 =	vpack.i.f32.bf16 v27, v21;
	v27 =	vadd.bf16 v10, v13;
	[tilespmem:s13+$0xBC10] =	vst v26;
	s13 =	smov.u32 s29  }
0x157: {  	v42 =	vmul.bf16 v30, v1;
	v26 =	vadd.bf16 v21, v8;
	v30 =	vadd.bf16 v21, v14  }
0x158: {  	v35 =	vmul.bf16 v35, v0;
	v29 =	vpack.i.f32.bf16 v33, v29;
	v33 =	vmul.bf16 v39, v0  }
0x159: {  	v15 =	vmul.bf16 v15, v0;
	v39 =	vadd.bf16 v29, v11;
	v43 =	vadd.bf16 v29, v13  }
0x15a: {  	v44 =	vmul.bf16 v30, v0;
	v16 =	vpack.i.f32.bf16 v17, v16;
	v17 =	vmul.bf16 v26, v1  }
0x15b: {  	v39 =	vmul.bf16 v39, v1;
	v14 =	vadd.bf16 v16, v14;
	v12 =	vadd.bf16 v16, v12  }
0x15c: {  	v18 =	vadd.bf16 v21, v18;
	v45 =	vmul.bf16 v27, v1;
	v43 =	vmul.bf16 v43, v0  }
0x15d: {  	v20 =	vadd.bf16 v29, v20;
	v14 =	vmul.bf16 v14, v1;
	v46 =	vmul.bf16 v12, v0  }
0x15e: {  	v47 =	vadd.bf16 v10, v41;
	v16 =	vadd.bf16 v16, v22;
	v12 =	vmul.bf16 v41, v1  }
0x15f: {  	v28 =	vadd.bf16 v19, v28;
	v48 =	vmul.bf16 v21, v0;
	v10 =	vmul.bf16 v29, v0  }
0x160: {  	v26 =	vadd.bf16 v32, v24;
	v30 =	vadd.bf16 v12, v31;
	v12 =	vmul.bf16 v21, v1  }
.Ltmp0:
0x161: {  	v29 =	vadd.bf16 v34, v23;
	v27 =	vadd.bf16 v42, v25;
	v24 =	vmul.bf16 v18, v2;
	(pc) =	sbr.rel @p1 .LBB3_3-.Ltmp0, $4  }
0x162: {  	v25 =	vadd.bf16 v40, v33;
	v23 =	vmul.bf16 v20, v2;
	v21 =	vadd.bf16 v36, v35  }
0x163: {  	v20 =	vadd.bf16 v17, v15;
	v22 =	vmul.bf16 v16, v2;
	v18 =	vadd.bf16 v39, v44  }
0x164: {  	v19 =	vmul.bf16 v47, v2;
	v17 =	vadd.bf16 v14, v43;
	v15 =	vadd.bf16 v45, v46  }
0x165: {  	v9 =	vadd.bf16 v48, v9;
	v16 =	vmul.bf16 v41, v2;
	v14 =	vadd.bf16 v38, v37  }
0x166: {  	v11 =	vmul.bf16 v11, v2;
	v4 =	vadd.bf16 v4, v28;
	_ =	sdelay $0x1  }
0x167: {  	v13 =	vmul.bf16 v13, v2;
	v28 =	vadd.bf16 v11, v30;
	v30 =	vunpack.i.u.bf16.f32 v4  }
0x168: {  	v4 =	vunpack.i.l.bf16.f32 v4;
	[tilespmem:s13+$0x8C10] =	vst v30  }
0x169: {  	v26 =	vadd.bf16 v13, v26;
	[tilespmem:s13+$0x8C00] =	vst v4;
	v31 =	vunpack.i.u.bf16.f32 v28  }
0x16a: {  	v28 =	vunpack.i.l.bf16.f32 v28;
	[tilespmem:s13+$0x8810] =	vst v31  }
0x16b: {  	v6 =	vadd.bf16 v6, v29;
	v4 =	vunpack.i.u.bf16.f32 v26;
	[tilespmem:s13+$0x8800] =	vst v28  }
0x16c: {  	v26 =	vunpack.i.l.bf16.f32 v26;
	[tilespmem:s13+$0x9010] =	vst v4  }
0x16d: {  	v4 =	vadd.bf16 v7, v27;
	[tilespmem:s13+$0x9000] =	vst v26;
	v7 =	vunpack.i.l.bf16.f32 v6  }
0x16e: {  	v6 =	vunpack.i.u.bf16.f32 v6;
	[tilespmem:s13+$0x9400] =	vst v7  }
0x16f: {  	v7 =	vadd.bf16 v24, v25;
	[tilespmem:s13+$0x9410] =	vst v6;
	v24 =	vunpack.i.l.bf16.f32 v4  }
0x170: {  	v4 =	vunpack.i.u.bf16.f32 v4;
	[tilespmem:s13+$0x9800] =	vst v24  }
0x171: {  	v6 =	vadd.bf16 v23, v21;
	v21 =	vunpack.i.l.bf16.f32 v7;
	[tilespmem:s13+$0x9810] =	vst v4  }
0x172: {  	v4 =	vunpack.i.u.bf16.f32 v7;
	[tilespmem:s13+$0x9C00] =	vst v21  }
0x173: {  	v7 =	vadd.bf16 v22, v20;
	v20 =	vunpack.i.l.bf16.f32 v6;
	[tilespmem:s13+$0x9C10] =	vst v4  }
0x174: {  	v4 =	vunpack.i.u.bf16.f32 v6;
	[tilespmem:s13+$0xA000] =	vst v20  }
0x175: {  	v6 =	vmul.bf16 v8, v2;
	v8 =	vadd.bf16 v19, v18;
	v18 =	vunpack.i.l.bf16.f32 v7;
	[tilespmem:s13+$0xA010] =	vst v4  }
0x176: {  	v4 =	vunpack.i.u.bf16.f32 v7;
	[tilespmem:s13+$0xA400] =	vst v18  }
0x177: {  	v7 =	vadd.bf16 v17, v6;
	v17 =	vunpack.i.l.bf16.f32 v8;
	[tilespmem:s13+$0xA410] =	vst v4  }
0x178: {  	v4 =	vunpack.i.u.bf16.f32 v8;
	[tilespmem:s13+$0xA800] =	vst v17  }
0x179: {  	v8 =	vadd.bf16 v15, v11;
	[tilespmem:s13+$0xA810] =	vst v4;
	v11 =	vunpack.i.l.bf16.f32 v7  }
0x17a: {  	v4 =	vunpack.i.u.bf16.f32 v7;
	[tilespmem:s13+$0xAC00] =	vst v11  }
0x17b: {  	v5 =	vadd.bf16 v16, v5;
	v7 =	vunpack.i.l.bf16.f32 v8;
	[tilespmem:s13+$0xAC10] =	vst v4  }
0x17c: {  	v6 =	vadd.bf16 v6, v14;
	v4 =	vunpack.i.u.bf16.f32 v8;
	[tilespmem:s13+$0xB000] =	vst v7  }
0x17d: {  	v7 =	vunpack.i.l.bf16.f32 v5;
	[tilespmem:s13+$0xB010] =	vst v4  }
0x17e: {  	v8 =	vunpack.i.l.bf16.f32 v6;
	[tilespmem:s13+$0x8000] =	vst v7  }
0x17f: {  	v4 =	vunpack.i.u.bf16.f32 v5;
	v5 =	vadd.bf16 v10, v12;
	v7 =	vadd.bf16 v9, v13;
	[tilespmem:s13+$0x8400] =	vst v8  }
0x180: {  	[tilespmem:s13+$0x8010] =	vst v4;
	v4 =	vunpack.i.u.bf16.f32 v6  }
0x181: {  	v3 =	vadd.bf16 v5, v3;
	v5 =	vunpack.i.l.bf16.f32 v7;
	[tilespmem:s13+$0x8410] =	vst v4  }
0x182: {  	v4 =	vunpack.i.u.bf16.f32 v7;
	[tilespmem:s13+$0xB800] =	vst v5  }
0x183: {  	s26 =	simm.s32 $0x0;
	[tilespmem:s13+$0xB810] =	vst v4;
	v5 =	vunpack.i.l.bf16.f32 v3  }
0x184: {  	s28 =	sand.u32 $0x60, s26;
	v3 =	vunpack.i.u.bf16.f32 v3;
	[tilespmem:s13+$0xBC00] =	vst v5  }
0x185: {  	s12 =	sor.u32 s28, s12;
	[tilespmem:s13+$0xBC10] =	vst v3  }
0x186: {  	v3 =	vld [tilespmem:s12+$0x2C80]  }
0x187: {  	v4 =	vld [tilespmem:s12+$0x2C90]  }
0x188: {  	v5 =	vld [tilespmem:s12+$0x3C80]  }
0x189: {  	v6 =	vld [tilespmem:s12+$0x3C90]  }
0x18a: {  	v7 =	vld [tilespmem:s12+$0x2880]  }
0x18b: {  	v8 =	vld [tilespmem:s12+$0x2890]  }
0x18c: {  	v9 =	vld [tilespmem:s12+$0x2080]  }
0x18d: {  	v10 =	vld [tilespmem:s12+$0x2090]  }
0x18e: {  	v11 =	vld [tilespmem:s12+$0x80]  }
0x18f: {  	v13 =	vld [tilespmem:s12+$0x880]  }
0x190: {  	v17 =	vld [tilespmem:s12+$0x1080]  }
0x191: {  	v18 =	vld [tilespmem:s12+$0x1090]  }
0x192: {  	v29 =	vld [tilespmem:s12+$0x3080]  }
0x193: {  	v30 =	vld [tilespmem:s12+$0x3090]  }
0x194: {  	v12 =	vpack.i.f32.bf16 v4, v3;
	v14 =	vpack.i.f32.bf16 v6, v5;
	v3 =	vld [tilespmem:s12+$0x90]  }
0x195: {  	v5 =	vld [tilespmem:s12+$0x480];
	v4 =	vadd.bf16 v14, v12  }
0x196: {  	v15 =	vpack.i.f32.bf16 v8, v7;
	v6 =	vld [tilespmem:s12+$0x490]  }
0x197: {  	v9 =	vpack.i.f32.bf16 v10, v9;
	v10 =	vld [tilespmem:s12+$0x890];
	v8 =	vmul.bf16 v15, v1;
	v7 =	vmul.bf16 v4, v0  }
0x198: {  	v16 =	vld [tilespmem:s12+$0xC90];
	v17 =	vpack.i.f32.bf16 v18, v17;
	v29 =	vpack.i.f32.bf16 v30, v29;
	v31 =	vmul.bf16 v12, v1  }
0x199: {  	v33 =	vmul.bf16 v17, v1;
	v27 =	vadd.bf16 v9, v17;
	v7 =	vadd.bf16 v7, v8;
	v8 =	vld [tilespmem:s12+$0xC80]  }
0x19a: {  	v19 =	vld [tilespmem:s12+$0x1480];
	v42 =	vadd.bf16 v29, v9;
	v63 =	vmul.bf16 v29, v0;
	v4 =	vmul.bf16 v9, v2  }
0x19b: {  	v27 =	vmul.bf16 v27, v0;
	v11 =	vpack.i.f32.bf16 v3, v11;
	v21 =	vpack.i.f32.bf16 v6, v5;
	v5 =	vld [tilespmem:s12+$0x1490]  }
0x19c: {  	v42 =	vmul.bf16 v42, v0;
	v10 =	vpack.i.f32.bf16 v10, v13;
	v20 =	vadd.bf16 v15, v11  }
0x19d: {  	v13 =	vld [tilespmem:s12+$0x1880];
	v22 =	vmul.bf16 v10, v0;
	v23 =	vadd.bf16 v9, v10;
	v7 =	vadd.bf16 v7, v4  }
0x19e: {  	v26 =	vadd.bf16 v17, v11;
	v6 =	vmul.bf16 v20, v2;
	v16 =	vpack.i.f32.bf16 v16, v8;
	v8 =	vld [tilespmem:s12+$0x1890]  }
0x19f: {  	v25 =	vld [tilespmem:s12+$0x1C80];
	v20 =	vadd.bf16 v12, v21;
	v23 =	vmul.bf16 v23, v1;
	v3 =	vunpack.i.u.bf16.f32 v7  }
0x1a0: {  	v18 =	vld [tilespmem:s12+$0x1C90];
	[tilespmem:s12+$0xB490] =	vst v3;
	v3 =	vmul.bf16 v15, v2;
	v34 =	vpack.i.f32.bf16 v5, v19;
	v19 =	vadd.bf16 v15, v17  }
0x1a1: {  	v24 =	vunpack.i.l.bf16.f32 v7;
	v7 =	vmul.bf16 v20, v2;
	v20 =	vmul.bf16 v16, v1  }
0x1a2: {  	v28 =	vld [tilespmem:s12+$0x2480];
	[tilespmem:s12+$0xB480] =	vst v24;
	v32 =	vmul.bf16 v16, v0;
	v24 =	vadd.bf16 v34, v21;
	v19 =	vmul.bf16 v19, v1  }
0x1a3: {  	v5 =	vadd.bf16 v20, v22;
	v20 =	vld [tilespmem:s12+$0x2490];
	v22 =	vmul.bf16 v26, v0;
	v8 =	vpack.i.f32.bf16 v8, v13  }
0x1a4: {  	v26 =	vadd.bf16 v12, v34;
	v24 =	vmul.bf16 v24, v0;
	v13 =	vadd.bf16 v8, v11  }
0x1a5: {  	v35 =	vadd.bf16 v8, v10;
	v11 =	vpack.i.f32.bf16 v18, v25;
	v25 =	vadd.bf16 v15, v8  }
0x1a6: {  	v36 =	vmul.bf16 v26, v1;
	v26 =	vld [tilespmem:s12+$0x3490];
	v41 =	vadd.bf16 v29, v8;
	v21 =	vadd.bf16 v11, v21  }
0x1a7: {  	v18 =	vld [tilespmem:s12+$0x3480];
	v38 =	vadd.bf16 v11, v16;
	v12 =	vadd.bf16 v12, v11;
	v37 =	vmul.bf16 v13, v1  }
0x1a8: {  	v13 =	vpack.i.f32.bf16 v20, v28;
	v20 =	vld [tilespmem:s12+$0x3880];
	v35 =	vmul.bf16 v35, v0;
	v43 =	vmul.bf16 v25, v0  }
0x1a9: {  	v28 =	vld [tilespmem:s12+$0x3890];
	v41 =	vmul.bf16 v41, v1;
	v21 =	vmul.bf16 v21, v1;
	v39 =	vadd.bf16 v13, v16  }
0x1aa: {  	v40 =	vadd.bf16 v13, v34;
	v38 =	vmul.bf16 v38, v0;
	v30 =	vadd.bf16 v14, v13  }
0x1ab: {  	v44 =	vmul.bf16 v12, v0;
	v14 =	vadd.bf16 v14, v34;
	v39 =	vmul.bf16 v39, v1  }
0x1ac: {  	v18 =	vpack.i.f32.bf16 v26, v18;
	v26 =	vadd.bf16 v21, v35;
	v21 =	vadd.bf16 v36, v43  }
0x1ad: {  	v40 =	vmul.bf16 v40, v0;
	v12 =	vadd.bf16 v18, v11;
	v25 =	vadd.bf16 v18, v13  }
0x1ae: {  	v16 =	vadd.bf16 v18, v16;
	v20 =	vpack.i.f32.bf16 v28, v20;
	v28 =	vadd.bf16 v37, v24  }
0x1af: {  	v47 =	vmul.bf16 v30, v1;
	v27 =	vadd.bf16 v39, v27;
	v9 =	vadd.bf16 v20, v9  }
0x1b0: {  	v45 =	vmul.bf16 v12, v1;
	v12 =	vadd.bf16 v20, v15;
	v15 =	vadd.bf16 v29, v10  }
0x1b1: {  	v46 =	vmul.bf16 v25, v0;
	v17 =	vadd.bf16 v20, v17;
	v10 =	vmul.bf16 v18, v0  }
0x1b2: {  	v25 =	vadd.bf16 v19, v40;
	v20 =	vadd.bf16 v41, v44;
	v19 =	vmul.bf16 v14, v2  }
0x1b3: {  	v14 =	vadd.bf16 v33, v32;
	v48 =	vmul.bf16 v12, v0;
	v12 =	vmul.bf16 v34, v1  }
0x1b4: {  	v9 =	vmul.bf16 v9, v1;
	v24 =	vmul.bf16 v15, v2;
	v18 =	vadd.bf16 v45, v42  }
0x1b5: {  	v30 =	vadd.bf16 v12, v22;
	v12 =	vmul.bf16 v29, v1;
	v29 =	vadd.bf16 v23, v38  }
0x1b6: {  	v23 =	vmul.bf16 v16, v2;
	v22 =	vmul.bf16 v17, v2;
	v17 =	vadd.bf16 v9, v46  }
0x1b7: {  	v15 =	vadd.bf16 v47, v48;
	v16 =	vmul.bf16 v34, v2;
	v9 =	vadd.bf16 v63, v31  }
.LBB3_5:
0x1b8: {  	s26 =	sadd.s32 $0x20, s26;
	v8 =	vmul.bf16 v8, v2;
	v11 =	vmul.bf16 v11, v2;
	v10 =	vadd.bf16 v10, v12;
	s11 =	sadd.s32 $0x40, s11  }
0x1b9: {  	v4 =	vadd.bf16 v4, v28;
	v12 =	vmul.bf16 v13, v2;
	v6 =	vadd.bf16 v6, v29;
	s13 =	sand.u32 $0x60, s26;
	s28 =	sand.u32 $0x300, s11  }
0x1ba: {  	v7 =	vadd.bf16 v7, v27;
	s13 =	sor.u32 s13, s28;
	v13 =	vadd.bf16 v11, v30  }
0x1bb: {  	v24 =	vadd.bf16 v24, v25;
	p1 =	slt.u32 s26, $0x1E0;
	v28 =	vunpack.i.u.bf16.f32 v4;
	v26 =	vadd.bf16 v12, v26;
	v27 =	vld [tilespmem:s13+$0x2C80]  }
0x1bc: {  	v21 =	vadd.bf16 v23, v21;
	v20 =	vadd.bf16 v22, v20;
	v25 =	vld [tilespmem:s13+$0x2C90];
	v29 =	vunpack.i.u.bf16.f32 v13;
	[tilespmem:s12+$0x8C90] =	vst v28  }
0x1bd: {  	v18 =	vadd.bf16 v19, v18;
	v17 =	vadd.bf16 v17, v8;
	v13 =	vunpack.i.l.bf16.f32 v13;
	v22 =	vld [tilespmem:s13+$0x3C80];
	[tilespmem:s12+$0x8890] =	vst v29  }
0x1be: {  	v5 =	vadd.bf16 v16, v5;
	v4 =	vunpack.i.l.bf16.f32 v4;
	v11 =	vadd.bf16 v15, v11;
	v19 =	vld [tilespmem:s13+$0x3C90];
	[tilespmem:s12+$0x8880] =	vst v13  }
0x1bf: {  	v8 =	vadd.bf16 v8, v14;
	v16 =	vadd.bf16 v9, v12;
	v13 =	vld [tilespmem:s13+$0x2880];
	[tilespmem:s12+$0x8C80] =	vst v4;
	v4 =	vunpack.i.u.bf16.f32 v26  }
0x1c0: {  	v23 =	vadd.bf16 v10, v3;
	v9 =	vunpack.i.l.bf16.f32 v26;
	v12 =	vld [tilespmem:s13+$0x2890];
	[tilespmem:s12+$0x9090] =	vst v4;
	v4 =	vunpack.i.u.bf16.f32 v6  }
0x1c1: {  	v14 =	vunpack.i.u.bf16.f32 v7;
	v7 =	vunpack.i.l.bf16.f32 v7;
	v6 =	vunpack.i.l.bf16.f32 v6;
	v3 =	vld [tilespmem:s13+$0x2080];
	[tilespmem:s12+$0x9080] =	vst v9  }
0x1c2: {  	v28 =	vunpack.i.u.bf16.f32 v21;
	v26 =	vld [tilespmem:s13+$0x2090];
	[tilespmem:s12+$0x9480] =	vst v6;
	v6 =	vunpack.i.u.bf16.f32 v24;
	v24 =	vunpack.i.l.bf16.f32 v24  }
0x1c3: {  	v15 =	vpack.i.f32.bf16 v25, v27;
	v29 =	vld [tilespmem:s13+$0x80];
	v10 =	vpack.i.f32.bf16 v19, v22;
	[tilespmem:s12+$0x9490] =	vst v4;
	v19 =	vunpack.i.l.bf16.f32 v21  }
0x1c4: {  	v9 =	vmul.bf16 v15, v1;
	v21 =	vld [tilespmem:s13+$0x90];
	v4 =	vadd.bf16 v10, v15;
	[tilespmem:s12+$0x9880] =	vst v7;
	v7 =	vunpack.i.u.bf16.f32 v20  }
0x1c5: {  	v22 =	vld [tilespmem:s13+$0x480];
	v12 =	vpack.i.f32.bf16 v12, v13;
	[tilespmem:s12+$0x9890] =	vst v14;
	v13 =	vunpack.i.l.bf16.f32 v20;
	v20 =	vunpack.i.u.bf16.f32 v18  }
0x1c6: {  	v18 =	vunpack.i.l.bf16.f32 v18;
	v25 =	vld [tilespmem:s13+$0x490];
	v27 =	vmul.bf16 v4, v0;
	v30 =	vmul.bf16 v12, v1;
	[tilespmem:s12+$0x9C80] =	vst v24  }
0x1c7: {  	v24 =	vld [tilespmem:s13+$0x880];
	v14 =	vpack.i.f32.bf16 v26, v3;
	v3 =	vmul.bf16 v12, v2;
	[tilespmem:s12+$0x9C90] =	vst v6;
	v26 =	vunpack.i.u.bf16.f32 v17  }
0x1c8: {  	v17 =	vunpack.i.l.bf16.f32 v17;
	v31 =	vld [tilespmem:s13+$0x890];
	v4 =	vmul.bf16 v14, v2;
	v6 =	vadd.bf16 v27, v30;
	[tilespmem:s12+$0xA080] =	vst v19  }
0x1c9: {  	v27 =	vunpack.i.u.bf16.f32 v11;
	v11 =	vunpack.i.l.bf16.f32 v11;
	v19 =	vpack.i.f32.bf16 v21, v29;
	v21 =	vld [tilespmem:s13+$0xC80];
	[tilespmem:s12+$0xA090] =	vst v28  }
0x1ca: {  	v32 =	vunpack.i.u.bf16.f32 v5;
	v28 =	vld [tilespmem:s13+$0xC90];
	v29 =	vadd.bf16 v12, v19;
	v30 =	vadd.bf16 v6, v4;
	[tilespmem:s12+$0xA480] =	vst v13  }
0x1cb: {  	v33 =	vunpack.i.u.bf16.f32 v8;
	v13 =	vpack.i.f32.bf16 v25, v22;
	v22 =	vld [tilespmem:s13+$0x1080];
	v25 =	vunpack.i.l.bf16.f32 v5;
	[tilespmem:s12+$0xA490] =	vst v7  }
0x1cc: {  	v5 =	vld [tilespmem:s13+$0x1090];
	v6 =	vmul.bf16 v29, v2;
	v7 =	vadd.bf16 v15, v13;
	v29 =	vunpack.i.u.bf16.f32 v30;
	[tilespmem:s12+$0xA880] =	vst v18  }
0x1cd: {  	v30 =	vunpack.i.l.bf16.f32 v30;
	v18 =	vpack.i.f32.bf16 v31, v24;
	v24 =	vld [tilespmem:s13+$0x1480];
	[tilespmem:s13+$0xB490] =	vst v29;
	v29 =	vunpack.i.l.bf16.f32 v8  }
0x1ce: {  	v8 =	vld [tilespmem:s13+$0x1490];
	v31 =	vmul.bf16 v18, v0;
	v34 =	vadd.bf16 v14, v18;
	v7 =	vmul.bf16 v7, v2;
	[tilespmem:s12+$0xA890] =	vst v20  }
0x1cf: {  	v20 =	vpack.i.f32.bf16 v28, v21;
	v21 =	vld [tilespmem:s13+$0x1880];
	[tilespmem:s12+$0xAC80] =	vst v17;
	v17 =	vunpack.i.u.bf16.f32 v16;
	v16 =	vunpack.i.l.bf16.f32 v16  }
0x1d0: {  	v28 =	vld [tilespmem:s13+$0x1890];
	v35 =	vmul.bf16 v20, v1;
	v34 =	vmul.bf16 v34, v1;
	[tilespmem:s12+$0xAC90] =	vst v26;
	v26 =	vunpack.i.u.bf16.f32 v23  }
0x1d1: {  	v37 =	vmul.bf16 v20, v0;
	v23 =	vunpack.i.l.bf16.f32 v23;
	v22 =	vpack.i.f32.bf16 v5, v22;
	v36 =	vld [tilespmem:s13+$0x1C80];
	[tilespmem:s12+$0xB080] =	vst v11  }
0x1d2: {  	v11 =	vld [tilespmem:s13+$0x1C90];
	v38 =	vmul.bf16 v22, v1;
	v39 =	vadd.bf16 v22, v19;
	v40 =	vadd.bf16 v14, v22;
	[tilespmem:s12+$0xB090] =	vst v27  }
0x1d3: {  	v5 =	vadd.bf16 v35, v31;
	v27 =	vadd.bf16 v12, v22;
	v41 =	vpack.i.f32.bf16 v8, v24;
	v24 =	vld [tilespmem:s13+$0x2480];
	[tilespmem:s13+$0xB480] =	vst v30  }
0x1d4: {  	v30 =	vld [tilespmem:s13+$0x2490];
	v31 =	vmul.bf16 v39, v0;
	v35 =	vadd.bf16 v41, v13;
	v39 =	vadd.bf16 v15, v41;
	[tilespmem:s12+$0x8080] =	vst v25  }
0x1d5: {  	v25 =	vmul.bf16 v40, v0;
	v40 =	vmul.bf16 v27, v1;
	v8 =	vpack.i.f32.bf16 v28, v21;
	v21 =	vld [tilespmem:s13+$0x3080];
	[tilespmem:s12+$0x8090] =	vst v32  }
0x1d6: {  	v27 =	vld [tilespmem:s13+$0x3090];
	v28 =	vmul.bf16 v35, v0;
	v19 =	vadd.bf16 v8, v19;
	v32 =	vadd.bf16 v8, v18;
	[tilespmem:s12+$0x8480] =	vst v29  }
0x1d7: {  	v35 =	vadd.bf16 v12, v8;
	v11 =	vpack.i.f32.bf16 v11, v36;
	v29 =	vld [tilespmem:s13+$0x3480];
	v36 =	vmul.bf16 v39, v1;
	[tilespmem:s12+$0x8490] =	vst v33  }
0x1d8: {  	v33 =	vld [tilespmem:s13+$0x3490];
	v19 =	vmul.bf16 v19, v1;
	v39 =	vadd.bf16 v11, v13;
	v42 =	vadd.bf16 v11, v20;
	[tilespmem:s12+$0xB880] =	vst v16  }
0x1d9: {  	v15 =	vadd.bf16 v15, v11;
	v13 =	vpack.i.f32.bf16 v30, v24;
	v16 =	vld [tilespmem:s13+$0x3880];
	v24 =	vmul.bf16 v32, v0;
	[tilespmem:s12+$0xB890] =	vst v17  }
0x1da: {  	v17 =	vld [tilespmem:s13+$0x3890];
	v32 =	vmul.bf16 v39, v1;
	v30 =	vadd.bf16 v13, v20;
	v39 =	vadd.bf16 v13, v41;
	[tilespmem:s12+$0xBC80] =	vst v23  }
0x1db: {  	v23 =	vmul.bf16 v42, v0;
	v21 =	vpack.i.f32.bf16 v27, v21;
	v27 =	vadd.bf16 v10, v13;
	[tilespmem:s12+$0xBC90] =	vst v26;
	s12 =	smov.u32 s13  }
0x1dc: {  	v42 =	vmul.bf16 v30, v1;
	v26 =	vadd.bf16 v21, v8;
	v30 =	vadd.bf16 v21, v14  }
0x1dd: {  	v35 =	vmul.bf16 v35, v0;
	v29 =	vpack.i.f32.bf16 v33, v29;
	v33 =	vmul.bf16 v39, v0  }
0x1de: {  	v15 =	vmul.bf16 v15, v0;
	v39 =	vadd.bf16 v29, v11;
	v43 =	vadd.bf16 v29, v13  }
0x1df: {  	v44 =	vmul.bf16 v30, v0;
	v16 =	vpack.i.f32.bf16 v17, v16;
	v17 =	vmul.bf16 v26, v1  }
0x1e0: {  	v39 =	vmul.bf16 v39, v1;
	v14 =	vadd.bf16 v16, v14;
	v12 =	vadd.bf16 v16, v12  }
0x1e1: {  	v18 =	vadd.bf16 v21, v18;
	v45 =	vmul.bf16 v27, v1;
	v43 =	vmul.bf16 v43, v0  }
0x1e2: {  	v20 =	vadd.bf16 v29, v20;
	v14 =	vmul.bf16 v14, v1;
	v46 =	vmul.bf16 v12, v0  }
0x1e3: {  	v47 =	vadd.bf16 v10, v41;
	v16 =	vadd.bf16 v16, v22;
	v12 =	vmul.bf16 v41, v1  }
0x1e4: {  	v28 =	vadd.bf16 v19, v28;
	v48 =	vmul.bf16 v21, v0;
	v10 =	vmul.bf16 v29, v0  }
0x1e5: {  	v26 =	vadd.bf16 v32, v24;
	v30 =	vadd.bf16 v12, v31;
	v12 =	vmul.bf16 v21, v1  }
.Ltmp1:
0x1e6: {  	v29 =	vadd.bf16 v34, v23;
	v27 =	vadd.bf16 v42, v25;
	v24 =	vmul.bf16 v18, v2;
	(pc) =	sbr.rel @p1 .LBB3_5-.Ltmp1, $4  }
0x1e7: {  	v25 =	vadd.bf16 v40, v33;
	v23 =	vmul.bf16 v20, v2;
	v21 =	vadd.bf16 v36, v35  }
0x1e8: {  	v20 =	vadd.bf16 v17, v15;
	v22 =	vmul.bf16 v16, v2;
	v18 =	vadd.bf16 v39, v44  }
0x1e9: {  	v19 =	vmul.bf16 v47, v2;
	v17 =	vadd.bf16 v14, v43;
	v15 =	vadd.bf16 v45, v46  }
0x1ea: {  	v9 =	vadd.bf16 v48, v9;
	v16 =	vmul.bf16 v41, v2;
	v14 =	vadd.bf16 v38, v37  }
0x1eb: {  	v11 =	vmul.bf16 v11, v2;
	v4 =	vadd.bf16 v4, v28;
	_ =	sdelay $0x1  }
0x1ec: {  	v13 =	vmul.bf16 v13, v2;
	v28 =	vadd.bf16 v11, v30;
	v30 =	vunpack.i.u.bf16.f32 v4  }
0x1ed: {  	v4 =	vunpack.i.l.bf16.f32 v4;
	[tilespmem:s12+$0x8C90] =	vst v30  }
0x1ee: {  	v26 =	vadd.bf16 v13, v26;
	[tilespmem:s12+$0x8C80] =	vst v4;
	v31 =	vunpack.i.u.bf16.f32 v28  }
0x1ef: {  	v28 =	vunpack.i.l.bf16.f32 v28;
	[tilespmem:s12+$0x8890] =	vst v31  }
0x1f0: {  	v6 =	vadd.bf16 v6, v29;
	v4 =	vunpack.i.u.bf16.f32 v26;
	[tilespmem:s12+$0x8880] =	vst v28  }
0x1f1: {  	v26 =	vunpack.i.l.bf16.f32 v26;
	[tilespmem:s12+$0x9090] =	vst v4  }
0x1f2: {  	v4 =	vadd.bf16 v7, v27;
	[tilespmem:s12+$0x9080] =	vst v26;
	v7 =	vunpack.i.l.bf16.f32 v6  }
0x1f3: {  	v6 =	vunpack.i.u.bf16.f32 v6;
	[tilespmem:s12+$0x9480] =	vst v7  }
0x1f4: {  	v7 =	vadd.bf16 v24, v25;
	[tilespmem:s12+$0x9490] =	vst v6;
	v24 =	vunpack.i.l.bf16.f32 v4  }
0x1f5: {  	v4 =	vunpack.i.u.bf16.f32 v4;
	[tilespmem:s12+$0x9880] =	vst v24  }
0x1f6: {  	v6 =	vadd.bf16 v23, v21;
	v21 =	vunpack.i.l.bf16.f32 v7;
	[tilespmem:s12+$0x9890] =	vst v4  }
0x1f7: {  	v4 =	vunpack.i.u.bf16.f32 v7;
	[tilespmem:s12+$0x9C80] =	vst v21  }
0x1f8: {  	v7 =	vadd.bf16 v22, v20;
	v20 =	vunpack.i.l.bf16.f32 v6;
	[tilespmem:s12+$0x9C90] =	vst v4  }
0x1f9: {  	v4 =	vunpack.i.u.bf16.f32 v6;
	[tilespmem:s12+$0xA080] =	vst v20  }
0x1fa: {  	v6 =	vmul.bf16 v8, v2;
	v8 =	vadd.bf16 v19, v18;
	v18 =	vunpack.i.l.bf16.f32 v7;
	[tilespmem:s12+$0xA090] =	vst v4  }
0x1fb: {  	v4 =	vunpack.i.u.bf16.f32 v7;
	[tilespmem:s12+$0xA480] =	vst v18  }
0x1fc: {  	v7 =	vadd.bf16 v17, v6;
	v17 =	vunpack.i.l.bf16.f32 v8;
	[tilespmem:s12+$0xA490] =	vst v4  }
0x1fd: {  	v4 =	vunpack.i.u.bf16.f32 v8;
	[tilespmem:s12+$0xA880] =	vst v17  }
0x1fe: {  	v8 =	vadd.bf16 v15, v11;
	[tilespmem:s12+$0xA890] =	vst v4;
	v11 =	vunpack.i.l.bf16.f32 v7  }
0x1ff: {  	v4 =	vunpack.i.u.bf16.f32 v7;
	[tilespmem:s12+$0xAC80] =	vst v11  }
0x200: {  	v5 =	vadd.bf16 v16, v5;
	v7 =	vunpack.i.l.bf16.f32 v8;
	[tilespmem:s12+$0xAC90] =	vst v4  }
0x201: {  	v6 =	vadd.bf16 v6, v14;
	v4 =	vunpack.i.u.bf16.f32 v8;
	[tilespmem:s12+$0xB080] =	vst v7  }
0x202: {  	v7 =	vunpack.i.l.bf16.f32 v5;
	[tilespmem:s12+$0xB090] =	vst v4  }
0x203: {  	v8 =	vunpack.i.l.bf16.f32 v6;
	[tilespmem:s12+$0x8080] =	vst v7  }
0x204: {  	v4 =	vunpack.i.u.bf16.f32 v5;
	v5 =	vadd.bf16 v10, v12;
	v7 =	vadd.bf16 v9, v13;
	[tilespmem:s12+$0x8480] =	vst v8  }
0x205: {  	[tilespmem:s12+$0x8090] =	vst v4;
	v4 =	vunpack.i.u.bf16.f32 v6  }
0x206: {  	v3 =	vadd.bf16 v5, v3;
	v5 =	vunpack.i.l.bf16.f32 v7;
	[tilespmem:s12+$0x8490] =	vst v4  }
0x207: {  	[tilespmem:s12+$0xB880] =	vst v5  }
0x208: {  	s13 =	sld [smem:$0x7F0]  }
0x209: {  	s11 =	sshll.u32 s7, $0xB  }
0x20a: {  	s11 =	sand.u32 $0x1F000, s11  }
0x20b: {  	v4 =	vunpack.i.u.bf16.f32 v7;
	s11 =	sor.u32 s13, s11  }
0x20c: {  	v5 =	vunpack.i.l.bf16.f32 v3;
	[tilespmem:s12+$0xB890] =	vst v4;
	s10 =	sor.u32 s10, s11  }
0x20d: {  	v3 =	vunpack.i.u.bf16.f32 v3;
	[tilespmem:s12+$0xBC80] =	vst v5;
	s10 =	sshrl.u32 s10, $0x3  }
0x20e: {  	[tilespmem:s12+$0xBC90] =	vst v3;
	s13 =	simm.s32 $0x8000;
	s10 =	sadd.s32 s19, s10  }
0x20f: {  	[hbm4b:s10+s3] =	stream.strided.scatter [tilespmem:s13], [sflag:$0x3], $0x400, s4, s3, $0x38;
	[tilespmem:$0x10080] =	vst v63  }
0x210: {  	s28 =	simm.s32 $0x8400;
	s26 =	sadd.s32 $0x80000, s10  }
0x211: {  	[hbm4b:s26+s3] =	stream.strided.scatter [tilespmem:s28], [sflag:$0x3], $0x400, s4, s3, $0x38;
	[tilespmem:$0x10080] =	vst v63  }
0x212: {  	s12 =	sadd.s32 $0x100000, s10;
	s13 =	simm.s32 $0x8800  }
0x213: {  	[hbm4b:s12+s3] =	stream.strided.scatter [tilespmem:s13], [sflag:$0x3], $0x400, s4, s3, $0x38;
	[tilespmem:$0x10080] =	vst v63  }
0x214: {  	s26 =	sadd.s32 $0x180000, s10;
	s28 =	simm.s32 $0x8C00  }
0x215: {  	[hbm4b:s26+s3] =	stream.strided.scatter [tilespmem:s28], [sflag:$0x3], $0x400, s4, s3, $0x38;
	[tilespmem:$0x10080] =	vst v63  }
0x216: {  	s12 =	sadd.s32 $0x200000, s10;
	s13 =	simm.s32 $0x9000  }
0x217: {  	[hbm4b:s12+s3] =	stream.strided.scatter [tilespmem:s13], [sflag:$0x3], $0x400, s4, s3, $0x38;
	[tilespmem:$0x10080] =	vst v63  }
0x218: {  	s26 =	sadd.s32 $0x280000, s10;
	s28 =	simm.s32 $0x9400  }
0x219: {  	[hbm4b:s26+s3] =	stream.strided.scatter [tilespmem:s28], [sflag:$0x3], $0x400, s4, s3, $0x38;
	[tilespmem:$0x10080] =	vst v63  }
0x21a: {  	s12 =	sadd.s32 $0x300000, s10;
	s13 =	simm.s32 $0x9800  }
0x21b: {  	[hbm4b:s12+s3] =	stream.strided.scatter [tilespmem:s13], [sflag:$0x3], $0x400, s4, s3, $0x38;
	[tilespmem:$0x10080] =	vst v63  }
0x21c: {  	s26 =	sadd.s32 $0x380000, s10;
	s28 =	simm.s32 $0x9C00  }
0x21d: {  	[hbm4b:s26+s3] =	stream.strided.scatter [tilespmem:s28], [sflag:$0x3], $0x400, s4, s3, $0x38;
	[tilespmem:$0x10080] =	vst v63  }
0x21e: {  	s12 =	sadd.s32 $0x400000, s10;
	s13 =	simm.s32 $0xA000  }
0x21f: {  	[hbm4b:s12+s3] =	stream.strided.scatter [tilespmem:s13], [sflag:$0x3], $0x400, s4, s3, $0x38;
	[tilespmem:$0x10080] =	vst v63  }
0x220: {  	s26 =	sadd.s32 $0x480000, s10;
	s28 =	simm.s32 $0xA400  }
0x221: {  	[hbm4b:s26+s3] =	stream.strided.scatter [tilespmem:s28], [sflag:$0x3], $0x400, s4, s3, $0x38;
	[tilespmem:$0x10080] =	vst v63  }
0x222: {  	s12 =	sadd.s32 $0x500000, s10;
	s13 =	simm.s32 $0xA800  }
0x223: {  	[hbm4b:s12+s3] =	stream.strided.scatter [tilespmem:s13], [sflag:$0x3], $0x400, s4, s3, $0x38;
	[tilespmem:$0x10080] =	vst v63  }
0x224: {  	s26 =	sadd.s32 $0x580000, s10;
	s28 =	simm.s32 $0xAC00  }
0x225: {  	[hbm4b:s26+s3] =	stream.strided.scatter [tilespmem:s28], [sflag:$0x3], $0x400, s4, s3, $0x38;
	[tilespmem:$0x10080] =	vst v63  }
0x226: {  	s12 =	sadd.s32 $0x600000, s10;
	s13 =	simm.s32 $0xB000  }
0x227: {  	[hbm4b:s12+s3] =	stream.strided.scatter [tilespmem:s13], [sflag:$0x3], $0x400, s4, s3, $0x38;
	[tilespmem:$0x10080] =	vst v63  }
0x228: {  	s26 =	sadd.s32 $0x680000, s10;
	s28 =	simm.s32 $0xB400  }
0x229: {  	[hbm4b:s26+s3] =	stream.strided.scatter [tilespmem:s28], [sflag:$0x3], $0x400, s4, s3, $0x38;
	[tilespmem:$0x10080] =	vst v63  }
0x22a: {  	p1 =	seq.s32 s7, $0x3F;
	s13 =	sadd.s32 $0x700000, s10;
	s26 =	simm.s32 $0xB800  }
0x22b: {  	[hbm4b:s13+s3] =	stream.strided.scatter [tilespmem:s26], [sflag:$0x3], $0x400, s4, s3, $0x38;
	[tilespmem:$0x10080] =	vst v63  }
0x22c: {  	s9 =	sadd.s32 @!p1 $0x4, s9;
	s10 =	sadd.s32 $0x780000, s10;
	s28 =	simm.s32 $0xBC00  }
0x22d: {  	[hbm4b:s10+s3] =	stream.strided.scatter [tilespmem:s28], [sflag:$0x3], $0x400, s4, s3, $0x38;
	[tilespmem:$0x10080] =	vst v63  }
0x22e: {  	s10 =	sadd.s32 @!p1 s20, s9  }
0x22f: {  	s9 =	sshll.u32 @!p1 s9, $0x4;
	s10 =	sshll.u32 @!p1 s10, $0x6  }
0x230: {  	s9 =	sand.u32 @!p1 $0x40, s9;
	s10 =	sand.u32 @!p1 $0xFFE00, s10  }
0x231: {  	s11 =	simm.s32 @!p1 $0x100;
	s9 =	sor.u32 @!p1 s9, s10  }
0x232: {  	s12 =	simm.s32 @!p1 $0x400;
	s13 =	simm.s32 @!p1 $0x0;
	s10 =	sadd.s32 @!p1 s31, s9  }
0x233: {  	[tilespmem:s13], [sflag:$0x1] =	stream.strided.gather @!p1 [hbm4b:s10+s11], $0x400, s12, s11, $0x38;
	[tilespmem:$0x10080] =	vst v63  }
0x234: {  	s10 =	sadd.s32 @!p1 s17, s9  }
0x235: {  	[tilespmem:s12], [sflag:$0x1] =	stream.strided.gather @!p1 [hbm4b:s10+s11], $0x400, s12, s11, $0x38;
	[tilespmem:$0x10080] =	vst v63  }
0x236: {  	s10 =	rddreg [dreg:$0x2]  }
0x237: {  	s13 =	simm.s32 @!p1 $0x800;
	s10 =	sadd.s32 @!p1 s10, s9  }
0x238: {  	[tilespmem:s13], [sflag:$0x1] =	stream.strided.gather @!p1 [hbm4b:s10+s11], $0x400, s12, s11, $0x38;
	[tilespmem:$0x10080] =	vst v63  }
0x239: {  	s10 =	rddreg [dreg:$0x3]  }
0x23a: {  	s13 =	simm.s32 @!p1 $0xC00;
	s10 =	sadd.s32 @!p1 s10, s9  }
0x23b: {  	[tilespmem:s13], [sflag:$0x1] =	stream.strided.gather @!p1 [hbm4b:s10+s11], $0x400, s12, s11, $0x38;
	[tilespmem:$0x10080] =	vst v63  }
0x23c: {  	s10 =	rddreg [dreg:$0x4]  }
0x23d: {  	s13 =	simm.s32 @!p1 $0x1000;
	s10 =	sadd.s32 @!p1 s10, s9  }
0x23e: {  	[tilespmem:s13], [sflag:$0x1] =	stream.strided.gather @!p1 [hbm4b:s10+s11], $0x400, s12, s11, $0x38;
	[tilespmem:$0x10080] =	vst v63  }
0x23f: {  	s10 =	rddreg [dreg:$0x5]  }
0x240: {  	s13 =	simm.s32 @!p1 $0x1400;
	s10 =	sadd.s32 @!p1 s10, s9  }
0x241: {  	[tilespmem:s13], [sflag:$0x1] =	stream.strided.gather @!p1 [hbm4b:s10+s11], $0x400, s12, s11, $0x38;
	[tilespmem:$0x10080] =	vst v63  }
0x242: {  	s10 =	sadd.s32 @!p1 s16, s9;
	s13 =	simm.s32 @!p1 $0x1800  }
0x243: {  	[tilespmem:s13], [sflag:$0x1] =	stream.strided.gather @!p1 [hbm4b:s10+s11], $0x400, s12, s11, $0x38;
	[tilespmem:$0x10080] =	vst v63  }
0x244: {  	s10 =	sadd.s32 @!p1 s23, s9;
	s13 =	simm.s32 @!p1 $0x1C00  }
0x245: {  	[tilespmem:s13], [sflag:$0x1] =	stream.strided.gather @!p1 [hbm4b:s10+s11], $0x400, s12, s11, $0x38;
	[tilespmem:$0x10080] =	vst v63  }
0x246: {  	s10 =	sadd.s32 @!p1 s14, s9;
	s13 =	simm.s32 @!p1 $0x2000  }
0x247: {  	[tilespmem:s13], [sflag:$0x1] =	stream.strided.gather @!p1 [hbm4b:s10+s11], $0x400, s12, s11, $0x38;
	[tilespmem:$0x10080] =	vst v63  }
0x248: {  	s10 =	sadd.s32 @!p1 s24, s9;
	s13 =	simm.s32 @!p1 $0x2400  }
0x249: {  	[tilespmem:s13], [sflag:$0x1] =	stream.strided.gather @!p1 [hbm4b:s10+s11], $0x400, s12, s11, $0x38;
	[tilespmem:$0x10080] =	vst v63  }
0x24a: {  	s10 =	sadd.s32 @!p1 s21, s9;
	s13 =	simm.s32 @!p1 $0x2800  }
0x24b: {  	[tilespmem:s13], [sflag:$0x1] =	stream.strided.gather @!p1 [hbm4b:s10+s11], $0x400, s12, s11, $0x38;
	[tilespmem:$0x10080] =	vst v63  }
0x24c: {  	s10 =	sadd.s32 @!p1 s25, s9;
	s13 =	simm.s32 @!p1 $0x2C00  }
0x24d: {  	[tilespmem:s13], [sflag:$0x1] =	stream.strided.gather @!p1 [hbm4b:s10+s11], $0x400, s12, s11, $0x38;
	[tilespmem:$0x10080] =	vst v63  }
0x24e: {  	s10 =	sadd.s32 @!p1 s22, s9;
	s13 =	simm.s32 @!p1 $0x3000  }
0x24f: {  	[tilespmem:s13], [sflag:$0x1] =	stream.strided.gather @!p1 [hbm4b:s10+s11], $0x400, s12, s11, $0x38;
	[tilespmem:$0x10080] =	vst v63  }
0x250: {  	s10 =	sadd.s32 @!p1 s0, s9;
	s13 =	simm.s32 @!p1 $0x3400  }
0x251: {  	[tilespmem:s13], [sflag:$0x1] =	stream.strided.gather @!p1 [hbm4b:s10+s11], $0x400, s12, s11, $0x38;
	[tilespmem:$0x10080] =	vst v63  }
0x252: {  	s10 =	sadd.s32 @!p1 s15, s9;
	s13 =	simm.s32 @!p1 $0x3800  }
0x253: {  	[tilespmem:s13], [sflag:$0x1] =	stream.strided.gather @!p1 [hbm4b:s10+s11], $0x400, s12, s11, $0x38;
	[tilespmem:$0x10080] =	vst v63  }
0x254: {  	s9 =	sadd.s32 @!p1 s18, s9;
	s10 =	simm.s32 @!p1 $0x3C00  }
0x255: {  	[tilespmem:s10], [sflag:$0x1] =	stream.strided.gather @!p1 [hbm4b:s9+s11], $0x400, s12, s11, $0x38;
	[tilespmem:$0x10080] =	vst v63  }
0x256: {  	_ =	swait.ge [sflag:s6], $0x400  }
0x257: {  	[sflag:s6] =	ssyncset.done $0x0  }
0x258: {  	[sflag:s6] =	ssyncadd.s32 $0xFFFFFC00  }
0x259: {  	_ =	swait.ge [sflag:s6], $0x400  }
0x25a: {  	[sflag:s6] =	ssyncset.done $0x0  }
0x25b: {  	[sflag:s6] =	ssyncadd.s32 $0xFFFFFC00  }
0x25c: {  	_ =	swait.ge [sflag:s6], $0x400  }
0x25d: {  	[sflag:s6] =	ssyncset.done $0x0  }
0x25e: {  	[sflag:s6] =	ssyncadd.s32 $0xFFFFFC00  }
0x25f: {  	_ =	swait.ge [sflag:s6], $0x400  }
0x260: {  	[sflag:s6] =	ssyncset.done $0x0  }
0x261: {  	[sflag:s6] =	ssyncadd.s32 $0xFFFFFC00  }
0x262: {  	_ =	swait.ge [sflag:s6], $0x400  }
0x263: {  	[sflag:s6] =	ssyncset.done $0x0  }
0x264: {  	[sflag:s6] =	ssyncadd.s32 $0xFFFFFC00  }
0x265: {  	_ =	swait.ge [sflag:s6], $0x400  }
0x266: {  	[sflag:s6] =	ssyncset.done $0x0  }
0x267: {  	[sflag:s6] =	ssyncadd.s32 $0xFFFFFC00  }
0x268: {  	_ =	swait.ge [sflag:s6], $0x400  }
0x269: {  	[sflag:s6] =	ssyncset.done $0x0  }
0x26a: {  	[sflag:s6] =	ssyncadd.s32 $0xFFFFFC00  }
0x26b: {  	_ =	swait.ge [sflag:s6], $0x400  }
0x26c: {  	[sflag:s6] =	ssyncset.done $0x0  }
0x26d: {  	[sflag:s6] =	ssyncadd.s32 $0xFFFFFC00  }
0x26e: {  	_ =	swait.ge [sflag:s6], $0x400  }
0x26f: {  	[sflag:s6] =	ssyncset.done $0x0  }
0x270: {  	[sflag:s6] =	ssyncadd.s32 $0xFFFFFC00  }
0x271: {  	_ =	swait.ge [sflag:s6], $0x400  }
0x272: {  	[sflag:s6] =	ssyncset.done $0x0  }
0x273: {  	[sflag:s6] =	ssyncadd.s32 $0xFFFFFC00  }
0x274: {  	_ =	swait.ge [sflag:s6], $0x400  }
0x275: {  	[sflag:s6] =	ssyncset.done $0x0  }
0x276: {  	[sflag:s6] =	ssyncadd.s32 $0xFFFFFC00  }
0x277: {  	_ =	swait.ge [sflag:s6], $0x400  }
0x278: {  	[sflag:s6] =	ssyncset.done $0x0  }
0x279: {  	[sflag:s6] =	ssyncadd.s32 $0xFFFFFC00  }
0x27a: {  	_ =	swait.ge [sflag:s6], $0x400  }
0x27b: {  	[sflag:s6] =	ssyncset.done $0x0  }
0x27c: {  	[sflag:s6] =	ssyncadd.s32 $0xFFFFFC00  }
0x27d: {  	_ =	swait.ge [sflag:s6], $0x400  }
0x27e: {  	[sflag:s6] =	ssyncset.done $0x0  }
0x27f: {  	[sflag:s6] =	ssyncadd.s32 $0xFFFFFC00  }
0x280: {  	_ =	swait.ge [sflag:s6], $0x400  }
0x281: {  	[sflag:s6] =	ssyncset.done $0x0  }
0x282: {  	[sflag:s6] =	ssyncadd.s32 $0xFFFFFC00  }
0x283: {  	_ =	swait.ge [sflag:s6], $0x400  }
0x284: {  	[sflag:s6] =	ssyncset.done $0x0  }
0x285: {  	s11 =	simm.s32 @!p0 $0x4;
	[sflag:s6] =	ssyncadd.s32 $0xFFFFFC00  }
0x286: {  	_ =	swait.ge @!p0 [sflag:s11], $0x400  }
0x287: {  	[sflag:s11] =	ssyncset.done @!p0 $0x0  }
0x288: {  	[sflag:s11] =	ssyncadd.s32 @!p0 $0xFFFFFC00  }
0x289: {  	_ =	swait.ge @!p0 [sflag:s11], $0x400  }
0x28a: {  	[sflag:s11] =	ssyncset.done @!p0 $0x0  }
0x28b: {  	[sflag:s11] =	ssyncadd.s32 @!p0 $0xFFFFFC00  }
0x28c: {  	_ =	swait.ge @!p0 [sflag:s11], $0x400  }
0x28d: {  	[sflag:s11] =	ssyncset.done @!p0 $0x0  }
0x28e: {  	[sflag:s11] =	ssyncadd.s32 @!p0 $0xFFFFFC00  }
0x28f: {  	_ =	swait.ge @!p0 [sflag:s11], $0x400  }
0x290: {  	[sflag:s11] =	ssyncset.done @!p0 $0x0  }
0x291: {  	[sflag:s11] =	ssyncadd.s32 @!p0 $0xFFFFFC00  }
0x292: {  	_ =	swait.ge @!p0 [sflag:s11], $0x400  }
0x293: {  	[sflag:s11] =	ssyncset.done @!p0 $0x0  }
0x294: {  	[sflag:s11] =	ssyncadd.s32 @!p0 $0xFFFFFC00  }
0x295: {  	_ =	swait.ge @!p0 [sflag:s11], $0x400  }
0x296: {  	[sflag:s11] =	ssyncset.done @!p0 $0x0  }
0x297: {  	[sflag:s11] =	ssyncadd.s32 @!p0 $0xFFFFFC00  }
0x298: {  	_ =	swait.ge @!p0 [sflag:s11], $0x400  }
0x299: {  	[sflag:s11] =	ssyncset.done @!p0 $0x0  }
0x29a: {  	[sflag:s11] =	ssyncadd.s32 @!p0 $0xFFFFFC00  }
0x29b: {  	_ =	swait.ge @!p0 [sflag:s11], $0x400  }
0x29c: {  	[sflag:s11] =	ssyncset.done @!p0 $0x0  }
0x29d: {  	[sflag:s11] =	ssyncadd.s32 @!p0 $0xFFFFFC00  }
0x29e: {  	_ =	swait.ge @!p0 [sflag:s11], $0x400  }
0x29f: {  	[sflag:s11] =	ssyncset.done @!p0 $0x0  }
0x2a0: {  	[sflag:s11] =	ssyncadd.s32 @!p0 $0xFFFFFC00  }
0x2a1: {  	_ =	swait.ge @!p0 [sflag:s11], $0x400  }
0x2a2: {  	[sflag:s11] =	ssyncset.done @!p0 $0x0  }
0x2a3: {  	[sflag:s11] =	ssyncadd.s32 @!p0 $0xFFFFFC00  }
0x2a4: {  	_ =	swait.ge @!p0 [sflag:s11], $0x400  }
0x2a5: {  	[sflag:s11] =	ssyncset.done @!p0 $0x0  }
0x2a6: {  	[sflag:s11] =	ssyncadd.s32 @!p0 $0xFFFFFC00  }
0x2a7: {  	_ =	swait.ge @!p0 [sflag:s11], $0x400  }
0x2a8: {  	[sflag:s11] =	ssyncset.done @!p0 $0x0  }
0x2a9: {  	[sflag:s11] =	ssyncadd.s32 @!p0 $0xFFFFFC00  }
0x2aa: {  	_ =	swait.ge @!p0 [sflag:s11], $0x400  }
0x2ab: {  	[sflag:s11] =	ssyncset.done @!p0 $0x0  }
0x2ac: {  	[sflag:s11] =	ssyncadd.s32 @!p0 $0xFFFFFC00  }
0x2ad: {  	_ =	swait.ge @!p0 [sflag:s11], $0x400  }
0x2ae: {  	[sflag:s11] =	ssyncset.done @!p0 $0x0  }
0x2af: {  	[sflag:s11] =	ssyncadd.s32 @!p0 $0xFFFFFC00  }
0x2b0: {  	_ =	swait.ge @!p0 [sflag:s11], $0x400  }
0x2b1: {  	[sflag:s11] =	ssyncset.done @!p0 $0x0  }
0x2b2: {  	s29 =	smov.u32 s31;
	[sflag:s11] =	ssyncadd.s32 @!p0 $0xFFFFFC00  }
0x2b3: {  	s9 =	simm.s32 $0x0;
	s12 =	simm.s32 $0x0;
	_ =	swait.ge @!p0 [sflag:s11], $0x400  }
0x2b4: {  	s31 =	sand.u32 $0x60, s12;
	s10 =	sand.u32 $0x300, s9;
	[sflag:s11] =	ssyncset.done @!p0 $0x0  }
0x2b5: {  	[sflag:s11] =	ssyncadd.s32 @!p0 $0xFFFFFC00;
	s11 =	sor.u32 s31, s10  }
0x2b6: {  	v3 =	vld [tilespmem:s11+$0x6C00]  }
0x2b7: {  	v4 =	vld [tilespmem:s11+$0x6C10]  }
0x2b8: {  	v5 =	vld [tilespmem:s11+$0x7C00]  }
0x2b9: {  	v6 =	vld [tilespmem:s11+$0x7C10]  }
0x2ba: {  	v7 =	vld [tilespmem:s11+$0x6800]  }
0x2bb: {  	v8 =	vld [tilespmem:s11+$0x6810]  }
0x2bc: {  	v9 =	vld [tilespmem:s11+$0x6000]  }
0x2bd: {  	v10 =	vld [tilespmem:s11+$0x6010]  }
0x2be: {  	v11 =	vld [tilespmem:s11+$0x4000]  }
0x2bf: {  	v13 =	vld [tilespmem:s11+$0x4800]  }
0x2c0: {  	v17 =	vld [tilespmem:s11+$0x5000]  }
0x2c1: {  	v18 =	vld [tilespmem:s11+$0x5010]  }
0x2c2: {  	v29 =	vld [tilespmem:s11+$0x7000]  }
0x2c3: {  	v30 =	vld [tilespmem:s11+$0x7010]  }
0x2c4: {  	v12 =	vpack.i.f32.bf16 v4, v3;
	v14 =	vpack.i.f32.bf16 v6, v5;
	v3 =	vld [tilespmem:s11+$0x4010]  }
0x2c5: {  	v5 =	vld [tilespmem:s11+$0x4400];
	v4 =	vadd.bf16 v14, v12  }
0x2c6: {  	v15 =	vpack.i.f32.bf16 v8, v7;
	v6 =	vld [tilespmem:s11+$0x4410]  }
0x2c7: {  	v9 =	vpack.i.f32.bf16 v10, v9;
	v10 =	vld [tilespmem:s11+$0x4810];
	v8 =	vmul.bf16 v15, v1;
	v7 =	vmul.bf16 v4, v0  }
0x2c8: {  	v16 =	vld [tilespmem:s11+$0x4C10];
	v17 =	vpack.i.f32.bf16 v18, v17;
	v29 =	vpack.i.f32.bf16 v30, v29;
	v31 =	vmul.bf16 v12, v1  }
0x2c9: {  	v33 =	vmul.bf16 v17, v1;
	v27 =	vadd.bf16 v9, v17;
	v7 =	vadd.bf16 v7, v8;
	v8 =	vld [tilespmem:s11+$0x4C00]  }
0x2ca: {  	v19 =	vld [tilespmem:s11+$0x5400];
	v42 =	vadd.bf16 v29, v9;
	v63 =	vmul.bf16 v29, v0;
	v4 =	vmul.bf16 v9, v2  }
0x2cb: {  	v27 =	vmul.bf16 v27, v0;
	v11 =	vpack.i.f32.bf16 v3, v11;
	v21 =	vpack.i.f32.bf16 v6, v5;
	v5 =	vld [tilespmem:s11+$0x5410]  }
0x2cc: {  	v42 =	vmul.bf16 v42, v0;
	v10 =	vpack.i.f32.bf16 v10, v13;
	v20 =	vadd.bf16 v15, v11  }
0x2cd: {  	v13 =	vld [tilespmem:s11+$0x5800];
	v22 =	vmul.bf16 v10, v0;
	v23 =	vadd.bf16 v9, v10;
	v7 =	vadd.bf16 v7, v4  }
0x2ce: {  	v26 =	vadd.bf16 v17, v11;
	v6 =	vmul.bf16 v20, v2;
	v16 =	vpack.i.f32.bf16 v16, v8;
	v8 =	vld [tilespmem:s11+$0x5810]  }
0x2cf: {  	v25 =	vld [tilespmem:s11+$0x5C00];
	v20 =	vadd.bf16 v12, v21;
	v23 =	vmul.bf16 v23, v1;
	v3 =	vunpack.i.u.bf16.f32 v7  }
0x2d0: {  	v18 =	vld [tilespmem:s11+$0x5C10];
	[tilespmem:s11+$0xF410] =	vst v3;
	v3 =	vmul.bf16 v15, v2;
	v34 =	vpack.i.f32.bf16 v5, v19;
	v19 =	vadd.bf16 v15, v17  }
0x2d1: {  	v24 =	vunpack.i.l.bf16.f32 v7;
	v7 =	vmul.bf16 v20, v2;
	v20 =	vmul.bf16 v16, v1  }
0x2d2: {  	v28 =	vld [tilespmem:s11+$0x6400];
	[tilespmem:s11+$0xF400] =	vst v24;
	v32 =	vmul.bf16 v16, v0;
	v24 =	vadd.bf16 v34, v21;
	v19 =	vmul.bf16 v19, v1  }
0x2d3: {  	v5 =	vadd.bf16 v20, v22;
	v20 =	vld [tilespmem:s11+$0x6410];
	v22 =	vmul.bf16 v26, v0;
	v8 =	vpack.i.f32.bf16 v8, v13  }
0x2d4: {  	v26 =	vadd.bf16 v12, v34;
	v24 =	vmul.bf16 v24, v0;
	v13 =	vadd.bf16 v8, v11  }
0x2d5: {  	v35 =	vadd.bf16 v8, v10;
	v11 =	vpack.i.f32.bf16 v18, v25;
	v25 =	vadd.bf16 v15, v8  }
0x2d6: {  	v36 =	vmul.bf16 v26, v1;
	v26 =	vld [tilespmem:s11+$0x7410];
	v41 =	vadd.bf16 v29, v8;
	v21 =	vadd.bf16 v11, v21  }
0x2d7: {  	v18 =	vld [tilespmem:s11+$0x7400];
	v38 =	vadd.bf16 v11, v16;
	v12 =	vadd.bf16 v12, v11;
	v37 =	vmul.bf16 v13, v1  }
0x2d8: {  	v13 =	vpack.i.f32.bf16 v20, v28;
	v20 =	vld [tilespmem:s11+$0x7800];
	v35 =	vmul.bf16 v35, v0;
	v43 =	vmul.bf16 v25, v0  }
0x2d9: {  	v28 =	vld [tilespmem:s11+$0x7810];
	v41 =	vmul.bf16 v41, v1;
	v21 =	vmul.bf16 v21, v1;
	v39 =	vadd.bf16 v13, v16  }
0x2da: {  	v40 =	vadd.bf16 v13, v34;
	v38 =	vmul.bf16 v38, v0;
	v30 =	vadd.bf16 v14, v13  }
0x2db: {  	v44 =	vmul.bf16 v12, v0;
	v14 =	vadd.bf16 v14, v34;
	v39 =	vmul.bf16 v39, v1  }
0x2dc: {  	v18 =	vpack.i.f32.bf16 v26, v18;
	v26 =	vadd.bf16 v21, v35;
	v21 =	vadd.bf16 v36, v43  }
0x2dd: {  	v40 =	vmul.bf16 v40, v0;
	v12 =	vadd.bf16 v18, v11;
	v25 =	vadd.bf16 v18, v13  }
0x2de: {  	v16 =	vadd.bf16 v18, v16;
	v20 =	vpack.i.f32.bf16 v28, v20;
	v28 =	vadd.bf16 v37, v24  }
0x2df: {  	v47 =	vmul.bf16 v30, v1;
	v27 =	vadd.bf16 v39, v27;
	v9 =	vadd.bf16 v20, v9  }
0x2e0: {  	v45 =	vmul.bf16 v12, v1;
	v12 =	vadd.bf16 v20, v15;
	v15 =	vadd.bf16 v29, v10  }
0x2e1: {  	v46 =	vmul.bf16 v25, v0;
	v17 =	vadd.bf16 v20, v17;
	v10 =	vmul.bf16 v18, v0  }
0x2e2: {  	v25 =	vadd.bf16 v19, v40;
	v20 =	vadd.bf16 v41, v44;
	v19 =	vmul.bf16 v14, v2  }
0x2e3: {  	v14 =	vadd.bf16 v33, v32;
	v48 =	vmul.bf16 v12, v0;
	v12 =	vmul.bf16 v34, v1  }
0x2e4: {  	v9 =	vmul.bf16 v9, v1;
	v24 =	vmul.bf16 v15, v2;
	v18 =	vadd.bf16 v45, v42  }
0x2e5: {  	v30 =	vadd.bf16 v12, v22;
	v12 =	vmul.bf16 v29, v1;
	v29 =	vadd.bf16 v23, v38  }
0x2e6: {  	v23 =	vmul.bf16 v16, v2;
	v22 =	vmul.bf16 v17, v2;
	v17 =	vadd.bf16 v9, v46  }
0x2e7: {  	s30 =	smov.u32 s17;
	s13 =	simm.s32 $0x0;
	v15 =	vadd.bf16 v47, v48;
	v16 =	vmul.bf16 v34, v2;
	v9 =	vadd.bf16 v63, v31  }
.LBB3_7:
0x2e8: {  	s12 =	sadd.s32 $0x20, s12;
	v8 =	vmul.bf16 v8, v2;
	v11 =	vmul.bf16 v11, v2;
	v10 =	vadd.bf16 v10, v12;
	s13 =	sadd.s32 $0x40, s13  }
0x2e9: {  	v4 =	vadd.bf16 v4, v28;
	v12 =	vmul.bf16 v13, v2;
	v6 =	vadd.bf16 v6, v29;
	s26 =	sand.u32 $0x60, s12;
	s28 =	sand.u32 $0x300, s13  }
0x2ea: {  	v7 =	vadd.bf16 v7, v27;
	s26 =	sor.u32 s26, s28;
	v13 =	vadd.bf16 v11, v30  }
0x2eb: {  	v24 =	vadd.bf16 v24, v25;
	p0 =	slt.u32 s12, $0x1E0;
	v28 =	vunpack.i.u.bf16.f32 v4;
	v26 =	vadd.bf16 v12, v26;
	v27 =	vld [tilespmem:s26+$0x6C00]  }
0x2ec: {  	v21 =	vadd.bf16 v23, v21;
	v20 =	vadd.bf16 v22, v20;
	v25 =	vld [tilespmem:s26+$0x6C10];
	v29 =	vunpack.i.u.bf16.f32 v13;
	[tilespmem:s11+$0xCC10] =	vst v28  }
0x2ed: {  	v18 =	vadd.bf16 v19, v18;
	v17 =	vadd.bf16 v17, v8;
	v13 =	vunpack.i.l.bf16.f32 v13;
	v22 =	vld [tilespmem:s26+$0x7C00];
	[tilespmem:s11+$0xC810] =	vst v29  }
0x2ee: {  	v5 =	vadd.bf16 v16, v5;
	v4 =	vunpack.i.l.bf16.f32 v4;
	v11 =	vadd.bf16 v15, v11;
	v19 =	vld [tilespmem:s26+$0x7C10];
	[tilespmem:s11+$0xC800] =	vst v13  }
0x2ef: {  	v8 =	vadd.bf16 v8, v14;
	v16 =	vadd.bf16 v9, v12;
	v13 =	vld [tilespmem:s26+$0x6800];
	[tilespmem:s11+$0xCC00] =	vst v4;
	v4 =	vunpack.i.u.bf16.f32 v26  }
0x2f0: {  	v23 =	vadd.bf16 v10, v3;
	v9 =	vunpack.i.l.bf16.f32 v26;
	v12 =	vld [tilespmem:s26+$0x6810];
	[tilespmem:s11+$0xD010] =	vst v4;
	v4 =	vunpack.i.u.bf16.f32 v6  }
0x2f1: {  	v14 =	vunpack.i.u.bf16.f32 v7;
	v7 =	vunpack.i.l.bf16.f32 v7;
	v6 =	vunpack.i.l.bf16.f32 v6;
	v3 =	vld [tilespmem:s26+$0x6000];
	[tilespmem:s11+$0xD000] =	vst v9  }
0x2f2: {  	v28 =	vunpack.i.u.bf16.f32 v21;
	v26 =	vld [tilespmem:s26+$0x6010];
	[tilespmem:s11+$0xD400] =	vst v6;
	v6 =	vunpack.i.u.bf16.f32 v24;
	v24 =	vunpack.i.l.bf16.f32 v24  }
0x2f3: {  	v15 =	vpack.i.f32.bf16 v25, v27;
	v29 =	vld [tilespmem:s26+$0x4000];
	v10 =	vpack.i.f32.bf16 v19, v22;
	[tilespmem:s11+$0xD410] =	vst v4;
	v19 =	vunpack.i.l.bf16.f32 v21  }
0x2f4: {  	v9 =	vmul.bf16 v15, v1;
	v21 =	vld [tilespmem:s26+$0x4010];
	v4 =	vadd.bf16 v10, v15;
	[tilespmem:s11+$0xD800] =	vst v7;
	v7 =	vunpack.i.u.bf16.f32 v20  }
0x2f5: {  	v22 =	vld [tilespmem:s26+$0x4400];
	v12 =	vpack.i.f32.bf16 v12, v13;
	[tilespmem:s11+$0xD810] =	vst v14;
	v13 =	vunpack.i.l.bf16.f32 v20;
	v20 =	vunpack.i.u.bf16.f32 v18  }
0x2f6: {  	v18 =	vunpack.i.l.bf16.f32 v18;
	v25 =	vld [tilespmem:s26+$0x4410];
	v27 =	vmul.bf16 v4, v0;
	v30 =	vmul.bf16 v12, v1;
	[tilespmem:s11+$0xDC00] =	vst v24  }
0x2f7: {  	v24 =	vld [tilespmem:s26+$0x4800];
	v14 =	vpack.i.f32.bf16 v26, v3;
	v3 =	vmul.bf16 v12, v2;
	[tilespmem:s11+$0xDC10] =	vst v6;
	v26 =	vunpack.i.u.bf16.f32 v17  }
0x2f8: {  	v17 =	vunpack.i.l.bf16.f32 v17;
	v31 =	vld [tilespmem:s26+$0x4810];
	v4 =	vmul.bf16 v14, v2;
	v6 =	vadd.bf16 v27, v30;
	[tilespmem:s11+$0xE000] =	vst v19  }
0x2f9: {  	v27 =	vunpack.i.u.bf16.f32 v11;
	v11 =	vunpack.i.l.bf16.f32 v11;
	v19 =	vpack.i.f32.bf16 v21, v29;
	v21 =	vld [tilespmem:s26+$0x4C00];
	[tilespmem:s11+$0xE010] =	vst v28  }
0x2fa: {  	v32 =	vunpack.i.u.bf16.f32 v5;
	v28 =	vld [tilespmem:s26+$0x4C10];
	v29 =	vadd.bf16 v12, v19;
	v30 =	vadd.bf16 v6, v4;
	[tilespmem:s11+$0xE400] =	vst v13  }
0x2fb: {  	v33 =	vunpack.i.u.bf16.f32 v8;
	v13 =	vpack.i.f32.bf16 v25, v22;
	v22 =	vld [tilespmem:s26+$0x5000];
	v25 =	vunpack.i.l.bf16.f32 v5;
	[tilespmem:s11+$0xE410] =	vst v7  }
0x2fc: {  	v5 =	vld [tilespmem:s26+$0x5010];
	v6 =	vmul.bf16 v29, v2;
	v7 =	vadd.bf16 v15, v13;
	v29 =	vunpack.i.u.bf16.f32 v30;
	[tilespmem:s11+$0xE800] =	vst v18  }
0x2fd: {  	v30 =	vunpack.i.l.bf16.f32 v30;
	v18 =	vpack.i.f32.bf16 v31, v24;
	v24 =	vld [tilespmem:s26+$0x5400];
	[tilespmem:s26+$0xF410] =	vst v29;
	v29 =	vunpack.i.l.bf16.f32 v8  }
0x2fe: {  	v8 =	vld [tilespmem:s26+$0x5410];
	v31 =	vmul.bf16 v18, v0;
	v34 =	vadd.bf16 v14, v18;
	v7 =	vmul.bf16 v7, v2;
	[tilespmem:s11+$0xE810] =	vst v20  }
0x2ff: {  	v20 =	vpack.i.f32.bf16 v28, v21;
	v21 =	vld [tilespmem:s26+$0x5800];
	[tilespmem:s11+$0xEC00] =	vst v17;
	v17 =	vunpack.i.u.bf16.f32 v16;
	v16 =	vunpack.i.l.bf16.f32 v16  }
0x300: {  	v28 =	vld [tilespmem:s26+$0x5810];
	v35 =	vmul.bf16 v20, v1;
	v34 =	vmul.bf16 v34, v1;
	[tilespmem:s11+$0xEC10] =	vst v26;
	v26 =	vunpack.i.u.bf16.f32 v23  }
0x301: {  	v37 =	vmul.bf16 v20, v0;
	v23 =	vunpack.i.l.bf16.f32 v23;
	v22 =	vpack.i.f32.bf16 v5, v22;
	v36 =	vld [tilespmem:s26+$0x5C00];
	[tilespmem:s11+$0xF000] =	vst v11  }
0x302: {  	v11 =	vld [tilespmem:s26+$0x5C10];
	v38 =	vmul.bf16 v22, v1;
	v39 =	vadd.bf16 v22, v19;
	v40 =	vadd.bf16 v14, v22;
	[tilespmem:s11+$0xF010] =	vst v27  }
0x303: {  	v5 =	vadd.bf16 v35, v31;
	v27 =	vadd.bf16 v12, v22;
	v41 =	vpack.i.f32.bf16 v8, v24;
	v24 =	vld [tilespmem:s26+$0x6400];
	[tilespmem:s26+$0xF400] =	vst v30  }
0x304: {  	v30 =	vld [tilespmem:s26+$0x6410];
	v31 =	vmul.bf16 v39, v0;
	v35 =	vadd.bf16 v41, v13;
	v39 =	vadd.bf16 v15, v41;
	[tilespmem:s11+$0xC000] =	vst v25  }
0x305: {  	v25 =	vmul.bf16 v40, v0;
	v40 =	vmul.bf16 v27, v1;
	v8 =	vpack.i.f32.bf16 v28, v21;
	v21 =	vld [tilespmem:s26+$0x7000];
	[tilespmem:s11+$0xC010] =	vst v32  }
0x306: {  	v27 =	vld [tilespmem:s26+$0x7010];
	v28 =	vmul.bf16 v35, v0;
	v19 =	vadd.bf16 v8, v19;
	v32 =	vadd.bf16 v8, v18;
	[tilespmem:s11+$0xC400] =	vst v29  }
0x307: {  	v35 =	vadd.bf16 v12, v8;
	v11 =	vpack.i.f32.bf16 v11, v36;
	v29 =	vld [tilespmem:s26+$0x7400];
	v36 =	vmul.bf16 v39, v1;
	[tilespmem:s11+$0xC410] =	vst v33  }
0x308: {  	v33 =	vld [tilespmem:s26+$0x7410];
	v19 =	vmul.bf16 v19, v1;
	v39 =	vadd.bf16 v11, v13;
	v42 =	vadd.bf16 v11, v20;
	[tilespmem:s11+$0xF800] =	vst v16  }
0x309: {  	v15 =	vadd.bf16 v15, v11;
	v13 =	vpack.i.f32.bf16 v30, v24;
	v16 =	vld [tilespmem:s26+$0x7800];
	v24 =	vmul.bf16 v32, v0;
	[tilespmem:s11+$0xF810] =	vst v17  }
0x30a: {  	v17 =	vld [tilespmem:s26+$0x7810];
	v32 =	vmul.bf16 v39, v1;
	v30 =	vadd.bf16 v13, v20;
	v39 =	vadd.bf16 v13, v41;
	[tilespmem:s11+$0xFC00] =	vst v23  }
0x30b: {  	v23 =	vmul.bf16 v42, v0;
	v21 =	vpack.i.f32.bf16 v27, v21;
	v27 =	vadd.bf16 v10, v13;
	[tilespmem:s11+$0xFC10] =	vst v26;
	s11 =	smov.u32 s26  }
0x30c: {  	v42 =	vmul.bf16 v30, v1;
	v26 =	vadd.bf16 v21, v8;
	v30 =	vadd.bf16 v21, v14  }
0x30d: {  	v35 =	vmul.bf16 v35, v0;
	v29 =	vpack.i.f32.bf16 v33, v29;
	v33 =	vmul.bf16 v39, v0  }
0x30e: {  	v15 =	vmul.bf16 v15, v0;
	v39 =	vadd.bf16 v29, v11;
	v43 =	vadd.bf16 v29, v13  }
0x30f: {  	v44 =	vmul.bf16 v30, v0;
	v16 =	vpack.i.f32.bf16 v17, v16;
	v17 =	vmul.bf16 v26, v1  }
0x310: {  	v39 =	vmul.bf16 v39, v1;
	v14 =	vadd.bf16 v16, v14;
	v12 =	vadd.bf16 v16, v12  }
0x311: {  	v18 =	vadd.bf16 v21, v18;
	v45 =	vmul.bf16 v27, v1;
	v43 =	vmul.bf16 v43, v0  }
0x312: {  	v20 =	vadd.bf16 v29, v20;
	v14 =	vmul.bf16 v14, v1;
	v46 =	vmul.bf16 v12, v0  }
0x313: {  	v47 =	vadd.bf16 v10, v41;
	v16 =	vadd.bf16 v16, v22;
	v12 =	vmul.bf16 v41, v1  }
0x314: {  	v28 =	vadd.bf16 v19, v28;
	v48 =	vmul.bf16 v21, v0;
	v10 =	vmul.bf16 v29, v0  }
0x315: {  	v26 =	vadd.bf16 v32, v24;
	v30 =	vadd.bf16 v12, v31;
	v12 =	vmul.bf16 v21, v1  }
.Ltmp2:
0x316: {  	v29 =	vadd.bf16 v34, v23;
	v27 =	vadd.bf16 v42, v25;
	v24 =	vmul.bf16 v18, v2;
	(pc) =	sbr.rel @p0 .LBB3_7-.Ltmp2, $4  }
0x317: {  	v25 =	vadd.bf16 v40, v33;
	v23 =	vmul.bf16 v20, v2;
	v21 =	vadd.bf16 v36, v35  }
0x318: {  	v20 =	vadd.bf16 v17, v15;
	v22 =	vmul.bf16 v16, v2;
	v18 =	vadd.bf16 v39, v44  }
0x319: {  	v19 =	vmul.bf16 v47, v2;
	v17 =	vadd.bf16 v14, v43;
	v15 =	vadd.bf16 v45, v46  }
0x31a: {  	v9 =	vadd.bf16 v48, v9;
	v16 =	vmul.bf16 v41, v2;
	v14 =	vadd.bf16 v38, v37  }
0x31b: {  	v11 =	vmul.bf16 v11, v2;
	v4 =	vadd.bf16 v4, v28;
	_ =	sdelay $0x1  }
0x31c: {  	v13 =	vmul.bf16 v13, v2;
	v28 =	vadd.bf16 v11, v30;
	v30 =	vunpack.i.u.bf16.f32 v4  }
0x31d: {  	v4 =	vunpack.i.l.bf16.f32 v4;
	[tilespmem:s11+$0xCC10] =	vst v30  }
0x31e: {  	v26 =	vadd.bf16 v13, v26;
	[tilespmem:s11+$0xCC00] =	vst v4;
	v31 =	vunpack.i.u.bf16.f32 v28  }
0x31f: {  	v28 =	vunpack.i.l.bf16.f32 v28;
	[tilespmem:s11+$0xC810] =	vst v31  }
0x320: {  	v6 =	vadd.bf16 v6, v29;
	v4 =	vunpack.i.u.bf16.f32 v26;
	[tilespmem:s11+$0xC800] =	vst v28  }
0x321: {  	v26 =	vunpack.i.l.bf16.f32 v26;
	[tilespmem:s11+$0xD010] =	vst v4  }
0x322: {  	v4 =	vadd.bf16 v7, v27;
	[tilespmem:s11+$0xD000] =	vst v26;
	v7 =	vunpack.i.l.bf16.f32 v6  }
0x323: {  	v6 =	vunpack.i.u.bf16.f32 v6;
	[tilespmem:s11+$0xD400] =	vst v7  }
0x324: {  	v7 =	vadd.bf16 v24, v25;
	[tilespmem:s11+$0xD410] =	vst v6;
	v24 =	vunpack.i.l.bf16.f32 v4  }
0x325: {  	v4 =	vunpack.i.u.bf16.f32 v4;
	[tilespmem:s11+$0xD800] =	vst v24  }
0x326: {  	v6 =	vadd.bf16 v23, v21;
	v21 =	vunpack.i.l.bf16.f32 v7;
	[tilespmem:s11+$0xD810] =	vst v4  }
0x327: {  	v4 =	vunpack.i.u.bf16.f32 v7;
	[tilespmem:s11+$0xDC00] =	vst v21  }
0x328: {  	v7 =	vadd.bf16 v22, v20;
	v20 =	vunpack.i.l.bf16.f32 v6;
	[tilespmem:s11+$0xDC10] =	vst v4  }
0x329: {  	v4 =	vunpack.i.u.bf16.f32 v6;
	[tilespmem:s11+$0xE000] =	vst v20  }
0x32a: {  	v6 =	vmul.bf16 v8, v2;
	v8 =	vadd.bf16 v19, v18;
	v18 =	vunpack.i.l.bf16.f32 v7;
	[tilespmem:s11+$0xE010] =	vst v4  }
0x32b: {  	v4 =	vunpack.i.u.bf16.f32 v7;
	[tilespmem:s11+$0xE400] =	vst v18  }
0x32c: {  	v7 =	vadd.bf16 v17, v6;
	v17 =	vunpack.i.l.bf16.f32 v8;
	[tilespmem:s11+$0xE410] =	vst v4  }
0x32d: {  	v4 =	vunpack.i.u.bf16.f32 v8;
	[tilespmem:s11+$0xE800] =	vst v17  }
0x32e: {  	v8 =	vadd.bf16 v15, v11;
	[tilespmem:s11+$0xE810] =	vst v4;
	v11 =	vunpack.i.l.bf16.f32 v7  }
0x32f: {  	v4 =	vunpack.i.u.bf16.f32 v7;
	[tilespmem:s11+$0xEC00] =	vst v11  }
0x330: {  	v5 =	vadd.bf16 v16, v5;
	v7 =	vunpack.i.l.bf16.f32 v8;
	[tilespmem:s11+$0xEC10] =	vst v4  }
0x331: {  	v6 =	vadd.bf16 v6, v14;
	v4 =	vunpack.i.u.bf16.f32 v8;
	[tilespmem:s11+$0xF000] =	vst v7  }
0x332: {  	v7 =	vunpack.i.l.bf16.f32 v5;
	[tilespmem:s11+$0xF010] =	vst v4  }
0x333: {  	v8 =	vunpack.i.l.bf16.f32 v6;
	[tilespmem:s11+$0xC000] =	vst v7  }
0x334: {  	v4 =	vunpack.i.u.bf16.f32 v5;
	v5 =	vadd.bf16 v10, v12;
	v7 =	vadd.bf16 v9, v13;
	[tilespmem:s11+$0xC400] =	vst v8  }
0x335: {  	[tilespmem:s11+$0xC010] =	vst v4;
	v4 =	vunpack.i.u.bf16.f32 v6  }
0x336: {  	v3 =	vadd.bf16 v5, v3;
	v5 =	vunpack.i.l.bf16.f32 v7;
	[tilespmem:s11+$0xC410] =	vst v4  }
0x337: {  	v4 =	vunpack.i.u.bf16.f32 v7;
	[tilespmem:s11+$0xF800] =	vst v5  }
0x338: {  	s12 =	simm.s32 $0x0;
	[tilespmem:s11+$0xF810] =	vst v4;
	v5 =	vunpack.i.l.bf16.f32 v3  }
0x339: {  	s13 =	sand.u32 $0x60, s12;
	v3 =	vunpack.i.u.bf16.f32 v3;
	[tilespmem:s11+$0xFC00] =	vst v5  }
0x33a: {  	s10 =	sor.u32 s13, s10;
	[tilespmem:s11+$0xFC10] =	vst v3  }
0x33b: {  	v3 =	vld [tilespmem:s10+$0x6C80]  }
0x33c: {  	v4 =	vld [tilespmem:s10+$0x6C90]  }
0x33d: {  	v5 =	vld [tilespmem:s10+$0x7C80]  }
0x33e: {  	v6 =	vld [tilespmem:s10+$0x7C90]  }
0x33f: {  	v7 =	vld [tilespmem:s10+$0x6880]  }
0x340: {  	v8 =	vld [tilespmem:s10+$0x6890]  }
0x341: {  	v9 =	vld [tilespmem:s10+$0x6080]  }
0x342: {  	v10 =	vld [tilespmem:s10+$0x6090]  }
0x343: {  	v11 =	vld [tilespmem:s10+$0x4080]  }
0x344: {  	v13 =	vld [tilespmem:s10+$0x4880]  }
0x345: {  	v17 =	vld [tilespmem:s10+$0x5080]  }
0x346: {  	v18 =	vld [tilespmem:s10+$0x5090]  }
0x347: {  	v29 =	vld [tilespmem:s10+$0x7080]  }
0x348: {  	v30 =	vld [tilespmem:s10+$0x7090]  }
0x349: {  	v12 =	vpack.i.f32.bf16 v4, v3;
	v14 =	vpack.i.f32.bf16 v6, v5;
	v3 =	vld [tilespmem:s10+$0x4090]  }
0x34a: {  	v5 =	vld [tilespmem:s10+$0x4480];
	v4 =	vadd.bf16 v14, v12  }
0x34b: {  	v15 =	vpack.i.f32.bf16 v8, v7;
	v6 =	vld [tilespmem:s10+$0x4490]  }
0x34c: {  	v9 =	vpack.i.f32.bf16 v10, v9;
	v10 =	vld [tilespmem:s10+$0x4890];
	v8 =	vmul.bf16 v15, v1;
	v7 =	vmul.bf16 v4, v0  }
0x34d: {  	v16 =	vld [tilespmem:s10+$0x4C90];
	v17 =	vpack.i.f32.bf16 v18, v17;
	v29 =	vpack.i.f32.bf16 v30, v29;
	v31 =	vmul.bf16 v12, v1  }
0x34e: {  	v33 =	vmul.bf16 v17, v1;
	v27 =	vadd.bf16 v9, v17;
	v7 =	vadd.bf16 v7, v8;
	v8 =	vld [tilespmem:s10+$0x4C80]  }
0x34f: {  	v19 =	vld [tilespmem:s10+$0x5480];
	v42 =	vadd.bf16 v29, v9;
	v63 =	vmul.bf16 v29, v0;
	v4 =	vmul.bf16 v9, v2  }
0x350: {  	v27 =	vmul.bf16 v27, v0;
	v11 =	vpack.i.f32.bf16 v3, v11;
	v21 =	vpack.i.f32.bf16 v6, v5;
	v5 =	vld [tilespmem:s10+$0x5490]  }
0x351: {  	v42 =	vmul.bf16 v42, v0;
	v10 =	vpack.i.f32.bf16 v10, v13;
	v20 =	vadd.bf16 v15, v11  }
0x352: {  	v13 =	vld [tilespmem:s10+$0x5880];
	v22 =	vmul.bf16 v10, v0;
	v23 =	vadd.bf16 v9, v10;
	v7 =	vadd.bf16 v7, v4  }
0x353: {  	v26 =	vadd.bf16 v17, v11;
	v6 =	vmul.bf16 v20, v2;
	v16 =	vpack.i.f32.bf16 v16, v8;
	v8 =	vld [tilespmem:s10+$0x5890]  }
0x354: {  	v25 =	vld [tilespmem:s10+$0x5C80];
	v20 =	vadd.bf16 v12, v21;
	v23 =	vmul.bf16 v23, v1;
	v3 =	vunpack.i.u.bf16.f32 v7  }
0x355: {  	v18 =	vld [tilespmem:s10+$0x5C90];
	[tilespmem:s10+$0xF490] =	vst v3;
	v3 =	vmul.bf16 v15, v2;
	v34 =	vpack.i.f32.bf16 v5, v19;
	v19 =	vadd.bf16 v15, v17  }
0x356: {  	v24 =	vunpack.i.l.bf16.f32 v7;
	v7 =	vmul.bf16 v20, v2;
	v20 =	vmul.bf16 v16, v1  }
0x357: {  	v28 =	vld [tilespmem:s10+$0x6480];
	[tilespmem:s10+$0xF480] =	vst v24;
	v32 =	vmul.bf16 v16, v0;
	v24 =	vadd.bf16 v34, v21;
	v19 =	vmul.bf16 v19, v1  }
0x358: {  	v5 =	vadd.bf16 v20, v22;
	v20 =	vld [tilespmem:s10+$0x6490];
	v22 =	vmul.bf16 v26, v0;
	v8 =	vpack.i.f32.bf16 v8, v13  }
0x359: {  	v26 =	vadd.bf16 v12, v34;
	v24 =	vmul.bf16 v24, v0;
	v13 =	vadd.bf16 v8, v11  }
0x35a: {  	v35 =	vadd.bf16 v8, v10;
	v11 =	vpack.i.f32.bf16 v18, v25;
	v25 =	vadd.bf16 v15, v8  }
0x35b: {  	v36 =	vmul.bf16 v26, v1;
	v26 =	vld [tilespmem:s10+$0x7490];
	v41 =	vadd.bf16 v29, v8;
	v21 =	vadd.bf16 v11, v21  }
0x35c: {  	v18 =	vld [tilespmem:s10+$0x7480];
	v38 =	vadd.bf16 v11, v16;
	v12 =	vadd.bf16 v12, v11;
	v37 =	vmul.bf16 v13, v1  }
0x35d: {  	v13 =	vpack.i.f32.bf16 v20, v28;
	v20 =	vld [tilespmem:s10+$0x7880];
	v35 =	vmul.bf16 v35, v0;
	v43 =	vmul.bf16 v25, v0  }
0x35e: {  	v28 =	vld [tilespmem:s10+$0x7890];
	v41 =	vmul.bf16 v41, v1;
	v21 =	vmul.bf16 v21, v1;
	v39 =	vadd.bf16 v13, v16  }
0x35f: {  	v40 =	vadd.bf16 v13, v34;
	v38 =	vmul.bf16 v38, v0;
	v30 =	vadd.bf16 v14, v13  }
0x360: {  	v44 =	vmul.bf16 v12, v0;
	v14 =	vadd.bf16 v14, v34;
	v39 =	vmul.bf16 v39, v1  }
0x361: {  	v18 =	vpack.i.f32.bf16 v26, v18;
	v26 =	vadd.bf16 v21, v35;
	v21 =	vadd.bf16 v36, v43  }
0x362: {  	v40 =	vmul.bf16 v40, v0;
	v12 =	vadd.bf16 v18, v11;
	v25 =	vadd.bf16 v18, v13  }
0x363: {  	v16 =	vadd.bf16 v18, v16;
	v20 =	vpack.i.f32.bf16 v28, v20;
	v28 =	vadd.bf16 v37, v24  }
0x364: {  	v47 =	vmul.bf16 v30, v1;
	v27 =	vadd.bf16 v39, v27;
	v9 =	vadd.bf16 v20, v9  }
0x365: {  	v45 =	vmul.bf16 v12, v1;
	v12 =	vadd.bf16 v20, v15;
	v15 =	vadd.bf16 v29, v10  }
0x366: {  	v46 =	vmul.bf16 v25, v0;
	v17 =	vadd.bf16 v20, v17;
	v10 =	vmul.bf16 v18, v0  }
0x367: {  	v25 =	vadd.bf16 v19, v40;
	v20 =	vadd.bf16 v41, v44;
	v19 =	vmul.bf16 v14, v2  }
0x368: {  	v14 =	vadd.bf16 v33, v32;
	v48 =	vmul.bf16 v12, v0;
	v12 =	vmul.bf16 v34, v1  }
0x369: {  	v9 =	vmul.bf16 v9, v1;
	v24 =	vmul.bf16 v15, v2;
	v18 =	vadd.bf16 v45, v42  }
0x36a: {  	v30 =	vadd.bf16 v12, v22;
	v12 =	vmul.bf16 v29, v1;
	v29 =	vadd.bf16 v23, v38  }
0x36b: {  	v23 =	vmul.bf16 v16, v2;
	v22 =	vmul.bf16 v17, v2;
	v17 =	vadd.bf16 v9, v46  }
0x36c: {  	v15 =	vadd.bf16 v47, v48;
	v16 =	vmul.bf16 v34, v2;
	v9 =	vadd.bf16 v63, v31  }
.LBB3_9:
0x36d: {  	s12 =	sadd.s32 $0x20, s12;
	v8 =	vmul.bf16 v8, v2;
	v11 =	vmul.bf16 v11, v2;
	v10 =	vadd.bf16 v10, v12;
	s9 =	sadd.s32 $0x40, s9  }
0x36e: {  	v4 =	vadd.bf16 v4, v28;
	v12 =	vmul.bf16 v13, v2;
	v6 =	vadd.bf16 v6, v29;
	s11 =	sand.u32 $0x60, s12;
	s13 =	sand.u32 $0x300, s9  }
0x36f: {  	v7 =	vadd.bf16 v7, v27;
	s11 =	sor.u32 s11, s13;
	v13 =	vadd.bf16 v11, v30  }
0x370: {  	v24 =	vadd.bf16 v24, v25;
	p0 =	slt.u32 s12, $0x1E0;
	v28 =	vunpack.i.u.bf16.f32 v4;
	v26 =	vadd.bf16 v12, v26;
	v27 =	vld [tilespmem:s11+$0x6C80]  }
0x371: {  	v21 =	vadd.bf16 v23, v21;
	v20 =	vadd.bf16 v22, v20;
	v25 =	vld [tilespmem:s11+$0x6C90];
	v29 =	vunpack.i.u.bf16.f32 v13;
	[tilespmem:s10+$0xCC90] =	vst v28  }
0x372: {  	v18 =	vadd.bf16 v19, v18;
	v17 =	vadd.bf16 v17, v8;
	v13 =	vunpack.i.l.bf16.f32 v13;
	v22 =	vld [tilespmem:s11+$0x7C80];
	[tilespmem:s10+$0xC890] =	vst v29  }
0x373: {  	v5 =	vadd.bf16 v16, v5;
	v4 =	vunpack.i.l.bf16.f32 v4;
	v11 =	vadd.bf16 v15, v11;
	v19 =	vld [tilespmem:s11+$0x7C90];
	[tilespmem:s10+$0xC880] =	vst v13  }
0x374: {  	v8 =	vadd.bf16 v8, v14;
	v16 =	vadd.bf16 v9, v12;
	v13 =	vld [tilespmem:s11+$0x6880];
	[tilespmem:s10+$0xCC80] =	vst v4;
	v4 =	vunpack.i.u.bf16.f32 v26  }
0x375: {  	v23 =	vadd.bf16 v10, v3;
	v9 =	vunpack.i.l.bf16.f32 v26;
	v12 =	vld [tilespmem:s11+$0x6890];
	[tilespmem:s10+$0xD090] =	vst v4;
	v4 =	vunpack.i.u.bf16.f32 v6  }
0x376: {  	v14 =	vunpack.i.u.bf16.f32 v7;
	v7 =	vunpack.i.l.bf16.f32 v7;
	v6 =	vunpack.i.l.bf16.f32 v6;
	v3 =	vld [tilespmem:s11+$0x6080];
	[tilespmem:s10+$0xD080] =	vst v9  }
0x377: {  	v28 =	vunpack.i.u.bf16.f32 v21;
	v26 =	vld [tilespmem:s11+$0x6090];
	[tilespmem:s10+$0xD480] =	vst v6;
	v6 =	vunpack.i.u.bf16.f32 v24;
	v24 =	vunpack.i.l.bf16.f32 v24  }
0x378: {  	v15 =	vpack.i.f32.bf16 v25, v27;
	v29 =	vld [tilespmem:s11+$0x4080];
	v10 =	vpack.i.f32.bf16 v19, v22;
	[tilespmem:s10+$0xD490] =	vst v4;
	v19 =	vunpack.i.l.bf16.f32 v21  }
0x379: {  	v9 =	vmul.bf16 v15, v1;
	v21 =	vld [tilespmem:s11+$0x4090];
	v4 =	vadd.bf16 v10, v15;
	[tilespmem:s10+$0xD880] =	vst v7;
	v7 =	vunpack.i.u.bf16.f32 v20  }
0x37a: {  	v22 =	vld [tilespmem:s11+$0x4480];
	v12 =	vpack.i.f32.bf16 v12, v13;
	[tilespmem:s10+$0xD890] =	vst v14;
	v13 =	vunpack.i.l.bf16.f32 v20;
	v20 =	vunpack.i.u.bf16.f32 v18  }
0x37b: {  	v18 =	vunpack.i.l.bf16.f32 v18;
	v25 =	vld [tilespmem:s11+$0x4490];
	v27 =	vmul.bf16 v4, v0;
	v30 =	vmul.bf16 v12, v1;
	[tilespmem:s10+$0xDC80] =	vst v24  }
0x37c: {  	v24 =	vld [tilespmem:s11+$0x4880];
	v14 =	vpack.i.f32.bf16 v26, v3;
	v3 =	vmul.bf16 v12, v2;
	[tilespmem:s10+$0xDC90] =	vst v6;
	v26 =	vunpack.i.u.bf16.f32 v17  }
0x37d: {  	v17 =	vunpack.i.l.bf16.f32 v17;
	v31 =	vld [tilespmem:s11+$0x4890];
	v4 =	vmul.bf16 v14, v2;
	v6 =	vadd.bf16 v27, v30;
	[tilespmem:s10+$0xE080] =	vst v19  }
0x37e: {  	v27 =	vunpack.i.u.bf16.f32 v11;
	v11 =	vunpack.i.l.bf16.f32 v11;
	v19 =	vpack.i.f32.bf16 v21, v29;
	v21 =	vld [tilespmem:s11+$0x4C80];
	[tilespmem:s10+$0xE090] =	vst v28  }
0x37f: {  	v32 =	vunpack.i.u.bf16.f32 v5;
	v28 =	vld [tilespmem:s11+$0x4C90];
	v29 =	vadd.bf16 v12, v19;
	v30 =	vadd.bf16 v6, v4;
	[tilespmem:s10+$0xE480] =	vst v13  }
0x380: {  	v33 =	vunpack.i.u.bf16.f32 v8;
	v13 =	vpack.i.f32.bf16 v25, v22;
	v22 =	vld [tilespmem:s11+$0x5080];
	v25 =	vunpack.i.l.bf16.f32 v5;
	[tilespmem:s10+$0xE490] =	vst v7  }
0x381: {  	v5 =	vld [tilespmem:s11+$0x5090];
	v6 =	vmul.bf16 v29, v2;
	v7 =	vadd.bf16 v15, v13;
	v29 =	vunpack.i.u.bf16.f32 v30;
	[tilespmem:s10+$0xE880] =	vst v18  }
0x382: {  	v30 =	vunpack.i.l.bf16.f32 v30;
	v18 =	vpack.i.f32.bf16 v31, v24;
	v24 =	vld [tilespmem:s11+$0x5480];
	[tilespmem:s11+$0xF490] =	vst v29;
	v29 =	vunpack.i.l.bf16.f32 v8  }
0x383: {  	v8 =	vld [tilespmem:s11+$0x5490];
	v31 =	vmul.bf16 v18, v0;
	v34 =	vadd.bf16 v14, v18;
	v7 =	vmul.bf16 v7, v2;
	[tilespmem:s10+$0xE890] =	vst v20  }
0x384: {  	v20 =	vpack.i.f32.bf16 v28, v21;
	v21 =	vld [tilespmem:s11+$0x5880];
	[tilespmem:s10+$0xEC80] =	vst v17;
	v17 =	vunpack.i.u.bf16.f32 v16;
	v16 =	vunpack.i.l.bf16.f32 v16  }
0x385: {  	v28 =	vld [tilespmem:s11+$0x5890];
	v35 =	vmul.bf16 v20, v1;
	v34 =	vmul.bf16 v34, v1;
	[tilespmem:s10+$0xEC90] =	vst v26;
	v26 =	vunpack.i.u.bf16.f32 v23  }
0x386: {  	v37 =	vmul.bf16 v20, v0;
	v23 =	vunpack.i.l.bf16.f32 v23;
	v22 =	vpack.i.f32.bf16 v5, v22;
	v36 =	vld [tilespmem:s11+$0x5C80];
	[tilespmem:s10+$0xF080] =	vst v11  }
0x387: {  	v11 =	vld [tilespmem:s11+$0x5C90];
	v38 =	vmul.bf16 v22, v1;
	v39 =	vadd.bf16 v22, v19;
	v40 =	vadd.bf16 v14, v22;
	[tilespmem:s10+$0xF090] =	vst v27  }
0x388: {  	v5 =	vadd.bf16 v35, v31;
	v27 =	vadd.bf16 v12, v22;
	v41 =	vpack.i.f32.bf16 v8, v24;
	v24 =	vld [tilespmem:s11+$0x6480];
	[tilespmem:s11+$0xF480] =	vst v30  }
0x389: {  	v30 =	vld [tilespmem:s11+$0x6490];
	v31 =	vmul.bf16 v39, v0;
	v35 =	vadd.bf16 v41, v13;
	v39 =	vadd.bf16 v15, v41;
	[tilespmem:s10+$0xC080] =	vst v25  }
0x38a: {  	v25 =	vmul.bf16 v40, v0;
	v40 =	vmul.bf16 v27, v1;
	v8 =	vpack.i.f32.bf16 v28, v21;
	v21 =	vld [tilespmem:s11+$0x7080];
	[tilespmem:s10+$0xC090] =	vst v32  }
0x38b: {  	v27 =	vld [tilespmem:s11+$0x7090];
	v28 =	vmul.bf16 v35, v0;
	v19 =	vadd.bf16 v8, v19;
	v32 =	vadd.bf16 v8, v18;
	[tilespmem:s10+$0xC480] =	vst v29  }
0x38c: {  	v35 =	vadd.bf16 v12, v8;
	v11 =	vpack.i.f32.bf16 v11, v36;
	v29 =	vld [tilespmem:s11+$0x7480];
	v36 =	vmul.bf16 v39, v1;
	[tilespmem:s10+$0xC490] =	vst v33  }
0x38d: {  	v33 =	vld [tilespmem:s11+$0x7490];
	v19 =	vmul.bf16 v19, v1;
	v39 =	vadd.bf16 v11, v13;
	v42 =	vadd.bf16 v11, v20;
	[tilespmem:s10+$0xF880] =	vst v16  }
0x38e: {  	v15 =	vadd.bf16 v15, v11;
	v13 =	vpack.i.f32.bf16 v30, v24;
	v16 =	vld [tilespmem:s11+$0x7880];
	v24 =	vmul.bf16 v32, v0;
	[tilespmem:s10+$0xF890] =	vst v17  }
0x38f: {  	v17 =	vld [tilespmem:s11+$0x7890];
	v32 =	vmul.bf16 v39, v1;
	v30 =	vadd.bf16 v13, v20;
	v39 =	vadd.bf16 v13, v41;
	[tilespmem:s10+$0xFC80] =	vst v23  }
0x390: {  	v23 =	vmul.bf16 v42, v0;
	v21 =	vpack.i.f32.bf16 v27, v21;
	v27 =	vadd.bf16 v10, v13;
	[tilespmem:s10+$0xFC90] =	vst v26;
	s10 =	smov.u32 s11  }
0x391: {  	v42 =	vmul.bf16 v30, v1;
	v26 =	vadd.bf16 v21, v8;
	v30 =	vadd.bf16 v21, v14  }
0x392: {  	v35 =	vmul.bf16 v35, v0;
	v29 =	vpack.i.f32.bf16 v33, v29;
	v33 =	vmul.bf16 v39, v0  }
0x393: {  	v15 =	vmul.bf16 v15, v0;
	v39 =	vadd.bf16 v29, v11;
	v43 =	vadd.bf16 v29, v13  }
0x394: {  	v44 =	vmul.bf16 v30, v0;
	v16 =	vpack.i.f32.bf16 v17, v16;
	v17 =	vmul.bf16 v26, v1  }
0x395: {  	v39 =	vmul.bf16 v39, v1;
	v14 =	vadd.bf16 v16, v14;
	v12 =	vadd.bf16 v16, v12  }
0x396: {  	v18 =	vadd.bf16 v21, v18;
	v45 =	vmul.bf16 v27, v1;
	v43 =	vmul.bf16 v43, v0  }
0x397: {  	v20 =	vadd.bf16 v29, v20;
	v14 =	vmul.bf16 v14, v1;
	v46 =	vmul.bf16 v12, v0  }
0x398: {  	v47 =	vadd.bf16 v10, v41;
	v16 =	vadd.bf16 v16, v22;
	v12 =	vmul.bf16 v41, v1  }
0x399: {  	v28 =	vadd.bf16 v19, v28;
	v48 =	vmul.bf16 v21, v0;
	v10 =	vmul.bf16 v29, v0  }
0x39a: {  	v26 =	vadd.bf16 v32, v24;
	v30 =	vadd.bf16 v12, v31;
	v12 =	vmul.bf16 v21, v1  }
.Ltmp3:
0x39b: {  	v29 =	vadd.bf16 v34, v23;
	v27 =	vadd.bf16 v42, v25;
	v24 =	vmul.bf16 v18, v2;
	(pc) =	sbr.rel @p0 .LBB3_9-.Ltmp3, $4  }
0x39c: {  	v25 =	vadd.bf16 v40, v33;
	v23 =	vmul.bf16 v20, v2;
	v21 =	vadd.bf16 v36, v35  }
0x39d: {  	v20 =	vadd.bf16 v17, v15;
	v22 =	vmul.bf16 v16, v2;
	v18 =	vadd.bf16 v39, v44  }
0x39e: {  	v19 =	vmul.bf16 v47, v2;
	v17 =	vadd.bf16 v14, v43;
	v15 =	vadd.bf16 v45, v46  }
0x39f: {  	v9 =	vadd.bf16 v48, v9;
	v16 =	vmul.bf16 v41, v2;
	v14 =	vadd.bf16 v38, v37  }
0x3a0: {  	v4 =	vadd.bf16 v4, v28;
	_ =	sdelay $0x1  }
0x3a1: {  	v6 =	vadd.bf16 v6, v29;
	v62 =	vunpack.i.u.bf16.f32 v4  }
0x3a2: {  	v4 =	vunpack.i.l.bf16.f32 v4;
	[tilespmem:s10+$0xCC90] =	vst v62  }
0x3a3: {  	v33 =	vadd.bf16 v7, v27;
	v34 =	vunpack.i.l.bf16.f32 v6;
	[tilespmem:s10+$0xCC80] =	vst v4  }
0x3a4: {  	v35 =	vadd.bf16 v24, v25;
	v6 =	vunpack.i.u.bf16.f32 v6;
	[tilespmem:s10+$0xD480] =	vst v34  }
0x3a5: {  	v36 =	vunpack.i.l.bf16.f32 v33;
	[tilespmem:s10+$0xD490] =	vst v6  }
0x3a6: {  	v37 =	vadd.bf16 v23, v21;
	v38 =	vunpack.i.l.bf16.f32 v35;
	[tilespmem:s10+$0xD880] =	vst v36  }
0x3a7: {  	v39 =	vunpack.i.u.bf16.f32 v35;
	[tilespmem:s10+$0xDC80] =	vst v38  }
0x3a8: {  	v40 =	vadd.bf16 v22, v20;
	v41 =	vunpack.i.l.bf16.f32 v37;
	[tilespmem:s10+$0xDC90] =	vst v39  }
0x3a9: {  	v42 =	vunpack.i.u.bf16.f32 v37;
	[tilespmem:s10+$0xE080] =	vst v41  }
0x3aa: {  	v44 =	vadd.bf16 v19, v18;
	v45 =	vunpack.i.l.bf16.f32 v40;
	[tilespmem:s10+$0xE090] =	vst v42  }
0x3ab: {  	v46 =	vunpack.i.u.bf16.f32 v40;
	[tilespmem:s10+$0xE480] =	vst v45  }
0x3ac: {  	v48 =	vunpack.i.l.bf16.f32 v44;
	[tilespmem:s10+$0xE490] =	vst v46  }
0x3ad: {  	v11 =	vmul.bf16 v11, v2;
	v5 =	vadd.bf16 v16, v5;
	v49 =	vunpack.i.u.bf16.f32 v44;
	[tilespmem:s10+$0xE880] =	vst v48  }
0x3ae: {  	v4 =	vunpack.i.u.bf16.f32 v33;
	[tilespmem:s10+$0xE890] =	vst v49  }
0x3af: {  	v13 =	vmul.bf16 v13, v2;
	v61 =	vadd.bf16 v11, v30;
	v55 =	vunpack.i.l.bf16.f32 v5;
	[tilespmem:s10+$0xD890] =	vst v4  }
0x3b0: {  	v56 =	vunpack.i.u.bf16.f32 v5;
	[tilespmem:s10+$0xC080] =	vst v55  }
0x3b1: {  	v43 =	vmul.bf16 v8, v2;
	v26 =	vadd.bf16 v13, v26;
	v63 =	vunpack.i.u.bf16.f32 v61;
	[tilespmem:s10+$0xC090] =	vst v56  }
0x3b2: {  	v28 =	vunpack.i.l.bf16.f32 v61;
	[tilespmem:s10+$0xC890] =	vst v63  }
0x3b3: {  	v47 =	vadd.bf16 v17, v43;
	v32 =	vunpack.i.u.bf16.f32 v26;
	[tilespmem:s10+$0xC880] =	vst v28  }
0x3b4: {  	v26 =	vunpack.i.l.bf16.f32 v26;
	[tilespmem:s10+$0xD090] =	vst v32  }
0x3b5: {  	v50 =	vadd.bf16 v15, v11;
	v51 =	vunpack.i.l.bf16.f32 v47;
	[tilespmem:s10+$0xD080] =	vst v26  }
0x3b6: {  	v52 =	vunpack.i.u.bf16.f32 v47;
	[tilespmem:s10+$0xEC80] =	vst v51  }
0x3b7: {  	v58 =	vadd.bf16 v9, v13;
	v53 =	vunpack.i.l.bf16.f32 v50;
	[tilespmem:s10+$0xEC90] =	vst v52  }
0x3b8: {  	v54 =	vunpack.i.u.bf16.f32 v50;
	[tilespmem:s10+$0xF080] =	vst v53  }
0x3b9: {  	v57 =	vadd.bf16 v10, v12;
	v6 =	vadd.bf16 v43, v14;
	v61 =	vunpack.i.l.bf16.f32 v58;
	[tilespmem:s10+$0xF090] =	vst v54  }
0x3ba: {  	v62 =	vunpack.i.u.bf16.f32 v58;
	[tilespmem:s10+$0xF880] =	vst v61  }
0x3bb: {  	v3 =	vadd.bf16 v57, v3;
	v59 =	vunpack.i.l.bf16.f32 v6;
	[tilespmem:s10+$0xF890] =	vst v62  }
0x3bc: {  	v60 =	vunpack.i.u.bf16.f32 v6;
	[tilespmem:s10+$0xC480] =	vst v59  }
0x3bd: {  	v63 =	vunpack.i.l.bf16.f32 v3;
	[tilespmem:s10+$0xC490] =	vst v60  }
0x3be: {  	v3 =	vunpack.i.u.bf16.f32 v3;
	[tilespmem:s10+$0xFC80] =	vst v63  }
0x3bf: {  	[tilespmem:s10+$0xFC90] =	vst v3  }
0x3c0: {  	s9 =	sadd.s32 s19, s8;
	s11 =	simm.s32 $0xC000;
	s12 =	sld [smem:$0x7F1]  }
0x3c1: {  	[hbm4b:s9+s3] =	stream.strided.scatter [tilespmem:s11], [sflag:$0x4], $0x400, s4, s3, $0x38;
	[tilespmem:$0x10080] =	vst v63  }
0x3c2: {  	s17 =	sld [smem:$0x7F2]  }
0x3c3: {  	s13 =	simm.s32 $0xC400;
	s28 =	sld [smem:$0x7F3];
	s9 =	sadd.s32 s8, s12  }
0x3c4: {  	[hbm4b:s9+s3] =	stream.strided.scatter [tilespmem:s13], [sflag:$0x4], $0x400, s4, s3, $0x38;
	[tilespmem:$0x10080] =	vst v63  }
0x3c5: {  	s26 =	simm.s32 $0xC800;
	s10 =	sld [smem:$0x7F4];
	s9 =	sadd.s32 s8, s17  }
0x3c6: {  	[hbm4b:s9+s3] =	stream.strided.scatter [tilespmem:s26], [sflag:$0x4], $0x400, s4, s3, $0x38;
	[tilespmem:$0x10080] =	vst v63  }
0x3c7: {  	s31 =	simm.s32 $0xCC00;
	s12 =	sld [smem:$0x7F5];
	s9 =	sadd.s32 s8, s28  }
0x3c8: {  	[hbm4b:s9+s3] =	stream.strided.scatter [tilespmem:s31], [sflag:$0x4], $0x400, s4, s3, $0x38;
	[tilespmem:$0x10080] =	vst v63  }
0x3c9: {  	s11 =	simm.s32 $0xD000;
	s17 =	sld [smem:$0x7F6];
	s9 =	sadd.s32 s8, s10  }
0x3ca: {  	[hbm4b:s9+s3] =	stream.strided.scatter [tilespmem:s11], [sflag:$0x4], $0x400, s4, s3, $0x38;
	[tilespmem:$0x10080] =	vst v63  }
0x3cb: {  	s13 =	simm.s32 $0xD400;
	s28 =	sld [smem:$0x7F7];
	s9 =	sadd.s32 s8, s12  }
0x3cc: {  	[hbm4b:s9+s3] =	stream.strided.scatter [tilespmem:s13], [sflag:$0x4], $0x400, s4, s3, $0x38;
	[tilespmem:$0x10080] =	vst v63  }
0x3cd: {  	s26 =	simm.s32 $0xD800;
	s10 =	sld [smem:$0x7F8];
	s9 =	sadd.s32 s8, s17  }
0x3ce: {  	[hbm4b:s9+s3] =	stream.strided.scatter [tilespmem:s26], [sflag:$0x4], $0x400, s4, s3, $0x38;
	[tilespmem:$0x10080] =	vst v63  }
0x3cf: {  	s31 =	simm.s32 $0xDC00;
	s12 =	sld [smem:$0x7F9];
	s9 =	sadd.s32 s8, s28  }
0x3d0: {  	[hbm4b:s9+s3] =	stream.strided.scatter [tilespmem:s31], [sflag:$0x4], $0x400, s4, s3, $0x38;
	[tilespmem:$0x10080] =	vst v63  }
0x3d1: {  	s11 =	simm.s32 $0xE000;
	s17 =	sld [smem:$0x7FA];
	s9 =	sadd.s32 s8, s10  }
0x3d2: {  	[hbm4b:s9+s3] =	stream.strided.scatter [tilespmem:s11], [sflag:$0x4], $0x400, s4, s3, $0x38;
	[tilespmem:$0x10080] =	vst v63  }
0x3d3: {  	s13 =	simm.s32 $0xE400;
	s28 =	sld [smem:$0x7FB];
	s9 =	sadd.s32 s8, s12  }
0x3d4: {  	[hbm4b:s9+s3] =	stream.strided.scatter [tilespmem:s13], [sflag:$0x4], $0x400, s4, s3, $0x38;
	[tilespmem:$0x10080] =	vst v63  }
0x3d5: {  	s26 =	simm.s32 $0xE800;
	s10 =	sld [smem:$0x7FC];
	s9 =	sadd.s32 s8, s17  }
0x3d6: {  	[hbm4b:s9+s3] =	stream.strided.scatter [tilespmem:s26], [sflag:$0x4], $0x400, s4, s3, $0x38;
	[tilespmem:$0x10080] =	vst v63  }
0x3d7: {  	s31 =	simm.s32 $0xEC00;
	s12 =	sld [smem:$0x7FD];
	s9 =	sadd.s32 s8, s28  }
0x3d8: {  	[hbm4b:s9+s3] =	stream.strided.scatter [tilespmem:s31], [sflag:$0x4], $0x400, s4, s3, $0x38;
	[tilespmem:$0x10080] =	vst v63  }
0x3d9: {  	s7 =	sadd.s32 $0x1, s7;
	s11 =	simm.s32 $0xF000;
	s9 =	sadd.s32 s8, s10  }
0x3da: {  	[hbm4b:s9+s3] =	stream.strided.scatter [tilespmem:s11], [sflag:$0x4], $0x400, s4, s3, $0x38;
	[tilespmem:$0x10080] =	vst v63  }
0x3db: {  	p0 =	sne.s32 s7, $0x40;
	s13 =	simm.s32 $0xF400;
	s9 =	sadd.s32 s8, s12  }
0x3dc: {  	[hbm4b:s9+s3] =	stream.strided.scatter [tilespmem:s13], [sflag:$0x4], $0x400, s4, s3, $0x38;
	[tilespmem:$0x10080] =	vst v63  }
.Ltmp4:
0x3dd: {  	_ = 	snop;
	(pc) =	sbr.rel @p0 .LBB3_2-.Ltmp4, $4  }
0x3de: {  	s17 =	sadd.s32 s8, s1;
	s26 =	simm.s32 $0xF800  }
0x3df: {  	[hbm4b:s17+s3] =	stream.strided.scatter [tilespmem:s26], [sflag:$0x4], $0x400, s4, s3, $0x38;
	[tilespmem:$0x10080] =	vst v63  }
0x3e0: {  	s28 =	sadd.s32 s8, s2;
	s31 =	simm.s32 $0xFC00  }
0x3e1: {  	[hbm4b:s28+s3] =	stream.strided.scatter [tilespmem:s31], [sflag:$0x4], $0x400, s4, s3, $0x38;
	[tilespmem:$0x10080] =	vst v63  }
0x3e2: {  	s7 =	simm.s32 $0x3  }
0x3e3: {  	_ =	swait.ge [sflag:s7], $0x400  }
0x3e4: {  	[sflag:s7] =	ssyncset.done $0x0  }
0x3e5: {  	[sflag:s7] =	ssyncadd.s32 $0xFFFFFC00  }
0x3e6: {  	_ =	swait.ge [sflag:s7], $0x400  }
0x3e7: {  	[sflag:s7] =	ssyncset.done $0x0  }
0x3e8: {  	[sflag:s7] =	ssyncadd.s32 $0xFFFFFC00  }
0x3e9: {  	_ =	swait.ge [sflag:s7], $0x400  }
0x3ea: {  	[sflag:s7] =	ssyncset.done $0x0  }
0x3eb: {  	[sflag:s7] =	ssyncadd.s32 $0xFFFFFC00  }
0x3ec: {  	_ =	swait.ge [sflag:s7], $0x400  }
0x3ed: {  	[sflag:s7] =	ssyncset.done $0x0  }
0x3ee: {  	[sflag:s7] =	ssyncadd.s32 $0xFFFFFC00  }
0x3ef: {  	_ =	swait.ge [sflag:s7], $0x400  }
0x3f0: {  	[sflag:s7] =	ssyncset.done $0x0  }
0x3f1: {  	[sflag:s7] =	ssyncadd.s32 $0xFFFFFC00  }
0x3f2: {  	_ =	swait.ge [sflag:s7], $0x400  }
0x3f3: {  	[sflag:s7] =	ssyncset.done $0x0  }
0x3f4: {  	[sflag:s7] =	ssyncadd.s32 $0xFFFFFC00  }
0x3f5: {  	_ =	swait.ge [sflag:s7], $0x400  }
0x3f6: {  	[sflag:s7] =	ssyncset.done $0x0  }
0x3f7: {  	[sflag:s7] =	ssyncadd.s32 $0xFFFFFC00  }
0x3f8: {  	_ =	swait.ge [sflag:s7], $0x400  }
0x3f9: {  	[sflag:s7] =	ssyncset.done $0x0  }
0x3fa: {  	[sflag:s7] =	ssyncadd.s32 $0xFFFFFC00  }
0x3fb: {  	_ =	swait.ge [sflag:s7], $0x400  }
0x3fc: {  	[sflag:s7] =	ssyncset.done $0x0  }
0x3fd: {  	[sflag:s7] =	ssyncadd.s32 $0xFFFFFC00  }
0x3fe: {  	_ =	swait.ge [sflag:s7], $0x400  }
0x3ff: {  	[sflag:s7] =	ssyncset.done $0x0  }
0x400: {  	[sflag:s7] =	ssyncadd.s32 $0xFFFFFC00  }
0x401: {  	_ =	swait.ge [sflag:s7], $0x400  }
0x402: {  	[sflag:s7] =	ssyncset.done $0x0  }
0x403: {  	[sflag:s7] =	ssyncadd.s32 $0xFFFFFC00  }
0x404: {  	_ =	swait.ge [sflag:s7], $0x400  }
0x405: {  	[sflag:s7] =	ssyncset.done $0x0  }
0x406: {  	[sflag:s7] =	ssyncadd.s32 $0xFFFFFC00  }
0x407: {  	_ =	swait.ge [sflag:s7], $0x400  }
0x408: {  	[sflag:s7] =	ssyncset.done $0x0  }
0x409: {  	[sflag:s7] =	ssyncadd.s32 $0xFFFFFC00  }
0x40a: {  	_ =	swait.ge [sflag:s7], $0x400  }
0x40b: {  	[sflag:s7] =	ssyncset.done $0x0  }
0x40c: {  	[sflag:s7] =	ssyncadd.s32 $0xFFFFFC00  }
0x40d: {  	_ =	swait.ge [sflag:s7], $0x400  }
0x40e: {  	[sflag:s7] =	ssyncset.done $0x0  }
0x40f: {  	[sflag:s7] =	ssyncadd.s32 $0xFFFFFC00  }
0x410: {  	_ =	swait.ge [sflag:s7], $0x400  }
0x411: {  	[sflag:s7] =	ssyncset.done $0x0  }
0x412: {  	s8 =	simm.s32 $0x4;
	[sflag:s7] =	ssyncadd.s32 $0xFFFFFC00  }
0x413: {  	_ =	swait.ge [sflag:s8], $0x400  }
0x414: {  	[sflag:s8] =	ssyncset.done $0x0  }
0x415: {  	[sflag:s8] =	ssyncadd.s32 $0xFFFFFC00  }
0x416: {  	_ =	swait.ge [sflag:s8], $0x400  }
0x417: {  	[sflag:s8] =	ssyncset.done $0x0  }
0x418: {  	[sflag:s8] =	ssyncadd.s32 $0xFFFFFC00  }
0x419: {  	_ =	swait.ge [sflag:s8], $0x400  }
0x41a: {  	[sflag:s8] =	ssyncset.done $0x0  }
0x41b: {  	[sflag:s8] =	ssyncadd.s32 $0xFFFFFC00  }
0x41c: {  	_ =	swait.ge [sflag:s8], $0x400  }
0x41d: {  	[sflag:s8] =	ssyncset.done $0x0  }
0x41e: {  	[sflag:s8] =	ssyncadd.s32 $0xFFFFFC00  }
0x41f: {  	_ =	swait.ge [sflag:s8], $0x400  }
0x420: {  	[sflag:s8] =	ssyncset.done $0x0  }
0x421: {  	[sflag:s8] =	ssyncadd.s32 $0xFFFFFC00  }
0x422: {  	_ =	swait.ge [sflag:s8], $0x400  }
0x423: {  	[sflag:s8] =	ssyncset.done $0x0  }
0x424: {  	[sflag:s8] =	ssyncadd.s32 $0xFFFFFC00  }
0x425: {  	_ =	swait.ge [sflag:s8], $0x400  }
0x426: {  	[sflag:s8] =	ssyncset.done $0x0  }
0x427: {  	[sflag:s8] =	ssyncadd.s32 $0xFFFFFC00  }
0x428: {  	_ =	swait.ge [sflag:s8], $0x400  }
0x429: {  	[sflag:s8] =	ssyncset.done $0x0  }
0x42a: {  	[sflag:s8] =	ssyncadd.s32 $0xFFFFFC00  }
0x42b: {  	_ =	swait.ge [sflag:s8], $0x400  }
0x42c: {  	[sflag:s8] =	ssyncset.done $0x0  }
0x42d: {  	[sflag:s8] =	ssyncadd.s32 $0xFFFFFC00  }
0x42e: {  	_ =	swait.ge [sflag:s8], $0x400  }
0x42f: {  	[sflag:s8] =	ssyncset.done $0x0  }
0x430: {  	[sflag:s8] =	ssyncadd.s32 $0xFFFFFC00  }
0x431: {  	_ =	swait.ge [sflag:s8], $0x400  }
0x432: {  	[sflag:s8] =	ssyncset.done $0x0  }
0x433: {  	[sflag:s8] =	ssyncadd.s32 $0xFFFFFC00  }
0x434: {  	_ =	swait.ge [sflag:s8], $0x400  }
0x435: {  	[sflag:s8] =	ssyncset.done $0x0  }
0x436: {  	[sflag:s8] =	ssyncadd.s32 $0xFFFFFC00  }
0x437: {  	_ =	swait.ge [sflag:s8], $0x400  }
0x438: {  	[sflag:s8] =	ssyncset.done $0x0  }
0x439: {  	[sflag:s8] =	ssyncadd.s32 $0xFFFFFC00  }
0x43a: {  	_ =	swait.ge [sflag:s8], $0x400  }
0x43b: {  	[sflag:s8] =	ssyncset.done $0x0  }
0x43c: {  	[sflag:s8] =	ssyncadd.s32 $0xFFFFFC00  }
0x43d: {  	_ =	swait.ge [sflag:s8], $0x400  }
0x43e: {  	[sflag:s8] =	ssyncset.done $0x0  }
0x43f: {  	[sflag:s8] =	ssyncadd.s32 $0xFFFFFC00  }
0x440: {  	_ =	swait.ge [sflag:s8], $0x400  }
0x441: {  	s9 =	sld [smem:$0x7EE]  }
0x442: {  	s31 =	sld [smem:$0x7EF];
	_ =	sdelay $0x1  }
0x443: {  	s9 =	sadd.s32 $0x1, s9  }
0x444: {  	p0 =	sne.s32 s9, s31  }
.Ltmp5:
0x445: {  	_ = 	snop;
	(pc) =	sbr.rel @p0 .LBB3_1-.Ltmp5, $3  }
0x446: {  	_ =	sdelay $0x1  }
0x447: {  	[sflag:s8] =	ssyncset.done $0x0  }
0x448: {  	[sflag:s8] =	ssyncadd.s32 $0xFFFFFC00  }
0x449: {  	_ =	sfence.sel $0x180000  }
0x44a: {  	[bflag:$0x0] =	sbarrier.arrive $0xFFFF  }
0x44b: {  	_ =	strace $0x90000047  }
0x44c: {  	s0 =	stileid.u32;
	[bflag:$0x2] =	sbarrier.arrive $0xFFFF  }
0x44d: {  	p0 =	sne.s32 s0, $0x0;
	s0 =	rddreg [dreg:$0xe]  }
0x44e: {  	s0 =	sadd.s32 @!p0 $0x100000, s0  }
0x44f: {  	[sflag:s0] =	ssyncadd.tile.s32 @!p0 $0x1;
	_ =	shalt  }
.Lfunc_end3:
_tile_overlayer_lowered:
.L_overlay_start_3:
0x450: {  	(tag) =	ssettag $0x3  }
0x451: {  	s0 =	rddreg [dreg:$0x0];
	s2 =	stileid.u32  }
0x452: {  	s1 =	rddreg [dreg:$0x1];
	p0 =	sne.s32 s2, $0x0  }
0x453: {  	s3 =	rddreg [dreg:$0x2];
	[bflag:$0x3] =	sbarrier.arrive $0xFFFF;
	s2 =	simm.s32 @!p0 $0x1C05  }
0x454: {  	[timem:s3], [sflag:s2] =	dma.local @!p0 [hbm:s0], s1  }
0x455: {  	s0 =	simm.s32 @!p0 $0x5  }
0x456: {  	_ =	swait.ge @!p0 [sflag:s0], s1  }
0x457: {  	s1 =	ssub.s32 @!p0 $0x0, s1;
	[sflag:s0] =	ssyncset.done @!p0 $0x0  }
0x458: {  	[sflag:s0] =	ssyncadd.s32 @!p0 s1  }
0x459: {  	[bflag:$0x3] =	sbarrier.arrive $0xFFFF  }
0x45a: {  	_ =	shalt  }

</sc_bundles>
